<compile_context>
chip_gen: v7x
topology: tpu7x:2x2x1
jax: 0.10.2.dev20260603
libtpu: 0.0.44.dev20260713+nightly
codegen_flags: <defaults>
</compile_context>

<pallas_src>
import functools

import jax
import jax.numpy as jnp
from jax import lax
from jax.experimental import pallas as pl
from jax.experimental.pallas import tpu as pltpu
from jax.experimental.pallas import tpu_sc as plsc

N = 10000
E = 320000
D = 128
NC = 2
NS = 16
NW = NC * NS
CH = 128
NCH = 80
EP = NW * NCH * CH
NP = 10112
RPT = NP // NS
HPT = 632
NR = 2
NI = 4

_mesh = plsc.VectorSubcoreMesh(core_axis_name="c", subcore_axis_name="s")


@functools.partial(
    pl.kernel,
    mesh=_mesh,
    out_type=(jax.ShapeDtypeStruct((NC, NP, D), jnp.float32),
              jax.ShapeDtypeStruct((NW, NP), jnp.float32),
              jax.ShapeDtypeStruct((NW, NCH, CH, D), jnp.float32)),
    scratch_types=[
        pltpu.VMEM((NI, CH), jnp.int32),
        pltpu.VMEM((NR, CH, D), jnp.float32),
        pltpu.VMEM((NP,), jnp.float32),
        pltpu.VMEM_SHARED((NP, D), jnp.float32),
        pltpu.SemaphoreType.DMA((NI,)),
        pltpu.SemaphoreType.DMA((NR,)),
        pltpu.SemaphoreType.DMA((NR,)),
    ],
    compiler_params=pltpu.CompilerParams(needs_layout_passes=False),
)
def _sc_aggregate(h_hbm, src_hbm, dst_hbm, part_hbm, cnt_hbm, msg_hbm,
                  idx_v, rows_v, cnt_v, big_sh, isem, gsem, ssem):
    cid = lax.axis_index("c")
    sid = lax.axis_index("s")
    wid = cid * NS + sid

    zeros = jnp.zeros((16,), jnp.float32)
    ones = jnp.ones((16,), jnp.float32)

    def _zero_slot0():
        def _zero_row(r, carry):
            for k in range(D // 16):
                rows_v[0, r, pl.ds(k * 16, 16)] = zeros
            return carry
        lax.fori_loop(0, CH, _zero_row, 0)

    def _zero_cnt(i, carry):
        cnt_v[pl.ds(i * 16, 16)] = zeros
        return carry

    lax.fori_loop(0, NP // 16, _zero_cnt, 0)

    @pl.when(sid < NS - 1)
    def _():
        pltpu.sync_copy(h_hbm.at[pl.ds(sid * HPT, HPT)],
                        big_sh.at[pl.ds(sid * HPT, HPT)])

    @pl.when(sid == NS - 1)
    def _():
        pltpu.sync_copy(h_hbm.at[pl.ds((NS - 1) * HPT, N - (NS - 1) * HPT)],
                        big_sh.at[pl.ds((NS - 1) * HPT, N - (NS - 1) * HPT)])

    plsc.subcore_barrier()

    def _load_start(tab, j, i):
        pltpu.make_async_copy(tab.at[wid].at[j], idx_v.at[i], isem.at[i]).start()

    def _load_wait(tab, j, i):
        pltpu.make_async_copy(tab.at[wid].at[j], idx_v.at[i], isem.at[i]).wait()

    def _ga_start(j, i, r):
        pltpu.make_async_copy(
            big_sh.at[idx_v.at[i]], rows_v.at[r], gsem.at[r]).start()

    def _ga_wait(j, i, r):
        pltpu.make_async_copy(
            big_sh.at[idx_v.at[i]], rows_v.at[r], gsem.at[r]).wait()

    def _wa_start(j, i, r):
        pltpu.make_async_copy(
            rows_v.at[r], msg_hbm.at[wid].at[j], ssem.at[r]).start()

    def _wa_wait(j, i, r):
        pltpu.make_async_copy(
            rows_v.at[r], msg_hbm.at[wid].at[j], ssem.at[r]).wait()

    def _hist_a(i):
        for k in range(CH // 16):
            idx = idx_v[i, pl.ds(k * 16, 16)]
            plsc.addupdate_scatter(cnt_v, [idx], ones)

    def _nohist(i):
        del i

    def _gb_start(j, i, r):
        pltpu.make_async_copy(
            msg_hbm.at[wid].at[j], rows_v.at[r], gsem.at[r]).start()

    def _gb_wait(j, i, r):
        pltpu.make_async_copy(
            msg_hbm.at[wid].at[j], rows_v.at[r], gsem.at[r]).wait()

    def _sb_start(j, i, r):
        pltpu.make_async_copy(
            rows_v.at[r], big_sh.at[idx_v.at[i]], ssem.at[r]).start(add=True)

    def _sb_wait(j, i, r):
        pltpu.make_async_copy(
            rows_v.at[r], big_sh.at[idx_v.at[i]], ssem.at[r]).wait()

    def _phase(tab, hist, prod_start, prod_wait, cons_start, cons_wait):
        def _body(j, i, i1, i3, r, r1):
            hist(i)
            prod_wait(j, i, r)
            cons_start(j, i, r)
            cons_wait(j - 1, i1, r1)
            _load_wait(tab, j + 1, i1)
            prod_start(j + 1, i1, r1)
            _load_start(tab, j + 3, i3)

        for j in range(3):
            _load_start(tab, j, j)
        _load_wait(tab, 0, 0)
        prod_start(0, 0, 0)
        hist(0)
        prod_wait(0, 0, 0)
        cons_start(0, 0, 0)
        _load_wait(tab, 1, 1)
        prod_start(1, 1, 1)
        _load_start(tab, 3, 3)

        def _quad(jj, carry):
            j0 = 1 + jj * 4
            for k in range(4):
                j = j0 + k
                i, i1, i3 = (1 + k) % NI, (2 + k) % NI, (4 + k) % NI
                r, r1 = (1 + k) % NR, (2 + k) % NR
                _body(j, i, i1, i3, r, r1)
            return carry

        lax.fori_loop(0, 19, _quad, 0)

        hist(1)
        prod_wait(77, 1, 1)
        cons_start(77, 1, 1)
        cons_wait(76, 0, 0)
        _load_wait(tab, 78, 2)
        prod_start(78, 2, 0)
        hist(2)
        prod_wait(78, 2, 0)
        cons_start(78, 2, 0)
        cons_wait(77, 1, 1)
        _load_wait(tab, 79, 3)
        prod_start(79, 3, 1)
        hist(3)
        prod_wait(79, 3, 1)
        cons_start(79, 3, 1)
        cons_wait(78, 2, 0)
        cons_wait(79, 3, 1)

    _phase(src_hbm, _nohist, _ga_start, _ga_wait, _wa_start, _wa_wait)

    plsc.subcore_barrier()

    _zero_slot0()
    base = sid * RPT
    for k in range(4):
        pltpu.sync_copy(rows_v.at[0], big_sh.at[pl.ds(base + k * CH, CH)])
    pltpu.sync_copy(rows_v.at[0].at[pl.ds(0, RPT - 4 * CH)],
                    big_sh.at[pl.ds(base + 4 * CH, RPT - 4 * CH)])

    plsc.subcore_barrier()

    _phase(dst_hbm, _hist_a, _gb_start, _gb_wait, _sb_start, _sb_wait)

    plsc.subcore_barrier()

    pltpu.sync_copy(big_sh.at[pl.ds(base, RPT)],
                    part_hbm.at[cid].at[pl.ds(base, RPT)])
    pltpu.sync_copy(cnt_v, cnt_hbm.at[wid])


def _tc_update(h_ref, p_ref, cnt_ref, w_ref, b_ref, g_ref, be_ref, out_ref):
    h = h_ref[...]
    agg = p_ref[0, 0:N, :] + p_ref[1, 0:N, :]
    cnt = jnp.reshape(jnp.sum(cnt_ref[...], axis=0), (NP, 1))[0:N]
    c = agg / jnp.maximum(cnt, 1.0)
    z = (jnp.dot(h, w_ref[0:D, :], preferred_element_type=jnp.float32)
         + jnp.dot(c, w_ref[D:2 * D, :], preferred_element_type=jnp.float32)
         + b_ref[...])
    nrm = jnp.sqrt(jnp.sum(z * z, axis=1, keepdims=True))
    z = z / jnp.maximum(nrm, 1e-12)
    hout = jnp.maximum(z, 0.0)
    mean = jnp.mean(hout, axis=0, keepdims=True)
    var = jnp.mean(jnp.square(hout - mean), axis=0, keepdims=True)
    out_ref[...] = (h + (hout - mean) * lax.rsqrt(var + 1e-5) * g_ref[...]
                    + be_ref[...])


def kernel(h, edge_index, W, b, gamma, beta):
    pad = EP - E
    src = jnp.concatenate(
        [edge_index[0], jnp.zeros((pad,), jnp.int32)]).reshape(NW, NCH, CH)
    dst = jnp.concatenate(
        [edge_index[1], jnp.full((pad,), N, jnp.int32)]).reshape(NW, NCH, CH)
    part, cnt, _ = _sc_aggregate(h, src, dst)
    out = pl.pallas_call(
        _tc_update,
        out_shape=jax.ShapeDtypeStruct((N, D), jnp.float32),
    )(h, part, cnt, W, b.reshape(1, D), gamma.reshape(1, D), beta.reshape(1, D))
    return out

# --- scband reference (transcript-rebuilt; emitter-appended) ---
"""Pipeline reference for scband-graph-sage-layer-77567109366524 (READ-ONLY COPY).

The authoritative reference and input builder live on the scoring server;
editing this copy changes nothing except your own understanding.
"""

import jax
import jax.numpy as jnp
import numpy as np

N = 10000
E = 320000
D = 128


def setup_inputs(seed: int = 0) -> dict:
    key = jax.random.key(seed)
    k1, k2, k3 = jax.random.split(key, 3)
    h = jax.random.normal(k1, (N, D), dtype=jnp.float32)
    edge_index = jax.random.randint(k2, (2, E), 0, N, dtype=jnp.int32)
    # apply_func: LinearLayer(indim=2*D, outdim=D) with bias (xavier-uniform init)
    limit = float(np.sqrt(6.0 / (2 * D + D)))
    W = jax.random.uniform(k3, (2 * D, D), dtype=jnp.float32, minval=-limit, maxval=limit)
    b = jnp.zeros((D,), dtype=jnp.float32)
    # BatchNorm1d affine params
    gamma = jnp.ones((D,), dtype=jnp.float32)
    beta = jnp.zeros((D,), dtype=jnp.float32)
    return {"h": h, "edge_index": edge_index, "W": W, "b": b, "gamma": gamma, "beta": beta}


def reference(h, edge_index, W, b, gamma, beta):
    # GraphSageLayer with mean aggregator, dropout=0.0, batch_norm=True, residual=True
    h_in = h
    src = edge_index[0]
    dst = edge_index[1]
    # message passing: copy_src -> mailbox; MeanAggregator: mean over neighbors
    msg = jnp.take(h, src, axis=0)                       # gather   [E, D]
    agg_sum = jax.ops.segment_sum(msg, dst, num_segments=N)          # scatter-add [N, D]
    cnt = jax.ops.segment_sum(jnp.ones((E,), dtype=h.dtype), dst, num_segments=N)
    c = agg_sum / jnp.maximum(cnt, 1.0)[:, None]         # mean aggregation
    # UpdateModule: concat(h, c) -> apply_func (linear) -> L2 normalize -> activation
    bundle = jnp.concatenate([h, c], axis=1)             # [N, 2D]
    bundle = bundle @ W + b                              # [N, D]
    nrm = jnp.linalg.norm(bundle, ord=2, axis=1, keepdims=True)
    bundle = bundle / jnp.maximum(nrm, 1e-12)            # F.normalize(p=2, dim=1)
    hout = jax.nn.relu(bundle)                           # activation
    # BatchNorm1d (training-mode batch statistics)
    mean = jnp.mean(hout, axis=0)
    var = jnp.var(hout, axis=0)
    hout = (hout - mean) / jnp.sqrt(var + 1e-5) * gamma + beta
    # residual (indim == outdim == 128)
    return h_in + hout


if False:  # reference __main__ guard neutralized (emitter)
    out = reference(**setup_inputs())
    print(out.shape, out.dtype)

if __name__ == "__main__":
    import jax
    _d = setup_inputs()
    print(jax.jit(kernel)(*tuple(_d.values())))

</pallas_src>

<mosaic_0001>
#map = affine_map<(d0, d1) -> (0, 0)>
#map1 = affine_map<(d0, d1) -> (0, 0, 0)>
#map2 = affine_map<(d0, d1) -> (0, 0, 0, 0)>
module attributes {stable_mosaic.version = 14 : i64} {
  func.func @_sc_aggregate(%arg0: i32, %arg1: i32, %arg2: memref<10000x128xf32, #tpu.memory_space<hbm>>, %arg3: memref<32x80x128xi32, #tpu.memory_space<hbm>>, %arg4: memref<32x80x128xi32, #tpu.memory_space<hbm>>, %arg5: memref<2x10112x128xf32, #tpu.memory_space<hbm>>, %arg6: memref<32x10112xf32, #tpu.memory_space<hbm>>, %arg7: memref<32x80x128x128xf32, #tpu.memory_space<hbm>>, %arg8: memref<4x128xi32, #tpu.memory_space<vmem>>, %arg9: memref<2x128x128xf32, #tpu.memory_space<vmem>>, %arg10: memref<10112xf32, #tpu.memory_space<vmem>>, %arg11: memref<10112x128xf32, #tpu.memory_space<vmem_shared>>, %arg12: memref<4x!tpu.dma_semaphore, #tpu.memory_space<semaphore_mem>>, %arg13: memref<2x!tpu.dma_semaphore, #tpu.memory_space<semaphore_mem>>, %arg14: memref<2x!tpu.dma_semaphore, #tpu.memory_space<semaphore_mem>>) attributes {dimension_semantics = [#tpu.dimension_semantics<core_parallel>, #tpu.dimension_semantics<subcore_parallel>], iteration_bounds = array<i64: 2, 16>, scalar_prefetch = 0 : i64, scratch_operands = 7 : i64, tpu.core_type = #tpu.core_type<sc_vector_subcore>, window_params = [{transform_indices = #map}, {transform_indices = #map1}, {transform_indices = #map1}, {transform_indices = #map1}, {transform_indices = #map}, {transform_indices = #map2}]} {
    %mul3A = arith.constant 16 : i32
    %mul3A_0 = arith.muli %arg0, %mul3A : i32
    %add3A = arith.addi %mul3A_0, %arg1 : i32
    %broadcast_in_dim3A = arith.constant 0.000000e+00 : f32
    %broadcast_in_dim3A_1 = vector.broadcast %broadcast_in_dim3A : f32 to vector<16xf32>
    %broadcast_in_dim3A_2 = arith.constant 1.000000e+00 : f32
    %broadcast_in_dim3A_3 = vector.broadcast %broadcast_in_dim3A_2 : f32 to vector<16xf32>
    %scan3A = arith.constant 0 : i32
    %scan3A_4 = arith.constant 0 : i32
    %scan3A_5 = arith.constant 632 : i32
    %scan3A_6 = arith.addi %scan3A_4, %scan3A_5 : i32
    %scan3A_7 = arith.constant 1 : i32
    scf.for %scan3A_1313 = %scan3A_4 to %scan3A_6 step %scan3A_7  : i32 {
      %mul3A_1314 = arith.constant 16 : i32
      %mul3A_1315 = arith.muli %scan3A_1313, %mul3A_1314 : i32
      %swap3A = arith.index_cast %mul3A_1315 : i32 to index
      %swap3A_1316 = tpu.vector_load %arg10[%swap3A] {strides = array<i32>} : memref<10112xf32, #tpu.memory_space<vmem>>, vector<16xf32>,
      tpu.vector_store %arg10[%swap3A], %broadcast_in_dim3A_1 {strides = array<i32>} : memref<10112xf32, #tpu.memory_space<vmem>>, vector<16xf32>,
    }
    %scan3A_8 = arith.constant 632 : i32
    %lt3A = arith.constant 15 : i32
    %lt3A_9 = arith.cmpi slt, %arg1, %lt3A : i32
    %convert_element_type3A = arith.extui %lt3A_9 : i1 to i32
    %cond3A = arith.constant 0 : i32
    %cond3A_10 = arith.cmpi ne, %convert_element_type3A, %cond3A : i32
    scf.if %cond3A_10 {
      %mul3A_1313 = arith.constant 632 : i32
      %mul3A_1314 = arith.muli %arg1, %mul3A_1313 : i32
      %mul3A_1315 = arith.constant 632 : i32
      %mul3A_1316 = arith.muli %arg1, %mul3A_1315 : i32
      "tpu.region"() ({
        %run_scoped3A_1317 = tpu.sem_alloc : memref<!tpu.dma_semaphore, #tpu.memory_space<semaphore_mem>>
        %dma_start3A_1318 = arith.constant 0 : i32
        %dma_start3A_1319 = tpu.memref_slice %arg11[%mul3A_1316, %dma_start3A_1318] : memref<10112x128xf32, #tpu.memory_space<vmem_shared>> -> memref<632x128xf32, #tpu.memory_space<vmem_shared>>
        %dma_start3A_1320 = arith.constant 0 : i32
        %dma_start3A_1321 = tpu.memref_slice %arg2[%mul3A_1314, %dma_start3A_1320] : memref<10000x128xf32, #tpu.memory_space<hbm>> -> memref<632x128xf32, #tpu.memory_space<hbm>>
        tpu.enqueue_dma source(%dma_start3A_1321 : memref<632x128xf32, #tpu.memory_space<hbm>>) target(%dma_start3A_1319 : memref<632x128xf32, #tpu.memory_space<vmem_shared>>) target_semaphore(%run_scoped3A_1317 : memref<!tpu.dma_semaphore, #tpu.memory_space<semaphore_mem>>)
        %dma_wait3A_1322 = arith.constant 0 : i32
        %dma_wait3A_1323 = tpu.memref_slice %arg11[%mul3A_1316, %dma_wait3A_1322] : memref<10112x128xf32, #tpu.memory_space<vmem_shared>> -> memref<632x128xf32, #tpu.memory_space<vmem_shared>>
        %dma_wait3A_1324 = arith.constant 0 : i32
        %dma_wait3A_1325 = tpu.memref_slice %arg2[%mul3A_1314, %dma_wait3A_1324] : memref<10000x128xf32, #tpu.memory_space<hbm>> -> memref<632x128xf32, #tpu.memory_space<hbm>>
        tpu.wait_dma2 semaphore(%run_scoped3A_1317 : memref<!tpu.dma_semaphore, #tpu.memory_space<semaphore_mem>>) src(%dma_wait3A_1325 : memref<632x128xf32, #tpu.memory_space<hbm>>) dst(%dma_wait3A_1323 : memref<632x128xf32, #tpu.memory_space<vmem_shared>>)
        tpu.yield
      }) : () -> ()
    } else {
    }
    %eq3A = arith.constant 15 : i32
    %eq3A_11 = arith.cmpi eq, %arg1, %eq3A : i32
    %convert_element_type3A_12 = arith.extui %eq3A_11 : i1 to i32
    %cond3A_13 = arith.constant 0 : i32
    %cond3A_14 = arith.cmpi ne, %convert_element_type3A_12, %cond3A_13 : i32
    scf.if %cond3A_14 {
      "tpu.region"() ({
        %run_scoped3A_1313 = tpu.sem_alloc : memref<!tpu.dma_semaphore, #tpu.memory_space<semaphore_mem>>
        %dma_start3A_1314 = arith.constant 9480 : i32
        %dma_start3A_1315 = arith.constant 0 : i32
        %dma_start3A_1316 = tpu.memref_slice %arg11[%dma_start3A_1314, %dma_start3A_1315] : memref<10112x128xf32, #tpu.memory_space<vmem_shared>> -> memref<520x128xf32, #tpu.memory_space<vmem_shared>>
        %dma_start3A_1317 = arith.constant 9480 : i32
        %dma_start3A_1318 = arith.constant 0 : i32
        %dma_start3A_1319 = tpu.memref_slice %arg2[%dma_start3A_1317, %dma_start3A_1318] : memref<10000x128xf32, #tpu.memory_space<hbm>> -> memref<520x128xf32, #tpu.memory_space<hbm>>
        tpu.enqueue_dma source(%dma_start3A_1319 : memref<520x128xf32, #tpu.memory_space<hbm>>) target(%dma_start3A_1316 : memref<520x128xf32, #tpu.memory_space<vmem_shared>>) target_semaphore(%run_scoped3A_1313 : memref<!tpu.dma_semaphore, #tpu.memory_space<semaphore_mem>>)
        %dma_wait3A_1320 = arith.constant 9480 : i32
        %dma_wait3A_1321 = arith.constant 0 : i32
        %dma_wait3A_1322 = tpu.memref_slice %arg11[%dma_wait3A_1320, %dma_wait3A_1321] : memref<10112x128xf32, #tpu.memory_space<vmem_shared>> -> memref<520x128xf32, #tpu.memory_space<vmem_shared>>
        %dma_wait3A_1323 = arith.constant 9480 : i32
        %dma_wait3A_1324 = arith.constant 0 : i32
        %dma_wait3A_1325 = tpu.memref_slice %arg2[%dma_wait3A_1323, %dma_wait3A_1324] : memref<10000x128xf32, #tpu.memory_space<hbm>> -> memref<520x128xf32, #tpu.memory_space<hbm>>
        tpu.wait_dma2 semaphore(%run_scoped3A_1313 : memref<!tpu.dma_semaphore, #tpu.memory_space<semaphore_mem>>) src(%dma_wait3A_1325 : memref<520x128xf32, #tpu.memory_space<hbm>>) dst(%dma_wait3A_1322 : memref<520x128xf32, #tpu.memory_space<vmem_shared>>)
        tpu.yield
      }) : () -> ()
    } else {
    }
    %barrier3A = arith.constant 0 : index
    tpu.barrier barrier_id(%barrier3A)
    %dma_start3A = arith.constant 0 : i32
    %dma_start3A_15 = arith.constant 0 : i32
    %dma_start3A_16 = arith.constant 0 : i32
    %dma_start3A_17 = arith.constant 0 : i32
    %dma_start3A_18 = tpu.memref_slice %arg8[%dma_start3A_15, %dma_start3A_17] : memref<4x128xi32, #tpu.memory_space<vmem>> -> memref<1x128xi32, #tpu.memory_space<vmem>>
    %dma_start3A_19 = tpu.memref_squeeze %dma_start3A_18 : memref<1x128xi32, #tpu.memory_space<vmem>> -> memref<128xi32, #tpu.memory_space<vmem>>
    %dma_start3A_20 = arith.constant 0 : i32
    %dma_start3A_21 = arith.constant 0 : i32
    %dma_start3A_22 = tpu.memref_slice %arg3[%add3A, %dma_start3A_20, %dma_start3A_21] : memref<32x80x128xi32, #tpu.memory_space<hbm>> -> memref<1x80x128xi32, #tpu.memory_space<hbm>>
    %dma_start3A_23 = tpu.memref_squeeze %dma_start3A_22 : memref<1x80x128xi32, #tpu.memory_space<hbm>> -> memref<80x128xi32, #tpu.memory_space<hbm>>
    %dma_start3A_24 = arith.constant 0 : i32
    %dma_start3A_25 = tpu.memref_slice %dma_start3A_23[%dma_start3A, %dma_start3A_24] : memref<80x128xi32, #tpu.memory_space<hbm>> -> memref<1x128xi32, #tpu.memory_space<hbm>>
    %dma_start3A_26 = tpu.memref_squeeze %dma_start3A_25 : memref<1x128xi32, #tpu.memory_space<hbm>> -> memref<128xi32, #tpu.memory_space<hbm>>
    %dma_start3A_27 = tpu.memref_slice %arg12[%dma_start3A_16] : memref<4x!tpu.dma_semaphore, #tpu.memory_space<semaphore_mem>> -> memref<1x!tpu.dma_semaphore, #tpu.memory_space<semaphore_mem>>
    %dma_start3A_28 = tpu.memref_squeeze %dma_start3A_27 : memref<1x!tpu.dma_semaphore, #tpu.memory_space<semaphore_mem>> -> memref<!tpu.dma_semaphore, #tpu.memory_space<semaphore_mem>>
    %dma_start3A_29 = arith.constant 0 : i32
    %dma_start3A_30 = tpu.memref_slice %arg8[%dma_start3A_15, %dma_start3A_29] : memref<4x128xi32, #tpu.memory_space<vmem>> -> memref<1x128xi32, #tpu.memory_space<vmem>>
    %dma_start3A_31 = tpu.memref_squeeze %dma_start3A_30 : memref<1x128xi32, #tpu.memory_space<vmem>> -> memref<128xi32, #tpu.memory_space<vmem>>
    %dma_start3A_32 = arith.constant 0 : i32
    %dma_start3A_33 = arith.constant 0 : i32
    %dma_start3A_34 = tpu.memref_slice %arg3[%add3A, %dma_start3A_32, %dma_start3A_33] : memref<32x80x128xi32, #tpu.memory_space<hbm>> -> memref<1x80x128xi32, #tpu.memory_space<hbm>>
    %dma_start3A_35 = tpu.memref_squeeze %dma_start3A_34 : memref<1x80x128xi32, #tpu.memory_space<hbm>> -> memref<80x128xi32, #tpu.memory_space<hbm>>
    %dma_start3A_36 = arith.constant 0 : i32
    %dma_start3A_37 = tpu.memref_slice %dma_start3A_35[%dma_start3A, %dma_start3A_36] : memref<80x128xi32, #tpu.memory_space<hbm>> -> memref<1x128xi32, #tpu.memory_space<hbm>>
    %dma_start3A_38 = tpu.memref_squeeze %dma_start3A_37 : memref<1x128xi32, #tpu.memory_space<hbm>> -> memref<128xi32, #tpu.memory_space<hbm>>
    tpu.enqueue_dma source(%dma_start3A_38 : memref<128xi32, #tpu.memory_space<hbm>>) target(%dma_start3A_31 : memref<128xi32, #tpu.memory_space<vmem>>) target_semaphore(%dma_start3A_28 : memref<!tpu.dma_semaphore, #tpu.memory_space<semaphore_mem>>)
    %dma_start3A_39 = arith.constant 1 : i32
    %dma_start3A_40 = arith.constant 1 : i32
    %dma_start3A_41 = arith.constant 1 : i32
    %dma_start3A_42 = arith.constant 0 : i32
    %dma_start3A_43 = tpu.memref_slice %arg8[%dma_start3A_40, %dma_start3A_42] : memref<4x128xi32, #tpu.memory_space<vmem>> -> memref<1x128xi32, #tpu.memory_space<vmem>>
    %dma_start3A_44 = tpu.memref_squeeze %dma_start3A_43 : memref<1x128xi32, #tpu.memory_space<vmem>> -> memref<128xi32, #tpu.memory_space<vmem>>
    %dma_start3A_45 = arith.constant 0 : i32
    %dma_start3A_46 = arith.constant 0 : i32
    %dma_start3A_47 = tpu.memref_slice %arg3[%add3A, %dma_start3A_45, %dma_start3A_46] : memref<32x80x128xi32, #tpu.memory_space<hbm>> -> memref<1x80x128xi32, #tpu.memory_space<hbm>>
    %dma_start3A_48 = tpu.memref_squeeze %dma_start3A_47 : memref<1x80x128xi32, #tpu.memory_space<hbm>> -> memref<80x128xi32, #tpu.memory_space<hbm>>
    %dma_start3A_49 = arith.constant 0 : i32
    %dma_start3A_50 = tpu.memref_slice %dma_start3A_48[%dma_start3A_39, %dma_start3A_49] : memref<80x128xi32, #tpu.memory_space<hbm>> -> memref<1x128xi32, #tpu.memory_space<hbm>>
    %dma_start3A_51 = tpu.memref_squeeze %dma_start3A_50 : memref<1x128xi32, #tpu.memory_space<hbm>> -> memref<128xi32, #tpu.memory_space<hbm>>
    %dma_start3A_52 = tpu.memref_slice %arg12[%dma_start3A_41] : memref<4x!tpu.dma_semaphore, #tpu.memory_space<semaphore_mem>> -> memref<1x!tpu.dma_semaphore, #tpu.memory_space<semaphore_mem>>
    %dma_start3A_53 = tpu.memref_squeeze %dma_start3A_52 : memref<1x!tpu.dma_semaphore, #tpu.memory_space<semaphore_mem>> -> memref<!tpu.dma_semaphore, #tpu.memory_space<semaphore_mem>>
    %dma_start3A_54 = arith.constant 0 : i32
    %dma_start3A_55 = tpu.memref_slice %arg8[%dma_start3A_40, %dma_start3A_54] : memref<4x128xi32, #tpu.memory_space<vmem>> -> memref<1x128xi32, #tpu.memory_space<vmem>>
    %dma_start3A_56 = tpu.memref_squeeze %dma_start3A_55 : memref<1x128xi32, #tpu.memory_space<vmem>> -> memref<128xi32, #tpu.memory_space<vmem>>
    %dma_start3A_57 = arith.constant 0 : i32
    %dma_start3A_58 = arith.constant 0 : i32
    %dma_start3A_59 = tpu.memref_slice %arg3[%add3A, %dma_start3A_57, %dma_start3A_58] : memref<32x80x128xi32, #tpu.memory_space<hbm>> -> memref<1x80x128xi32, #tpu.memory_space<hbm>>
    %dma_start3A_60 = tpu.memref_squeeze %dma_start3A_59 : memref<1x80x128xi32, #tpu.memory_space<hbm>> -> memref<80x128xi32, #tpu.memory_space<hbm>>
    %dma_start3A_61 = arith.constant 0 : i32
    %dma_start3A_62 = tpu.memref_slice %dma_start3A_60[%dma_start3A_39, %dma_start3A_61] : memref<80x128xi32, #tpu.memory_space<hbm>> -> memref<1x128xi32, #tpu.memory_space<hbm>>
    %dma_start3A_63 = tpu.memref_squeeze %dma_start3A_62 : memref<1x128xi32, #tpu.memory_space<hbm>> -> memref<128xi32, #tpu.memory_space<hbm>>
    tpu.enqueue_dma source(%dma_start3A_63 : memref<128xi32, #tpu.memory_space<hbm>>) target(%dma_start3A_56 : memref<128xi32, #tpu.memory_space<vmem>>) target_semaphore(%dma_start3A_53 : memref<!tpu.dma_semaphore, #tpu.memory_space<semaphore_mem>>)
    %dma_start3A_64 = arith.constant 2 : i32
    %dma_start3A_65 = arith.constant 2 : i32
    %dma_start3A_66 = arith.constant 2 : i32
    %dma_start3A_67 = arith.constant 0 : i32
    %dma_start3A_68 = tpu.memref_slice %arg8[%dma_start3A_65, %dma_start3A_67] : memref<4x128xi32, #tpu.memory_space<vmem>> -> memref<1x128xi32, #tpu.memory_space<vmem>>
    %dma_start3A_69 = tpu.memref_squeeze %dma_start3A_68 : memref<1x128xi32, #tpu.memory_space<vmem>> -> memref<128xi32, #tpu.memory_space<vmem>>
    %dma_start3A_70 = arith.constant 0 : i32
    %dma_start3A_71 = arith.constant 0 : i32
    %dma_start3A_72 = tpu.memref_slice %arg3[%add3A, %dma_start3A_70, %dma_start3A_71] : memref<32x80x128xi32, #tpu.memory_space<hbm>> -> memref<1x80x128xi32, #tpu.memory_space<hbm>>
    %dma_start3A_73 = tpu.memref_squeeze %dma_start3A_72 : memref<1x80x128xi32, #tpu.memory_space<hbm>> -> memref<80x128xi32, #tpu.memory_space<hbm>>
    %dma_start3A_74 = arith.constant 0 : i32
    %dma_start3A_75 = tpu.memref_slice %dma_start3A_73[%dma_start3A_64, %dma_start3A_74] : memref<80x128xi32, #tpu.memory_space<hbm>> -> memref<1x128xi32, #tpu.memory_space<hbm>>
    %dma_start3A_76 = tpu.memref_squeeze %dma_start3A_75 : memref<1x128xi32, #tpu.memory_space<hbm>> -> memref<128xi32, #tpu.memory_space<hbm>>
    %dma_start3A_77 = tpu.memref_slice %arg12[%dma_start3A_66] : memref<4x!tpu.dma_semaphore, #tpu.memory_space<semaphore_mem>> -> memref<1x!tpu.dma_semaphore, #tpu.memory_space<semaphore_mem>>
    %dma_start3A_78 = tpu.memref_squeeze %dma_start3A_77 : memref<1x!tpu.dma_semaphore, #tpu.memory_space<semaphore_mem>> -> memref<!tpu.dma_semaphore, #tpu.memory_space<semaphore_mem>>
    %dma_start3A_79 = arith.constant 0 : i32
    %dma_start3A_80 = tpu.memref_slice %arg8[%dma_start3A_65, %dma_start3A_79] : memref<4x128xi32, #tpu.memory_space<vmem>> -> memref<1x128xi32, #tpu.memory_space<vmem>>
    %dma_start3A_81 = tpu.memref_squeeze %dma_start3A_80 : memref<1x128xi32, #tpu.memory_space<vmem>> -> memref<128xi32, #tpu.memory_space<vmem>>
    %dma_start3A_82 = arith.constant 0 : i32
    %dma_start3A_83 = arith.constant 0 : i32
    %dma_start3A_84 = tpu.memref_slice %arg3[%add3A, %dma_start3A_82, %dma_start3A_83] : memref<32x80x128xi32, #tpu.memory_space<hbm>> -> memref<1x80x128xi32, #tpu.memory_space<hbm>>
    %dma_start3A_85 = tpu.memref_squeeze %dma_start3A_84 : memref<1x80x128xi32, #tpu.memory_space<hbm>> -> memref<80x128xi32, #tpu.memory_space<hbm>>
    %dma_start3A_86 = arith.constant 0 : i32
    %dma_start3A_87 = tpu.memref_slice %dma_start3A_85[%dma_start3A_64, %dma_start3A_86] : memref<80x128xi32, #tpu.memory_space<hbm>> -> memref<1x128xi32, #tpu.memory_space<hbm>>
    %dma_start3A_88 = tpu.memref_squeeze %dma_start3A_87 : memref<1x128xi32, #tpu.memory_space<hbm>> -> memref<128xi32, #tpu.memory_space<hbm>>
    tpu.enqueue_dma source(%dma_start3A_88 : memref<128xi32, #tpu.memory_space<hbm>>) target(%dma_start3A_81 : memref<128xi32, #tpu.memory_space<vmem>>) target_semaphore(%dma_start3A_78 : memref<!tpu.dma_semaphore, #tpu.memory_space<semaphore_mem>>)
    %dma_wait3A = arith.constant 0 : i32
    %dma_wait3A_89 = arith.constant 0 : i32
    %dma_wait3A_90 = arith.constant 0 : i32
    %dma_wait3A_91 = arith.constant 0 : i32
    %dma_wait3A_92 = tpu.memref_slice %arg8[%dma_wait3A_89, %dma_wait3A_91] : memref<4x128xi32, #tpu.memory_space<vmem>> -> memref<1x128xi32, #tpu.memory_space<vmem>>
    %dma_wait3A_93 = tpu.memref_squeeze %dma_wait3A_92 : memref<1x128xi32, #tpu.memory_space<vmem>> -> memref<128xi32, #tpu.memory_space<vmem>>
    %dma_wait3A_94 = arith.constant 0 : i32
    %dma_wait3A_95 = arith.constant 0 : i32
    %dma_wait3A_96 = tpu.memref_slice %arg3[%add3A, %dma_wait3A_94, %dma_wait3A_95] : memref<32x80x128xi32, #tpu.memory_space<hbm>> -> memref<1x80x128xi32, #tpu.memory_space<hbm>>
    %dma_wait3A_97 = tpu.memref_squeeze %dma_wait3A_96 : memref<1x80x128xi32, #tpu.memory_space<hbm>> -> memref<80x128xi32, #tpu.memory_space<hbm>>
    %dma_wait3A_98 = arith.constant 0 : i32
    %dma_wait3A_99 = tpu.memref_slice %dma_wait3A_97[%dma_wait3A, %dma_wait3A_98] : memref<80x128xi32, #tpu.memory_space<hbm>> -> memref<1x128xi32, #tpu.memory_space<hbm>>
    %dma_wait3A_100 = tpu.memref_squeeze %dma_wait3A_99 : memref<1x128xi32, #tpu.memory_space<hbm>> -> memref<128xi32, #tpu.memory_space<hbm>>
    %dma_wait3A_101 = tpu.memref_slice %arg12[%dma_wait3A_90] : memref<4x!tpu.dma_semaphore, #tpu.memory_space<semaphore_mem>> -> memref<1x!tpu.dma_semaphore, #tpu.memory_space<semaphore_mem>>
    %dma_wait3A_102 = tpu.memref_squeeze %dma_wait3A_101 : memref<1x!tpu.dma_semaphore, #tpu.memory_space<semaphore_mem>> -> memref<!tpu.dma_semaphore, #tpu.memory_space<semaphore_mem>>
    %dma_wait3A_103 = arith.constant 0 : i32
    %dma_wait3A_104 = tpu.memref_slice %arg8[%dma_wait3A_89, %dma_wait3A_103] : memref<4x128xi32, #tpu.memory_space<vmem>> -> memref<1x128xi32, #tpu.memory_space<vmem>>
    %dma_wait3A_105 = tpu.memref_squeeze %dma_wait3A_104 : memref<1x128xi32, #tpu.memory_space<vmem>> -> memref<128xi32, #tpu.memory_space<vmem>>
    %dma_wait3A_106 = arith.constant 0 : i32
    %dma_wait3A_107 = arith.constant 0 : i32
    %dma_wait3A_108 = tpu.memref_slice %arg3[%add3A, %dma_wait3A_106, %dma_wait3A_107] : memref<32x80x128xi32, #tpu.memory_space<hbm>> -> memref<1x80x128xi32, #tpu.memory_space<hbm>>
    %dma_wait3A_109 = tpu.memref_squeeze %dma_wait3A_108 : memref<1x80x128xi32, #tpu.memory_space<hbm>> -> memref<80x128xi32, #tpu.memory_space<hbm>>
    %dma_wait3A_110 = arith.constant 0 : i32
    %dma_wait3A_111 = tpu.memref_slice %dma_wait3A_109[%dma_wait3A, %dma_wait3A_110] : memref<80x128xi32, #tpu.memory_space<hbm>> -> memref<1x128xi32, #tpu.memory_space<hbm>>
    %dma_wait3A_112 = tpu.memref_squeeze %dma_wait3A_111 : memref<1x128xi32, #tpu.memory_space<hbm>> -> memref<128xi32, #tpu.memory_space<hbm>>
    tpu.wait_dma2 semaphore(%dma_wait3A_102 : memref<!tpu.dma_semaphore, #tpu.memory_space<semaphore_mem>>) src(%dma_wait3A_112 : memref<128xi32, #tpu.memory_space<hbm>>) dst(%dma_wait3A_105 : memref<128xi32, #tpu.memory_space<vmem>>)
    %dma_start3A_113 = arith.constant 0 : i32
    %dma_start3A_114 = arith.constant 0 : i32
    %dma_start3A_115 = arith.constant 0 : i32
    %dma_start3A_116 = arith.constant 0 : i32
    %dma_start3A_117 = arith.constant 0 : i32
    %dma_start3A_118 = tpu.memref_slice %arg9[%dma_start3A_114, %dma_start3A_116, %dma_start3A_117] : memref<2x128x128xf32, #tpu.memory_space<vmem>> -> memref<1x128x128xf32, #tpu.memory_space<vmem>>
    %dma_start3A_119 = tpu.memref_squeeze %dma_start3A_118 : memref<1x128x128xf32, #tpu.memory_space<vmem>> -> memref<128x128xf32, #tpu.memory_space<vmem>>
    %dma_start3A_120 = arith.constant 0 : i32
    %dma_start3A_121 = tpu.memref_slice %arg8[%dma_start3A_113, %dma_start3A_120] : memref<4x128xi32, #tpu.memory_space<vmem>> -> memref<1x128xi32, #tpu.memory_space<vmem>>
    %dma_start3A_122 = tpu.memref_squeeze %dma_start3A_121 : memref<1x128xi32, #tpu.memory_space<vmem>> -> memref<128xi32, #tpu.memory_space<vmem>>
    %dma_start3A_123 = arith.constant 0 : i32
    %dma_start3A_124 = arith.constant 0 : i32
    %dma_start3A_125 = tpu.memref_slice %arg11[%dma_start3A_123, %dma_start3A_124] : memref<10112x128xf32, #tpu.memory_space<vmem_shared>> -> memref<10112x128xf32, #tpu.memory_space<vmem_shared>>
    %dma_start3A_126 = tpu.memref_slice %arg13[%dma_start3A_115] : memref<2x!tpu.dma_semaphore, #tpu.memory_space<semaphore_mem>> -> memref<1x!tpu.dma_semaphore, #tpu.memory_space<semaphore_mem>>
    %dma_start3A_127 = tpu.memref_squeeze %dma_start3A_126 : memref<1x!tpu.dma_semaphore, #tpu.memory_space<semaphore_mem>> -> memref<!tpu.dma_semaphore, #tpu.memory_space<semaphore_mem>>
    tpu.enqueue_indirect_dma source(%dma_start3A_125 : memref<10112x128xf32, #tpu.memory_space<vmem_shared>>) target(%dma_start3A_119 : memref<128x128xf32, #tpu.memory_space<vmem>>) offsets(%dma_start3A_122 : memref<128xi32, #tpu.memory_space<vmem>>) semaphore(%dma_start3A_127 : memref<!tpu.dma_semaphore, #tpu.memory_space<semaphore_mem>>)
    %dma_wait3A_128 = arith.constant 0 : i32
    %dma_wait3A_129 = arith.constant 0 : i32
    %dma_wait3A_130 = arith.constant 0 : i32
    %dma_wait3A_131 = arith.constant 0 : i32
    %dma_wait3A_132 = arith.constant 0 : i32
    %dma_wait3A_133 = tpu.memref_slice %arg9[%dma_wait3A_129, %dma_wait3A_131, %dma_wait3A_132] : memref<2x128x128xf32, #tpu.memory_space<vmem>> -> memref<1x128x128xf32, #tpu.memory_space<vmem>>
    %dma_wait3A_134 = tpu.memref_squeeze %dma_wait3A_133 : memref<1x128x128xf32, #tpu.memory_space<vmem>> -> memref<128x128xf32, #tpu.memory_space<vmem>>
    %dma_wait3A_135 = arith.constant 0 : i32
    %dma_wait3A_136 = tpu.memref_slice %arg8[%dma_wait3A_128, %dma_wait3A_135] : memref<4x128xi32, #tpu.memory_space<vmem>> -> memref<1x128xi32, #tpu.memory_space<vmem>>
    %dma_wait3A_137 = tpu.memref_squeeze %dma_wait3A_136 : memref<1x128xi32, #tpu.memory_space<vmem>> -> memref<128xi32, #tpu.memory_space<vmem>>
    %dma_wait3A_138 = arith.constant 0 : i32
    %dma_wait3A_139 = arith.constant 0 : i32
    %dma_wait3A_140 = tpu.memref_slice %arg11[%dma_wait3A_138, %dma_wait3A_139] : memref<10112x128xf32, #tpu.memory_space<vmem_shared>> -> memref<10112x128xf32, #tpu.memory_space<vmem_shared>>
    %dma_wait3A_141 = tpu.memref_slice %arg13[%dma_wait3A_130] : memref<2x!tpu.dma_semaphore, #tpu.memory_space<semaphore_mem>> -> memref<1x!tpu.dma_semaphore, #tpu.memory_space<semaphore_mem>>
    %dma_wait3A_142 = tpu.memref_squeeze %dma_wait3A_141 : memref<1x!tpu.dma_semaphore, #tpu.memory_space<semaphore_mem>> -> memref<!tpu.dma_semaphore, #tpu.memory_space<semaphore_mem>>
    tpu.wait_indirect_dma semaphore(%dma_wait3A_142 : memref<!tpu.dma_semaphore, #tpu.memory_space<semaphore_mem>>) src(%dma_wait3A_140 : memref<10112x128xf32, #tpu.memory_space<vmem_shared>>) dst(%dma_wait3A_134 : memref<128x128xf32, #tpu.memory_space<vmem>>)
    %dma_start3A_143 = arith.constant 0 : i32
    %dma_start3A_144 = arith.constant 0 : i32
    %dma_start3A_145 = arith.constant 0 : i32
    %dma_start3A_146 = arith.constant 0 : i32
    %dma_start3A_147 = arith.constant 0 : i32
    %dma_start3A_148 = tpu.memref_slice %arg9[%dma_start3A_143, %dma_start3A_146, %dma_start3A_147] : memref<2x128x128xf32, #tpu.memory_space<vmem>> -> memref<1x128x128xf32, #tpu.memory_space<vmem>>
    %dma_start3A_149 = tpu.memref_squeeze %dma_start3A_148 : memref<1x128x128xf32, #tpu.memory_space<vmem>> -> memref<128x128xf32, #tpu.memory_space<vmem>>
    %dma_start3A_150 = arith.constant 0 : i32
    %dma_start3A_151 = arith.constant 0 : i32
    %dma_start3A_152 = arith.constant 0 : i32
    %dma_start3A_153 = tpu.memref_slice %arg7[%add3A, %dma_start3A_150, %dma_start3A_151, %dma_start3A_152] : memref<32x80x128x128xf32, #tpu.memory_space<hbm>> -> memref<1x80x128x128xf32, #tpu.memory_space<hbm>>
    %dma_start3A_154 = tpu.memref_squeeze %dma_start3A_153 : memref<1x80x128x128xf32, #tpu.memory_space<hbm>> -> memref<80x128x128xf32, #tpu.memory_space<hbm>>
    %dma_start3A_155 = arith.constant 0 : i32
    %dma_start3A_156 = arith.constant 0 : i32
    %dma_start3A_157 = tpu.memref_slice %dma_start3A_154[%dma_start3A_144, %dma_start3A_155, %dma_start3A_156] : memref<80x128x128xf32, #tpu.memory_space<hbm>> -> memref<1x128x128xf32, #tpu.memory_space<hbm>>
    %dma_start3A_158 = tpu.memref_squeeze %dma_start3A_157 : memref<1x128x128xf32, #tpu.memory_space<hbm>> -> memref<128x128xf32, #tpu.memory_space<hbm>>
    %dma_start3A_159 = tpu.memref_slice %arg14[%dma_start3A_145] : memref<2x!tpu.dma_semaphore, #tpu.memory_space<semaphore_mem>> -> memref<1x!tpu.dma_semaphore, #tpu.memory_space<semaphore_mem>>
    %dma_start3A_160 = tpu.memref_squeeze %dma_start3A_159 : memref<1x!tpu.dma_semaphore, #tpu.memory_space<semaphore_mem>> -> memref<!tpu.dma_semaphore, #tpu.memory_space<semaphore_mem>>
    %dma_start3A_161 = arith.constant 0 : i32
    %dma_start3A_162 = arith.constant 0 : i32
    %dma_start3A_163 = arith.constant 0 : i32
    %dma_start3A_164 = tpu.memref_slice %arg7[%add3A, %dma_start3A_161, %dma_start3A_162, %dma_start3A_163] : memref<32x80x128x128xf32, #tpu.memory_space<hbm>> -> memref<1x80x128x128xf32, #tpu.memory_space<hbm>>
    %dma_start3A_165 = tpu.memref_squeeze %dma_start3A_164 : memref<1x80x128x128xf32, #tpu.memory_space<hbm>> -> memref<80x128x128xf32, #tpu.memory_space<hbm>>
    %dma_start3A_166 = arith.constant 0 : i32
    %dma_start3A_167 = arith.constant 0 : i32
    %dma_start3A_168 = tpu.memref_slice %dma_start3A_165[%dma_start3A_144, %dma_start3A_166, %dma_start3A_167] : memref<80x128x128xf32, #tpu.memory_space<hbm>> -> memref<1x128x128xf32, #tpu.memory_space<hbm>>
    %dma_start3A_169 = tpu.memref_squeeze %dma_start3A_168 : memref<1x128x128xf32, #tpu.memory_space<hbm>> -> memref<128x128xf32, #tpu.memory_space<hbm>>
    %dma_start3A_170 = arith.constant 0 : i32
    %dma_start3A_171 = arith.constant 0 : i32
    %dma_start3A_172 = tpu.memref_slice %arg9[%dma_start3A_143, %dma_start3A_170, %dma_start3A_171] : memref<2x128x128xf32, #tpu.memory_space<vmem>> -> memref<1x128x128xf32, #tpu.memory_space<vmem>>
    %dma_start3A_173 = tpu.memref_squeeze %dma_start3A_172 : memref<1x128x128xf32, #tpu.memory_space<vmem>> -> memref<128x128xf32, #tpu.memory_space<vmem>>
    tpu.enqueue_dma source(%dma_start3A_173 : memref<128x128xf32, #tpu.memory_space<vmem>>) target(%dma_start3A_169 : memref<128x128xf32, #tpu.memory_space<hbm>>) target_semaphore(%dma_start3A_160 : memref<!tpu.dma_semaphore, #tpu.memory_space<semaphore_mem>>)
    %dma_wait3A_174 = arith.constant 1 : i32
    %dma_wait3A_175 = arith.constant 1 : i32
    %dma_wait3A_176 = arith.constant 1 : i32
    %dma_wait3A_177 = arith.constant 0 : i32
    %dma_wait3A_178 = tpu.memref_slice %arg8[%dma_wait3A_175, %dma_wait3A_177] : memref<4x128xi32, #tpu.memory_space<vmem>> -> memref<1x128xi32, #tpu.memory_space<vmem>>
    %dma_wait3A_179 = tpu.memref_squeeze %dma_wait3A_178 : memref<1x128xi32, #tpu.memory_space<vmem>> -> memref<128xi32, #tpu.memory_space<vmem>>
    %dma_wait3A_180 = arith.constant 0 : i32
    %dma_wait3A_181 = arith.constant 0 : i32
    %dma_wait3A_182 = tpu.memref_slice %arg3[%add3A, %dma_wait3A_180, %dma_wait3A_181] : memref<32x80x128xi32, #tpu.memory_space<hbm>> -> memref<1x80x128xi32, #tpu.memory_space<hbm>>
    %dma_wait3A_183 = tpu.memref_squeeze %dma_wait3A_182 : memref<1x80x128xi32, #tpu.memory_space<hbm>> -> memref<80x128xi32, #tpu.memory_space<hbm>>
    %dma_wait3A_184 = arith.constant 0 : i32
    %dma_wait3A_185 = tpu.memref_slice %dma_wait3A_183[%dma_wait3A_174, %dma_wait3A_184] : memref<80x128xi32, #tpu.memory_space<hbm>> -> memref<1x128xi32, #tpu.memory_space<hbm>>
    %dma_wait3A_186 = tpu.memref_squeeze %dma_wait3A_185 : memref<1x128xi32, #tpu.memory_space<hbm>> -> memref<128xi32, #tpu.memory_space<hbm>>
    %dma_wait3A_187 = tpu.memref_slice %arg12[%dma_wait3A_176] : memref<4x!tpu.dma_semaphore, #tpu.memory_space<semaphore_mem>> -> memref<1x!tpu.dma_semaphore, #tpu.memory_space<semaphore_mem>>
    %dma_wait3A_188 = tpu.memref_squeeze %dma_wait3A_187 : memref<1x!tpu.dma_semaphore, #tpu.memory_space<semaphore_mem>> -> memref<!tpu.dma_semaphore, #tpu.memory_space<semaphore_mem>>
    %dma_wait3A_189 = arith.constant 0 : i32
    %dma_wait3A_190 = tpu.memref_slice %arg8[%dma_wait3A_175, %dma_wait3A_189] : memref<4x128xi32, #tpu.memory_space<vmem>> -> memref<1x128xi32, #tpu.memory_space<vmem>>
    %dma_wait3A_191 = tpu.memref_squeeze %dma_wait3A_190 : memref<1x128xi32, #tpu.memory_space<vmem>> -> memref<128xi32, #tpu.memory_space<vmem>>
    %dma_wait3A_192 = arith.constant 0 : i32
    %dma_wait3A_193 = arith.constant 0 : i32
    %dma_wait3A_194 = tpu.memref_slice %arg3[%add3A, %dma_wait3A_192, %dma_wait3A_193] : memref<32x80x128xi32, #tpu.memory_space<hbm>> -> memref<1x80x128xi32, #tpu.memory_space<hbm>>
    %dma_wait3A_195 = tpu.memref_squeeze %dma_wait3A_194 : memref<1x80x128xi32, #tpu.memory_space<hbm>> -> memref<80x128xi32, #tpu.memory_space<hbm>>
    %dma_wait3A_196 = arith.constant 0 : i32
    %dma_wait3A_197 = tpu.memref_slice %dma_wait3A_195[%dma_wait3A_174, %dma_wait3A_196] : memref<80x128xi32, #tpu.memory_space<hbm>> -> memref<1x128xi32, #tpu.memory_space<hbm>>
    %dma_wait3A_198 = tpu.memref_squeeze %dma_wait3A_197 : memref<1x128xi32, #tpu.memory_space<hbm>> -> memref<128xi32, #tpu.memory_space<hbm>>
    tpu.wait_dma2 semaphore(%dma_wait3A_188 : memref<!tpu.dma_semaphore, #tpu.memory_space<semaphore_mem>>) src(%dma_wait3A_198 : memref<128xi32, #tpu.memory_space<hbm>>) dst(%dma_wait3A_191 : memref<128xi32, #tpu.memory_space<vmem>>)
    %dma_start3A_199 = arith.constant 1 : i32
    %dma_start3A_200 = arith.constant 1 : i32
    %dma_start3A_201 = arith.constant 1 : i32
    %dma_start3A_202 = arith.constant 0 : i32
    %dma_start3A_203 = arith.constant 0 : i32
    %dma_start3A_204 = tpu.memref_slice %arg9[%dma_start3A_200, %dma_start3A_202, %dma_start3A_203] : memref<2x128x128xf32, #tpu.memory_space<vmem>> -> memref<1x128x128xf32, #tpu.memory_space<vmem>>
    %dma_start3A_205 = tpu.memref_squeeze %dma_start3A_204 : memref<1x128x128xf32, #tpu.memory_space<vmem>> -> memref<128x128xf32, #tpu.memory_space<vmem>>
    %dma_start3A_206 = arith.constant 0 : i32
    %dma_start3A_207 = tpu.memref_slice %arg8[%dma_start3A_199, %dma_start3A_206] : memref<4x128xi32, #tpu.memory_space<vmem>> -> memref<1x128xi32, #tpu.memory_space<vmem>>
    %dma_start3A_208 = tpu.memref_squeeze %dma_start3A_207 : memref<1x128xi32, #tpu.memory_space<vmem>> -> memref<128xi32, #tpu.memory_space<vmem>>
    %dma_start3A_209 = arith.constant 0 : i32
    %dma_start3A_210 = arith.constant 0 : i32
    %dma_start3A_211 = tpu.memref_slice %arg11[%dma_start3A_209, %dma_start3A_210] : memref<10112x128xf32, #tpu.memory_space<vmem_shared>> -> memref<10112x128xf32, #tpu.memory_space<vmem_shared>>
    %dma_start3A_212 = tpu.memref_slice %arg13[%dma_start3A_201] : memref<2x!tpu.dma_semaphore, #tpu.memory_space<semaphore_mem>> -> memref<1x!tpu.dma_semaphore, #tpu.memory_space<semaphore_mem>>
    %dma_start3A_213 = tpu.memref_squeeze %dma_start3A_212 : memref<1x!tpu.dma_semaphore, #tpu.memory_space<semaphore_mem>> -> memref<!tpu.dma_semaphore, #tpu.memory_space<semaphore_mem>>
    tpu.enqueue_indirect_dma source(%dma_start3A_211 : memref<10112x128xf32, #tpu.memory_space<vmem_shared>>) target(%dma_start3A_205 : memref<128x128xf32, #tpu.memory_space<vmem>>) offsets(%dma_start3A_208 : memref<128xi32, #tpu.memory_space<vmem>>) semaphore(%dma_start3A_213 : memref<!tpu.dma_semaphore, #tpu.memory_space<semaphore_mem>>)
    %dma_start3A_214 = arith.constant 3 : i32
    %dma_start3A_215 = arith.constant 3 : i32
    %dma_start3A_216 = arith.constant 3 : i32
    %dma_start3A_217 = arith.constant 0 : i32
    %dma_start3A_218 = tpu.memref_slice %arg8[%dma_start3A_215, %dma_start3A_217] : memref<4x128xi32, #tpu.memory_space<vmem>> -> memref<1x128xi32, #tpu.memory_space<vmem>>
    %dma_start3A_219 = tpu.memref_squeeze %dma_start3A_218 : memref<1x128xi32, #tpu.memory_space<vmem>> -> memref<128xi32, #tpu.memory_space<vmem>>
    %dma_start3A_220 = arith.constant 0 : i32
    %dma_start3A_221 = arith.constant 0 : i32
    %dma_start3A_222 = tpu.memref_slice %arg3[%add3A, %dma_start3A_220, %dma_start3A_221] : memref<32x80x128xi32, #tpu.memory_space<hbm>> -> memref<1x80x128xi32, #tpu.memory_space<hbm>>
    %dma_start3A_223 = tpu.memref_squeeze %dma_start3A_222 : memref<1x80x128xi32, #tpu.memory_space<hbm>> -> memref<80x128xi32, #tpu.memory_space<hbm>>
    %dma_start3A_224 = arith.constant 0 : i32
    %dma_start3A_225 = tpu.memref_slice %dma_start3A_223[%dma_start3A_214, %dma_start3A_224] : memref<80x128xi32, #tpu.memory_space<hbm>> -> memref<1x128xi32, #tpu.memory_space<hbm>>
    %dma_start3A_226 = tpu.memref_squeeze %dma_start3A_225 : memref<1x128xi32, #tpu.memory_space<hbm>> -> memref<128xi32, #tpu.memory_space<hbm>>
    %dma_start3A_227 = tpu.memref_slice %arg12[%dma_start3A_216] : memref<4x!tpu.dma_semaphore, #tpu.memory_space<semaphore_mem>> -> memref<1x!tpu.dma_semaphore, #tpu.memory_space<semaphore_mem>>
    %dma_start3A_228 = tpu.memref_squeeze %dma_start3A_227 : memref<1x!tpu.dma_semaphore, #tpu.memory_space<semaphore_mem>> -> memref<!tpu.dma_semaphore, #tpu.memory_space<semaphore_mem>>
    %dma_start3A_229 = arith.constant 0 : i32
    %dma_start3A_230 = tpu.memref_slice %arg8[%dma_start3A_215, %dma_start3A_229] : memref<4x128xi32, #tpu.memory_space<vmem>> -> memref<1x128xi32, #tpu.memory_space<vmem>>
    %dma_start3A_231 = tpu.memref_squeeze %dma_start3A_230 : memref<1x128xi32, #tpu.memory_space<vmem>> -> memref<128xi32, #tpu.memory_space<vmem>>
    %dma_start3A_232 = arith.constant 0 : i32
    %dma_start3A_233 = arith.constant 0 : i32
    %dma_start3A_234 = tpu.memref_slice %arg3[%add3A, %dma_start3A_232, %dma_start3A_233] : memref<32x80x128xi32, #tpu.memory_space<hbm>> -> memref<1x80x128xi32, #tpu.memory_space<hbm>>
    %dma_start3A_235 = tpu.memref_squeeze %dma_start3A_234 : memref<1x80x128xi32, #tpu.memory_space<hbm>> -> memref<80x128xi32, #tpu.memory_space<hbm>>
    %dma_start3A_236 = arith.constant 0 : i32
    %dma_start3A_237 = tpu.memref_slice %dma_start3A_235[%dma_start3A_214, %dma_start3A_236] : memref<80x128xi32, #tpu.memory_space<hbm>> -> memref<1x128xi32, #tpu.memory_space<hbm>>
    %dma_start3A_238 = tpu.memref_squeeze %dma_start3A_237 : memref<1x128xi32, #tpu.memory_space<hbm>> -> memref<128xi32, #tpu.memory_space<hbm>>
    tpu.enqueue_dma source(%dma_start3A_238 : memref<128xi32, #tpu.memory_space<hbm>>) target(%dma_start3A_231 : memref<128xi32, #tpu.memory_space<vmem>>) target_semaphore(%dma_start3A_228 : memref<!tpu.dma_semaphore, #tpu.memory_space<semaphore_mem>>)
    %scan3A_239 = arith.constant 0 : i32
    %scan3A_240 = arith.constant 0 : i32
    %scan3A_241 = arith.constant 19 : i32
    %scan3A_242 = arith.addi %scan3A_240, %scan3A_241 : i32
    %scan3A_243 = arith.constant 1 : i32
    scf.for %scan3A_1313 = %scan3A_240 to %scan3A_242 step %scan3A_243  : i32 {
      %mul3A_1314 = arith.constant 4 : i32
      %mul3A_1315 = arith.muli %scan3A_1313, %mul3A_1314 : i32
      %add3A_1316 = arith.constant 1 : i32
      %add3A_1317 = arith.addi %add3A_1316, %mul3A_1315 : i32
      %add3A_1318 = arith.constant 0 : i32
      %add3A_1319 = arith.addi %add3A_1317, %add3A_1318 : i32
      %dma_wait3A_1320 = arith.constant 1 : i32
      %dma_wait3A_1321 = arith.constant 1 : i32
      %dma_wait3A_1322 = arith.constant 1 : i32
      %dma_wait3A_1323 = arith.constant 0 : i32
      %dma_wait3A_1324 = arith.constant 0 : i32
      %dma_wait3A_1325 = tpu.memref_slice %arg9[%dma_wait3A_1321, %dma_wait3A_1323, %dma_wait3A_1324] : memref<2x128x128xf32, #tpu.memory_space<vmem>> -> memref<1x128x128xf32, #tpu.memory_space<vmem>>
      %dma_wait3A_1326 = tpu.memref_squeeze %dma_wait3A_1325 : memref<1x128x128xf32, #tpu.memory_space<vmem>> -> memref<128x128xf32, #tpu.memory_space<vmem>>
      %dma_wait3A_1327 = arith.constant 0 : i32
      %dma_wait3A_1328 = tpu.memref_slice %arg8[%dma_wait3A_1320, %dma_wait3A_1327] : memref<4x128xi32, #tpu.memory_space<vmem>> -> memref<1x128xi32, #tpu.memory_space<vmem>>
      %dma_wait3A_1329 = tpu.memref_squeeze %dma_wait3A_1328 : memref<1x128xi32, #tpu.memory_space<vmem>> -> memref<128xi32, #tpu.memory_space<vmem>>
      %dma_wait3A_1330 = arith.constant 0 : i32
      %dma_wait3A_1331 = arith.constant 0 : i32
      %dma_wait3A_1332 = tpu.memref_slice %arg11[%dma_wait3A_1330, %dma_wait3A_1331] : memref<10112x128xf32, #tpu.memory_space<vmem_shared>> -> memref<10112x128xf32, #tpu.memory_space<vmem_shared>>
      %dma_wait3A_1333 = tpu.memref_slice %arg13[%dma_wait3A_1322] : memref<2x!tpu.dma_semaphore, #tpu.memory_space<semaphore_mem>> -> memref<1x!tpu.dma_semaphore, #tpu.memory_space<semaphore_mem>>
      %dma_wait3A_1334 = tpu.memref_squeeze %dma_wait3A_1333 : memref<1x!tpu.dma_semaphore, #tpu.memory_space<semaphore_mem>> -> memref<!tpu.dma_semaphore, #tpu.memory_space<semaphore_mem>>
      tpu.wait_indirect_dma semaphore(%dma_wait3A_1334 : memref<!tpu.dma_semaphore, #tpu.memory_space<semaphore_mem>>) src(%dma_wait3A_1332 : memref<10112x128xf32, #tpu.memory_space<vmem_shared>>) dst(%dma_wait3A_1326 : memref<128x128xf32, #tpu.memory_space<vmem>>)
      %dma_start3A_1335 = arith.constant 1 : i32
      %dma_start3A_1336 = arith.constant 1 : i32
      %dma_start3A_1337 = arith.constant 0 : i32
      %dma_start3A_1338 = arith.constant 0 : i32
      %dma_start3A_1339 = tpu.memref_slice %arg9[%dma_start3A_1335, %dma_start3A_1337, %dma_start3A_1338] : memref<2x128x128xf32, #tpu.memory_space<vmem>> -> memref<1x128x128xf32, #tpu.memory_space<vmem>>
      %dma_start3A_1340 = tpu.memref_squeeze %dma_start3A_1339 : memref<1x128x128xf32, #tpu.memory_space<vmem>> -> memref<128x128xf32, #tpu.memory_space<vmem>>
      %dma_start3A_1341 = arith.constant 0 : i32
      %dma_start3A_1342 = arith.constant 0 : i32
      %dma_start3A_1343 = arith.constant 0 : i32
      %dma_start3A_1344 = tpu.memref_slice %arg7[%add3A, %dma_start3A_1341, %dma_start3A_1342, %dma_start3A_1343] : memref<32x80x128x128xf32, #tpu.memory_space<hbm>> -> memref<1x80x128x128xf32, #tpu.memory_space<hbm>>
      %dma_start3A_1345 = tpu.memref_squeeze %dma_start3A_1344 : memref<1x80x128x128xf32, #tpu.memory_space<hbm>> -> memref<80x128x128xf32, #tpu.memory_space<hbm>>
      %dma_start3A_1346 = arith.constant 0 : i32
      %dma_start3A_1347 = arith.constant 0 : i32
      %dma_start3A_1348 = tpu.memref_slice %dma_start3A_1345[%add3A_1319, %dma_start3A_1346, %dma_start3A_1347] : memref<80x128x128xf32, #tpu.memory_space<hbm>> -> memref<1x128x128xf32, #tpu.memory_space<hbm>>
      %dma_start3A_1349 = tpu.memref_squeeze %dma_start3A_1348 : memref<1x128x128xf32, #tpu.memory_space<hbm>> -> memref<128x128xf32, #tpu.memory_space<hbm>>
      %dma_start3A_1350 = tpu.memref_slice %arg14[%dma_start3A_1336] : memref<2x!tpu.dma_semaphore, #tpu.memory_space<semaphore_mem>> -> memref<1x!tpu.dma_semaphore, #tpu.memory_space<semaphore_mem>>
      %dma_start3A_1351 = tpu.memref_squeeze %dma_start3A_1350 : memref<1x!tpu.dma_semaphore, #tpu.memory_space<semaphore_mem>> -> memref<!tpu.dma_semaphore, #tpu.memory_space<semaphore_mem>>
      %dma_start3A_1352 = arith.constant 0 : i32
      %dma_start3A_1353 = arith.constant 0 : i32
      %dma_start3A_1354 = arith.constant 0 : i32
      %dma_start3A_1355 = tpu.memref_slice %arg7[%add3A, %dma_start3A_1352, %dma_start3A_1353, %dma_start3A_1354] : memref<32x80x128x128xf32, #tpu.memory_space<hbm>> -> memref<1x80x128x128xf32, #tpu.memory_space<hbm>>
      %dma_start3A_1356 = tpu.memref_squeeze %dma_start3A_1355 : memref<1x80x128x128xf32, #tpu.memory_space<hbm>> -> memref<80x128x128xf32, #tpu.memory_space<hbm>>
      %dma_start3A_1357 = arith.constant 0 : i32
      %dma_start3A_1358 = arith.constant 0 : i32
      %dma_start3A_1359 = tpu.memref_slice %dma_start3A_1356[%add3A_1319, %dma_start3A_1357, %dma_start3A_1358] : memref<80x128x128xf32, #tpu.memory_space<hbm>> -> memref<1x128x128xf32, #tpu.memory_space<hbm>>
      %dma_start3A_1360 = tpu.memref_squeeze %dma_start3A_1359 : memref<1x128x128xf32, #tpu.memory_space<hbm>> -> memref<128x128xf32, #tpu.memory_space<hbm>>
      %dma_start3A_1361 = arith.constant 0 : i32
      %dma_start3A_1362 = arith.constant 0 : i32
      %dma_start3A_1363 = tpu.memref_slice %arg9[%dma_start3A_1335, %dma_start3A_1361, %dma_start3A_1362] : memref<2x128x128xf32, #tpu.memory_space<vmem>> -> memref<1x128x128xf32, #tpu.memory_space<vmem>>
      %dma_start3A_1364 = tpu.memref_squeeze %dma_start3A_1363 : memref<1x128x128xf32, #tpu.memory_space<vmem>> -> memref<128x128xf32, #tpu.memory_space<vmem>>
      tpu.enqueue_dma source(%dma_start3A_1364 : memref<128x128xf32, #tpu.memory_space<vmem>>) target(%dma_start3A_1360 : memref<128x128xf32, #tpu.memory_space<hbm>>) target_semaphore(%dma_start3A_1351 : memref<!tpu.dma_semaphore, #tpu.memory_space<semaphore_mem>>)
      %sub3A = arith.constant 1 : i32
      %sub3A_1365 = arith.subi %add3A_1319, %sub3A : i32
      %dma_wait3A_1366 = arith.constant 0 : i32
      %dma_wait3A_1367 = arith.constant 0 : i32
      %dma_wait3A_1368 = arith.constant 0 : i32
      %dma_wait3A_1369 = arith.constant 0 : i32
      %dma_wait3A_1370 = tpu.memref_slice %arg9[%dma_wait3A_1366, %dma_wait3A_1368, %dma_wait3A_1369] : memref<2x128x128xf32, #tpu.memory_space<vmem>> -> memref<1x128x128xf32, #tpu.memory_space<vmem>>
      %dma_wait3A_1371 = tpu.memref_squeeze %dma_wait3A_1370 : memref<1x128x128xf32, #tpu.memory_space<vmem>> -> memref<128x128xf32, #tpu.memory_space<vmem>>
      %dma_wait3A_1372 = arith.constant 0 : i32
      %dma_wait3A_1373 = arith.constant 0 : i32
      %dma_wait3A_1374 = arith.constant 0 : i32
      %dma_wait3A_1375 = tpu.memref_slice %arg7[%add3A, %dma_wait3A_1372, %dma_wait3A_1373, %dma_wait3A_1374] : memref<32x80x128x128xf32, #tpu.memory_space<hbm>> -> memref<1x80x128x128xf32, #tpu.memory_space<hbm>>
      %dma_wait3A_1376 = tpu.memref_squeeze %dma_wait3A_1375 : memref<1x80x128x128xf32, #tpu.memory_space<hbm>> -> memref<80x128x128xf32, #tpu.memory_space<hbm>>
      %dma_wait3A_1377 = arith.constant 0 : i32
      %dma_wait3A_1378 = arith.constant 0 : i32
      %dma_wait3A_1379 = tpu.memref_slice %dma_wait3A_1376[%sub3A_1365, %dma_wait3A_1377, %dma_wait3A_1378] : memref<80x128x128xf32, #tpu.memory_space<hbm>> -> memref<1x128x128xf32, #tpu.memory_space<hbm>>
      %dma_wait3A_1380 = tpu.memref_squeeze %dma_wait3A_1379 : memref<1x128x128xf32, #tpu.memory_space<hbm>> -> memref<128x128xf32, #tpu.memory_space<hbm>>
      %dma_wait3A_1381 = tpu.memref_slice %arg14[%dma_wait3A_1367] : memref<2x!tpu.dma_semaphore, #tpu.memory_space<semaphore_mem>> -> memref<1x!tpu.dma_semaphore, #tpu.memory_space<semaphore_mem>>
      %dma_wait3A_1382 = tpu.memref_squeeze %dma_wait3A_1381 : memref<1x!tpu.dma_semaphore, #tpu.memory_space<semaphore_mem>> -> memref<!tpu.dma_semaphore, #tpu.memory_space<semaphore_mem>>
      %dma_wait3A_1383 = arith.constant 0 : i32
      %dma_wait3A_1384 = arith.constant 0 : i32
      %dma_wait3A_1385 = arith.constant 0 : i32
      %dma_wait3A_1386 = tpu.memref_slice %arg7[%add3A, %dma_wait3A_1383, %dma_wait3A_1384, %dma_wait3A_1385] : memref<32x80x128x128xf32, #tpu.memory_space<hbm>> -> memref<1x80x128x128xf32, #tpu.memory_space<hbm>>
      %dma_wait3A_1387 = tpu.memref_squeeze %dma_wait3A_1386 : memref<1x80x128x128xf32, #tpu.memory_space<hbm>> -> memref<80x128x128xf32, #tpu.memory_space<hbm>>
      %dma_wait3A_1388 = arith.constant 0 : i32
      %dma_wait3A_1389 = arith.constant 0 : i32
      %dma_wait3A_1390 = tpu.memref_slice %dma_wait3A_1387[%sub3A_1365, %dma_wait3A_1388, %dma_wait3A_1389] : memref<80x128x128xf32, #tpu.memory_space<hbm>> -> memref<1x128x128xf32, #tpu.memory_space<hbm>>
      %dma_wait3A_1391 = tpu.memref_squeeze %dma_wait3A_1390 : memref<1x128x128xf32, #tpu.memory_space<hbm>> -> memref<128x128xf32, #tpu.memory_space<hbm>>
      %dma_wait3A_1392 = arith.constant 0 : i32
      %dma_wait3A_1393 = arith.constant 0 : i32
      %dma_wait3A_1394 = tpu.memref_slice %arg9[%dma_wait3A_1366, %dma_wait3A_1392, %dma_wait3A_1393] : memref<2x128x128xf32, #tpu.memory_space<vmem>> -> memref<1x128x128xf32, #tpu.memory_space<vmem>>
      %dma_wait3A_1395 = tpu.memref_squeeze %dma_wait3A_1394 : memref<1x128x128xf32, #tpu.memory_space<vmem>> -> memref<128x128xf32, #tpu.memory_space<vmem>>
      tpu.wait_dma2 semaphore(%dma_wait3A_1382 : memref<!tpu.dma_semaphore, #tpu.memory_space<semaphore_mem>>) src(%dma_wait3A_1395 : memref<128x128xf32, #tpu.memory_space<vmem>>) dst(%dma_wait3A_1391 : memref<128x128xf32, #tpu.memory_space<hbm>>)
      %add3A_1396 = arith.constant 1 : i32
      %add3A_1397 = arith.addi %add3A_1319, %add3A_1396 : i32
      %dma_wait3A_1398 = arith.constant 2 : i32
      %dma_wait3A_1399 = arith.constant 2 : i32
      %dma_wait3A_1400 = arith.constant 0 : i32
      %dma_wait3A_1401 = tpu.memref_slice %arg8[%dma_wait3A_1398, %dma_wait3A_1400] : memref<4x128xi32, #tpu.memory_space<vmem>> -> memref<1x128xi32, #tpu.memory_space<vmem>>
      %dma_wait3A_1402 = tpu.memref_squeeze %dma_wait3A_1401 : memref<1x128xi32, #tpu.memory_space<vmem>> -> memref<128xi32, #tpu.memory_space<vmem>>
      %dma_wait3A_1403 = arith.constant 0 : i32
      %dma_wait3A_1404 = arith.constant 0 : i32
      %dma_wait3A_1405 = tpu.memref_slice %arg3[%add3A, %dma_wait3A_1403, %dma_wait3A_1404] : memref<32x80x128xi32, #tpu.memory_space<hbm>> -> memref<1x80x128xi32, #tpu.memory_space<hbm>>
      %dma_wait3A_1406 = tpu.memref_squeeze %dma_wait3A_1405 : memref<1x80x128xi32, #tpu.memory_space<hbm>> -> memref<80x128xi32, #tpu.memory_space<hbm>>
      %dma_wait3A_1407 = arith.constant 0 : i32
      %dma_wait3A_1408 = tpu.memref_slice %dma_wait3A_1406[%add3A_1397, %dma_wait3A_1407] : memref<80x128xi32, #tpu.memory_space<hbm>> -> memref<1x128xi32, #tpu.memory_space<hbm>>
      %dma_wait3A_1409 = tpu.memref_squeeze %dma_wait3A_1408 : memref<1x128xi32, #tpu.memory_space<hbm>> -> memref<128xi32, #tpu.memory_space<hbm>>
      %dma_wait3A_1410 = tpu.memref_slice %arg12[%dma_wait3A_1399] : memref<4x!tpu.dma_semaphore, #tpu.memory_space<semaphore_mem>> -> memref<1x!tpu.dma_semaphore, #tpu.memory_space<semaphore_mem>>
      %dma_wait3A_1411 = tpu.memref_squeeze %dma_wait3A_1410 : memref<1x!tpu.dma_semaphore, #tpu.memory_space<semaphore_mem>> -> memref<!tpu.dma_semaphore, #tpu.memory_space<semaphore_mem>>
      %dma_wait3A_1412 = arith.constant 0 : i32
      %dma_wait3A_1413 = tpu.memref_slice %arg8[%dma_wait3A_1398, %dma_wait3A_1412] : memref<4x128xi32, #tpu.memory_space<vmem>> -> memref<1x128xi32, #tpu.memory_space<vmem>>
      %dma_wait3A_1414 = tpu.memref_squeeze %dma_wait3A_1413 : memref<1x128xi32, #tpu.memory_space<vmem>> -> memref<128xi32, #tpu.memory_space<vmem>>
      %dma_wait3A_1415 = arith.constant 0 : i32
      %dma_wait3A_1416 = arith.constant 0 : i32
      %dma_wait3A_1417 = tpu.memref_slice %arg3[%add3A, %dma_wait3A_1415, %dma_wait3A_1416] : memref<32x80x128xi32, #tpu.memory_space<hbm>> -> memref<1x80x128xi32, #tpu.memory_space<hbm>>
      %dma_wait3A_1418 = tpu.memref_squeeze %dma_wait3A_1417 : memref<1x80x128xi32, #tpu.memory_space<hbm>> -> memref<80x128xi32, #tpu.memory_space<hbm>>
      %dma_wait3A_1419 = arith.constant 0 : i32
      %dma_wait3A_1420 = tpu.memref_slice %dma_wait3A_1418[%add3A_1397, %dma_wait3A_1419] : memref<80x128xi32, #tpu.memory_space<hbm>> -> memref<1x128xi32, #tpu.memory_space<hbm>>
      %dma_wait3A_1421 = tpu.memref_squeeze %dma_wait3A_1420 : memref<1x128xi32, #tpu.memory_space<hbm>> -> memref<128xi32, #tpu.memory_space<hbm>>
      tpu.wait_dma2 semaphore(%dma_wait3A_1411 : memref<!tpu.dma_semaphore, #tpu.memory_space<semaphore_mem>>) src(%dma_wait3A_1421 : memref<128xi32, #tpu.memory_space<hbm>>) dst(%dma_wait3A_1414 : memref<128xi32, #tpu.memory_space<vmem>>)
      %add3A_1422 = arith.constant 1 : i32
      %add3A_1423 = arith.addi %add3A_1319, %add3A_1422 : i32
      %dma_start3A_1424 = arith.constant 2 : i32
      %dma_start3A_1425 = arith.constant 0 : i32
      %dma_start3A_1426 = arith.constant 0 : i32
      %dma_start3A_1427 = arith.constant 0 : i32
      %dma_start3A_1428 = arith.constant 0 : i32
      %dma_start3A_1429 = tpu.memref_slice %arg9[%dma_start3A_1425, %dma_start3A_1427, %dma_start3A_1428] : memref<2x128x128xf32, #tpu.memory_space<vmem>> -> memref<1x128x128xf32, #tpu.memory_space<vmem>>
      %dma_start3A_1430 = tpu.memref_squeeze %dma_start3A_1429 : memref<1x128x128xf32, #tpu.memory_space<vmem>> -> memref<128x128xf32, #tpu.memory_space<vmem>>
      %dma_start3A_1431 = arith.constant 0 : i32
      %dma_start3A_1432 = tpu.memref_slice %arg8[%dma_start3A_1424, %dma_start3A_1431] : memref<4x128xi32, #tpu.memory_space<vmem>> -> memref<1x128xi32, #tpu.memory_space<vmem>>
      %dma_start3A_1433 = tpu.memref_squeeze %dma_start3A_1432 : memref<1x128xi32, #tpu.memory_space<vmem>> -> memref<128xi32, #tpu.memory_space<vmem>>
      %dma_start3A_1434 = arith.constant 0 : i32
      %dma_start3A_1435 = arith.constant 0 : i32
      %dma_start3A_1436 = tpu.memref_slice %arg11[%dma_start3A_1434, %dma_start3A_1435] : memref<10112x128xf32, #tpu.memory_space<vmem_shared>> -> memref<10112x128xf32, #tpu.memory_space<vmem_shared>>
      %dma_start3A_1437 = tpu.memref_slice %arg13[%dma_start3A_1426] : memref<2x!tpu.dma_semaphore, #tpu.memory_space<semaphore_mem>> -> memref<1x!tpu.dma_semaphore, #tpu.memory_space<semaphore_mem>>
      %dma_start3A_1438 = tpu.memref_squeeze %dma_start3A_1437 : memref<1x!tpu.dma_semaphore, #tpu.memory_space<semaphore_mem>> -> memref<!tpu.dma_semaphore, #tpu.memory_space<semaphore_mem>>
      tpu.enqueue_indirect_dma source(%dma_start3A_1436 : memref<10112x128xf32, #tpu.memory_space<vmem_shared>>) target(%dma_start3A_1430 : memref<128x128xf32, #tpu.memory_space<vmem>>) offsets(%dma_start3A_1433 : memref<128xi32, #tpu.memory_space<vmem>>) semaphore(%dma_start3A_1438 : memref<!tpu.dma_semaphore, #tpu.memory_space<semaphore_mem>>)
      %add3A_1439 = arith.constant 3 : i32
      %add3A_1440 = arith.addi %add3A_1319, %add3A_1439 : i32
      %dma_start3A_1441 = arith.constant 0 : i32
      %dma_start3A_1442 = arith.constant 0 : i32
      %dma_start3A_1443 = arith.constant 0 : i32
      %dma_start3A_1444 = tpu.memref_slice %arg8[%dma_start3A_1441, %dma_start3A_1443] : memref<4x128xi32, #tpu.memory_space<vmem>> -> memref<1x128xi32, #tpu.memory_space<vmem>>
      %dma_start3A_1445 = tpu.memref_squeeze %dma_start3A_1444 : memref<1x128xi32, #tpu.memory_space<vmem>> -> memref<128xi32, #tpu.memory_space<vmem>>
      %dma_start3A_1446 = arith.constant 0 : i32
      %dma_start3A_1447 = arith.constant 0 : i32
      %dma_start3A_1448 = tpu.memref_slice %arg3[%add3A, %dma_start3A_1446, %dma_start3A_1447] : memref<32x80x128xi32, #tpu.memory_space<hbm>> -> memref<1x80x128xi32, #tpu.memory_space<hbm>>
      %dma_start3A_1449 = tpu.memref_squeeze %dma_start3A_1448 : memref<1x80x128xi32, #tpu.memory_space<hbm>> -> memref<80x128xi32, #tpu.memory_space<hbm>>
      %dma_start3A_1450 = arith.constant 0 : i32
      %dma_start3A_1451 = tpu.memref_slice %dma_start3A_1449[%add3A_1440, %dma_start3A_1450] : memref<80x128xi32, #tpu.memory_space<hbm>> -> memref<1x128xi32, #tpu.memory_space<hbm>>
      %dma_start3A_1452 = tpu.memref_squeeze %dma_start3A_1451 : memref<1x128xi32, #tpu.memory_space<hbm>> -> memref<128xi32, #tpu.memory_space<hbm>>
      %dma_start3A_1453 = tpu.memref_slice %arg12[%dma_start3A_1442] : memref<4x!tpu.dma_semaphore, #tpu.memory_space<semaphore_mem>> -> memref<1x!tpu.dma_semaphore, #tpu.memory_space<semaphore_mem>>
      %dma_start3A_1454 = tpu.memref_squeeze %dma_start3A_1453 : memref<1x!tpu.dma_semaphore, #tpu.memory_space<semaphore_mem>> -> memref<!tpu.dma_semaphore, #tpu.memory_space<semaphore_mem>>
      %dma_start3A_1455 = arith.constant 0 : i32
      %dma_start3A_1456 = tpu.memref_slice %arg8[%dma_start3A_1441, %dma_start3A_1455] : memref<4x128xi32, #tpu.memory_space<vmem>> -> memref<1x128xi32, #tpu.memory_space<vmem>>
      %dma_start3A_1457 = tpu.memref_squeeze %dma_start3A_1456 : memref<1x128xi32, #tpu.memory_space<vmem>> -> memref<128xi32, #tpu.memory_space<vmem>>
      %dma_start3A_1458 = arith.constant 0 : i32
      %dma_start3A_1459 = arith.constant 0 : i32
      %dma_start3A_1460 = tpu.memref_slice %arg3[%add3A, %dma_start3A_1458, %dma_start3A_1459] : memref<32x80x128xi32, #tpu.memory_space<hbm>> -> memref<1x80x128xi32, #tpu.memory_space<hbm>>
      %dma_start3A_1461 = tpu.memref_squeeze %dma_start3A_1460 : memref<1x80x128xi32, #tpu.memory_space<hbm>> -> memref<80x128xi32, #tpu.memory_space<hbm>>
      %dma_start3A_1462 = arith.constant 0 : i32
      %dma_start3A_1463 = tpu.memref_slice %dma_start3A_1461[%add3A_1440, %dma_start3A_1462] : memref<80x128xi32, #tpu.memory_space<hbm>> -> memref<1x128xi32, #tpu.memory_space<hbm>>
      %dma_start3A_1464 = tpu.memref_squeeze %dma_start3A_1463 : memref<1x128xi32, #tpu.memory_space<hbm>> -> memref<128xi32, #tpu.memory_space<hbm>>
      tpu.enqueue_dma source(%dma_start3A_1464 : memref<128xi32, #tpu.memory_space<hbm>>) target(%dma_start3A_1457 : memref<128xi32, #tpu.memory_space<vmem>>) target_semaphore(%dma_start3A_1454 : memref<!tpu.dma_semaphore, #tpu.memory_space<semaphore_mem>>)
      %add3A_1465 = arith.constant 1 : i32
      %add3A_1466 = arith.addi %add3A_1317, %add3A_1465 : i32
      %dma_wait3A_1467 = arith.constant 2 : i32
      %dma_wait3A_1468 = arith.constant 0 : i32
      %dma_wait3A_1469 = arith.constant 0 : i32
      %dma_wait3A_1470 = arith.constant 0 : i32
      %dma_wait3A_1471 = arith.constant 0 : i32
      %dma_wait3A_1472 = tpu.memref_slice %arg9[%dma_wait3A_1468, %dma_wait3A_1470, %dma_wait3A_1471] : memref<2x128x128xf32, #tpu.memory_space<vmem>> -> memref<1x128x128xf32, #tpu.memory_space<vmem>>
      %dma_wait3A_1473 = tpu.memref_squeeze %dma_wait3A_1472 : memref<1x128x128xf32, #tpu.memory_space<vmem>> -> memref<128x128xf32, #tpu.memory_space<vmem>>
      %dma_wait3A_1474 = arith.constant 0 : i32
      %dma_wait3A_1475 = tpu.memref_slice %arg8[%dma_wait3A_1467, %dma_wait3A_1474] : memref<4x128xi32, #tpu.memory_space<vmem>> -> memref<1x128xi32, #tpu.memory_space<vmem>>
      %dma_wait3A_1476 = tpu.memref_squeeze %dma_wait3A_1475 : memref<1x128xi32, #tpu.memory_space<vmem>> -> memref<128xi32, #tpu.memory_space<vmem>>
      %dma_wait3A_1477 = arith.constant 0 : i32
      %dma_wait3A_1478 = arith.constant 0 : i32
      %dma_wait3A_1479 = tpu.memref_slice %arg11[%dma_wait3A_1477, %dma_wait3A_1478] : memref<10112x128xf32, #tpu.memory_space<vmem_shared>> -> memref<10112x128xf32, #tpu.memory_space<vmem_shared>>
      %dma_wait3A_1480 = tpu.memref_slice %arg13[%dma_wait3A_1469] : memref<2x!tpu.dma_semaphore, #tpu.memory_space<semaphore_mem>> -> memref<1x!tpu.dma_semaphore, #tpu.memory_space<semaphore_mem>>
      %dma_wait3A_1481 = tpu.memref_squeeze %dma_wait3A_1480 : memref<1x!tpu.dma_semaphore, #tpu.memory_space<semaphore_mem>> -> memref<!tpu.dma_semaphore, #tpu.memory_space<semaphore_mem>>
      tpu.wait_indirect_dma semaphore(%dma_wait3A_1481 : memref<!tpu.dma_semaphore, #tpu.memory_space<semaphore_mem>>) src(%dma_wait3A_1479 : memref<10112x128xf32, #tpu.memory_space<vmem_shared>>) dst(%dma_wait3A_1473 : memref<128x128xf32, #tpu.memory_space<vmem>>)
      %dma_start3A_1482 = arith.constant 0 : i32
      %dma_start3A_1483 = arith.constant 0 : i32
      %dma_start3A_1484 = arith.constant 0 : i32
      %dma_start3A_1485 = arith.constant 0 : i32
      %dma_start3A_1486 = tpu.memref_slice %arg9[%dma_start3A_1482, %dma_start3A_1484, %dma_start3A_1485] : memref<2x128x128xf32, #tpu.memory_space<vmem>> -> memref<1x128x128xf32, #tpu.memory_space<vmem>>
      %dma_start3A_1487 = tpu.memref_squeeze %dma_start3A_1486 : memref<1x128x128xf32, #tpu.memory_space<vmem>> -> memref<128x128xf32, #tpu.memory_space<vmem>>
      %dma_start3A_1488 = arith.constant 0 : i32
      %dma_start3A_1489 = arith.constant 0 : i32
      %dma_start3A_1490 = arith.constant 0 : i32
      %dma_start3A_1491 = tpu.memref_slice %arg7[%add3A, %dma_start3A_1488, %dma_start3A_1489, %dma_start3A_1490] : memref<32x80x128x128xf32, #tpu.memory_space<hbm>> -> memref<1x80x128x128xf32, #tpu.memory_space<hbm>>
      %dma_start3A_1492 = tpu.memref_squeeze %dma_start3A_1491 : memref<1x80x128x128xf32, #tpu.memory_space<hbm>> -> memref<80x128x128xf32, #tpu.memory_space<hbm>>
      %dma_start3A_1493 = arith.constant 0 : i32
      %dma_start3A_1494 = arith.constant 0 : i32
      %dma_start3A_1495 = tpu.memref_slice %dma_start3A_1492[%add3A_1466, %dma_start3A_1493, %dma_start3A_1494] : memref<80x128x128xf32, #tpu.memory_space<hbm>> -> memref<1x128x128xf32, #tpu.memory_space<hbm>>
      %dma_start3A_1496 = tpu.memref_squeeze %dma_start3A_1495 : memref<1x128x128xf32, #tpu.memory_space<hbm>> -> memref<128x128xf32, #tpu.memory_space<hbm>>
      %dma_start3A_1497 = tpu.memref_slice %arg14[%dma_start3A_1483] : memref<2x!tpu.dma_semaphore, #tpu.memory_space<semaphore_mem>> -> memref<1x!tpu.dma_semaphore, #tpu.memory_space<semaphore_mem>>
      %dma_start3A_1498 = tpu.memref_squeeze %dma_start3A_1497 : memref<1x!tpu.dma_semaphore, #tpu.memory_space<semaphore_mem>> -> memref<!tpu.dma_semaphore, #tpu.memory_space<semaphore_mem>>
      %dma_start3A_1499 = arith.constant 0 : i32
      %dma_start3A_1500 = arith.constant 0 : i32
      %dma_start3A_1501 = arith.constant 0 : i32
      %dma_start3A_1502 = tpu.memref_slice %arg7[%add3A, %dma_start3A_1499, %dma_start3A_1500, %dma_start3A_1501] : memref<32x80x128x128xf32, #tpu.memory_space<hbm>> -> memref<1x80x128x128xf32, #tpu.memory_space<hbm>>
      %dma_start3A_1503 = tpu.memref_squeeze %dma_start3A_1502 : memref<1x80x128x128xf32, #tpu.memory_space<hbm>> -> memref<80x128x128xf32, #tpu.memory_space<hbm>>
      %dma_start3A_1504 = arith.constant 0 : i32
      %dma_start3A_1505 = arith.constant 0 : i32
      %dma_start3A_1506 = tpu.memref_slice %dma_start3A_1503[%add3A_1466, %dma_start3A_1504, %dma_start3A_1505] : memref<80x128x128xf32, #tpu.memory_space<hbm>> -> memref<1x128x128xf32, #tpu.memory_space<hbm>>
      %dma_start3A_1507 = tpu.memref_squeeze %dma_start3A_1506 : memref<1x128x128xf32, #tpu.memory_space<hbm>> -> memref<128x128xf32, #tpu.memory_space<hbm>>
      %dma_start3A_1508 = arith.constant 0 : i32
      %dma_start3A_1509 = arith.constant 0 : i32
      %dma_start3A_1510 = tpu.memref_slice %arg9[%dma_start3A_1482, %dma_start3A_1508, %dma_start3A_1509] : memref<2x128x128xf32, #tpu.memory_space<vmem>> -> memref<1x128x128xf32, #tpu.memory_space<vmem>>
      %dma_start3A_1511 = tpu.memref_squeeze %dma_start3A_1510 : memref<1x128x128xf32, #tpu.memory_space<vmem>> -> memref<128x128xf32, #tpu.memory_space<vmem>>
      tpu.enqueue_dma source(%dma_start3A_1511 : memref<128x128xf32, #tpu.memory_space<vmem>>) target(%dma_start3A_1507 : memref<128x128xf32, #tpu.memory_space<hbm>>) target_semaphore(%dma_start3A_1498 : memref<!tpu.dma_semaphore, #tpu.memory_space<semaphore_mem>>)
      %sub3A_1512 = arith.constant 1 : i32
      %sub3A_1513 = arith.subi %add3A_1466, %sub3A_1512 : i32
      %dma_wait3A_1514 = arith.constant 1 : i32
      %dma_wait3A_1515 = arith.constant 1 : i32
      %dma_wait3A_1516 = arith.constant 0 : i32
      %dma_wait3A_1517 = arith.constant 0 : i32
      %dma_wait3A_1518 = tpu.memref_slice %arg9[%dma_wait3A_1514, %dma_wait3A_1516, %dma_wait3A_1517] : memref<2x128x128xf32, #tpu.memory_space<vmem>> -> memref<1x128x128xf32, #tpu.memory_space<vmem>>
      %dma_wait3A_1519 = tpu.memref_squeeze %dma_wait3A_1518 : memref<1x128x128xf32, #tpu.memory_space<vmem>> -> memref<128x128xf32, #tpu.memory_space<vmem>>
      %dma_wait3A_1520 = arith.constant 0 : i32
      %dma_wait3A_1521 = arith.constant 0 : i32
      %dma_wait3A_1522 = arith.constant 0 : i32
      %dma_wait3A_1523 = tpu.memref_slice %arg7[%add3A, %dma_wait3A_1520, %dma_wait3A_1521, %dma_wait3A_1522] : memref<32x80x128x128xf32, #tpu.memory_space<hbm>> -> memref<1x80x128x128xf32, #tpu.memory_space<hbm>>
      %dma_wait3A_1524 = tpu.memref_squeeze %dma_wait3A_1523 : memref<1x80x128x128xf32, #tpu.memory_space<hbm>> -> memref<80x128x128xf32, #tpu.memory_space<hbm>>
      %dma_wait3A_1525 = arith.constant 0 : i32
      %dma_wait3A_1526 = arith.constant 0 : i32
      %dma_wait3A_1527 = tpu.memref_slice %dma_wait3A_1524[%sub3A_1513, %dma_wait3A_1525, %dma_wait3A_1526] : memref<80x128x128xf32, #tpu.memory_space<hbm>> -> memref<1x128x128xf32, #tpu.memory_space<hbm>>
      %dma_wait3A_1528 = tpu.memref_squeeze %dma_wait3A_1527 : memref<1x128x128xf32, #tpu.memory_space<hbm>> -> memref<128x128xf32, #tpu.memory_space<hbm>>
      %dma_wait3A_1529 = tpu.memref_slice %arg14[%dma_wait3A_1515] : memref<2x!tpu.dma_semaphore, #tpu.memory_space<semaphore_mem>> -> memref<1x!tpu.dma_semaphore, #tpu.memory_space<semaphore_mem>>
      %dma_wait3A_1530 = tpu.memref_squeeze %dma_wait3A_1529 : memref<1x!tpu.dma_semaphore, #tpu.memory_space<semaphore_mem>> -> memref<!tpu.dma_semaphore, #tpu.memory_space<semaphore_mem>>
      %dma_wait3A_1531 = arith.constant 0 : i32
      %dma_wait3A_1532 = arith.constant 0 : i32
      %dma_wait3A_1533 = arith.constant 0 : i32
      %dma_wait3A_1534 = tpu.memref_slice %arg7[%add3A, %dma_wait3A_1531, %dma_wait3A_1532, %dma_wait3A_1533] : memref<32x80x128x128xf32, #tpu.memory_space<hbm>> -> memref<1x80x128x128xf32, #tpu.memory_space<hbm>>
      %dma_wait3A_1535 = tpu.memref_squeeze %dma_wait3A_1534 : memref<1x80x128x128xf32, #tpu.memory_space<hbm>> -> memref<80x128x128xf32, #tpu.memory_space<hbm>>
      %dma_wait3A_1536 = arith.constant 0 : i32
      %dma_wait3A_1537 = arith.constant 0 : i32
      %dma_wait3A_1538 = tpu.memref_slice %dma_wait3A_1535[%sub3A_1513, %dma_wait3A_1536, %dma_wait3A_1537] : memref<80x128x128xf32, #tpu.memory_space<hbm>> -> memref<1x128x128xf32, #tpu.memory_space<hbm>>
      %dma_wait3A_1539 = tpu.memref_squeeze %dma_wait3A_1538 : memref<1x128x128xf32, #tpu.memory_space<hbm>> -> memref<128x128xf32, #tpu.memory_space<hbm>>
      %dma_wait3A_1540 = arith.constant 0 : i32
      %dma_wait3A_1541 = arith.constant 0 : i32
      %dma_wait3A_1542 = tpu.memref_slice %arg9[%dma_wait3A_1514, %dma_wait3A_1540, %dma_wait3A_1541] : memref<2x128x128xf32, #tpu.memory_space<vmem>> -> memref<1x128x128xf32, #tpu.memory_space<vmem>>
      %dma_wait3A_1543 = tpu.memref_squeeze %dma_wait3A_1542 : memref<1x128x128xf32, #tpu.memory_space<vmem>> -> memref<128x128xf32, #tpu.memory_space<vmem>>
      tpu.wait_dma2 semaphore(%dma_wait3A_1530 : memref<!tpu.dma_semaphore, #tpu.memory_space<semaphore_mem>>) src(%dma_wait3A_1543 : memref<128x128xf32, #tpu.memory_space<vmem>>) dst(%dma_wait3A_1539 : memref<128x128xf32, #tpu.memory_space<hbm>>)
      %add3A_1544 = arith.constant 1 : i32
      %add3A_1545 = arith.addi %add3A_1466, %add3A_1544 : i32
      %dma_wait3A_1546 = arith.constant 3 : i32
      %dma_wait3A_1547 = arith.constant 3 : i32
      %dma_wait3A_1548 = arith.constant 0 : i32
      %dma_wait3A_1549 = tpu.memref_slice %arg8[%dma_wait3A_1546, %dma_wait3A_1548] : memref<4x128xi32, #tpu.memory_space<vmem>> -> memref<1x128xi32, #tpu.memory_space<vmem>>
      %dma_wait3A_1550 = tpu.memref_squeeze %dma_wait3A_1549 : memref<1x128xi32, #tpu.memory_space<vmem>> -> memref<128xi32, #tpu.memory_space<vmem>>
      %dma_wait3A_1551 = arith.constant 0 : i32
      %dma_wait3A_1552 = arith.constant 0 : i32
      %dma_wait3A_1553 = tpu.memref_slice %arg3[%add3A, %dma_wait3A_1551, %dma_wait3A_1552] : memref<32x80x128xi32, #tpu.memory_space<hbm>> -> memref<1x80x128xi32, #tpu.memory_space<hbm>>
      %dma_wait3A_1554 = tpu.memref_squeeze %dma_wait3A_1553 : memref<1x80x128xi32, #tpu.memory_space<hbm>> -> memref<80x128xi32, #tpu.memory_space<hbm>>
      %dma_wait3A_1555 = arith.constant 0 : i32
      %dma_wait3A_1556 = tpu.memref_slice %dma_wait3A_1554[%add3A_1545, %dma_wait3A_1555] : memref<80x128xi32, #tpu.memory_space<hbm>> -> memref<1x128xi32, #tpu.memory_space<hbm>>
      %dma_wait3A_1557 = tpu.memref_squeeze %dma_wait3A_1556 : memref<1x128xi32, #tpu.memory_space<hbm>> -> memref<128xi32, #tpu.memory_space<hbm>>
      %dma_wait3A_1558 = tpu.memref_slice %arg12[%dma_wait3A_1547] : memref<4x!tpu.dma_semaphore, #tpu.memory_space<semaphore_mem>> -> memref<1x!tpu.dma_semaphore, #tpu.memory_space<semaphore_mem>>
      %dma_wait3A_1559 = tpu.memref_squeeze %dma_wait3A_1558 : memref<1x!tpu.dma_semaphore, #tpu.memory_space<semaphore_mem>> -> memref<!tpu.dma_semaphore, #tpu.memory_space<semaphore_mem>>
      %dma_wait3A_1560 = arith.constant 0 : i32
      %dma_wait3A_1561 = tpu.memref_slice %arg8[%dma_wait3A_1546, %dma_wait3A_1560] : memref<4x128xi32, #tpu.memory_space<vmem>> -> memref<1x128xi32, #tpu.memory_space<vmem>>
      %dma_wait3A_1562 = tpu.memref_squeeze %dma_wait3A_1561 : memref<1x128xi32, #tpu.memory_space<vmem>> -> memref<128xi32, #tpu.memory_space<vmem>>
      %dma_wait3A_1563 = arith.constant 0 : i32
      %dma_wait3A_1564 = arith.constant 0 : i32
      %dma_wait3A_1565 = tpu.memref_slice %arg3[%add3A, %dma_wait3A_1563, %dma_wait3A_1564] : memref<32x80x128xi32, #tpu.memory_space<hbm>> -> memref<1x80x128xi32, #tpu.memory_space<hbm>>
      %dma_wait3A_1566 = tpu.memref_squeeze %dma_wait3A_1565 : memref<1x80x128xi32, #tpu.memory_space<hbm>> -> memref<80x128xi32, #tpu.memory_space<hbm>>
      %dma_wait3A_1567 = arith.constant 0 : i32
      %dma_wait3A_1568 = tpu.memref_slice %dma_wait3A_1566[%add3A_1545, %dma_wait3A_1567] : memref<80x128xi32, #tpu.memory_space<hbm>> -> memref<1x128xi32, #tpu.memory_space<hbm>>
      %dma_wait3A_1569 = tpu.memref_squeeze %dma_wait3A_1568 : memref<1x128xi32, #tpu.memory_space<hbm>> -> memref<128xi32, #tpu.memory_space<hbm>>
      tpu.wait_dma2 semaphore(%dma_wait3A_1559 : memref<!tpu.dma_semaphore, #tpu.memory_space<semaphore_mem>>) src(%dma_wait3A_1569 : memref<128xi32, #tpu.memory_space<hbm>>) dst(%dma_wait3A_1562 : memref<128xi32, #tpu.memory_space<vmem>>)
      %add3A_1570 = arith.constant 1 : i32
      %add3A_1571 = arith.addi %add3A_1466, %add3A_1570 : i32
      %dma_start3A_1572 = arith.constant 3 : i32
      %dma_start3A_1573 = arith.constant 1 : i32
      %dma_start3A_1574 = arith.constant 1 : i32
      %dma_start3A_1575 = arith.constant 0 : i32
      %dma_start3A_1576 = arith.constant 0 : i32
      %dma_start3A_1577 = tpu.memref_slice %arg9[%dma_start3A_1573, %dma_start3A_1575, %dma_start3A_1576] : memref<2x128x128xf32, #tpu.memory_space<vmem>> -> memref<1x128x128xf32, #tpu.memory_space<vmem>>
      %dma_start3A_1578 = tpu.memref_squeeze %dma_start3A_1577 : memref<1x128x128xf32, #tpu.memory_space<vmem>> -> memref<128x128xf32, #tpu.memory_space<vmem>>
      %dma_start3A_1579 = arith.constant 0 : i32
      %dma_start3A_1580 = tpu.memref_slice %arg8[%dma_start3A_1572, %dma_start3A_1579] : memref<4x128xi32, #tpu.memory_space<vmem>> -> memref<1x128xi32, #tpu.memory_space<vmem>>
      %dma_start3A_1581 = tpu.memref_squeeze %dma_start3A_1580 : memref<1x128xi32, #tpu.memory_space<vmem>> -> memref<128xi32, #tpu.memory_space<vmem>>
      %dma_start3A_1582 = arith.constant 0 : i32
      %dma_start3A_1583 = arith.constant 0 : i32
      %dma_start3A_1584 = tpu.memref_slice %arg11[%dma_start3A_1582, %dma_start3A_1583] : memref<10112x128xf32, #tpu.memory_space<vmem_shared>> -> memref<10112x128xf32, #tpu.memory_space<vmem_shared>>
      %dma_start3A_1585 = tpu.memref_slice %arg13[%dma_start3A_1574] : memref<2x!tpu.dma_semaphore, #tpu.memory_space<semaphore_mem>> -> memref<1x!tpu.dma_semaphore, #tpu.memory_space<semaphore_mem>>
      %dma_start3A_1586 = tpu.memref_squeeze %dma_start3A_1585 : memref<1x!tpu.dma_semaphore, #tpu.memory_space<semaphore_mem>> -> memref<!tpu.dma_semaphore, #tpu.memory_space<semaphore_mem>>
      tpu.enqueue_indirect_dma source(%dma_start3A_1584 : memref<10112x128xf32, #tpu.memory_space<vmem_shared>>) target(%dma_start3A_1578 : memref<128x128xf32, #tpu.memory_space<vmem>>) offsets(%dma_start3A_1581 : memref<128xi32, #tpu.memory_space<vmem>>) semaphore(%dma_start3A_1586 : memref<!tpu.dma_semaphore, #tpu.memory_space<semaphore_mem>>)
      %add3A_1587 = arith.constant 3 : i32
      %add3A_1588 = arith.addi %add3A_1466, %add3A_1587 : i32
      %dma_start3A_1589 = arith.constant 1 : i32
      %dma_start3A_1590 = arith.constant 1 : i32
      %dma_start3A_1591 = arith.constant 0 : i32
      %dma_start3A_1592 = tpu.memref_slice %arg8[%dma_start3A_1589, %dma_start3A_1591] : memref<4x128xi32, #tpu.memory_space<vmem>> -> memref<1x128xi32, #tpu.memory_space<vmem>>
      %dma_start3A_1593 = tpu.memref_squeeze %dma_start3A_1592 : memref<1x128xi32, #tpu.memory_space<vmem>> -> memref<128xi32, #tpu.memory_space<vmem>>
      %dma_start3A_1594 = arith.constant 0 : i32
      %dma_start3A_1595 = arith.constant 0 : i32
      %dma_start3A_1596 = tpu.memref_slice %arg3[%add3A, %dma_start3A_1594, %dma_start3A_1595] : memref<32x80x128xi32, #tpu.memory_space<hbm>> -> memref<1x80x128xi32, #tpu.memory_space<hbm>>
      %dma_start3A_1597 = tpu.memref_squeeze %dma_start3A_1596 : memref<1x80x128xi32, #tpu.memory_space<hbm>> -> memref<80x128xi32, #tpu.memory_space<hbm>>
      %dma_start3A_1598 = arith.constant 0 : i32
      %dma_start3A_1599 = tpu.memref_slice %dma_start3A_1597[%add3A_1588, %dma_start3A_1598] : memref<80x128xi32, #tpu.memory_space<hbm>> -> memref<1x128xi32, #tpu.memory_space<hbm>>
      %dma_start3A_1600 = tpu.memref_squeeze %dma_start3A_1599 : memref<1x128xi32, #tpu.memory_space<hbm>> -> memref<128xi32, #tpu.memory_space<hbm>>
      %dma_start3A_1601 = tpu.memref_slice %arg12[%dma_start3A_1590] : memref<4x!tpu.dma_semaphore, #tpu.memory_space<semaphore_mem>> -> memref<1x!tpu.dma_semaphore, #tpu.memory_space<semaphore_mem>>
      %dma_start3A_1602 = tpu.memref_squeeze %dma_start3A_1601 : memref<1x!tpu.dma_semaphore, #tpu.memory_space<semaphore_mem>> -> memref<!tpu.dma_semaphore, #tpu.memory_space<semaphore_mem>>
      %dma_start3A_1603 = arith.constant 0 : i32
      %dma_start3A_1604 = tpu.memref_slice %arg8[%dma_start3A_1589, %dma_start3A_1603] : memref<4x128xi32, #tpu.memory_space<vmem>> -> memref<1x128xi32, #tpu.memory_space<vmem>>
      %dma_start3A_1605 = tpu.memref_squeeze %dma_start3A_1604 : memref<1x128xi32, #tpu.memory_space<vmem>> -> memref<128xi32, #tpu.memory_space<vmem>>
      %dma_start3A_1606 = arith.constant 0 : i32
      %dma_start3A_1607 = arith.constant 0 : i32
      %dma_start3A_1608 = tpu.memref_slice %arg3[%add3A, %dma_start3A_1606, %dma_start3A_1607] : memref<32x80x128xi32, #tpu.memory_space<hbm>> -> memref<1x80x128xi32, #tpu.memory_space<hbm>>
      %dma_start3A_1609 = tpu.memref_squeeze %dma_start3A_1608 : memref<1x80x128xi32, #tpu.memory_space<hbm>> -> memref<80x128xi32, #tpu.memory_space<hbm>>
      %dma_start3A_1610 = arith.constant 0 : i32
      %dma_start3A_1611 = tpu.memref_slice %dma_start3A_1609[%add3A_1588, %dma_start3A_1610] : memref<80x128xi32, #tpu.memory_space<hbm>> -> memref<1x128xi32, #tpu.memory_space<hbm>>
      %dma_start3A_1612 = tpu.memref_squeeze %dma_start3A_1611 : memref<1x128xi32, #tpu.memory_space<hbm>> -> memref<128xi32, #tpu.memory_space<hbm>>
      tpu.enqueue_dma source(%dma_start3A_1612 : memref<128xi32, #tpu.memory_space<hbm>>) target(%dma_start3A_1605 : memref<128xi32, #tpu.memory_space<vmem>>) target_semaphore(%dma_start3A_1602 : memref<!tpu.dma_semaphore, #tpu.memory_space<semaphore_mem>>)
      %add3A_1613 = arith.constant 2 : i32
      %add3A_1614 = arith.addi %add3A_1317, %add3A_1613 : i32
      %dma_wait3A_1615 = arith.constant 3 : i32
      %dma_wait3A_1616 = arith.constant 1 : i32
      %dma_wait3A_1617 = arith.constant 1 : i32
      %dma_wait3A_1618 = arith.constant 0 : i32
      %dma_wait3A_1619 = arith.constant 0 : i32
      %dma_wait3A_1620 = tpu.memref_slice %arg9[%dma_wait3A_1616, %dma_wait3A_1618, %dma_wait3A_1619] : memref<2x128x128xf32, #tpu.memory_space<vmem>> -> memref<1x128x128xf32, #tpu.memory_space<vmem>>
      %dma_wait3A_1621 = tpu.memref_squeeze %dma_wait3A_1620 : memref<1x128x128xf32, #tpu.memory_space<vmem>> -> memref<128x128xf32, #tpu.memory_space<vmem>>
      %dma_wait3A_1622 = arith.constant 0 : i32
      %dma_wait3A_1623 = tpu.memref_slice %arg8[%dma_wait3A_1615, %dma_wait3A_1622] : memref<4x128xi32, #tpu.memory_space<vmem>> -> memref<1x128xi32, #tpu.memory_space<vmem>>
      %dma_wait3A_1624 = tpu.memref_squeeze %dma_wait3A_1623 : memref<1x128xi32, #tpu.memory_space<vmem>> -> memref<128xi32, #tpu.memory_space<vmem>>
      %dma_wait3A_1625 = arith.constant 0 : i32
      %dma_wait3A_1626 = arith.constant 0 : i32
      %dma_wait3A_1627 = tpu.memref_slice %arg11[%dma_wait3A_1625, %dma_wait3A_1626] : memref<10112x128xf32, #tpu.memory_space<vmem_shared>> -> memref<10112x128xf32, #tpu.memory_space<vmem_shared>>
      %dma_wait3A_1628 = tpu.memref_slice %arg13[%dma_wait3A_1617] : memref<2x!tpu.dma_semaphore, #tpu.memory_space<semaphore_mem>> -> memref<1x!tpu.dma_semaphore, #tpu.memory_space<semaphore_mem>>
      %dma_wait3A_1629 = tpu.memref_squeeze %dma_wait3A_1628 : memref<1x!tpu.dma_semaphore, #tpu.memory_space<semaphore_mem>> -> memref<!tpu.dma_semaphore, #tpu.memory_space<semaphore_mem>>
      tpu.wait_indirect_dma semaphore(%dma_wait3A_1629 : memref<!tpu.dma_semaphore, #tpu.memory_space<semaphore_mem>>) src(%dma_wait3A_1627 : memref<10112x128xf32, #tpu.memory_space<vmem_shared>>) dst(%dma_wait3A_1621 : memref<128x128xf32, #tpu.memory_space<vmem>>)
      %dma_start3A_1630 = arith.constant 1 : i32
      %dma_start3A_1631 = arith.constant 1 : i32
      %dma_start3A_1632 = arith.constant 0 : i32
      %dma_start3A_1633 = arith.constant 0 : i32
      %dma_start3A_1634 = tpu.memref_slice %arg9[%dma_start3A_1630, %dma_start3A_1632, %dma_start3A_1633] : memref<2x128x128xf32, #tpu.memory_space<vmem>> -> memref<1x128x128xf32, #tpu.memory_space<vmem>>
      %dma_start3A_1635 = tpu.memref_squeeze %dma_start3A_1634 : memref<1x128x128xf32, #tpu.memory_space<vmem>> -> memref<128x128xf32, #tpu.memory_space<vmem>>
      %dma_start3A_1636 = arith.constant 0 : i32
      %dma_start3A_1637 = arith.constant 0 : i32
      %dma_start3A_1638 = arith.constant 0 : i32
      %dma_start3A_1639 = tpu.memref_slice %arg7[%add3A, %dma_start3A_1636, %dma_start3A_1637, %dma_start3A_1638] : memref<32x80x128x128xf32, #tpu.memory_space<hbm>> -> memref<1x80x128x128xf32, #tpu.memory_space<hbm>>
      %dma_start3A_1640 = tpu.memref_squeeze %dma_start3A_1639 : memref<1x80x128x128xf32, #tpu.memory_space<hbm>> -> memref<80x128x128xf32, #tpu.memory_space<hbm>>
      %dma_start3A_1641 = arith.constant 0 : i32
      %dma_start3A_1642 = arith.constant 0 : i32
      %dma_start3A_1643 = tpu.memref_slice %dma_start3A_1640[%add3A_1614, %dma_start3A_1641, %dma_start3A_1642] : memref<80x128x128xf32, #tpu.memory_space<hbm>> -> memref<1x128x128xf32, #tpu.memory_space<hbm>>
      %dma_start3A_1644 = tpu.memref_squeeze %dma_start3A_1643 : memref<1x128x128xf32, #tpu.memory_space<hbm>> -> memref<128x128xf32, #tpu.memory_space<hbm>>
      %dma_start3A_1645 = tpu.memref_slice %arg14[%dma_start3A_1631] : memref<2x!tpu.dma_semaphore, #tpu.memory_space<semaphore_mem>> -> memref<1x!tpu.dma_semaphore, #tpu.memory_space<semaphore_mem>>
      %dma_start3A_1646 = tpu.memref_squeeze %dma_start3A_1645 : memref<1x!tpu.dma_semaphore, #tpu.memory_space<semaphore_mem>> -> memref<!tpu.dma_semaphore, #tpu.memory_space<semaphore_mem>>
      %dma_start3A_1647 = arith.constant 0 : i32
      %dma_start3A_1648 = arith.constant 0 : i32
      %dma_start3A_1649 = arith.constant 0 : i32
      %dma_start3A_1650 = tpu.memref_slice %arg7[%add3A, %dma_start3A_1647, %dma_start3A_1648, %dma_start3A_1649] : memref<32x80x128x128xf32, #tpu.memory_space<hbm>> -> memref<1x80x128x128xf32, #tpu.memory_space<hbm>>
      %dma_start3A_1651 = tpu.memref_squeeze %dma_start3A_1650 : memref<1x80x128x128xf32, #tpu.memory_space<hbm>> -> memref<80x128x128xf32, #tpu.memory_space<hbm>>
      %dma_start3A_1652 = arith.constant 0 : i32
      %dma_start3A_1653 = arith.constant 0 : i32
      %dma_start3A_1654 = tpu.memref_slice %dma_start3A_1651[%add3A_1614, %dma_start3A_1652, %dma_start3A_1653] : memref<80x128x128xf32, #tpu.memory_space<hbm>> -> memref<1x128x128xf32, #tpu.memory_space<hbm>>
      %dma_start3A_1655 = tpu.memref_squeeze %dma_start3A_1654 : memref<1x128x128xf32, #tpu.memory_space<hbm>> -> memref<128x128xf32, #tpu.memory_space<hbm>>
      %dma_start3A_1656 = arith.constant 0 : i32
      %dma_start3A_1657 = arith.constant 0 : i32
      %dma_start3A_1658 = tpu.memref_slice %arg9[%dma_start3A_1630, %dma_start3A_1656, %dma_start3A_1657] : memref<2x128x128xf32, #tpu.memory_space<vmem>> -> memref<1x128x128xf32, #tpu.memory_space<vmem>>
      %dma_start3A_1659 = tpu.memref_squeeze %dma_start3A_1658 : memref<1x128x128xf32, #tpu.memory_space<vmem>> -> memref<128x128xf32, #tpu.memory_space<vmem>>
      tpu.enqueue_dma source(%dma_start3A_1659 : memref<128x128xf32, #tpu.memory_space<vmem>>) target(%dma_start3A_1655 : memref<128x128xf32, #tpu.memory_space<hbm>>) target_semaphore(%dma_start3A_1646 : memref<!tpu.dma_semaphore, #tpu.memory_space<semaphore_mem>>)
      %sub3A_1660 = arith.constant 1 : i32
      %sub3A_1661 = arith.subi %add3A_1614, %sub3A_1660 : i32
      %dma_wait3A_1662 = arith.constant 0 : i32
      %dma_wait3A_1663 = arith.constant 0 : i32
      %dma_wait3A_1664 = arith.constant 0 : i32
      %dma_wait3A_1665 = arith.constant 0 : i32
      %dma_wait3A_1666 = tpu.memref_slice %arg9[%dma_wait3A_1662, %dma_wait3A_1664, %dma_wait3A_1665] : memref<2x128x128xf32, #tpu.memory_space<vmem>> -> memref<1x128x128xf32, #tpu.memory_space<vmem>>
      %dma_wait3A_1667 = tpu.memref_squeeze %dma_wait3A_1666 : memref<1x128x128xf32, #tpu.memory_space<vmem>> -> memref<128x128xf32, #tpu.memory_space<vmem>>
      %dma_wait3A_1668 = arith.constant 0 : i32
      %dma_wait3A_1669 = arith.constant 0 : i32
      %dma_wait3A_1670 = arith.constant 0 : i32
      %dma_wait3A_1671 = tpu.memref_slice %arg7[%add3A, %dma_wait3A_1668, %dma_wait3A_1669, %dma_wait3A_1670] : memref<32x80x128x128xf32, #tpu.memory_space<hbm>> -> memref<1x80x128x128xf32, #tpu.memory_space<hbm>>
      %dma_wait3A_1672 = tpu.memref_squeeze %dma_wait3A_1671 : memref<1x80x128x128xf32, #tpu.memory_space<hbm>> -> memref<80x128x128xf32, #tpu.memory_space<hbm>>
      %dma_wait3A_1673 = arith.constant 0 : i32
      %dma_wait3A_1674 = arith.constant 0 : i32
      %dma_wait3A_1675 = tpu.memref_slice %dma_wait3A_1672[%sub3A_1661, %dma_wait3A_1673, %dma_wait3A_1674] : memref<80x128x128xf32, #tpu.memory_space<hbm>> -> memref<1x128x128xf32, #tpu.memory_space<hbm>>
      %dma_wait3A_1676 = tpu.memref_squeeze %dma_wait3A_1675 : memref<1x128x128xf32, #tpu.memory_space<hbm>> -> memref<128x128xf32, #tpu.memory_space<hbm>>
      %dma_wait3A_1677 = tpu.memref_slice %arg14[%dma_wait3A_1663] : memref<2x!tpu.dma_semaphore, #tpu.memory_space<semaphore_mem>> -> memref<1x!tpu.dma_semaphore, #tpu.memory_space<semaphore_mem>>
      %dma_wait3A_1678 = tpu.memref_squeeze %dma_wait3A_1677 : memref<1x!tpu.dma_semaphore, #tpu.memory_space<semaphore_mem>> -> memref<!tpu.dma_semaphore, #tpu.memory_space<semaphore_mem>>
      %dma_wait3A_1679 = arith.constant 0 : i32
      %dma_wait3A_1680 = arith.constant 0 : i32
      %dma_wait3A_1681 = arith.constant 0 : i32
      %dma_wait3A_1682 = tpu.memref_slice %arg7[%add3A, %dma_wait3A_1679, %dma_wait3A_1680, %dma_wait3A_1681] : memref<32x80x128x128xf32, #tpu.memory_space<hbm>> -> memref<1x80x128x128xf32, #tpu.memory_space<hbm>>
      %dma_wait3A_1683 = tpu.memref_squeeze %dma_wait3A_1682 : memref<1x80x128x128xf32, #tpu.memory_space<hbm>> -> memref<80x128x128xf32, #tpu.memory_space<hbm>>
      %dma_wait3A_1684 = arith.constant 0 : i32
      %dma_wait3A_1685 = arith.constant 0 : i32
      %dma_wait3A_1686 = tpu.memref_slice %dma_wait3A_1683[%sub3A_1661, %dma_wait3A_1684, %dma_wait3A_1685] : memref<80x128x128xf32, #tpu.memory_space<hbm>> -> memref<1x128x128xf32, #tpu.memory_space<hbm>>
      %dma_wait3A_1687 = tpu.memref_squeeze %dma_wait3A_1686 : memref<1x128x128xf32, #tpu.memory_space<hbm>> -> memref<128x128xf32, #tpu.memory_space<hbm>>
      %dma_wait3A_1688 = arith.constant 0 : i32
      %dma_wait3A_1689 = arith.constant 0 : i32
      %dma_wait3A_1690 = tpu.memref_slice %arg9[%dma_wait3A_1662, %dma_wait3A_1688, %dma_wait3A_1689] : memref<2x128x128xf32, #tpu.memory_space<vmem>> -> memref<1x128x128xf32, #tpu.memory_space<vmem>>
      %dma_wait3A_1691 = tpu.memref_squeeze %dma_wait3A_1690 : memref<1x128x128xf32, #tpu.memory_space<vmem>> -> memref<128x128xf32, #tpu.memory_space<vmem>>
      tpu.wait_dma2 semaphore(%dma_wait3A_1678 : memref<!tpu.dma_semaphore, #tpu.memory_space<semaphore_mem>>) src(%dma_wait3A_1691 : memref<128x128xf32, #tpu.memory_space<vmem>>) dst(%dma_wait3A_1687 : memref<128x128xf32, #tpu.memory_space<hbm>>)
      %add3A_1692 = arith.constant 1 : i32
      %add3A_1693 = arith.addi %add3A_1614, %add3A_1692 : i32
      %dma_wait3A_1694 = arith.constant 0 : i32
      %dma_wait3A_1695 = arith.constant 0 : i32
      %dma_wait3A_1696 = arith.constant 0 : i32
      %dma_wait3A_1697 = tpu.memref_slice %arg8[%dma_wait3A_1694, %dma_wait3A_1696] : memref<4x128xi32, #tpu.memory_space<vmem>> -> memref<1x128xi32, #tpu.memory_space<vmem>>
      %dma_wait3A_1698 = tpu.memref_squeeze %dma_wait3A_1697 : memref<1x128xi32, #tpu.memory_space<vmem>> -> memref<128xi32, #tpu.memory_space<vmem>>
      %dma_wait3A_1699 = arith.constant 0 : i32
      %dma_wait3A_1700 = arith.constant 0 : i32
      %dma_wait3A_1701 = tpu.memref_slice %arg3[%add3A, %dma_wait3A_1699, %dma_wait3A_1700] : memref<32x80x128xi32, #tpu.memory_space<hbm>> -> memref<1x80x128xi32, #tpu.memory_space<hbm>>
      %dma_wait3A_1702 = tpu.memref_squeeze %dma_wait3A_1701 : memref<1x80x128xi32, #tpu.memory_space<hbm>> -> memref<80x128xi32, #tpu.memory_space<hbm>>
      %dma_wait3A_1703 = arith.constant 0 : i32
      %dma_wait3A_1704 = tpu.memref_slice %dma_wait3A_1702[%add3A_1693, %dma_wait3A_1703] : memref<80x128xi32, #tpu.memory_space<hbm>> -> memref<1x128xi32, #tpu.memory_space<hbm>>
      %dma_wait3A_1705 = tpu.memref_squeeze %dma_wait3A_1704 : memref<1x128xi32, #tpu.memory_space<hbm>> -> memref<128xi32, #tpu.memory_space<hbm>>
      %dma_wait3A_1706 = tpu.memref_slice %arg12[%dma_wait3A_1695] : memref<4x!tpu.dma_semaphore, #tpu.memory_space<semaphore_mem>> -> memref<1x!tpu.dma_semaphore, #tpu.memory_space<semaphore_mem>>
      %dma_wait3A_1707 = tpu.memref_squeeze %dma_wait3A_1706 : memref<1x!tpu.dma_semaphore, #tpu.memory_space<semaphore_mem>> -> memref<!tpu.dma_semaphore, #tpu.memory_space<semaphore_mem>>
      %dma_wait3A_1708 = arith.constant 0 : i32
      %dma_wait3A_1709 = tpu.memref_slice %arg8[%dma_wait3A_1694, %dma_wait3A_1708] : memref<4x128xi32, #tpu.memory_space<vmem>> -> memref<1x128xi32, #tpu.memory_space<vmem>>
      %dma_wait3A_1710 = tpu.memref_squeeze %dma_wait3A_1709 : memref<1x128xi32, #tpu.memory_space<vmem>> -> memref<128xi32, #tpu.memory_space<vmem>>
      %dma_wait3A_1711 = arith.constant 0 : i32
      %dma_wait3A_1712 = arith.constant 0 : i32
      %dma_wait3A_1713 = tpu.memref_slice %arg3[%add3A, %dma_wait3A_1711, %dma_wait3A_1712] : memref<32x80x128xi32, #tpu.memory_space<hbm>> -> memref<1x80x128xi32, #tpu.memory_space<hbm>>
      %dma_wait3A_1714 = tpu.memref_squeeze %dma_wait3A_1713 : memref<1x80x128xi32, #tpu.memory_space<hbm>> -> memref<80x128xi32, #tpu.memory_space<hbm>>
      %dma_wait3A_1715 = arith.constant 0 : i32
      %dma_wait3A_1716 = tpu.memref_slice %dma_wait3A_1714[%add3A_1693, %dma_wait3A_1715] : memref<80x128xi32, #tpu.memory_space<hbm>> -> memref<1x128xi32, #tpu.memory_space<hbm>>
      %dma_wait3A_1717 = tpu.memref_squeeze %dma_wait3A_1716 : memref<1x128xi32, #tpu.memory_space<hbm>> -> memref<128xi32, #tpu.memory_space<hbm>>
      tpu.wait_dma2 semaphore(%dma_wait3A_1707 : memref<!tpu.dma_semaphore, #tpu.memory_space<semaphore_mem>>) src(%dma_wait3A_1717 : memref<128xi32, #tpu.memory_space<hbm>>) dst(%dma_wait3A_1710 : memref<128xi32, #tpu.memory_space<vmem>>)
      %add3A_1718 = arith.constant 1 : i32
      %add3A_1719 = arith.addi %add3A_1614, %add3A_1718 : i32
      %dma_start3A_1720 = arith.constant 0 : i32
      %dma_start3A_1721 = arith.constant 0 : i32
      %dma_start3A_1722 = arith.constant 0 : i32
      %dma_start3A_1723 = arith.constant 0 : i32
      %dma_start3A_1724 = arith.constant 0 : i32
      %dma_start3A_1725 = tpu.memref_slice %arg9[%dma_start3A_1721, %dma_start3A_1723, %dma_start3A_1724] : memref<2x128x128xf32, #tpu.memory_space<vmem>> -> memref<1x128x128xf32, #tpu.memory_space<vmem>>
      %dma_start3A_1726 = tpu.memref_squeeze %dma_start3A_1725 : memref<1x128x128xf32, #tpu.memory_space<vmem>> -> memref<128x128xf32, #tpu.memory_space<vmem>>
      %dma_start3A_1727 = arith.constant 0 : i32
      %dma_start3A_1728 = tpu.memref_slice %arg8[%dma_start3A_1720, %dma_start3A_1727] : memref<4x128xi32, #tpu.memory_space<vmem>> -> memref<1x128xi32, #tpu.memory_space<vmem>>
      %dma_start3A_1729 = tpu.memref_squeeze %dma_start3A_1728 : memref<1x128xi32, #tpu.memory_space<vmem>> -> memref<128xi32, #tpu.memory_space<vmem>>
      %dma_start3A_1730 = arith.constant 0 : i32
      %dma_start3A_1731 = arith.constant 0 : i32
      %dma_start3A_1732 = tpu.memref_slice %arg11[%dma_start3A_1730, %dma_start3A_1731] : memref<10112x128xf32, #tpu.memory_space<vmem_shared>> -> memref<10112x128xf32, #tpu.memory_space<vmem_shared>>
      %dma_start3A_1733 = tpu.memref_slice %arg13[%dma_start3A_1722] : memref<2x!tpu.dma_semaphore, #tpu.memory_space<semaphore_mem>> -> memref<1x!tpu.dma_semaphore, #tpu.memory_space<semaphore_mem>>
      %dma_start3A_1734 = tpu.memref_squeeze %dma_start3A_1733 : memref<1x!tpu.dma_semaphore, #tpu.memory_space<semaphore_mem>> -> memref<!tpu.dma_semaphore, #tpu.memory_space<semaphore_mem>>
      tpu.enqueue_indirect_dma source(%dma_start3A_1732 : memref<10112x128xf32, #tpu.memory_space<vmem_shared>>) target(%dma_start3A_1726 : memref<128x128xf32, #tpu.memory_space<vmem>>) offsets(%dma_start3A_1729 : memref<128xi32, #tpu.memory_space<vmem>>) semaphore(%dma_start3A_1734 : memref<!tpu.dma_semaphore, #tpu.memory_space<semaphore_mem>>)
      %add3A_1735 = arith.constant 3 : i32
      %add3A_1736 = arith.addi %add3A_1614, %add3A_1735 : i32
      %dma_start3A_1737 = arith.constant 2 : i32
      %dma_start3A_1738 = arith.constant 2 : i32
      %dma_start3A_1739 = arith.constant 0 : i32
      %dma_start3A_1740 = tpu.memref_slice %arg8[%dma_start3A_1737, %dma_start3A_1739] : memref<4x128xi32, #tpu.memory_space<vmem>> -> memref<1x128xi32, #tpu.memory_space<vmem>>
      %dma_start3A_1741 = tpu.memref_squeeze %dma_start3A_1740 : memref<1x128xi32, #tpu.memory_space<vmem>> -> memref<128xi32, #tpu.memory_space<vmem>>
      %dma_start3A_1742 = arith.constant 0 : i32
      %dma_start3A_1743 = arith.constant 0 : i32
      %dma_start3A_1744 = tpu.memref_slice %arg3[%add3A, %dma_start3A_1742, %dma_start3A_1743] : memref<32x80x128xi32, #tpu.memory_space<hbm>> -> memref<1x80x128xi32, #tpu.memory_space<hbm>>
      %dma_start3A_1745 = tpu.memref_squeeze %dma_start3A_1744 : memref<1x80x128xi32, #tpu.memory_space<hbm>> -> memref<80x128xi32, #tpu.memory_space<hbm>>
      %dma_start3A_1746 = arith.constant 0 : i32
      %dma_start3A_1747 = tpu.memref_slice %dma_start3A_1745[%add3A_1736, %dma_start3A_1746] : memref<80x128xi32, #tpu.memory_space<hbm>> -> memref<1x128xi32, #tpu.memory_space<hbm>>
      %dma_start3A_1748 = tpu.memref_squeeze %dma_start3A_1747 : memref<1x128xi32, #tpu.memory_space<hbm>> -> memref<128xi32, #tpu.memory_space<hbm>>
      %dma_start3A_1749 = tpu.memref_slice %arg12[%dma_start3A_1738] : memref<4x!tpu.dma_semaphore, #tpu.memory_space<semaphore_mem>> -> memref<1x!tpu.dma_semaphore, #tpu.memory_space<semaphore_mem>>
      %dma_start3A_1750 = tpu.memref_squeeze %dma_start3A_1749 : memref<1x!tpu.dma_semaphore, #tpu.memory_space<semaphore_mem>> -> memref<!tpu.dma_semaphore, #tpu.memory_space<semaphore_mem>>
      %dma_start3A_1751 = arith.constant 0 : i32
      %dma_start3A_1752 = tpu.memref_slice %arg8[%dma_start3A_1737, %dma_start3A_1751] : memref<4x128xi32, #tpu.memory_space<vmem>> -> memref<1x128xi32, #tpu.memory_space<vmem>>
      %dma_start3A_1753 = tpu.memref_squeeze %dma_start3A_1752 : memref<1x128xi32, #tpu.memory_space<vmem>> -> memref<128xi32, #tpu.memory_space<vmem>>
      %dma_start3A_1754 = arith.constant 0 : i32
      %dma_start3A_1755 = arith.constant 0 : i32
      %dma_start3A_1756 = tpu.memref_slice %arg3[%add3A, %dma_start3A_1754, %dma_start3A_1755] : memref<32x80x128xi32, #tpu.memory_space<hbm>> -> memref<1x80x128xi32, #tpu.memory_space<hbm>>
      %dma_start3A_1757 = tpu.memref_squeeze %dma_start3A_1756 : memref<1x80x128xi32, #tpu.memory_space<hbm>> -> memref<80x128xi32, #tpu.memory_space<hbm>>
      %dma_start3A_1758 = arith.constant 0 : i32
      %dma_start3A_1759 = tpu.memref_slice %dma_start3A_1757[%add3A_1736, %dma_start3A_1758] : memref<80x128xi32, #tpu.memory_space<hbm>> -> memref<1x128xi32, #tpu.memory_space<hbm>>
      %dma_start3A_1760 = tpu.memref_squeeze %dma_start3A_1759 : memref<1x128xi32, #tpu.memory_space<hbm>> -> memref<128xi32, #tpu.memory_space<hbm>>
      tpu.enqueue_dma source(%dma_start3A_1760 : memref<128xi32, #tpu.memory_space<hbm>>) target(%dma_start3A_1753 : memref<128xi32, #tpu.memory_space<vmem>>) target_semaphore(%dma_start3A_1750 : memref<!tpu.dma_semaphore, #tpu.memory_space<semaphore_mem>>)
      %add3A_1761 = arith.constant 3 : i32
      %add3A_1762 = arith.addi %add3A_1317, %add3A_1761 : i32
      %dma_wait3A_1763 = arith.constant 0 : i32
      %dma_wait3A_1764 = arith.constant 0 : i32
      %dma_wait3A_1765 = arith.constant 0 : i32
      %dma_wait3A_1766 = arith.constant 0 : i32
      %dma_wait3A_1767 = arith.constant 0 : i32
      %dma_wait3A_1768 = tpu.memref_slice %arg9[%dma_wait3A_1764, %dma_wait3A_1766, %dma_wait3A_1767] : memref<2x128x128xf32, #tpu.memory_space<vmem>> -> memref<1x128x128xf32, #tpu.memory_space<vmem>>
      %dma_wait3A_1769 = tpu.memref_squeeze %dma_wait3A_1768 : memref<1x128x128xf32, #tpu.memory_space<vmem>> -> memref<128x128xf32, #tpu.memory_space<vmem>>
      %dma_wait3A_1770 = arith.constant 0 : i32
      %dma_wait3A_1771 = tpu.memref_slice %arg8[%dma_wait3A_1763, %dma_wait3A_1770] : memref<4x128xi32, #tpu.memory_space<vmem>> -> memref<1x128xi32, #tpu.memory_space<vmem>>
      %dma_wait3A_1772 = tpu.memref_squeeze %dma_wait3A_1771 : memref<1x128xi32, #tpu.memory_space<vmem>> -> memref<128xi32, #tpu.memory_space<vmem>>
      %dma_wait3A_1773 = arith.constant 0 : i32
      %dma_wait3A_1774 = arith.constant 0 : i32
      %dma_wait3A_1775 = tpu.memref_slice %arg11[%dma_wait3A_1773, %dma_wait3A_1774] : memref<10112x128xf32, #tpu.memory_space<vmem_shared>> -> memref<10112x128xf32, #tpu.memory_space<vmem_shared>>
      %dma_wait3A_1776 = tpu.memref_slice %arg13[%dma_wait3A_1765] : memref<2x!tpu.dma_semaphore, #tpu.memory_space<semaphore_mem>> -> memref<1x!tpu.dma_semaphore, #tpu.memory_space<semaphore_mem>>
      %dma_wait3A_1777 = tpu.memref_squeeze %dma_wait3A_1776 : memref<1x!tpu.dma_semaphore, #tpu.memory_space<semaphore_mem>> -> memref<!tpu.dma_semaphore, #tpu.memory_space<semaphore_mem>>
      tpu.wait_indirect_dma semaphore(%dma_wait3A_1777 : memref<!tpu.dma_semaphore, #tpu.memory_space<semaphore_mem>>) src(%dma_wait3A_1775 : memref<10112x128xf32, #tpu.memory_space<vmem_shared>>) dst(%dma_wait3A_1769 : memref<128x128xf32, #tpu.memory_space<vmem>>)
      %dma_start3A_1778 = arith.constant 0 : i32
      %dma_start3A_1779 = arith.constant 0 : i32
      %dma_start3A_1780 = arith.constant 0 : i32
      %dma_start3A_1781 = arith.constant 0 : i32
      %dma_start3A_1782 = tpu.memref_slice %arg9[%dma_start3A_1778, %dma_start3A_1780, %dma_start3A_1781] : memref<2x128x128xf32, #tpu.memory_space<vmem>> -> memref<1x128x128xf32, #tpu.memory_space<vmem>>
      %dma_start3A_1783 = tpu.memref_squeeze %dma_start3A_1782 : memref<1x128x128xf32, #tpu.memory_space<vmem>> -> memref<128x128xf32, #tpu.memory_space<vmem>>
      %dma_start3A_1784 = arith.constant 0 : i32
      %dma_start3A_1785 = arith.constant 0 : i32
      %dma_start3A_1786 = arith.constant 0 : i32
      %dma_start3A_1787 = tpu.memref_slice %arg7[%add3A, %dma_start3A_1784, %dma_start3A_1785, %dma_start3A_1786] : memref<32x80x128x128xf32, #tpu.memory_space<hbm>> -> memref<1x80x128x128xf32, #tpu.memory_space<hbm>>
      %dma_start3A_1788 = tpu.memref_squeeze %dma_start3A_1787 : memref<1x80x128x128xf32, #tpu.memory_space<hbm>> -> memref<80x128x128xf32, #tpu.memory_space<hbm>>
      %dma_start3A_1789 = arith.constant 0 : i32
      %dma_start3A_1790 = arith.constant 0 : i32
      %dma_start3A_1791 = tpu.memref_slice %dma_start3A_1788[%add3A_1762, %dma_start3A_1789, %dma_start3A_1790] : memref<80x128x128xf32, #tpu.memory_space<hbm>> -> memref<1x128x128xf32, #tpu.memory_space<hbm>>
      %dma_start3A_1792 = tpu.memref_squeeze %dma_start3A_1791 : memref<1x128x128xf32, #tpu.memory_space<hbm>> -> memref<128x128xf32, #tpu.memory_space<hbm>>
      %dma_start3A_1793 = tpu.memref_slice %arg14[%dma_start3A_1779] : memref<2x!tpu.dma_semaphore, #tpu.memory_space<semaphore_mem>> -> memref<1x!tpu.dma_semaphore, #tpu.memory_space<semaphore_mem>>
      %dma_start3A_1794 = tpu.memref_squeeze %dma_start3A_1793 : memref<1x!tpu.dma_semaphore, #tpu.memory_space<semaphore_mem>> -> memref<!tpu.dma_semaphore, #tpu.memory_space<semaphore_mem>>
      %dma_start3A_1795 = arith.constant 0 : i32
      %dma_start3A_1796 = arith.constant 0 : i32
      %dma_start3A_1797 = arith.constant 0 : i32
      %dma_start3A_1798 = tpu.memref_slice %arg7[%add3A, %dma_start3A_1795, %dma_start3A_1796, %dma_start3A_1797] : memref<32x80x128x128xf32, #tpu.memory_space<hbm>> -> memref<1x80x128x128xf32, #tpu.memory_space<hbm>>
      %dma_start3A_1799 = tpu.memref_squeeze %dma_start3A_1798 : memref<1x80x128x128xf32, #tpu.memory_space<hbm>> -> memref<80x128x128xf32, #tpu.memory_space<hbm>>
      %dma_start3A_1800 = arith.constant 0 : i32
      %dma_start3A_1801 = arith.constant 0 : i32
      %dma_start3A_1802 = tpu.memref_slice %dma_start3A_1799[%add3A_1762, %dma_start3A_1800, %dma_start3A_1801] : memref<80x128x128xf32, #tpu.memory_space<hbm>> -> memref<1x128x128xf32, #tpu.memory_space<hbm>>
      %dma_start3A_1803 = tpu.memref_squeeze %dma_start3A_1802 : memref<1x128x128xf32, #tpu.memory_space<hbm>> -> memref<128x128xf32, #tpu.memory_space<hbm>>
      %dma_start3A_1804 = arith.constant 0 : i32
      %dma_start3A_1805 = arith.constant 0 : i32
      %dma_start3A_1806 = tpu.memref_slice %arg9[%dma_start3A_1778, %dma_start3A_1804, %dma_start3A_1805] : memref<2x128x128xf32, #tpu.memory_space<vmem>> -> memref<1x128x128xf32, #tpu.memory_space<vmem>>
      %dma_start3A_1807 = tpu.memref_squeeze %dma_start3A_1806 : memref<1x128x128xf32, #tpu.memory_space<vmem>> -> memref<128x128xf32, #tpu.memory_space<vmem>>
      tpu.enqueue_dma source(%dma_start3A_1807 : memref<128x128xf32, #tpu.memory_space<vmem>>) target(%dma_start3A_1803 : memref<128x128xf32, #tpu.memory_space<hbm>>) target_semaphore(%dma_start3A_1794 : memref<!tpu.dma_semaphore, #tpu.memory_space<semaphore_mem>>)
      %sub3A_1808 = arith.constant 1 : i32
      %sub3A_1809 = arith.subi %add3A_1762, %sub3A_1808 : i32
      %dma_wait3A_1810 = arith.constant 1 : i32
      %dma_wait3A_1811 = arith.constant 1 : i32
      %dma_wait3A_1812 = arith.constant 0 : i32
      %dma_wait3A_1813 = arith.constant 0 : i32
      %dma_wait3A_1814 = tpu.memref_slice %arg9[%dma_wait3A_1810, %dma_wait3A_1812, %dma_wait3A_1813] : memref<2x128x128xf32, #tpu.memory_space<vmem>> -> memref<1x128x128xf32, #tpu.memory_space<vmem>>
      %dma_wait3A_1815 = tpu.memref_squeeze %dma_wait3A_1814 : memref<1x128x128xf32, #tpu.memory_space<vmem>> -> memref<128x128xf32, #tpu.memory_space<vmem>>
      %dma_wait3A_1816 = arith.constant 0 : i32
      %dma_wait3A_1817 = arith.constant 0 : i32
      %dma_wait3A_1818 = arith.constant 0 : i32
      %dma_wait3A_1819 = tpu.memref_slice %arg7[%add3A, %dma_wait3A_1816, %dma_wait3A_1817, %dma_wait3A_1818] : memref<32x80x128x128xf32, #tpu.memory_space<hbm>> -> memref<1x80x128x128xf32, #tpu.memory_space<hbm>>
      %dma_wait3A_1820 = tpu.memref_squeeze %dma_wait3A_1819 : memref<1x80x128x128xf32, #tpu.memory_space<hbm>> -> memref<80x128x128xf32, #tpu.memory_space<hbm>>
      %dma_wait3A_1821 = arith.constant 0 : i32
      %dma_wait3A_1822 = arith.constant 0 : i32
      %dma_wait3A_1823 = tpu.memref_slice %dma_wait3A_1820[%sub3A_1809, %dma_wait3A_1821, %dma_wait3A_1822] : memref<80x128x128xf32, #tpu.memory_space<hbm>> -> memref<1x128x128xf32, #tpu.memory_space<hbm>>
      %dma_wait3A_1824 = tpu.memref_squeeze %dma_wait3A_1823 : memref<1x128x128xf32, #tpu.memory_space<hbm>> -> memref<128x128xf32, #tpu.memory_space<hbm>>
      %dma_wait3A_1825 = tpu.memref_slice %arg14[%dma_wait3A_1811] : memref<2x!tpu.dma_semaphore, #tpu.memory_space<semaphore_mem>> -> memref<1x!tpu.dma_semaphore, #tpu.memory_space<semaphore_mem>>
      %dma_wait3A_1826 = tpu.memref_squeeze %dma_wait3A_1825 : memref<1x!tpu.dma_semaphore, #tpu.memory_space<semaphore_mem>> -> memref<!tpu.dma_semaphore, #tpu.memory_space<semaphore_mem>>
      %dma_wait3A_1827 = arith.constant 0 : i32
      %dma_wait3A_1828 = arith.constant 0 : i32
      %dma_wait3A_1829 = arith.constant 0 : i32
      %dma_wait3A_1830 = tpu.memref_slice %arg7[%add3A, %dma_wait3A_1827, %dma_wait3A_1828, %dma_wait3A_1829] : memref<32x80x128x128xf32, #tpu.memory_space<hbm>> -> memref<1x80x128x128xf32, #tpu.memory_space<hbm>>
      %dma_wait3A_1831 = tpu.memref_squeeze %dma_wait3A_1830 : memref<1x80x128x128xf32, #tpu.memory_space<hbm>> -> memref<80x128x128xf32, #tpu.memory_space<hbm>>
      %dma_wait3A_1832 = arith.constant 0 : i32
      %dma_wait3A_1833 = arith.constant 0 : i32
      %dma_wait3A_1834 = tpu.memref_slice %dma_wait3A_1831[%sub3A_1809, %dma_wait3A_1832, %dma_wait3A_1833] : memref<80x128x128xf32, #tpu.memory_space<hbm>> -> memref<1x128x128xf32, #tpu.memory_space<hbm>>
      %dma_wait3A_1835 = tpu.memref_squeeze %dma_wait3A_1834 : memref<1x128x128xf32, #tpu.memory_space<hbm>> -> memref<128x128xf32, #tpu.memory_space<hbm>>
      %dma_wait3A_1836 = arith.constant 0 : i32
      %dma_wait3A_1837 = arith.constant 0 : i32
      %dma_wait3A_1838 = tpu.memref_slice %arg9[%dma_wait3A_1810, %dma_wait3A_1836, %dma_wait3A_1837] : memref<2x128x128xf32, #tpu.memory_space<vmem>> -> memref<1x128x128xf32, #tpu.memory_space<vmem>>
      %dma_wait3A_1839 = tpu.memref_squeeze %dma_wait3A_1838 : memref<1x128x128xf32, #tpu.memory_space<vmem>> -> memref<128x128xf32, #tpu.memory_space<vmem>>
      tpu.wait_dma2 semaphore(%dma_wait3A_1826 : memref<!tpu.dma_semaphore, #tpu.memory_space<semaphore_mem>>) src(%dma_wait3A_1839 : memref<128x128xf32, #tpu.memory_space<vmem>>) dst(%dma_wait3A_1835 : memref<128x128xf32, #tpu.memory_space<hbm>>)
      %add3A_1840 = arith.constant 1 : i32
      %add3A_1841 = arith.addi %add3A_1762, %add3A_1840 : i32
      %dma_wait3A_1842 = arith.constant 1 : i32
      %dma_wait3A_1843 = arith.constant 1 : i32
      %dma_wait3A_1844 = arith.constant 0 : i32
      %dma_wait3A_1845 = tpu.memref_slice %arg8[%dma_wait3A_1842, %dma_wait3A_1844] : memref<4x128xi32, #tpu.memory_space<vmem>> -> memref<1x128xi32, #tpu.memory_space<vmem>>
      %dma_wait3A_1846 = tpu.memref_squeeze %dma_wait3A_1845 : memref<1x128xi32, #tpu.memory_space<vmem>> -> memref<128xi32, #tpu.memory_space<vmem>>
      %dma_wait3A_1847 = arith.constant 0 : i32
      %dma_wait3A_1848 = arith.constant 0 : i32
      %dma_wait3A_1849 = tpu.memref_slice %arg3[%add3A, %dma_wait3A_1847, %dma_wait3A_1848] : memref<32x80x128xi32, #tpu.memory_space<hbm>> -> memref<1x80x128xi32, #tpu.memory_space<hbm>>
      %dma_wait3A_1850 = tpu.memref_squeeze %dma_wait3A_1849 : memref<1x80x128xi32, #tpu.memory_space<hbm>> -> memref<80x128xi32, #tpu.memory_space<hbm>>
      %dma_wait3A_1851 = arith.constant 0 : i32
      %dma_wait3A_1852 = tpu.memref_slice %dma_wait3A_1850[%add3A_1841, %dma_wait3A_1851] : memref<80x128xi32, #tpu.memory_space<hbm>> -> memref<1x128xi32, #tpu.memory_space<hbm>>
      %dma_wait3A_1853 = tpu.memref_squeeze %dma_wait3A_1852 : memref<1x128xi32, #tpu.memory_space<hbm>> -> memref<128xi32, #tpu.memory_space<hbm>>
      %dma_wait3A_1854 = tpu.memref_slice %arg12[%dma_wait3A_1843] : memref<4x!tpu.dma_semaphore, #tpu.memory_space<semaphore_mem>> -> memref<1x!tpu.dma_semaphore, #tpu.memory_space<semaphore_mem>>
      %dma_wait3A_1855 = tpu.memref_squeeze %dma_wait3A_1854 : memref<1x!tpu.dma_semaphore, #tpu.memory_space<semaphore_mem>> -> memref<!tpu.dma_semaphore, #tpu.memory_space<semaphore_mem>>
      %dma_wait3A_1856 = arith.constant 0 : i32
      %dma_wait3A_1857 = tpu.memref_slice %arg8[%dma_wait3A_1842, %dma_wait3A_1856] : memref<4x128xi32, #tpu.memory_space<vmem>> -> memref<1x128xi32, #tpu.memory_space<vmem>>
      %dma_wait3A_1858 = tpu.memref_squeeze %dma_wait3A_1857 : memref<1x128xi32, #tpu.memory_space<vmem>> -> memref<128xi32, #tpu.memory_space<vmem>>
      %dma_wait3A_1859 = arith.constant 0 : i32
      %dma_wait3A_1860 = arith.constant 0 : i32
      %dma_wait3A_1861 = tpu.memref_slice %arg3[%add3A, %dma_wait3A_1859, %dma_wait3A_1860] : memref<32x80x128xi32, #tpu.memory_space<hbm>> -> memref<1x80x128xi32, #tpu.memory_space<hbm>>
      %dma_wait3A_1862 = tpu.memref_squeeze %dma_wait3A_1861 : memref<1x80x128xi32, #tpu.memory_space<hbm>> -> memref<80x128xi32, #tpu.memory_space<hbm>>
      %dma_wait3A_1863 = arith.constant 0 : i32
      %dma_wait3A_1864 = tpu.memref_slice %dma_wait3A_1862[%add3A_1841, %dma_wait3A_1863] : memref<80x128xi32, #tpu.memory_space<hbm>> -> memref<1x128xi32, #tpu.memory_space<hbm>>
      %dma_wait3A_1865 = tpu.memref_squeeze %dma_wait3A_1864 : memref<1x128xi32, #tpu.memory_space<hbm>> -> memref<128xi32, #tpu.memory_space<hbm>>
      tpu.wait_dma2 semaphore(%dma_wait3A_1855 : memref<!tpu.dma_semaphore, #tpu.memory_space<semaphore_mem>>) src(%dma_wait3A_1865 : memref<128xi32, #tpu.memory_space<hbm>>) dst(%dma_wait3A_1858 : memref<128xi32, #tpu.memory_space<vmem>>)
      %add3A_1866 = arith.constant 1 : i32
      %add3A_1867 = arith.addi %add3A_1762, %add3A_1866 : i32
      %dma_start3A_1868 = arith.constant 1 : i32
      %dma_start3A_1869 = arith.constant 1 : i32
      %dma_start3A_1870 = arith.constant 1 : i32
      %dma_start3A_1871 = arith.constant 0 : i32
      %dma_start3A_1872 = arith.constant 0 : i32
      %dma_start3A_1873 = tpu.memref_slice %arg9[%dma_start3A_1869, %dma_start3A_1871, %dma_start3A_1872] : memref<2x128x128xf32, #tpu.memory_space<vmem>> -> memref<1x128x128xf32, #tpu.memory_space<vmem>>
      %dma_start3A_1874 = tpu.memref_squeeze %dma_start3A_1873 : memref<1x128x128xf32, #tpu.memory_space<vmem>> -> memref<128x128xf32, #tpu.memory_space<vmem>>
      %dma_start3A_1875 = arith.constant 0 : i32
      %dma_start3A_1876 = tpu.memref_slice %arg8[%dma_start3A_1868, %dma_start3A_1875] : memref<4x128xi32, #tpu.memory_space<vmem>> -> memref<1x128xi32, #tpu.memory_space<vmem>>
      %dma_start3A_1877 = tpu.memref_squeeze %dma_start3A_1876 : memref<1x128xi32, #tpu.memory_space<vmem>> -> memref<128xi32, #tpu.memory_space<vmem>>
      %dma_start3A_1878 = arith.constant 0 : i32
      %dma_start3A_1879 = arith.constant 0 : i32
      %dma_start3A_1880 = tpu.memref_slice %arg11[%dma_start3A_1878, %dma_start3A_1879] : memref<10112x128xf32, #tpu.memory_space<vmem_shared>> -> memref<10112x128xf32, #tpu.memory_space<vmem_shared>>
      %dma_start3A_1881 = tpu.memref_slice %arg13[%dma_start3A_1870] : memref<2x!tpu.dma_semaphore, #tpu.memory_space<semaphore_mem>> -> memref<1x!tpu.dma_semaphore, #tpu.memory_space<semaphore_mem>>
      %dma_start3A_1882 = tpu.memref_squeeze %dma_start3A_1881 : memref<1x!tpu.dma_semaphore, #tpu.memory_space<semaphore_mem>> -> memref<!tpu.dma_semaphore, #tpu.memory_space<semaphore_mem>>
      tpu.enqueue_indirect_dma source(%dma_start3A_1880 : memref<10112x128xf32, #tpu.memory_space<vmem_shared>>) target(%dma_start3A_1874 : memref<128x128xf32, #tpu.memory_space<vmem>>) offsets(%dma_start3A_1877 : memref<128xi32, #tpu.memory_space<vmem>>) semaphore(%dma_start3A_1882 : memref<!tpu.dma_semaphore, #tpu.memory_space<semaphore_mem>>)
      %add3A_1883 = arith.constant 3 : i32
      %add3A_1884 = arith.addi %add3A_1762, %add3A_1883 : i32
      %dma_start3A_1885 = arith.constant 3 : i32
      %dma_start3A_1886 = arith.constant 3 : i32
      %dma_start3A_1887 = arith.constant 0 : i32
      %dma_start3A_1888 = tpu.memref_slice %arg8[%dma_start3A_1885, %dma_start3A_1887] : memref<4x128xi32, #tpu.memory_space<vmem>> -> memref<1x128xi32, #tpu.memory_space<vmem>>
      %dma_start3A_1889 = tpu.memref_squeeze %dma_start3A_1888 : memref<1x128xi32, #tpu.memory_space<vmem>> -> memref<128xi32, #tpu.memory_space<vmem>>
      %dma_start3A_1890 = arith.constant 0 : i32
      %dma_start3A_1891 = arith.constant 0 : i32
      %dma_start3A_1892 = tpu.memref_slice %arg3[%add3A, %dma_start3A_1890, %dma_start3A_1891] : memref<32x80x128xi32, #tpu.memory_space<hbm>> -> memref<1x80x128xi32, #tpu.memory_space<hbm>>
      %dma_start3A_1893 = tpu.memref_squeeze %dma_start3A_1892 : memref<1x80x128xi32, #tpu.memory_space<hbm>> -> memref<80x128xi32, #tpu.memory_space<hbm>>
      %dma_start3A_1894 = arith.constant 0 : i32
      %dma_start3A_1895 = tpu.memref_slice %dma_start3A_1893[%add3A_1884, %dma_start3A_1894] : memref<80x128xi32, #tpu.memory_space<hbm>> -> memref<1x128xi32, #tpu.memory_space<hbm>>
      %dma_start3A_1896 = tpu.memref_squeeze %dma_start3A_1895 : memref<1x128xi32, #tpu.memory_space<hbm>> -> memref<128xi32, #tpu.memory_space<hbm>>
      %dma_start3A_1897 = tpu.memref_slice %arg12[%dma_start3A_1886] : memref<4x!tpu.dma_semaphore, #tpu.memory_space<semaphore_mem>> -> memref<1x!tpu.dma_semaphore, #tpu.memory_space<semaphore_mem>>
      %dma_start3A_1898 = tpu.memref_squeeze %dma_start3A_1897 : memref<1x!tpu.dma_semaphore, #tpu.memory_space<semaphore_mem>> -> memref<!tpu.dma_semaphore, #tpu.memory_space<semaphore_mem>>
      %dma_start3A_1899 = arith.constant 0 : i32
      %dma_start3A_1900 = tpu.memref_slice %arg8[%dma_start3A_1885, %dma_start3A_1899] : memref<4x128xi32, #tpu.memory_space<vmem>> -> memref<1x128xi32, #tpu.memory_space<vmem>>
      %dma_start3A_1901 = tpu.memref_squeeze %dma_start3A_1900 : memref<1x128xi32, #tpu.memory_space<vmem>> -> memref<128xi32, #tpu.memory_space<vmem>>
      %dma_start3A_1902 = arith.constant 0 : i32
      %dma_start3A_1903 = arith.constant 0 : i32
      %dma_start3A_1904 = tpu.memref_slice %arg3[%add3A, %dma_start3A_1902, %dma_start3A_1903] : memref<32x80x128xi32, #tpu.memory_space<hbm>> -> memref<1x80x128xi32, #tpu.memory_space<hbm>>
      %dma_start3A_1905 = tpu.memref_squeeze %dma_start3A_1904 : memref<1x80x128xi32, #tpu.memory_space<hbm>> -> memref<80x128xi32, #tpu.memory_space<hbm>>
      %dma_start3A_1906 = arith.constant 0 : i32
      %dma_start3A_1907 = tpu.memref_slice %dma_start3A_1905[%add3A_1884, %dma_start3A_1906] : memref<80x128xi32, #tpu.memory_space<hbm>> -> memref<1x128xi32, #tpu.memory_space<hbm>>
      %dma_start3A_1908 = tpu.memref_squeeze %dma_start3A_1907 : memref<1x128xi32, #tpu.memory_space<hbm>> -> memref<128xi32, #tpu.memory_space<hbm>>
      tpu.enqueue_dma source(%dma_start3A_1908 : memref<128xi32, #tpu.memory_space<hbm>>) target(%dma_start3A_1901 : memref<128xi32, #tpu.memory_space<vmem>>) target_semaphore(%dma_start3A_1898 : memref<!tpu.dma_semaphore, #tpu.memory_space<semaphore_mem>>)
    }
    %scan3A_244 = arith.constant 19 : i32
    %dma_wait3A_245 = arith.constant 1 : i32
    %dma_wait3A_246 = arith.constant 1 : i32
    %dma_wait3A_247 = arith.constant 1 : i32
    %dma_wait3A_248 = arith.constant 0 : i32
    %dma_wait3A_249 = arith.constant 0 : i32
    %dma_wait3A_250 = tpu.memref_slice %arg9[%dma_wait3A_246, %dma_wait3A_248, %dma_wait3A_249] : memref<2x128x128xf32, #tpu.memory_space<vmem>> -> memref<1x128x128xf32, #tpu.memory_space<vmem>>
    %dma_wait3A_251 = tpu.memref_squeeze %dma_wait3A_250 : memref<1x128x128xf32, #tpu.memory_space<vmem>> -> memref<128x128xf32, #tpu.memory_space<vmem>>
    %dma_wait3A_252 = arith.constant 0 : i32
    %dma_wait3A_253 = tpu.memref_slice %arg8[%dma_wait3A_245, %dma_wait3A_252] : memref<4x128xi32, #tpu.memory_space<vmem>> -> memref<1x128xi32, #tpu.memory_space<vmem>>
    %dma_wait3A_254 = tpu.memref_squeeze %dma_wait3A_253 : memref<1x128xi32, #tpu.memory_space<vmem>> -> memref<128xi32, #tpu.memory_space<vmem>>
    %dma_wait3A_255 = arith.constant 0 : i32
    %dma_wait3A_256 = arith.constant 0 : i32
    %dma_wait3A_257 = tpu.memref_slice %arg11[%dma_wait3A_255, %dma_wait3A_256] : memref<10112x128xf32, #tpu.memory_space<vmem_shared>> -> memref<10112x128xf32, #tpu.memory_space<vmem_shared>>
    %dma_wait3A_258 = tpu.memref_slice %arg13[%dma_wait3A_247] : memref<2x!tpu.dma_semaphore, #tpu.memory_space<semaphore_mem>> -> memref<1x!tpu.dma_semaphore, #tpu.memory_space<semaphore_mem>>
    %dma_wait3A_259 = tpu.memref_squeeze %dma_wait3A_258 : memref<1x!tpu.dma_semaphore, #tpu.memory_space<semaphore_mem>> -> memref<!tpu.dma_semaphore, #tpu.memory_space<semaphore_mem>>
    tpu.wait_indirect_dma semaphore(%dma_wait3A_259 : memref<!tpu.dma_semaphore, #tpu.memory_space<semaphore_mem>>) src(%dma_wait3A_257 : memref<10112x128xf32, #tpu.memory_space<vmem_shared>>) dst(%dma_wait3A_251 : memref<128x128xf32, #tpu.memory_space<vmem>>)
    %dma_start3A_260 = arith.constant 1 : i32
    %dma_start3A_261 = arith.constant 77 : i32
    %dma_start3A_262 = arith.constant 1 : i32
    %dma_start3A_263 = arith.constant 0 : i32
    %dma_start3A_264 = arith.constant 0 : i32
    %dma_start3A_265 = tpu.memref_slice %arg9[%dma_start3A_260, %dma_start3A_263, %dma_start3A_264] : memref<2x128x128xf32, #tpu.memory_space<vmem>> -> memref<1x128x128xf32, #tpu.memory_space<vmem>>
    %dma_start3A_266 = tpu.memref_squeeze %dma_start3A_265 : memref<1x128x128xf32, #tpu.memory_space<vmem>> -> memref<128x128xf32, #tpu.memory_space<vmem>>
    %dma_start3A_267 = arith.constant 0 : i32
    %dma_start3A_268 = arith.constant 0 : i32
    %dma_start3A_269 = arith.constant 0 : i32
    %dma_start3A_270 = tpu.memref_slice %arg7[%add3A, %dma_start3A_267, %dma_start3A_268, %dma_start3A_269] : memref<32x80x128x128xf32, #tpu.memory_space<hbm>> -> memref<1x80x128x128xf32, #tpu.memory_space<hbm>>
    %dma_start3A_271 = tpu.memref_squeeze %dma_start3A_270 : memref<1x80x128x128xf32, #tpu.memory_space<hbm>> -> memref<80x128x128xf32, #tpu.memory_space<hbm>>
    %dma_start3A_272 = arith.constant 0 : i32
    %dma_start3A_273 = arith.constant 0 : i32
    %dma_start3A_274 = tpu.memref_slice %dma_start3A_271[%dma_start3A_261, %dma_start3A_272, %dma_start3A_273] : memref<80x128x128xf32, #tpu.memory_space<hbm>> -> memref<1x128x128xf32, #tpu.memory_space<hbm>>
    %dma_start3A_275 = tpu.memref_squeeze %dma_start3A_274 : memref<1x128x128xf32, #tpu.memory_space<hbm>> -> memref<128x128xf32, #tpu.memory_space<hbm>>
    %dma_start3A_276 = tpu.memref_slice %arg14[%dma_start3A_262] : memref<2x!tpu.dma_semaphore, #tpu.memory_space<semaphore_mem>> -> memref<1x!tpu.dma_semaphore, #tpu.memory_space<semaphore_mem>>
    %dma_start3A_277 = tpu.memref_squeeze %dma_start3A_276 : memref<1x!tpu.dma_semaphore, #tpu.memory_space<semaphore_mem>> -> memref<!tpu.dma_semaphore, #tpu.memory_space<semaphore_mem>>
    %dma_start3A_278 = arith.constant 0 : i32
    %dma_start3A_279 = arith.constant 0 : i32
    %dma_start3A_280 = arith.constant 0 : i32
    %dma_start3A_281 = tpu.memref_slice %arg7[%add3A, %dma_start3A_278, %dma_start3A_279, %dma_start3A_280] : memref<32x80x128x128xf32, #tpu.memory_space<hbm>> -> memref<1x80x128x128xf32, #tpu.memory_space<hbm>>
    %dma_start3A_282 = tpu.memref_squeeze %dma_start3A_281 : memref<1x80x128x128xf32, #tpu.memory_space<hbm>> -> memref<80x128x128xf32, #tpu.memory_space<hbm>>
    %dma_start3A_283 = arith.constant 0 : i32
    %dma_start3A_284 = arith.constant 0 : i32
    %dma_start3A_285 = tpu.memref_slice %dma_start3A_282[%dma_start3A_261, %dma_start3A_283, %dma_start3A_284] : memref<80x128x128xf32, #tpu.memory_space<hbm>> -> memref<1x128x128xf32, #tpu.memory_space<hbm>>
    %dma_start3A_286 = tpu.memref_squeeze %dma_start3A_285 : memref<1x128x128xf32, #tpu.memory_space<hbm>> -> memref<128x128xf32, #tpu.memory_space<hbm>>
    %dma_start3A_287 = arith.constant 0 : i32
    %dma_start3A_288 = arith.constant 0 : i32
    %dma_start3A_289 = tpu.memref_slice %arg9[%dma_start3A_260, %dma_start3A_287, %dma_start3A_288] : memref<2x128x128xf32, #tpu.memory_space<vmem>> -> memref<1x128x128xf32, #tpu.memory_space<vmem>>
    %dma_start3A_290 = tpu.memref_squeeze %dma_start3A_289 : memref<1x128x128xf32, #tpu.memory_space<vmem>> -> memref<128x128xf32, #tpu.memory_space<vmem>>
    tpu.enqueue_dma source(%dma_start3A_290 : memref<128x128xf32, #tpu.memory_space<vmem>>) target(%dma_start3A_286 : memref<128x128xf32, #tpu.memory_space<hbm>>) target_semaphore(%dma_start3A_277 : memref<!tpu.dma_semaphore, #tpu.memory_space<semaphore_mem>>)
    %dma_wait3A_291 = arith.constant 0 : i32
    %dma_wait3A_292 = arith.constant 76 : i32
    %dma_wait3A_293 = arith.constant 0 : i32
    %dma_wait3A_294 = arith.constant 0 : i32
    %dma_wait3A_295 = arith.constant 0 : i32
    %dma_wait3A_296 = tpu.memref_slice %arg9[%dma_wait3A_291, %dma_wait3A_294, %dma_wait3A_295] : memref<2x128x128xf32, #tpu.memory_space<vmem>> -> memref<1x128x128xf32, #tpu.memory_space<vmem>>
    %dma_wait3A_297 = tpu.memref_squeeze %dma_wait3A_296 : memref<1x128x128xf32, #tpu.memory_space<vmem>> -> memref<128x128xf32, #tpu.memory_space<vmem>>
    %dma_wait3A_298 = arith.constant 0 : i32
    %dma_wait3A_299 = arith.constant 0 : i32
    %dma_wait3A_300 = arith.constant 0 : i32
    %dma_wait3A_301 = tpu.memref_slice %arg7[%add3A, %dma_wait3A_298, %dma_wait3A_299, %dma_wait3A_300] : memref<32x80x128x128xf32, #tpu.memory_space<hbm>> -> memref<1x80x128x128xf32, #tpu.memory_space<hbm>>
    %dma_wait3A_302 = tpu.memref_squeeze %dma_wait3A_301 : memref<1x80x128x128xf32, #tpu.memory_space<hbm>> -> memref<80x128x128xf32, #tpu.memory_space<hbm>>
    %dma_wait3A_303 = arith.constant 0 : i32
    %dma_wait3A_304 = arith.constant 0 : i32
    %dma_wait3A_305 = tpu.memref_slice %dma_wait3A_302[%dma_wait3A_292, %dma_wait3A_303, %dma_wait3A_304] : memref<80x128x128xf32, #tpu.memory_space<hbm>> -> memref<1x128x128xf32, #tpu.memory_space<hbm>>
    %dma_wait3A_306 = tpu.memref_squeeze %dma_wait3A_305 : memref<1x128x128xf32, #tpu.memory_space<hbm>> -> memref<128x128xf32, #tpu.memory_space<hbm>>
    %dma_wait3A_307 = tpu.memref_slice %arg14[%dma_wait3A_293] : memref<2x!tpu.dma_semaphore, #tpu.memory_space<semaphore_mem>> -> memref<1x!tpu.dma_semaphore, #tpu.memory_space<semaphore_mem>>
    %dma_wait3A_308 = tpu.memref_squeeze %dma_wait3A_307 : memref<1x!tpu.dma_semaphore, #tpu.memory_space<semaphore_mem>> -> memref<!tpu.dma_semaphore, #tpu.memory_space<semaphore_mem>>
    %dma_wait3A_309 = arith.constant 0 : i32
    %dma_wait3A_310 = arith.constant 0 : i32
    %dma_wait3A_311 = arith.constant 0 : i32
    %dma_wait3A_312 = tpu.memref_slice %arg7[%add3A, %dma_wait3A_309, %dma_wait3A_310, %dma_wait3A_311] : memref<32x80x128x128xf32, #tpu.memory_space<hbm>> -> memref<1x80x128x128xf32, #tpu.memory_space<hbm>>
    %dma_wait3A_313 = tpu.memref_squeeze %dma_wait3A_312 : memref<1x80x128x128xf32, #tpu.memory_space<hbm>> -> memref<80x128x128xf32, #tpu.memory_space<hbm>>
    %dma_wait3A_314 = arith.constant 0 : i32
    %dma_wait3A_315 = arith.constant 0 : i32
    %dma_wait3A_316 = tpu.memref_slice %dma_wait3A_313[%dma_wait3A_292, %dma_wait3A_314, %dma_wait3A_315] : memref<80x128x128xf32, #tpu.memory_space<hbm>> -> memref<1x128x128xf32, #tpu.memory_space<hbm>>
    %dma_wait3A_317 = tpu.memref_squeeze %dma_wait3A_316 : memref<1x128x128xf32, #tpu.memory_space<hbm>> -> memref<128x128xf32, #tpu.memory_space<hbm>>
    %dma_wait3A_318 = arith.constant 0 : i32
    %dma_wait3A_319 = arith.constant 0 : i32
    %dma_wait3A_320 = tpu.memref_slice %arg9[%dma_wait3A_291, %dma_wait3A_318, %dma_wait3A_319] : memref<2x128x128xf32, #tpu.memory_space<vmem>> -> memref<1x128x128xf32, #tpu.memory_space<vmem>>
    %dma_wait3A_321 = tpu.memref_squeeze %dma_wait3A_320 : memref<1x128x128xf32, #tpu.memory_space<vmem>> -> memref<128x128xf32, #tpu.memory_space<vmem>>
    tpu.wait_dma2 semaphore(%dma_wait3A_308 : memref<!tpu.dma_semaphore, #tpu.memory_space<semaphore_mem>>) src(%dma_wait3A_321 : memref<128x128xf32, #tpu.memory_space<vmem>>) dst(%dma_wait3A_317 : memref<128x128xf32, #tpu.memory_space<hbm>>)
    %dma_wait3A_322 = arith.constant 78 : i32
    %dma_wait3A_323 = arith.constant 2 : i32
    %dma_wait3A_324 = arith.constant 2 : i32
    %dma_wait3A_325 = arith.constant 0 : i32
    %dma_wait3A_326 = tpu.memref_slice %arg8[%dma_wait3A_323, %dma_wait3A_325] : memref<4x128xi32, #tpu.memory_space<vmem>> -> memref<1x128xi32, #tpu.memory_space<vmem>>
    %dma_wait3A_327 = tpu.memref_squeeze %dma_wait3A_326 : memref<1x128xi32, #tpu.memory_space<vmem>> -> memref<128xi32, #tpu.memory_space<vmem>>
    %dma_wait3A_328 = arith.constant 0 : i32
    %dma_wait3A_329 = arith.constant 0 : i32
    %dma_wait3A_330 = tpu.memref_slice %arg3[%add3A, %dma_wait3A_328, %dma_wait3A_329] : memref<32x80x128xi32, #tpu.memory_space<hbm>> -> memref<1x80x128xi32, #tpu.memory_space<hbm>>
    %dma_wait3A_331 = tpu.memref_squeeze %dma_wait3A_330 : memref<1x80x128xi32, #tpu.memory_space<hbm>> -> memref<80x128xi32, #tpu.memory_space<hbm>>
    %dma_wait3A_332 = arith.constant 0 : i32
    %dma_wait3A_333 = tpu.memref_slice %dma_wait3A_331[%dma_wait3A_322, %dma_wait3A_332] : memref<80x128xi32, #tpu.memory_space<hbm>> -> memref<1x128xi32, #tpu.memory_space<hbm>>
    %dma_wait3A_334 = tpu.memref_squeeze %dma_wait3A_333 : memref<1x128xi32, #tpu.memory_space<hbm>> -> memref<128xi32, #tpu.memory_space<hbm>>
    %dma_wait3A_335 = tpu.memref_slice %arg12[%dma_wait3A_324] : memref<4x!tpu.dma_semaphore, #tpu.memory_space<semaphore_mem>> -> memref<1x!tpu.dma_semaphore, #tpu.memory_space<semaphore_mem>>
    %dma_wait3A_336 = tpu.memref_squeeze %dma_wait3A_335 : memref<1x!tpu.dma_semaphore, #tpu.memory_space<semaphore_mem>> -> memref<!tpu.dma_semaphore, #tpu.memory_space<semaphore_mem>>
    %dma_wait3A_337 = arith.constant 0 : i32
    %dma_wait3A_338 = tpu.memref_slice %arg8[%dma_wait3A_323, %dma_wait3A_337] : memref<4x128xi32, #tpu.memory_space<vmem>> -> memref<1x128xi32, #tpu.memory_space<vmem>>
    %dma_wait3A_339 = tpu.memref_squeeze %dma_wait3A_338 : memref<1x128xi32, #tpu.memory_space<vmem>> -> memref<128xi32, #tpu.memory_space<vmem>>
    %dma_wait3A_340 = arith.constant 0 : i32
    %dma_wait3A_341 = arith.constant 0 : i32
    %dma_wait3A_342 = tpu.memref_slice %arg3[%add3A, %dma_wait3A_340, %dma_wait3A_341] : memref<32x80x128xi32, #tpu.memory_space<hbm>> -> memref<1x80x128xi32, #tpu.memory_space<hbm>>
    %dma_wait3A_343 = tpu.memref_squeeze %dma_wait3A_342 : memref<1x80x128xi32, #tpu.memory_space<hbm>> -> memref<80x128xi32, #tpu.memory_space<hbm>>
    %dma_wait3A_344 = arith.constant 0 : i32
    %dma_wait3A_345 = tpu.memref_slice %dma_wait3A_343[%dma_wait3A_322, %dma_wait3A_344] : memref<80x128xi32, #tpu.memory_space<hbm>> -> memref<1x128xi32, #tpu.memory_space<hbm>>
    %dma_wait3A_346 = tpu.memref_squeeze %dma_wait3A_345 : memref<1x128xi32, #tpu.memory_space<hbm>> -> memref<128xi32, #tpu.memory_space<hbm>>
    tpu.wait_dma2 semaphore(%dma_wait3A_336 : memref<!tpu.dma_semaphore, #tpu.memory_space<semaphore_mem>>) src(%dma_wait3A_346 : memref<128xi32, #tpu.memory_space<hbm>>) dst(%dma_wait3A_339 : memref<128xi32, #tpu.memory_space<vmem>>)
    %dma_start3A_347 = arith.constant 2 : i32
    %dma_start3A_348 = arith.constant 0 : i32
    %dma_start3A_349 = arith.constant 0 : i32
    %dma_start3A_350 = arith.constant 0 : i32
    %dma_start3A_351 = arith.constant 0 : i32
    %dma_start3A_352 = tpu.memref_slice %arg9[%dma_start3A_348, %dma_start3A_350, %dma_start3A_351] : memref<2x128x128xf32, #tpu.memory_space<vmem>> -> memref<1x128x128xf32, #tpu.memory_space<vmem>>
    %dma_start3A_353 = tpu.memref_squeeze %dma_start3A_352 : memref<1x128x128xf32, #tpu.memory_space<vmem>> -> memref<128x128xf32, #tpu.memory_space<vmem>>
    %dma_start3A_354 = arith.constant 0 : i32
    %dma_start3A_355 = tpu.memref_slice %arg8[%dma_start3A_347, %dma_start3A_354] : memref<4x128xi32, #tpu.memory_space<vmem>> -> memref<1x128xi32, #tpu.memory_space<vmem>>
    %dma_start3A_356 = tpu.memref_squeeze %dma_start3A_355 : memref<1x128xi32, #tpu.memory_space<vmem>> -> memref<128xi32, #tpu.memory_space<vmem>>
    %dma_start3A_357 = arith.constant 0 : i32
    %dma_start3A_358 = arith.constant 0 : i32
    %dma_start3A_359 = tpu.memref_slice %arg11[%dma_start3A_357, %dma_start3A_358] : memref<10112x128xf32, #tpu.memory_space<vmem_shared>> -> memref<10112x128xf32, #tpu.memory_space<vmem_shared>>
    %dma_start3A_360 = tpu.memref_slice %arg13[%dma_start3A_349] : memref<2x!tpu.dma_semaphore, #tpu.memory_space<semaphore_mem>> -> memref<1x!tpu.dma_semaphore, #tpu.memory_space<semaphore_mem>>
    %dma_start3A_361 = tpu.memref_squeeze %dma_start3A_360 : memref<1x!tpu.dma_semaphore, #tpu.memory_space<semaphore_mem>> -> memref<!tpu.dma_semaphore, #tpu.memory_space<semaphore_mem>>
    tpu.enqueue_indirect_dma source(%dma_start3A_359 : memref<10112x128xf32, #tpu.memory_space<vmem_shared>>) target(%dma_start3A_353 : memref<128x128xf32, #tpu.memory_space<vmem>>) offsets(%dma_start3A_356 : memref<128xi32, #tpu.memory_space<vmem>>) semaphore(%dma_start3A_361 : memref<!tpu.dma_semaphore, #tpu.memory_space<semaphore_mem>>)
    %dma_wait3A_362 = arith.constant 2 : i32
    %dma_wait3A_363 = arith.constant 0 : i32
    %dma_wait3A_364 = arith.constant 0 : i32
    %dma_wait3A_365 = arith.constant 0 : i32
    %dma_wait3A_366 = arith.constant 0 : i32
    %dma_wait3A_367 = tpu.memref_slice %arg9[%dma_wait3A_363, %dma_wait3A_365, %dma_wait3A_366] : memref<2x128x128xf32, #tpu.memory_space<vmem>> -> memref<1x128x128xf32, #tpu.memory_space<vmem>>
    %dma_wait3A_368 = tpu.memref_squeeze %dma_wait3A_367 : memref<1x128x128xf32, #tpu.memory_space<vmem>> -> memref<128x128xf32, #tpu.memory_space<vmem>>
    %dma_wait3A_369 = arith.constant 0 : i32
    %dma_wait3A_370 = tpu.memref_slice %arg8[%dma_wait3A_362, %dma_wait3A_369] : memref<4x128xi32, #tpu.memory_space<vmem>> -> memref<1x128xi32, #tpu.memory_space<vmem>>
    %dma_wait3A_371 = tpu.memref_squeeze %dma_wait3A_370 : memref<1x128xi32, #tpu.memory_space<vmem>> -> memref<128xi32, #tpu.memory_space<vmem>>
    %dma_wait3A_372 = arith.constant 0 : i32
    %dma_wait3A_373 = arith.constant 0 : i32
    %dma_wait3A_374 = tpu.memref_slice %arg11[%dma_wait3A_372, %dma_wait3A_373] : memref<10112x128xf32, #tpu.memory_space<vmem_shared>> -> memref<10112x128xf32, #tpu.memory_space<vmem_shared>>
    %dma_wait3A_375 = tpu.memref_slice %arg13[%dma_wait3A_364] : memref<2x!tpu.dma_semaphore, #tpu.memory_space<semaphore_mem>> -> memref<1x!tpu.dma_semaphore, #tpu.memory_space<semaphore_mem>>
    %dma_wait3A_376 = tpu.memref_squeeze %dma_wait3A_375 : memref<1x!tpu.dma_semaphore, #tpu.memory_space<semaphore_mem>> -> memref<!tpu.dma_semaphore, #tpu.memory_space<semaphore_mem>>
    tpu.wait_indirect_dma semaphore(%dma_wait3A_376 : memref<!tpu.dma_semaphore, #tpu.memory_space<semaphore_mem>>) src(%dma_wait3A_374 : memref<10112x128xf32, #tpu.memory_space<vmem_shared>>) dst(%dma_wait3A_368 : memref<128x128xf32, #tpu.memory_space<vmem>>)
    %dma_start3A_377 = arith.constant 0 : i32
    %dma_start3A_378 = arith.constant 78 : i32
    %dma_start3A_379 = arith.constant 0 : i32
    %dma_start3A_380 = arith.constant 0 : i32
    %dma_start3A_381 = arith.constant 0 : i32
    %dma_start3A_382 = tpu.memref_slice %arg9[%dma_start3A_377, %dma_start3A_380, %dma_start3A_381] : memref<2x128x128xf32, #tpu.memory_space<vmem>> -> memref<1x128x128xf32, #tpu.memory_space<vmem>>
    %dma_start3A_383 = tpu.memref_squeeze %dma_start3A_382 : memref<1x128x128xf32, #tpu.memory_space<vmem>> -> memref<128x128xf32, #tpu.memory_space<vmem>>
    %dma_start3A_384 = arith.constant 0 : i32
    %dma_start3A_385 = arith.constant 0 : i32
    %dma_start3A_386 = arith.constant 0 : i32
    %dma_start3A_387 = tpu.memref_slice %arg7[%add3A, %dma_start3A_384, %dma_start3A_385, %dma_start3A_386] : memref<32x80x128x128xf32, #tpu.memory_space<hbm>> -> memref<1x80x128x128xf32, #tpu.memory_space<hbm>>
    %dma_start3A_388 = tpu.memref_squeeze %dma_start3A_387 : memref<1x80x128x128xf32, #tpu.memory_space<hbm>> -> memref<80x128x128xf32, #tpu.memory_space<hbm>>
    %dma_start3A_389 = arith.constant 0 : i32
    %dma_start3A_390 = arith.constant 0 : i32
    %dma_start3A_391 = tpu.memref_slice %dma_start3A_388[%dma_start3A_378, %dma_start3A_389, %dma_start3A_390] : memref<80x128x128xf32, #tpu.memory_space<hbm>> -> memref<1x128x128xf32, #tpu.memory_space<hbm>>
    %dma_start3A_392 = tpu.memref_squeeze %dma_start3A_391 : memref<1x128x128xf32, #tpu.memory_space<hbm>> -> memref<128x128xf32, #tpu.memory_space<hbm>>
    %dma_start3A_393 = tpu.memref_slice %arg14[%dma_start3A_379] : memref<2x!tpu.dma_semaphore, #tpu.memory_space<semaphore_mem>> -> memref<1x!tpu.dma_semaphore, #tpu.memory_space<semaphore_mem>>
    %dma_start3A_394 = tpu.memref_squeeze %dma_start3A_393 : memref<1x!tpu.dma_semaphore, #tpu.memory_space<semaphore_mem>> -> memref<!tpu.dma_semaphore, #tpu.memory_space<semaphore_mem>>
    %dma_start3A_395 = arith.constant 0 : i32
    %dma_start3A_396 = arith.constant 0 : i32
    %dma_start3A_397 = arith.constant 0 : i32
    %dma_start3A_398 = tpu.memref_slice %arg7[%add3A, %dma_start3A_395, %dma_start3A_396, %dma_start3A_397] : memref<32x80x128x128xf32, #tpu.memory_space<hbm>> -> memref<1x80x128x128xf32, #tpu.memory_space<hbm>>
    %dma_start3A_399 = tpu.memref_squeeze %dma_start3A_398 : memref<1x80x128x128xf32, #tpu.memory_space<hbm>> -> memref<80x128x128xf32, #tpu.memory_space<hbm>>
    %dma_start3A_400 = arith.constant 0 : i32
    %dma_start3A_401 = arith.constant 0 : i32
    %dma_start3A_402 = tpu.memref_slice %dma_start3A_399[%dma_start3A_378, %dma_start3A_400, %dma_start3A_401] : memref<80x128x128xf32, #tpu.memory_space<hbm>> -> memref<1x128x128xf32, #tpu.memory_space<hbm>>
    %dma_start3A_403 = tpu.memref_squeeze %dma_start3A_402 : memref<1x128x128xf32, #tpu.memory_space<hbm>> -> memref<128x128xf32, #tpu.memory_space<hbm>>
    %dma_start3A_404 = arith.constant 0 : i32
    %dma_start3A_405 = arith.constant 0 : i32
    %dma_start3A_406 = tpu.memref_slice %arg9[%dma_start3A_377, %dma_start3A_404, %dma_start3A_405] : memref<2x128x128xf32, #tpu.memory_space<vmem>> -> memref<1x128x128xf32, #tpu.memory_space<vmem>>
    %dma_start3A_407 = tpu.memref_squeeze %dma_start3A_406 : memref<1x128x128xf32, #tpu.memory_space<vmem>> -> memref<128x128xf32, #tpu.memory_space<vmem>>
    tpu.enqueue_dma source(%dma_start3A_407 : memref<128x128xf32, #tpu.memory_space<vmem>>) target(%dma_start3A_403 : memref<128x128xf32, #tpu.memory_space<hbm>>) target_semaphore(%dma_start3A_394 : memref<!tpu.dma_semaphore, #tpu.memory_space<semaphore_mem>>)
    %dma_wait3A_408 = arith.constant 1 : i32
    %dma_wait3A_409 = arith.constant 77 : i32
    %dma_wait3A_410 = arith.constant 1 : i32
    %dma_wait3A_411 = arith.constant 0 : i32
    %dma_wait3A_412 = arith.constant 0 : i32
    %dma_wait3A_413 = tpu.memref_slice %arg9[%dma_wait3A_408, %dma_wait3A_411, %dma_wait3A_412] : memref<2x128x128xf32, #tpu.memory_space<vmem>> -> memref<1x128x128xf32, #tpu.memory_space<vmem>>
    %dma_wait3A_414 = tpu.memref_squeeze %dma_wait3A_413 : memref<1x128x128xf32, #tpu.memory_space<vmem>> -> memref<128x128xf32, #tpu.memory_space<vmem>>
    %dma_wait3A_415 = arith.constant 0 : i32
    %dma_wait3A_416 = arith.constant 0 : i32
    %dma_wait3A_417 = arith.constant 0 : i32
    %dma_wait3A_418 = tpu.memref_slice %arg7[%add3A, %dma_wait3A_415, %dma_wait3A_416, %dma_wait3A_417] : memref<32x80x128x128xf32, #tpu.memory_space<hbm>> -> memref<1x80x128x128xf32, #tpu.memory_space<hbm>>
    %dma_wait3A_419 = tpu.memref_squeeze %dma_wait3A_418 : memref<1x80x128x128xf32, #tpu.memory_space<hbm>> -> memref<80x128x128xf32, #tpu.memory_space<hbm>>
    %dma_wait3A_420 = arith.constant 0 : i32
    %dma_wait3A_421 = arith.constant 0 : i32
    %dma_wait3A_422 = tpu.memref_slice %dma_wait3A_419[%dma_wait3A_409, %dma_wait3A_420, %dma_wait3A_421] : memref<80x128x128xf32, #tpu.memory_space<hbm>> -> memref<1x128x128xf32, #tpu.memory_space<hbm>>
    %dma_wait3A_423 = tpu.memref_squeeze %dma_wait3A_422 : memref<1x128x128xf32, #tpu.memory_space<hbm>> -> memref<128x128xf32, #tpu.memory_space<hbm>>
    %dma_wait3A_424 = tpu.memref_slice %arg14[%dma_wait3A_410] : memref<2x!tpu.dma_semaphore, #tpu.memory_space<semaphore_mem>> -> memref<1x!tpu.dma_semaphore, #tpu.memory_space<semaphore_mem>>
    %dma_wait3A_425 = tpu.memref_squeeze %dma_wait3A_424 : memref<1x!tpu.dma_semaphore, #tpu.memory_space<semaphore_mem>> -> memref<!tpu.dma_semaphore, #tpu.memory_space<semaphore_mem>>
    %dma_wait3A_426 = arith.constant 0 : i32
    %dma_wait3A_427 = arith.constant 0 : i32
    %dma_wait3A_428 = arith.constant 0 : i32
    %dma_wait3A_429 = tpu.memref_slice %arg7[%add3A, %dma_wait3A_426, %dma_wait3A_427, %dma_wait3A_428] : memref<32x80x128x128xf32, #tpu.memory_space<hbm>> -> memref<1x80x128x128xf32, #tpu.memory_space<hbm>>
    %dma_wait3A_430 = tpu.memref_squeeze %dma_wait3A_429 : memref<1x80x128x128xf32, #tpu.memory_space<hbm>> -> memref<80x128x128xf32, #tpu.memory_space<hbm>>
    %dma_wait3A_431 = arith.constant 0 : i32
    %dma_wait3A_432 = arith.constant 0 : i32
    %dma_wait3A_433 = tpu.memref_slice %dma_wait3A_430[%dma_wait3A_409, %dma_wait3A_431, %dma_wait3A_432] : memref<80x128x128xf32, #tpu.memory_space<hbm>> -> memref<1x128x128xf32, #tpu.memory_space<hbm>>
    %dma_wait3A_434 = tpu.memref_squeeze %dma_wait3A_433 : memref<1x128x128xf32, #tpu.memory_space<hbm>> -> memref<128x128xf32, #tpu.memory_space<hbm>>
    %dma_wait3A_435 = arith.constant 0 : i32
    %dma_wait3A_436 = arith.constant 0 : i32
    %dma_wait3A_437 = tpu.memref_slice %arg9[%dma_wait3A_408, %dma_wait3A_435, %dma_wait3A_436] : memref<2x128x128xf32, #tpu.memory_space<vmem>> -> memref<1x128x128xf32, #tpu.memory_space<vmem>>
    %dma_wait3A_438 = tpu.memref_squeeze %dma_wait3A_437 : memref<1x128x128xf32, #tpu.memory_space<vmem>> -> memref<128x128xf32, #tpu.memory_space<vmem>>
    tpu.wait_dma2 semaphore(%dma_wait3A_425 : memref<!tpu.dma_semaphore, #tpu.memory_space<semaphore_mem>>) src(%dma_wait3A_438 : memref<128x128xf32, #tpu.memory_space<vmem>>) dst(%dma_wait3A_434 : memref<128x128xf32, #tpu.memory_space<hbm>>)
    %dma_wait3A_439 = arith.constant 79 : i32
    %dma_wait3A_440 = arith.constant 3 : i32
    %dma_wait3A_441 = arith.constant 3 : i32
    %dma_wait3A_442 = arith.constant 0 : i32
    %dma_wait3A_443 = tpu.memref_slice %arg8[%dma_wait3A_440, %dma_wait3A_442] : memref<4x128xi32, #tpu.memory_space<vmem>> -> memref<1x128xi32, #tpu.memory_space<vmem>>
    %dma_wait3A_444 = tpu.memref_squeeze %dma_wait3A_443 : memref<1x128xi32, #tpu.memory_space<vmem>> -> memref<128xi32, #tpu.memory_space<vmem>>
    %dma_wait3A_445 = arith.constant 0 : i32
    %dma_wait3A_446 = arith.constant 0 : i32
    %dma_wait3A_447 = tpu.memref_slice %arg3[%add3A, %dma_wait3A_445, %dma_wait3A_446] : memref<32x80x128xi32, #tpu.memory_space<hbm>> -> memref<1x80x128xi32, #tpu.memory_space<hbm>>
    %dma_wait3A_448 = tpu.memref_squeeze %dma_wait3A_447 : memref<1x80x128xi32, #tpu.memory_space<hbm>> -> memref<80x128xi32, #tpu.memory_space<hbm>>
    %dma_wait3A_449 = arith.constant 0 : i32
    %dma_wait3A_450 = tpu.memref_slice %dma_wait3A_448[%dma_wait3A_439, %dma_wait3A_449] : memref<80x128xi32, #tpu.memory_space<hbm>> -> memref<1x128xi32, #tpu.memory_space<hbm>>
    %dma_wait3A_451 = tpu.memref_squeeze %dma_wait3A_450 : memref<1x128xi32, #tpu.memory_space<hbm>> -> memref<128xi32, #tpu.memory_space<hbm>>
    %dma_wait3A_452 = tpu.memref_slice %arg12[%dma_wait3A_441] : memref<4x!tpu.dma_semaphore, #tpu.memory_space<semaphore_mem>> -> memref<1x!tpu.dma_semaphore, #tpu.memory_space<semaphore_mem>>
    %dma_wait3A_453 = tpu.memref_squeeze %dma_wait3A_452 : memref<1x!tpu.dma_semaphore, #tpu.memory_space<semaphore_mem>> -> memref<!tpu.dma_semaphore, #tpu.memory_space<semaphore_mem>>
    %dma_wait3A_454 = arith.constant 0 : i32
    %dma_wait3A_455 = tpu.memref_slice %arg8[%dma_wait3A_440, %dma_wait3A_454] : memref<4x128xi32, #tpu.memory_space<vmem>> -> memref<1x128xi32, #tpu.memory_space<vmem>>
    %dma_wait3A_456 = tpu.memref_squeeze %dma_wait3A_455 : memref<1x128xi32, #tpu.memory_space<vmem>> -> memref<128xi32, #tpu.memory_space<vmem>>
    %dma_wait3A_457 = arith.constant 0 : i32
    %dma_wait3A_458 = arith.constant 0 : i32
    %dma_wait3A_459 = tpu.memref_slice %arg3[%add3A, %dma_wait3A_457, %dma_wait3A_458] : memref<32x80x128xi32, #tpu.memory_space<hbm>> -> memref<1x80x128xi32, #tpu.memory_space<hbm>>
    %dma_wait3A_460 = tpu.memref_squeeze %dma_wait3A_459 : memref<1x80x128xi32, #tpu.memory_space<hbm>> -> memref<80x128xi32, #tpu.memory_space<hbm>>
    %dma_wait3A_461 = arith.constant 0 : i32
    %dma_wait3A_462 = tpu.memref_slice %dma_wait3A_460[%dma_wait3A_439, %dma_wait3A_461] : memref<80x128xi32, #tpu.memory_space<hbm>> -> memref<1x128xi32, #tpu.memory_space<hbm>>
    %dma_wait3A_463 = tpu.memref_squeeze %dma_wait3A_462 : memref<1x128xi32, #tpu.memory_space<hbm>> -> memref<128xi32, #tpu.memory_space<hbm>>
    tpu.wait_dma2 semaphore(%dma_wait3A_453 : memref<!tpu.dma_semaphore, #tpu.memory_space<semaphore_mem>>) src(%dma_wait3A_463 : memref<128xi32, #tpu.memory_space<hbm>>) dst(%dma_wait3A_456 : memref<128xi32, #tpu.memory_space<vmem>>)
    %dma_start3A_464 = arith.constant 3 : i32
    %dma_start3A_465 = arith.constant 1 : i32
    %dma_start3A_466 = arith.constant 1 : i32
    %dma_start3A_467 = arith.constant 0 : i32
    %dma_start3A_468 = arith.constant 0 : i32
    %dma_start3A_469 = tpu.memref_slice %arg9[%dma_start3A_465, %dma_start3A_467, %dma_start3A_468] : memref<2x128x128xf32, #tpu.memory_space<vmem>> -> memref<1x128x128xf32, #tpu.memory_space<vmem>>
    %dma_start3A_470 = tpu.memref_squeeze %dma_start3A_469 : memref<1x128x128xf32, #tpu.memory_space<vmem>> -> memref<128x128xf32, #tpu.memory_space<vmem>>
    %dma_start3A_471 = arith.constant 0 : i32
    %dma_start3A_472 = tpu.memref_slice %arg8[%dma_start3A_464, %dma_start3A_471] : memref<4x128xi32, #tpu.memory_space<vmem>> -> memref<1x128xi32, #tpu.memory_space<vmem>>
    %dma_start3A_473 = tpu.memref_squeeze %dma_start3A_472 : memref<1x128xi32, #tpu.memory_space<vmem>> -> memref<128xi32, #tpu.memory_space<vmem>>
    %dma_start3A_474 = arith.constant 0 : i32
    %dma_start3A_475 = arith.constant 0 : i32
    %dma_start3A_476 = tpu.memref_slice %arg11[%dma_start3A_474, %dma_start3A_475] : memref<10112x128xf32, #tpu.memory_space<vmem_shared>> -> memref<10112x128xf32, #tpu.memory_space<vmem_shared>>
    %dma_start3A_477 = tpu.memref_slice %arg13[%dma_start3A_466] : memref<2x!tpu.dma_semaphore, #tpu.memory_space<semaphore_mem>> -> memref<1x!tpu.dma_semaphore, #tpu.memory_space<semaphore_mem>>
    %dma_start3A_478 = tpu.memref_squeeze %dma_start3A_477 : memref<1x!tpu.dma_semaphore, #tpu.memory_space<semaphore_mem>> -> memref<!tpu.dma_semaphore, #tpu.memory_space<semaphore_mem>>
    tpu.enqueue_indirect_dma source(%dma_start3A_476 : memref<10112x128xf32, #tpu.memory_space<vmem_shared>>) target(%dma_start3A_470 : memref<128x128xf32, #tpu.memory_space<vmem>>) offsets(%dma_start3A_473 : memref<128xi32, #tpu.memory_space<vmem>>) semaphore(%dma_start3A_478 : memref<!tpu.dma_semaphore, #tpu.memory_space<semaphore_mem>>)
    %dma_wait3A_479 = arith.constant 3 : i32
    %dma_wait3A_480 = arith.constant 1 : i32
    %dma_wait3A_481 = arith.constant 1 : i32
    %dma_wait3A_482 = arith.constant 0 : i32
    %dma_wait3A_483 = arith.constant 0 : i32
    %dma_wait3A_484 = tpu.memref_slice %arg9[%dma_wait3A_480, %dma_wait3A_482, %dma_wait3A_483] : memref<2x128x128xf32, #tpu.memory_space<vmem>> -> memref<1x128x128xf32, #tpu.memory_space<vmem>>
    %dma_wait3A_485 = tpu.memref_squeeze %dma_wait3A_484 : memref<1x128x128xf32, #tpu.memory_space<vmem>> -> memref<128x128xf32, #tpu.memory_space<vmem>>
    %dma_wait3A_486 = arith.constant 0 : i32
    %dma_wait3A_487 = tpu.memref_slice %arg8[%dma_wait3A_479, %dma_wait3A_486] : memref<4x128xi32, #tpu.memory_space<vmem>> -> memref<1x128xi32, #tpu.memory_space<vmem>>
    %dma_wait3A_488 = tpu.memref_squeeze %dma_wait3A_487 : memref<1x128xi32, #tpu.memory_space<vmem>> -> memref<128xi32, #tpu.memory_space<vmem>>
    %dma_wait3A_489 = arith.constant 0 : i32
    %dma_wait3A_490 = arith.constant 0 : i32
    %dma_wait3A_491 = tpu.memref_slice %arg11[%dma_wait3A_489, %dma_wait3A_490] : memref<10112x128xf32, #tpu.memory_space<vmem_shared>> -> memref<10112x128xf32, #tpu.memory_space<vmem_shared>>
    %dma_wait3A_492 = tpu.memref_slice %arg13[%dma_wait3A_481] : memref<2x!tpu.dma_semaphore, #tpu.memory_space<semaphore_mem>> -> memref<1x!tpu.dma_semaphore, #tpu.memory_space<semaphore_mem>>
    %dma_wait3A_493 = tpu.memref_squeeze %dma_wait3A_492 : memref<1x!tpu.dma_semaphore, #tpu.memory_space<semaphore_mem>> -> memref<!tpu.dma_semaphore, #tpu.memory_space<semaphore_mem>>
    tpu.wait_indirect_dma semaphore(%dma_wait3A_493 : memref<!tpu.dma_semaphore, #tpu.memory_space<semaphore_mem>>) src(%dma_wait3A_491 : memref<10112x128xf32, #tpu.memory_space<vmem_shared>>) dst(%dma_wait3A_485 : memref<128x128xf32, #tpu.memory_space<vmem>>)
    %dma_start3A_494 = arith.constant 1 : i32
    %dma_start3A_495 = arith.constant 79 : i32
    %dma_start3A_496 = arith.constant 1 : i32
    %dma_start3A_497 = arith.constant 0 : i32
    %dma_start3A_498 = arith.constant 0 : i32
    %dma_start3A_499 = tpu.memref_slice %arg9[%dma_start3A_494, %dma_start3A_497, %dma_start3A_498] : memref<2x128x128xf32, #tpu.memory_space<vmem>> -> memref<1x128x128xf32, #tpu.memory_space<vmem>>
    %dma_start3A_500 = tpu.memref_squeeze %dma_start3A_499 : memref<1x128x128xf32, #tpu.memory_space<vmem>> -> memref<128x128xf32, #tpu.memory_space<vmem>>
    %dma_start3A_501 = arith.constant 0 : i32
    %dma_start3A_502 = arith.constant 0 : i32
    %dma_start3A_503 = arith.constant 0 : i32
    %dma_start3A_504 = tpu.memref_slice %arg7[%add3A, %dma_start3A_501, %dma_start3A_502, %dma_start3A_503] : memref<32x80x128x128xf32, #tpu.memory_space<hbm>> -> memref<1x80x128x128xf32, #tpu.memory_space<hbm>>
    %dma_start3A_505 = tpu.memref_squeeze %dma_start3A_504 : memref<1x80x128x128xf32, #tpu.memory_space<hbm>> -> memref<80x128x128xf32, #tpu.memory_space<hbm>>
    %dma_start3A_506 = arith.constant 0 : i32
    %dma_start3A_507 = arith.constant 0 : i32
    %dma_start3A_508 = tpu.memref_slice %dma_start3A_505[%dma_start3A_495, %dma_start3A_506, %dma_start3A_507] : memref<80x128x128xf32, #tpu.memory_space<hbm>> -> memref<1x128x128xf32, #tpu.memory_space<hbm>>
    %dma_start3A_509 = tpu.memref_squeeze %dma_start3A_508 : memref<1x128x128xf32, #tpu.memory_space<hbm>> -> memref<128x128xf32, #tpu.memory_space<hbm>>
    %dma_start3A_510 = tpu.memref_slice %arg14[%dma_start3A_496] : memref<2x!tpu.dma_semaphore, #tpu.memory_space<semaphore_mem>> -> memref<1x!tpu.dma_semaphore, #tpu.memory_space<semaphore_mem>>
    %dma_start3A_511 = tpu.memref_squeeze %dma_start3A_510 : memref<1x!tpu.dma_semaphore, #tpu.memory_space<semaphore_mem>> -> memref<!tpu.dma_semaphore, #tpu.memory_space<semaphore_mem>>
    %dma_start3A_512 = arith.constant 0 : i32
    %dma_start3A_513 = arith.constant 0 : i32
    %dma_start3A_514 = arith.constant 0 : i32
    %dma_start3A_515 = tpu.memref_slice %arg7[%add3A, %dma_start3A_512, %dma_start3A_513, %dma_start3A_514] : memref<32x80x128x128xf32, #tpu.memory_space<hbm>> -> memref<1x80x128x128xf32, #tpu.memory_space<hbm>>
    %dma_start3A_516 = tpu.memref_squeeze %dma_start3A_515 : memref<1x80x128x128xf32, #tpu.memory_space<hbm>> -> memref<80x128x128xf32, #tpu.memory_space<hbm>>
    %dma_start3A_517 = arith.constant 0 : i32
    %dma_start3A_518 = arith.constant 0 : i32
    %dma_start3A_519 = tpu.memref_slice %dma_start3A_516[%dma_start3A_495, %dma_start3A_517, %dma_start3A_518] : memref<80x128x128xf32, #tpu.memory_space<hbm>> -> memref<1x128x128xf32, #tpu.memory_space<hbm>>
    %dma_start3A_520 = tpu.memref_squeeze %dma_start3A_519 : memref<1x128x128xf32, #tpu.memory_space<hbm>> -> memref<128x128xf32, #tpu.memory_space<hbm>>
    %dma_start3A_521 = arith.constant 0 : i32
    %dma_start3A_522 = arith.constant 0 : i32
    %dma_start3A_523 = tpu.memref_slice %arg9[%dma_start3A_494, %dma_start3A_521, %dma_start3A_522] : memref<2x128x128xf32, #tpu.memory_space<vmem>> -> memref<1x128x128xf32, #tpu.memory_space<vmem>>
    %dma_start3A_524 = tpu.memref_squeeze %dma_start3A_523 : memref<1x128x128xf32, #tpu.memory_space<vmem>> -> memref<128x128xf32, #tpu.memory_space<vmem>>
    tpu.enqueue_dma source(%dma_start3A_524 : memref<128x128xf32, #tpu.memory_space<vmem>>) target(%dma_start3A_520 : memref<128x128xf32, #tpu.memory_space<hbm>>) target_semaphore(%dma_start3A_511 : memref<!tpu.dma_semaphore, #tpu.memory_space<semaphore_mem>>)
    %dma_wait3A_525 = arith.constant 0 : i32
    %dma_wait3A_526 = arith.constant 78 : i32
    %dma_wait3A_527 = arith.constant 0 : i32
    %dma_wait3A_528 = arith.constant 0 : i32
    %dma_wait3A_529 = arith.constant 0 : i32
    %dma_wait3A_530 = tpu.memref_slice %arg9[%dma_wait3A_525, %dma_wait3A_528, %dma_wait3A_529] : memref<2x128x128xf32, #tpu.memory_space<vmem>> -> memref<1x128x128xf32, #tpu.memory_space<vmem>>
    %dma_wait3A_531 = tpu.memref_squeeze %dma_wait3A_530 : memref<1x128x128xf32, #tpu.memory_space<vmem>> -> memref<128x128xf32, #tpu.memory_space<vmem>>
    %dma_wait3A_532 = arith.constant 0 : i32
    %dma_wait3A_533 = arith.constant 0 : i32
    %dma_wait3A_534 = arith.constant 0 : i32
    %dma_wait3A_535 = tpu.memref_slice %arg7[%add3A, %dma_wait3A_532, %dma_wait3A_533, %dma_wait3A_534] : memref<32x80x128x128xf32, #tpu.memory_space<hbm>> -> memref<1x80x128x128xf32, #tpu.memory_space<hbm>>
    %dma_wait3A_536 = tpu.memref_squeeze %dma_wait3A_535 : memref<1x80x128x128xf32, #tpu.memory_space<hbm>> -> memref<80x128x128xf32, #tpu.memory_space<hbm>>
    %dma_wait3A_537 = arith.constant 0 : i32
    %dma_wait3A_538 = arith.constant 0 : i32
    %dma_wait3A_539 = tpu.memref_slice %dma_wait3A_536[%dma_wait3A_526, %dma_wait3A_537, %dma_wait3A_538] : memref<80x128x128xf32, #tpu.memory_space<hbm>> -> memref<1x128x128xf32, #tpu.memory_space<hbm>>
    %dma_wait3A_540 = tpu.memref_squeeze %dma_wait3A_539 : memref<1x128x128xf32, #tpu.memory_space<hbm>> -> memref<128x128xf32, #tpu.memory_space<hbm>>
    %dma_wait3A_541 = tpu.memref_slice %arg14[%dma_wait3A_527] : memref<2x!tpu.dma_semaphore, #tpu.memory_space<semaphore_mem>> -> memref<1x!tpu.dma_semaphore, #tpu.memory_space<semaphore_mem>>
    %dma_wait3A_542 = tpu.memref_squeeze %dma_wait3A_541 : memref<1x!tpu.dma_semaphore, #tpu.memory_space<semaphore_mem>> -> memref<!tpu.dma_semaphore, #tpu.memory_space<semaphore_mem>>
    %dma_wait3A_543 = arith.constant 0 : i32
    %dma_wait3A_544 = arith.constant 0 : i32
    %dma_wait3A_545 = arith.constant 0 : i32
    %dma_wait3A_546 = tpu.memref_slice %arg7[%add3A, %dma_wait3A_543, %dma_wait3A_544, %dma_wait3A_545] : memref<32x80x128x128xf32, #tpu.memory_space<hbm>> -> memref<1x80x128x128xf32, #tpu.memory_space<hbm>>
    %dma_wait3A_547 = tpu.memref_squeeze %dma_wait3A_546 : memref<1x80x128x128xf32, #tpu.memory_space<hbm>> -> memref<80x128x128xf32, #tpu.memory_space<hbm>>
    %dma_wait3A_548 = arith.constant 0 : i32
    %dma_wait3A_549 = arith.constant 0 : i32
    %dma_wait3A_550 = tpu.memref_slice %dma_wait3A_547[%dma_wait3A_526, %dma_wait3A_548, %dma_wait3A_549] : memref<80x128x128xf32, #tpu.memory_space<hbm>> -> memref<1x128x128xf32, #tpu.memory_space<hbm>>
    %dma_wait3A_551 = tpu.memref_squeeze %dma_wait3A_550 : memref<1x128x128xf32, #tpu.memory_space<hbm>> -> memref<128x128xf32, #tpu.memory_space<hbm>>
    %dma_wait3A_552 = arith.constant 0 : i32
    %dma_wait3A_553 = arith.constant 0 : i32
    %dma_wait3A_554 = tpu.memref_slice %arg9[%dma_wait3A_525, %dma_wait3A_552, %dma_wait3A_553] : memref<2x128x128xf32, #tpu.memory_space<vmem>> -> memref<1x128x128xf32, #tpu.memory_space<vmem>>
    %dma_wait3A_555 = tpu.memref_squeeze %dma_wait3A_554 : memref<1x128x128xf32, #tpu.memory_space<vmem>> -> memref<128x128xf32, #tpu.memory_space<vmem>>
    tpu.wait_dma2 semaphore(%dma_wait3A_542 : memref<!tpu.dma_semaphore, #tpu.memory_space<semaphore_mem>>) src(%dma_wait3A_555 : memref<128x128xf32, #tpu.memory_space<vmem>>) dst(%dma_wait3A_551 : memref<128x128xf32, #tpu.memory_space<hbm>>)
    %dma_wait3A_556 = arith.constant 1 : i32
    %dma_wait3A_557 = arith.constant 79 : i32
    %dma_wait3A_558 = arith.constant 1 : i32
    %dma_wait3A_559 = arith.constant 0 : i32
    %dma_wait3A_560 = arith.constant 0 : i32
    %dma_wait3A_561 = tpu.memref_slice %arg9[%dma_wait3A_556, %dma_wait3A_559, %dma_wait3A_560] : memref<2x128x128xf32, #tpu.memory_space<vmem>> -> memref<1x128x128xf32, #tpu.memory_space<vmem>>
    %dma_wait3A_562 = tpu.memref_squeeze %dma_wait3A_561 : memref<1x128x128xf32, #tpu.memory_space<vmem>> -> memref<128x128xf32, #tpu.memory_space<vmem>>
    %dma_wait3A_563 = arith.constant 0 : i32
    %dma_wait3A_564 = arith.constant 0 : i32
    %dma_wait3A_565 = arith.constant 0 : i32
    %dma_wait3A_566 = tpu.memref_slice %arg7[%add3A, %dma_wait3A_563, %dma_wait3A_564, %dma_wait3A_565] : memref<32x80x128x128xf32, #tpu.memory_space<hbm>> -> memref<1x80x128x128xf32, #tpu.memory_space<hbm>>
    %dma_wait3A_567 = tpu.memref_squeeze %dma_wait3A_566 : memref<1x80x128x128xf32, #tpu.memory_space<hbm>> -> memref<80x128x128xf32, #tpu.memory_space<hbm>>
    %dma_wait3A_568 = arith.constant 0 : i32
    %dma_wait3A_569 = arith.constant 0 : i32
    %dma_wait3A_570 = tpu.memref_slice %dma_wait3A_567[%dma_wait3A_557, %dma_wait3A_568, %dma_wait3A_569] : memref<80x128x128xf32, #tpu.memory_space<hbm>> -> memref<1x128x128xf32, #tpu.memory_space<hbm>>
    %dma_wait3A_571 = tpu.memref_squeeze %dma_wait3A_570 : memref<1x128x128xf32, #tpu.memory_space<hbm>> -> memref<128x128xf32, #tpu.memory_space<hbm>>
    %dma_wait3A_572 = tpu.memref_slice %arg14[%dma_wait3A_558] : memref<2x!tpu.dma_semaphore, #tpu.memory_space<semaphore_mem>> -> memref<1x!tpu.dma_semaphore, #tpu.memory_space<semaphore_mem>>
    %dma_wait3A_573 = tpu.memref_squeeze %dma_wait3A_572 : memref<1x!tpu.dma_semaphore, #tpu.memory_space<semaphore_mem>> -> memref<!tpu.dma_semaphore, #tpu.memory_space<semaphore_mem>>
    %dma_wait3A_574 = arith.constant 0 : i32
    %dma_wait3A_575 = arith.constant 0 : i32
    %dma_wait3A_576 = arith.constant 0 : i32
    %dma_wait3A_577 = tpu.memref_slice %arg7[%add3A, %dma_wait3A_574, %dma_wait3A_575, %dma_wait3A_576] : memref<32x80x128x128xf32, #tpu.memory_space<hbm>> -> memref<1x80x128x128xf32, #tpu.memory_space<hbm>>
    %dma_wait3A_578 = tpu.memref_squeeze %dma_wait3A_577 : memref<1x80x128x128xf32, #tpu.memory_space<hbm>> -> memref<80x128x128xf32, #tpu.memory_space<hbm>>
    %dma_wait3A_579 = arith.constant 0 : i32
    %dma_wait3A_580 = arith.constant 0 : i32
    %dma_wait3A_581 = tpu.memref_slice %dma_wait3A_578[%dma_wait3A_557, %dma_wait3A_579, %dma_wait3A_580] : memref<80x128x128xf32, #tpu.memory_space<hbm>> -> memref<1x128x128xf32, #tpu.memory_space<hbm>>
    %dma_wait3A_582 = tpu.memref_squeeze %dma_wait3A_581 : memref<1x128x128xf32, #tpu.memory_space<hbm>> -> memref<128x128xf32, #tpu.memory_space<hbm>>
    %dma_wait3A_583 = arith.constant 0 : i32
    %dma_wait3A_584 = arith.constant 0 : i32
    %dma_wait3A_585 = tpu.memref_slice %arg9[%dma_wait3A_556, %dma_wait3A_583, %dma_wait3A_584] : memref<2x128x128xf32, #tpu.memory_space<vmem>> -> memref<1x128x128xf32, #tpu.memory_space<vmem>>
    %dma_wait3A_586 = tpu.memref_squeeze %dma_wait3A_585 : memref<1x128x128xf32, #tpu.memory_space<vmem>> -> memref<128x128xf32, #tpu.memory_space<vmem>>
    tpu.wait_dma2 semaphore(%dma_wait3A_573 : memref<!tpu.dma_semaphore, #tpu.memory_space<semaphore_mem>>) src(%dma_wait3A_586 : memref<128x128xf32, #tpu.memory_space<vmem>>) dst(%dma_wait3A_582 : memref<128x128xf32, #tpu.memory_space<hbm>>)
    %barrier3A_587 = arith.constant 0 : index
    tpu.barrier barrier_id(%barrier3A_587)
    %scan3A_588 = arith.constant 0 : i32
    %scan3A_589 = arith.constant 0 : i32
    %scan3A_590 = arith.constant 128 : i32
    %scan3A_591 = arith.addi %scan3A_589, %scan3A_590 : i32
    %scan3A_592 = arith.constant 1 : i32
    scf.for %scan3A_1313 = %scan3A_589 to %scan3A_591 step %scan3A_592  : i32 {
      %swap3A = arith.constant 0 : i32
      %swap3A_1314 = arith.index_cast %swap3A : i32 to index
      %swap3A_1315 = arith.index_cast %scan3A_1313 : i32 to index
      %swap3A_1316 = arith.constant 0 : index
      %swap3A_1317 = tpu.vector_load %arg9[%swap3A_1314, %swap3A_1315, %swap3A_1316] {strides = array<i32>} : memref<2x128x128xf32, #tpu.memory_space<vmem>>, vector<16xf32>,
      tpu.vector_store %arg9[%swap3A_1314, %swap3A_1315, %swap3A_1316], %broadcast_in_dim3A_1 {strides = array<i32>} : memref<2x128x128xf32, #tpu.memory_space<vmem>>, vector<16xf32>,
      %swap3A_1318 = arith.constant 0 : i32
      %swap3A_1319 = arith.index_cast %swap3A_1318 : i32 to index
      %swap3A_1320 = arith.index_cast %scan3A_1313 : i32 to index
      %swap3A_1321 = arith.constant 16 : index
      %swap3A_1322 = tpu.vector_load %arg9[%swap3A_1319, %swap3A_1320, %swap3A_1321] {strides = array<i32>} : memref<2x128x128xf32, #tpu.memory_space<vmem>>, vector<16xf32>,
      tpu.vector_store %arg9[%swap3A_1319, %swap3A_1320, %swap3A_1321], %broadcast_in_dim3A_1 {strides = array<i32>} : memref<2x128x128xf32, #tpu.memory_space<vmem>>, vector<16xf32>,
      %swap3A_1323 = arith.constant 0 : i32
      %swap3A_1324 = arith.index_cast %swap3A_1323 : i32 to index
      %swap3A_1325 = arith.index_cast %scan3A_1313 : i32 to index
      %swap3A_1326 = arith.constant 32 : index
      %swap3A_1327 = tpu.vector_load %arg9[%swap3A_1324, %swap3A_1325, %swap3A_1326] {strides = array<i32>} : memref<2x128x128xf32, #tpu.memory_space<vmem>>, vector<16xf32>,
      tpu.vector_store %arg9[%swap3A_1324, %swap3A_1325, %swap3A_1326], %broadcast_in_dim3A_1 {strides = array<i32>} : memref<2x128x128xf32, #tpu.memory_space<vmem>>, vector<16xf32>,
      %swap3A_1328 = arith.constant 0 : i32
      %swap3A_1329 = arith.index_cast %swap3A_1328 : i32 to index
      %swap3A_1330 = arith.index_cast %scan3A_1313 : i32 to index
      %swap3A_1331 = arith.constant 48 : index
      %swap3A_1332 = tpu.vector_load %arg9[%swap3A_1329, %swap3A_1330, %swap3A_1331] {strides = array<i32>} : memref<2x128x128xf32, #tpu.memory_space<vmem>>, vector<16xf32>,
      tpu.vector_store %arg9[%swap3A_1329, %swap3A_1330, %swap3A_1331], %broadcast_in_dim3A_1 {strides = array<i32>} : memref<2x128x128xf32, #tpu.memory_space<vmem>>, vector<16xf32>,
      %swap3A_1333 = arith.constant 0 : i32
      %swap3A_1334 = arith.index_cast %swap3A_1333 : i32 to index
      %swap3A_1335 = arith.index_cast %scan3A_1313 : i32 to index
      %swap3A_1336 = arith.constant 64 : index
      %swap3A_1337 = tpu.vector_load %arg9[%swap3A_1334, %swap3A_1335, %swap3A_1336] {strides = array<i32>} : memref<2x128x128xf32, #tpu.memory_space<vmem>>, vector<16xf32>,
      tpu.vector_store %arg9[%swap3A_1334, %swap3A_1335, %swap3A_1336], %broadcast_in_dim3A_1 {strides = array<i32>} : memref<2x128x128xf32, #tpu.memory_space<vmem>>, vector<16xf32>,
      %swap3A_1338 = arith.constant 0 : i32
      %swap3A_1339 = arith.index_cast %swap3A_1338 : i32 to index
      %swap3A_1340 = arith.index_cast %scan3A_1313 : i32 to index
      %swap3A_1341 = arith.constant 80 : index
      %swap3A_1342 = tpu.vector_load %arg9[%swap3A_1339, %swap3A_1340, %swap3A_1341] {strides = array<i32>} : memref<2x128x128xf32, #tpu.memory_space<vmem>>, vector<16xf32>,
      tpu.vector_store %arg9[%swap3A_1339, %swap3A_1340, %swap3A_1341], %broadcast_in_dim3A_1 {strides = array<i32>} : memref<2x128x128xf32, #tpu.memory_space<vmem>>, vector<16xf32>,
      %swap3A_1343 = arith.constant 0 : i32
      %swap3A_1344 = arith.index_cast %swap3A_1343 : i32 to index
      %swap3A_1345 = arith.index_cast %scan3A_1313 : i32 to index
      %swap3A_1346 = arith.constant 96 : index
      %swap3A_1347 = tpu.vector_load %arg9[%swap3A_1344, %swap3A_1345, %swap3A_1346] {strides = array<i32>} : memref<2x128x128xf32, #tpu.memory_space<vmem>>, vector<16xf32>,
      tpu.vector_store %arg9[%swap3A_1344, %swap3A_1345, %swap3A_1346], %broadcast_in_dim3A_1 {strides = array<i32>} : memref<2x128x128xf32, #tpu.memory_space<vmem>>, vector<16xf32>,
      %swap3A_1348 = arith.constant 0 : i32
      %swap3A_1349 = arith.index_cast %swap3A_1348 : i32 to index
      %swap3A_1350 = arith.index_cast %scan3A_1313 : i32 to index
      %swap3A_1351 = arith.constant 112 : index
      %swap3A_1352 = tpu.vector_load %arg9[%swap3A_1349, %swap3A_1350, %swap3A_1351] {strides = array<i32>} : memref<2x128x128xf32, #tpu.memory_space<vmem>>, vector<16xf32>,
      tpu.vector_store %arg9[%swap3A_1349, %swap3A_1350, %swap3A_1351], %broadcast_in_dim3A_1 {strides = array<i32>} : memref<2x128x128xf32, #tpu.memory_space<vmem>>, vector<16xf32>,
    }
    %scan3A_593 = arith.constant 128 : i32
    %mul3A_594 = arith.constant 632 : i32
    %mul3A_595 = arith.muli %arg1, %mul3A_594 : i32
    %add3A_596 = arith.constant 0 : i32
    %add3A_597 = arith.addi %mul3A_595, %add3A_596 : i32
    %run_scoped3A = arith.constant 0 : i32
    "tpu.region"() ({
      %run_scoped3A_1313 = tpu.sem_alloc : memref<!tpu.dma_semaphore, #tpu.memory_space<semaphore_mem>>
      %dma_start3A_1314 = arith.constant 0 : i32
      %dma_start3A_1315 = arith.constant 0 : i32
      %dma_start3A_1316 = tpu.memref_slice %arg9[%run_scoped3A, %dma_start3A_1314, %dma_start3A_1315] : memref<2x128x128xf32, #tpu.memory_space<vmem>> -> memref<1x128x128xf32, #tpu.memory_space<vmem>>
      %dma_start3A_1317 = tpu.memref_squeeze %dma_start3A_1316 : memref<1x128x128xf32, #tpu.memory_space<vmem>> -> memref<128x128xf32, #tpu.memory_space<vmem>>
      %dma_start3A_1318 = arith.constant 0 : i32
      %dma_start3A_1319 = tpu.memref_slice %arg11[%add3A_597, %dma_start3A_1318] : memref<10112x128xf32, #tpu.memory_space<vmem_shared>> -> memref<128x128xf32, #tpu.memory_space<vmem_shared>>
      %dma_start3A_1320 = arith.constant 0 : i32
      %dma_start3A_1321 = tpu.memref_slice %arg11[%add3A_597, %dma_start3A_1320] : memref<10112x128xf32, #tpu.memory_space<vmem_shared>> -> memref<128x128xf32, #tpu.memory_space<vmem_shared>>
      %dma_start3A_1322 = arith.constant 0 : i32
      %dma_start3A_1323 = arith.constant 0 : i32
      %dma_start3A_1324 = tpu.memref_slice %arg9[%run_scoped3A, %dma_start3A_1322, %dma_start3A_1323] : memref<2x128x128xf32, #tpu.memory_space<vmem>> -> memref<1x128x128xf32, #tpu.memory_space<vmem>>
      %dma_start3A_1325 = tpu.memref_squeeze %dma_start3A_1324 : memref<1x128x128xf32, #tpu.memory_space<vmem>> -> memref<128x128xf32, #tpu.memory_space<vmem>>
      tpu.enqueue_dma source(%dma_start3A_1325 : memref<128x128xf32, #tpu.memory_space<vmem>>) target(%dma_start3A_1321 : memref<128x128xf32, #tpu.memory_space<vmem_shared>>) target_semaphore(%run_scoped3A_1313 : memref<!tpu.dma_semaphore, #tpu.memory_space<semaphore_mem>>)
      %dma_wait3A_1326 = arith.constant 0 : i32
      %dma_wait3A_1327 = arith.constant 0 : i32
      %dma_wait3A_1328 = tpu.memref_slice %arg9[%run_scoped3A, %dma_wait3A_1326, %dma_wait3A_1327] : memref<2x128x128xf32, #tpu.memory_space<vmem>> -> memref<1x128x128xf32, #tpu.memory_space<vmem>>
      %dma_wait3A_1329 = tpu.memref_squeeze %dma_wait3A_1328 : memref<1x128x128xf32, #tpu.memory_space<vmem>> -> memref<128x128xf32, #tpu.memory_space<vmem>>
      %dma_wait3A_1330 = arith.constant 0 : i32
      %dma_wait3A_1331 = tpu.memref_slice %arg11[%add3A_597, %dma_wait3A_1330] : memref<10112x128xf32, #tpu.memory_space<vmem_shared>> -> memref<128x128xf32, #tpu.memory_space<vmem_shared>>
      %dma_wait3A_1332 = arith.constant 0 : i32
      %dma_wait3A_1333 = tpu.memref_slice %arg11[%add3A_597, %dma_wait3A_1332] : memref<10112x128xf32, #tpu.memory_space<vmem_shared>> -> memref<128x128xf32, #tpu.memory_space<vmem_shared>>
      %dma_wait3A_1334 = arith.constant 0 : i32
      %dma_wait3A_1335 = arith.constant 0 : i32
      %dma_wait3A_1336 = tpu.memref_slice %arg9[%run_scoped3A, %dma_wait3A_1334, %dma_wait3A_1335] : memref<2x128x128xf32, #tpu.memory_space<vmem>> -> memref<1x128x128xf32, #tpu.memory_space<vmem>>
      %dma_wait3A_1337 = tpu.memref_squeeze %dma_wait3A_1336 : memref<1x128x128xf32, #tpu.memory_space<vmem>> -> memref<128x128xf32, #tpu.memory_space<vmem>>
      tpu.wait_dma2 semaphore(%run_scoped3A_1313 : memref<!tpu.dma_semaphore, #tpu.memory_space<semaphore_mem>>) src(%dma_wait3A_1337 : memref<128x128xf32, #tpu.memory_space<vmem>>) dst(%dma_wait3A_1333 : memref<128x128xf32, #tpu.memory_space<vmem_shared>>)
      tpu.yield
    }) : () -> ()
    %add3A_598 = arith.constant 128 : i32
    %add3A_599 = arith.addi %mul3A_595, %add3A_598 : i32
    %run_scoped3A_600 = arith.constant 0 : i32
    "tpu.region"() ({
      %run_scoped3A_1313 = tpu.sem_alloc : memref<!tpu.dma_semaphore, #tpu.memory_space<semaphore_mem>>
      %dma_start3A_1314 = arith.constant 0 : i32
      %dma_start3A_1315 = arith.constant 0 : i32
      %dma_start3A_1316 = tpu.memref_slice %arg9[%run_scoped3A_600, %dma_start3A_1314, %dma_start3A_1315] : memref<2x128x128xf32, #tpu.memory_space<vmem>> -> memref<1x128x128xf32, #tpu.memory_space<vmem>>
      %dma_start3A_1317 = tpu.memref_squeeze %dma_start3A_1316 : memref<1x128x128xf32, #tpu.memory_space<vmem>> -> memref<128x128xf32, #tpu.memory_space<vmem>>
      %dma_start3A_1318 = arith.constant 0 : i32
      %dma_start3A_1319 = tpu.memref_slice %arg11[%add3A_599, %dma_start3A_1318] : memref<10112x128xf32, #tpu.memory_space<vmem_shared>> -> memref<128x128xf32, #tpu.memory_space<vmem_shared>>
      %dma_start3A_1320 = arith.constant 0 : i32
      %dma_start3A_1321 = tpu.memref_slice %arg11[%add3A_599, %dma_start3A_1320] : memref<10112x128xf32, #tpu.memory_space<vmem_shared>> -> memref<128x128xf32, #tpu.memory_space<vmem_shared>>
      %dma_start3A_1322 = arith.constant 0 : i32
      %dma_start3A_1323 = arith.constant 0 : i32
      %dma_start3A_1324 = tpu.memref_slice %arg9[%run_scoped3A_600, %dma_start3A_1322, %dma_start3A_1323] : memref<2x128x128xf32, #tpu.memory_space<vmem>> -> memref<1x128x128xf32, #tpu.memory_space<vmem>>
      %dma_start3A_1325 = tpu.memref_squeeze %dma_start3A_1324 : memref<1x128x128xf32, #tpu.memory_space<vmem>> -> memref<128x128xf32, #tpu.memory_space<vmem>>
      tpu.enqueue_dma source(%dma_start3A_1325 : memref<128x128xf32, #tpu.memory_space<vmem>>) target(%dma_start3A_1321 : memref<128x128xf32, #tpu.memory_space<vmem_shared>>) target_semaphore(%run_scoped3A_1313 : memref<!tpu.dma_semaphore, #tpu.memory_space<semaphore_mem>>)
      %dma_wait3A_1326 = arith.constant 0 : i32
      %dma_wait3A_1327 = arith.constant 0 : i32
      %dma_wait3A_1328 = tpu.memref_slice %arg9[%run_scoped3A_600, %dma_wait3A_1326, %dma_wait3A_1327] : memref<2x128x128xf32, #tpu.memory_space<vmem>> -> memref<1x128x128xf32, #tpu.memory_space<vmem>>
      %dma_wait3A_1329 = tpu.memref_squeeze %dma_wait3A_1328 : memref<1x128x128xf32, #tpu.memory_space<vmem>> -> memref<128x128xf32, #tpu.memory_space<vmem>>
      %dma_wait3A_1330 = arith.constant 0 : i32
      %dma_wait3A_1331 = tpu.memref_slice %arg11[%add3A_599, %dma_wait3A_1330] : memref<10112x128xf32, #tpu.memory_space<vmem_shared>> -> memref<128x128xf32, #tpu.memory_space<vmem_shared>>
      %dma_wait3A_1332 = arith.constant 0 : i32
      %dma_wait3A_1333 = tpu.memref_slice %arg11[%add3A_599, %dma_wait3A_1332] : memref<10112x128xf32, #tpu.memory_space<vmem_shared>> -> memref<128x128xf32, #tpu.memory_space<vmem_shared>>
      %dma_wait3A_1334 = arith.constant 0 : i32
      %dma_wait3A_1335 = arith.constant 0 : i32
      %dma_wait3A_1336 = tpu.memref_slice %arg9[%run_scoped3A_600, %dma_wait3A_1334, %dma_wait3A_1335] : memref<2x128x128xf32, #tpu.memory_space<vmem>> -> memref<1x128x128xf32, #tpu.memory_space<vmem>>
      %dma_wait3A_1337 = tpu.memref_squeeze %dma_wait3A_1336 : memref<1x128x128xf32, #tpu.memory_space<vmem>> -> memref<128x128xf32, #tpu.memory_space<vmem>>
      tpu.wait_dma2 semaphore(%run_scoped3A_1313 : memref<!tpu.dma_semaphore, #tpu.memory_space<semaphore_mem>>) src(%dma_wait3A_1337 : memref<128x128xf32, #tpu.memory_space<vmem>>) dst(%dma_wait3A_1333 : memref<128x128xf32, #tpu.memory_space<vmem_shared>>)
      tpu.yield
    }) : () -> ()
    %add3A_601 = arith.constant 256 : i32
    %add3A_602 = arith.addi %mul3A_595, %add3A_601 : i32
    %run_scoped3A_603 = arith.constant 0 : i32
    "tpu.region"() ({
      %run_scoped3A_1313 = tpu.sem_alloc : memref<!tpu.dma_semaphore, #tpu.memory_space<semaphore_mem>>
      %dma_start3A_1314 = arith.constant 0 : i32
      %dma_start3A_1315 = arith.constant 0 : i32
      %dma_start3A_1316 = tpu.memref_slice %arg9[%run_scoped3A_603, %dma_start3A_1314, %dma_start3A_1315] : memref<2x128x128xf32, #tpu.memory_space<vmem>> -> memref<1x128x128xf32, #tpu.memory_space<vmem>>
      %dma_start3A_1317 = tpu.memref_squeeze %dma_start3A_1316 : memref<1x128x128xf32, #tpu.memory_space<vmem>> -> memref<128x128xf32, #tpu.memory_space<vmem>>
      %dma_start3A_1318 = arith.constant 0 : i32
      %dma_start3A_1319 = tpu.memref_slice %arg11[%add3A_602, %dma_start3A_1318] : memref<10112x128xf32, #tpu.memory_space<vmem_shared>> -> memref<128x128xf32, #tpu.memory_space<vmem_shared>>
      %dma_start3A_1320 = arith.constant 0 : i32
      %dma_start3A_1321 = tpu.memref_slice %arg11[%add3A_602, %dma_start3A_1320] : memref<10112x128xf32, #tpu.memory_space<vmem_shared>> -> memref<128x128xf32, #tpu.memory_space<vmem_shared>>
      %dma_start3A_1322 = arith.constant 0 : i32
      %dma_start3A_1323 = arith.constant 0 : i32
      %dma_start3A_1324 = tpu.memref_slice %arg9[%run_scoped3A_603, %dma_start3A_1322, %dma_start3A_1323] : memref<2x128x128xf32, #tpu.memory_space<vmem>> -> memref<1x128x128xf32, #tpu.memory_space<vmem>>
      %dma_start3A_1325 = tpu.memref_squeeze %dma_start3A_1324 : memref<1x128x128xf32, #tpu.memory_space<vmem>> -> memref<128x128xf32, #tpu.memory_space<vmem>>
      tpu.enqueue_dma source(%dma_start3A_1325 : memref<128x128xf32, #tpu.memory_space<vmem>>) target(%dma_start3A_1321 : memref<128x128xf32, #tpu.memory_space<vmem_shared>>) target_semaphore(%run_scoped3A_1313 : memref<!tpu.dma_semaphore, #tpu.memory_space<semaphore_mem>>)
      %dma_wait3A_1326 = arith.constant 0 : i32
      %dma_wait3A_1327 = arith.constant 0 : i32
      %dma_wait3A_1328 = tpu.memref_slice %arg9[%run_scoped3A_603, %dma_wait3A_1326, %dma_wait3A_1327] : memref<2x128x128xf32, #tpu.memory_space<vmem>> -> memref<1x128x128xf32, #tpu.memory_space<vmem>>
      %dma_wait3A_1329 = tpu.memref_squeeze %dma_wait3A_1328 : memref<1x128x128xf32, #tpu.memory_space<vmem>> -> memref<128x128xf32, #tpu.memory_space<vmem>>
      %dma_wait3A_1330 = arith.constant 0 : i32
      %dma_wait3A_1331 = tpu.memref_slice %arg11[%add3A_602, %dma_wait3A_1330] : memref<10112x128xf32, #tpu.memory_space<vmem_shared>> -> memref<128x128xf32, #tpu.memory_space<vmem_shared>>
      %dma_wait3A_1332 = arith.constant 0 : i32
      %dma_wait3A_1333 = tpu.memref_slice %arg11[%add3A_602, %dma_wait3A_1332] : memref<10112x128xf32, #tpu.memory_space<vmem_shared>> -> memref<128x128xf32, #tpu.memory_space<vmem_shared>>
      %dma_wait3A_1334 = arith.constant 0 : i32
      %dma_wait3A_1335 = arith.constant 0 : i32
      %dma_wait3A_1336 = tpu.memref_slice %arg9[%run_scoped3A_603, %dma_wait3A_1334, %dma_wait3A_1335] : memref<2x128x128xf32, #tpu.memory_space<vmem>> -> memref<1x128x128xf32, #tpu.memory_space<vmem>>
      %dma_wait3A_1337 = tpu.memref_squeeze %dma_wait3A_1336 : memref<1x128x128xf32, #tpu.memory_space<vmem>> -> memref<128x128xf32, #tpu.memory_space<vmem>>
      tpu.wait_dma2 semaphore(%run_scoped3A_1313 : memref<!tpu.dma_semaphore, #tpu.memory_space<semaphore_mem>>) src(%dma_wait3A_1337 : memref<128x128xf32, #tpu.memory_space<vmem>>) dst(%dma_wait3A_1333 : memref<128x128xf32, #tpu.memory_space<vmem_shared>>)
      tpu.yield
    }) : () -> ()
    %add3A_604 = arith.constant 384 : i32
    %add3A_605 = arith.addi %mul3A_595, %add3A_604 : i32
    %run_scoped3A_606 = arith.constant 0 : i32
    "tpu.region"() ({
      %run_scoped3A_1313 = tpu.sem_alloc : memref<!tpu.dma_semaphore, #tpu.memory_space<semaphore_mem>>
      %dma_start3A_1314 = arith.constant 0 : i32
      %dma_start3A_1315 = arith.constant 0 : i32
      %dma_start3A_1316 = tpu.memref_slice %arg9[%run_scoped3A_606, %dma_start3A_1314, %dma_start3A_1315] : memref<2x128x128xf32, #tpu.memory_space<vmem>> -> memref<1x128x128xf32, #tpu.memory_space<vmem>>
      %dma_start3A_1317 = tpu.memref_squeeze %dma_start3A_1316 : memref<1x128x128xf32, #tpu.memory_space<vmem>> -> memref<128x128xf32, #tpu.memory_space<vmem>>
      %dma_start3A_1318 = arith.constant 0 : i32
      %dma_start3A_1319 = tpu.memref_slice %arg11[%add3A_605, %dma_start3A_1318] : memref<10112x128xf32, #tpu.memory_space<vmem_shared>> -> memref<128x128xf32, #tpu.memory_space<vmem_shared>>
      %dma_start3A_1320 = arith.constant 0 : i32
      %dma_start3A_1321 = tpu.memref_slice %arg11[%add3A_605, %dma_start3A_1320] : memref<10112x128xf32, #tpu.memory_space<vmem_shared>> -> memref<128x128xf32, #tpu.memory_space<vmem_shared>>
      %dma_start3A_1322 = arith.constant 0 : i32
      %dma_start3A_1323 = arith.constant 0 : i32
      %dma_start3A_1324 = tpu.memref_slice %arg9[%run_scoped3A_606, %dma_start3A_1322, %dma_start3A_1323] : memref<2x128x128xf32, #tpu.memory_space<vmem>> -> memref<1x128x128xf32, #tpu.memory_space<vmem>>
      %dma_start3A_1325 = tpu.memref_squeeze %dma_start3A_1324 : memref<1x128x128xf32, #tpu.memory_space<vmem>> -> memref<128x128xf32, #tpu.memory_space<vmem>>
      tpu.enqueue_dma source(%dma_start3A_1325 : memref<128x128xf32, #tpu.memory_space<vmem>>) target(%dma_start3A_1321 : memref<128x128xf32, #tpu.memory_space<vmem_shared>>) target_semaphore(%run_scoped3A_1313 : memref<!tpu.dma_semaphore, #tpu.memory_space<semaphore_mem>>)
      %dma_wait3A_1326 = arith.constant 0 : i32
      %dma_wait3A_1327 = arith.constant 0 : i32
      %dma_wait3A_1328 = tpu.memref_slice %arg9[%run_scoped3A_606, %dma_wait3A_1326, %dma_wait3A_1327] : memref<2x128x128xf32, #tpu.memory_space<vmem>> -> memref<1x128x128xf32, #tpu.memory_space<vmem>>
      %dma_wait3A_1329 = tpu.memref_squeeze %dma_wait3A_1328 : memref<1x128x128xf32, #tpu.memory_space<vmem>> -> memref<128x128xf32, #tpu.memory_space<vmem>>
      %dma_wait3A_1330 = arith.constant 0 : i32
      %dma_wait3A_1331 = tpu.memref_slice %arg11[%add3A_605, %dma_wait3A_1330] : memref<10112x128xf32, #tpu.memory_space<vmem_shared>> -> memref<128x128xf32, #tpu.memory_space<vmem_shared>>
      %dma_wait3A_1332 = arith.constant 0 : i32
      %dma_wait3A_1333 = tpu.memref_slice %arg11[%add3A_605, %dma_wait3A_1332] : memref<10112x128xf32, #tpu.memory_space<vmem_shared>> -> memref<128x128xf32, #tpu.memory_space<vmem_shared>>
      %dma_wait3A_1334 = arith.constant 0 : i32
      %dma_wait3A_1335 = arith.constant 0 : i32
      %dma_wait3A_1336 = tpu.memref_slice %arg9[%run_scoped3A_606, %dma_wait3A_1334, %dma_wait3A_1335] : memref<2x128x128xf32, #tpu.memory_space<vmem>> -> memref<1x128x128xf32, #tpu.memory_space<vmem>>
      %dma_wait3A_1337 = tpu.memref_squeeze %dma_wait3A_1336 : memref<1x128x128xf32, #tpu.memory_space<vmem>> -> memref<128x128xf32, #tpu.memory_space<vmem>>
      tpu.wait_dma2 semaphore(%run_scoped3A_1313 : memref<!tpu.dma_semaphore, #tpu.memory_space<semaphore_mem>>) src(%dma_wait3A_1337 : memref<128x128xf32, #tpu.memory_space<vmem>>) dst(%dma_wait3A_1333 : memref<128x128xf32, #tpu.memory_space<vmem_shared>>)
      tpu.yield
    }) : () -> ()
    %add3A_607 = arith.constant 512 : i32
    %add3A_608 = arith.addi %mul3A_595, %add3A_607 : i32
    %run_scoped3A_609 = arith.constant 0 : i32
    "tpu.region"() ({
      %run_scoped3A_1313 = tpu.sem_alloc : memref<!tpu.dma_semaphore, #tpu.memory_space<semaphore_mem>>
      %dma_start3A_1314 = arith.constant 0 : i32
      %dma_start3A_1315 = arith.constant 0 : i32
      %dma_start3A_1316 = tpu.memref_slice %arg9[%run_scoped3A_609, %dma_start3A_1314, %dma_start3A_1315] : memref<2x128x128xf32, #tpu.memory_space<vmem>> -> memref<1x128x128xf32, #tpu.memory_space<vmem>>
      %dma_start3A_1317 = tpu.memref_squeeze %dma_start3A_1316 : memref<1x128x128xf32, #tpu.memory_space<vmem>> -> memref<128x128xf32, #tpu.memory_space<vmem>>
      %dma_start3A_1318 = arith.constant 0 : i32
      %dma_start3A_1319 = arith.constant 0 : i32
      %dma_start3A_1320 = tpu.memref_slice %dma_start3A_1317[%dma_start3A_1318, %dma_start3A_1319] : memref<128x128xf32, #tpu.memory_space<vmem>> -> memref<120x128xf32, #tpu.memory_space<vmem>>
      %dma_start3A_1321 = arith.constant 0 : i32
      %dma_start3A_1322 = tpu.memref_slice %arg11[%add3A_608, %dma_start3A_1321] : memref<10112x128xf32, #tpu.memory_space<vmem_shared>> -> memref<120x128xf32, #tpu.memory_space<vmem_shared>>
      %dma_start3A_1323 = arith.constant 0 : i32
      %dma_start3A_1324 = tpu.memref_slice %arg11[%add3A_608, %dma_start3A_1323] : memref<10112x128xf32, #tpu.memory_space<vmem_shared>> -> memref<120x128xf32, #tpu.memory_space<vmem_shared>>
      %dma_start3A_1325 = arith.constant 0 : i32
      %dma_start3A_1326 = arith.constant 0 : i32
      %dma_start3A_1327 = tpu.memref_slice %arg9[%run_scoped3A_609, %dma_start3A_1325, %dma_start3A_1326] : memref<2x128x128xf32, #tpu.memory_space<vmem>> -> memref<1x128x128xf32, #tpu.memory_space<vmem>>
      %dma_start3A_1328 = tpu.memref_squeeze %dma_start3A_1327 : memref<1x128x128xf32, #tpu.memory_space<vmem>> -> memref<128x128xf32, #tpu.memory_space<vmem>>
      %dma_start3A_1329 = arith.constant 0 : i32
      %dma_start3A_1330 = arith.constant 0 : i32
      %dma_start3A_1331 = tpu.memref_slice %dma_start3A_1328[%dma_start3A_1329, %dma_start3A_1330] : memref<128x128xf32, #tpu.memory_space<vmem>> -> memref<120x128xf32, #tpu.memory_space<vmem>>
      tpu.enqueue_dma source(%dma_start3A_1331 : memref<120x128xf32, #tpu.memory_space<vmem>>) target(%dma_start3A_1324 : memref<120x128xf32, #tpu.memory_space<vmem_shared>>) target_semaphore(%run_scoped3A_1313 : memref<!tpu.dma_semaphore, #tpu.memory_space<semaphore_mem>>)
      %dma_wait3A_1332 = arith.constant 0 : i32
      %dma_wait3A_1333 = arith.constant 0 : i32
      %dma_wait3A_1334 = tpu.memref_slice %arg9[%run_scoped3A_609, %dma_wait3A_1332, %dma_wait3A_1333] : memref<2x128x128xf32, #tpu.memory_space<vmem>> -> memref<1x128x128xf32, #tpu.memory_space<vmem>>
      %dma_wait3A_1335 = tpu.memref_squeeze %dma_wait3A_1334 : memref<1x128x128xf32, #tpu.memory_space<vmem>> -> memref<128x128xf32, #tpu.memory_space<vmem>>
      %dma_wait3A_1336 = arith.constant 0 : i32
      %dma_wait3A_1337 = arith.constant 0 : i32
      %dma_wait3A_1338 = tpu.memref_slice %dma_wait3A_1335[%dma_wait3A_1336, %dma_wait3A_1337] : memref<128x128xf32, #tpu.memory_space<vmem>> -> memref<120x128xf32, #tpu.memory_space<vmem>>
      %dma_wait3A_1339 = arith.constant 0 : i32
      %dma_wait3A_1340 = tpu.memref_slice %arg11[%add3A_608, %dma_wait3A_1339] : memref<10112x128xf32, #tpu.memory_space<vmem_shared>> -> memref<120x128xf32, #tpu.memory_space<vmem_shared>>
      %dma_wait3A_1341 = arith.constant 0 : i32
      %dma_wait3A_1342 = tpu.memref_slice %arg11[%add3A_608, %dma_wait3A_1341] : memref<10112x128xf32, #tpu.memory_space<vmem_shared>> -> memref<120x128xf32, #tpu.memory_space<vmem_shared>>
      %dma_wait3A_1343 = arith.constant 0 : i32
      %dma_wait3A_1344 = arith.constant 0 : i32
      %dma_wait3A_1345 = tpu.memref_slice %arg9[%run_scoped3A_609, %dma_wait3A_1343, %dma_wait3A_1344] : memref<2x128x128xf32, #tpu.memory_space<vmem>> -> memref<1x128x128xf32, #tpu.memory_space<vmem>>
      %dma_wait3A_1346 = tpu.memref_squeeze %dma_wait3A_1345 : memref<1x128x128xf32, #tpu.memory_space<vmem>> -> memref<128x128xf32, #tpu.memory_space<vmem>>
      %dma_wait3A_1347 = arith.constant 0 : i32
      %dma_wait3A_1348 = arith.constant 0 : i32
      %dma_wait3A_1349 = tpu.memref_slice %dma_wait3A_1346[%dma_wait3A_1347, %dma_wait3A_1348] : memref<128x128xf32, #tpu.memory_space<vmem>> -> memref<120x128xf32, #tpu.memory_space<vmem>>
      tpu.wait_dma2 semaphore(%run_scoped3A_1313 : memref<!tpu.dma_semaphore, #tpu.memory_space<semaphore_mem>>) src(%dma_wait3A_1349 : memref<120x128xf32, #tpu.memory_space<vmem>>) dst(%dma_wait3A_1342 : memref<120x128xf32, #tpu.memory_space<vmem_shared>>)
      tpu.yield
    }) : () -> ()
    %barrier3A_610 = arith.constant 0 : index
    tpu.barrier barrier_id(%barrier3A_610)
    %dma_start3A_611 = arith.constant 0 : i32
    %dma_start3A_612 = arith.constant 0 : i32
    %dma_start3A_613 = arith.constant 0 : i32
    %dma_start3A_614 = arith.constant 0 : i32
    %dma_start3A_615 = tpu.memref_slice %arg8[%dma_start3A_612, %dma_start3A_614] : memref<4x128xi32, #tpu.memory_space<vmem>> -> memref<1x128xi32, #tpu.memory_space<vmem>>
    %dma_start3A_616 = tpu.memref_squeeze %dma_start3A_615 : memref<1x128xi32, #tpu.memory_space<vmem>> -> memref<128xi32, #tpu.memory_space<vmem>>
    %dma_start3A_617 = arith.constant 0 : i32
    %dma_start3A_618 = arith.constant 0 : i32
    %dma_start3A_619 = tpu.memref_slice %arg4[%add3A, %dma_start3A_617, %dma_start3A_618] : memref<32x80x128xi32, #tpu.memory_space<hbm>> -> memref<1x80x128xi32, #tpu.memory_space<hbm>>
    %dma_start3A_620 = tpu.memref_squeeze %dma_start3A_619 : memref<1x80x128xi32, #tpu.memory_space<hbm>> -> memref<80x128xi32, #tpu.memory_space<hbm>>
    %dma_start3A_621 = arith.constant 0 : i32
    %dma_start3A_622 = tpu.memref_slice %dma_start3A_620[%dma_start3A_611, %dma_start3A_621] : memref<80x128xi32, #tpu.memory_space<hbm>> -> memref<1x128xi32, #tpu.memory_space<hbm>>
    %dma_start3A_623 = tpu.memref_squeeze %dma_start3A_622 : memref<1x128xi32, #tpu.memory_space<hbm>> -> memref<128xi32, #tpu.memory_space<hbm>>
    %dma_start3A_624 = tpu.memref_slice %arg12[%dma_start3A_613] : memref<4x!tpu.dma_semaphore, #tpu.memory_space<semaphore_mem>> -> memref<1x!tpu.dma_semaphore, #tpu.memory_space<semaphore_mem>>
    %dma_start3A_625 = tpu.memref_squeeze %dma_start3A_624 : memref<1x!tpu.dma_semaphore, #tpu.memory_space<semaphore_mem>> -> memref<!tpu.dma_semaphore, #tpu.memory_space<semaphore_mem>>
    %dma_start3A_626 = arith.constant 0 : i32
    %dma_start3A_627 = tpu.memref_slice %arg8[%dma_start3A_612, %dma_start3A_626] : memref<4x128xi32, #tpu.memory_space<vmem>> -> memref<1x128xi32, #tpu.memory_space<vmem>>
    %dma_start3A_628 = tpu.memref_squeeze %dma_start3A_627 : memref<1x128xi32, #tpu.memory_space<vmem>> -> memref<128xi32, #tpu.memory_space<vmem>>
    %dma_start3A_629 = arith.constant 0 : i32
    %dma_start3A_630 = arith.constant 0 : i32
    %dma_start3A_631 = tpu.memref_slice %arg4[%add3A, %dma_start3A_629, %dma_start3A_630] : memref<32x80x128xi32, #tpu.memory_space<hbm>> -> memref<1x80x128xi32, #tpu.memory_space<hbm>>
    %dma_start3A_632 = tpu.memref_squeeze %dma_start3A_631 : memref<1x80x128xi32, #tpu.memory_space<hbm>> -> memref<80x128xi32, #tpu.memory_space<hbm>>
    %dma_start3A_633 = arith.constant 0 : i32
    %dma_start3A_634 = tpu.memref_slice %dma_start3A_632[%dma_start3A_611, %dma_start3A_633] : memref<80x128xi32, #tpu.memory_space<hbm>> -> memref<1x128xi32, #tpu.memory_space<hbm>>
    %dma_start3A_635 = tpu.memref_squeeze %dma_start3A_634 : memref<1x128xi32, #tpu.memory_space<hbm>> -> memref<128xi32, #tpu.memory_space<hbm>>
    tpu.enqueue_dma source(%dma_start3A_635 : memref<128xi32, #tpu.memory_space<hbm>>) target(%dma_start3A_628 : memref<128xi32, #tpu.memory_space<vmem>>) target_semaphore(%dma_start3A_625 : memref<!tpu.dma_semaphore, #tpu.memory_space<semaphore_mem>>)
    %dma_start3A_636 = arith.constant 1 : i32
    %dma_start3A_637 = arith.constant 1 : i32
    %dma_start3A_638 = arith.constant 1 : i32
    %dma_start3A_639 = arith.constant 0 : i32
    %dma_start3A_640 = tpu.memref_slice %arg8[%dma_start3A_637, %dma_start3A_639] : memref<4x128xi32, #tpu.memory_space<vmem>> -> memref<1x128xi32, #tpu.memory_space<vmem>>
    %dma_start3A_641 = tpu.memref_squeeze %dma_start3A_640 : memref<1x128xi32, #tpu.memory_space<vmem>> -> memref<128xi32, #tpu.memory_space<vmem>>
    %dma_start3A_642 = arith.constant 0 : i32
    %dma_start3A_643 = arith.constant 0 : i32
    %dma_start3A_644 = tpu.memref_slice %arg4[%add3A, %dma_start3A_642, %dma_start3A_643] : memref<32x80x128xi32, #tpu.memory_space<hbm>> -> memref<1x80x128xi32, #tpu.memory_space<hbm>>
    %dma_start3A_645 = tpu.memref_squeeze %dma_start3A_644 : memref<1x80x128xi32, #tpu.memory_space<hbm>> -> memref<80x128xi32, #tpu.memory_space<hbm>>
    %dma_start3A_646 = arith.constant 0 : i32
    %dma_start3A_647 = tpu.memref_slice %dma_start3A_645[%dma_start3A_636, %dma_start3A_646] : memref<80x128xi32, #tpu.memory_space<hbm>> -> memref<1x128xi32, #tpu.memory_space<hbm>>
    %dma_start3A_648 = tpu.memref_squeeze %dma_start3A_647 : memref<1x128xi32, #tpu.memory_space<hbm>> -> memref<128xi32, #tpu.memory_space<hbm>>
    %dma_start3A_649 = tpu.memref_slice %arg12[%dma_start3A_638] : memref<4x!tpu.dma_semaphore, #tpu.memory_space<semaphore_mem>> -> memref<1x!tpu.dma_semaphore, #tpu.memory_space<semaphore_mem>>
    %dma_start3A_650 = tpu.memref_squeeze %dma_start3A_649 : memref<1x!tpu.dma_semaphore, #tpu.memory_space<semaphore_mem>> -> memref<!tpu.dma_semaphore, #tpu.memory_space<semaphore_mem>>
    %dma_start3A_651 = arith.constant 0 : i32
    %dma_start3A_652 = tpu.memref_slice %arg8[%dma_start3A_637, %dma_start3A_651] : memref<4x128xi32, #tpu.memory_space<vmem>> -> memref<1x128xi32, #tpu.memory_space<vmem>>
    %dma_start3A_653 = tpu.memref_squeeze %dma_start3A_652 : memref<1x128xi32, #tpu.memory_space<vmem>> -> memref<128xi32, #tpu.memory_space<vmem>>
    %dma_start3A_654 = arith.constant 0 : i32
    %dma_start3A_655 = arith.constant 0 : i32
    %dma_start3A_656 = tpu.memref_slice %arg4[%add3A, %dma_start3A_654, %dma_start3A_655] : memref<32x80x128xi32, #tpu.memory_space<hbm>> -> memref<1x80x128xi32, #tpu.memory_space<hbm>>
    %dma_start3A_657 = tpu.memref_squeeze %dma_start3A_656 : memref<1x80x128xi32, #tpu.memory_space<hbm>> -> memref<80x128xi32, #tpu.memory_space<hbm>>
    %dma_start3A_658 = arith.constant 0 : i32
    %dma_start3A_659 = tpu.memref_slice %dma_start3A_657[%dma_start3A_636, %dma_start3A_658] : memref<80x128xi32, #tpu.memory_space<hbm>> -> memref<1x128xi32, #tpu.memory_space<hbm>>
    %dma_start3A_660 = tpu.memref_squeeze %dma_start3A_659 : memref<1x128xi32, #tpu.memory_space<hbm>> -> memref<128xi32, #tpu.memory_space<hbm>>
    tpu.enqueue_dma source(%dma_start3A_660 : memref<128xi32, #tpu.memory_space<hbm>>) target(%dma_start3A_653 : memref<128xi32, #tpu.memory_space<vmem>>) target_semaphore(%dma_start3A_650 : memref<!tpu.dma_semaphore, #tpu.memory_space<semaphore_mem>>)
    %dma_start3A_661 = arith.constant 2 : i32
    %dma_start3A_662 = arith.constant 2 : i32
    %dma_start3A_663 = arith.constant 2 : i32
    %dma_start3A_664 = arith.constant 0 : i32
    %dma_start3A_665 = tpu.memref_slice %arg8[%dma_start3A_662, %dma_start3A_664] : memref<4x128xi32, #tpu.memory_space<vmem>> -> memref<1x128xi32, #tpu.memory_space<vmem>>
    %dma_start3A_666 = tpu.memref_squeeze %dma_start3A_665 : memref<1x128xi32, #tpu.memory_space<vmem>> -> memref<128xi32, #tpu.memory_space<vmem>>
    %dma_start3A_667 = arith.constant 0 : i32
    %dma_start3A_668 = arith.constant 0 : i32
    %dma_start3A_669 = tpu.memref_slice %arg4[%add3A, %dma_start3A_667, %dma_start3A_668] : memref<32x80x128xi32, #tpu.memory_space<hbm>> -> memref<1x80x128xi32, #tpu.memory_space<hbm>>
    %dma_start3A_670 = tpu.memref_squeeze %dma_start3A_669 : memref<1x80x128xi32, #tpu.memory_space<hbm>> -> memref<80x128xi32, #tpu.memory_space<hbm>>
    %dma_start3A_671 = arith.constant 0 : i32
    %dma_start3A_672 = tpu.memref_slice %dma_start3A_670[%dma_start3A_661, %dma_start3A_671] : memref<80x128xi32, #tpu.memory_space<hbm>> -> memref<1x128xi32, #tpu.memory_space<hbm>>
    %dma_start3A_673 = tpu.memref_squeeze %dma_start3A_672 : memref<1x128xi32, #tpu.memory_space<hbm>> -> memref<128xi32, #tpu.memory_space<hbm>>
    %dma_start3A_674 = tpu.memref_slice %arg12[%dma_start3A_663] : memref<4x!tpu.dma_semaphore, #tpu.memory_space<semaphore_mem>> -> memref<1x!tpu.dma_semaphore, #tpu.memory_space<semaphore_mem>>
    %dma_start3A_675 = tpu.memref_squeeze %dma_start3A_674 : memref<1x!tpu.dma_semaphore, #tpu.memory_space<semaphore_mem>> -> memref<!tpu.dma_semaphore, #tpu.memory_space<semaphore_mem>>
    %dma_start3A_676 = arith.constant 0 : i32
    %dma_start3A_677 = tpu.memref_slice %arg8[%dma_start3A_662, %dma_start3A_676] : memref<4x128xi32, #tpu.memory_space<vmem>> -> memref<1x128xi32, #tpu.memory_space<vmem>>
    %dma_start3A_678 = tpu.memref_squeeze %dma_start3A_677 : memref<1x128xi32, #tpu.memory_space<vmem>> -> memref<128xi32, #tpu.memory_space<vmem>>
    %dma_start3A_679 = arith.constant 0 : i32
    %dma_start3A_680 = arith.constant 0 : i32
    %dma_start3A_681 = tpu.memref_slice %arg4[%add3A, %dma_start3A_679, %dma_start3A_680] : memref<32x80x128xi32, #tpu.memory_space<hbm>> -> memref<1x80x128xi32, #tpu.memory_space<hbm>>
    %dma_start3A_682 = tpu.memref_squeeze %dma_start3A_681 : memref<1x80x128xi32, #tpu.memory_space<hbm>> -> memref<80x128xi32, #tpu.memory_space<hbm>>
    %dma_start3A_683 = arith.constant 0 : i32
    %dma_start3A_684 = tpu.memref_slice %dma_start3A_682[%dma_start3A_661, %dma_start3A_683] : memref<80x128xi32, #tpu.memory_space<hbm>> -> memref<1x128xi32, #tpu.memory_space<hbm>>
    %dma_start3A_685 = tpu.memref_squeeze %dma_start3A_684 : memref<1x128xi32, #tpu.memory_space<hbm>> -> memref<128xi32, #tpu.memory_space<hbm>>
    tpu.enqueue_dma source(%dma_start3A_685 : memref<128xi32, #tpu.memory_space<hbm>>) target(%dma_start3A_678 : memref<128xi32, #tpu.memory_space<vmem>>) target_semaphore(%dma_start3A_675 : memref<!tpu.dma_semaphore, #tpu.memory_space<semaphore_mem>>)
    %dma_wait3A_686 = arith.constant 0 : i32
    %dma_wait3A_687 = arith.constant 0 : i32
    %dma_wait3A_688 = arith.constant 0 : i32
    %dma_wait3A_689 = arith.constant 0 : i32
    %dma_wait3A_690 = tpu.memref_slice %arg8[%dma_wait3A_687, %dma_wait3A_689] : memref<4x128xi32, #tpu.memory_space<vmem>> -> memref<1x128xi32, #tpu.memory_space<vmem>>
    %dma_wait3A_691 = tpu.memref_squeeze %dma_wait3A_690 : memref<1x128xi32, #tpu.memory_space<vmem>> -> memref<128xi32, #tpu.memory_space<vmem>>
    %dma_wait3A_692 = arith.constant 0 : i32
    %dma_wait3A_693 = arith.constant 0 : i32
    %dma_wait3A_694 = tpu.memref_slice %arg4[%add3A, %dma_wait3A_692, %dma_wait3A_693] : memref<32x80x128xi32, #tpu.memory_space<hbm>> -> memref<1x80x128xi32, #tpu.memory_space<hbm>>
    %dma_wait3A_695 = tpu.memref_squeeze %dma_wait3A_694 : memref<1x80x128xi32, #tpu.memory_space<hbm>> -> memref<80x128xi32, #tpu.memory_space<hbm>>
    %dma_wait3A_696 = arith.constant 0 : i32
    %dma_wait3A_697 = tpu.memref_slice %dma_wait3A_695[%dma_wait3A_686, %dma_wait3A_696] : memref<80x128xi32, #tpu.memory_space<hbm>> -> memref<1x128xi32, #tpu.memory_space<hbm>>
    %dma_wait3A_698 = tpu.memref_squeeze %dma_wait3A_697 : memref<1x128xi32, #tpu.memory_space<hbm>> -> memref<128xi32, #tpu.memory_space<hbm>>
    %dma_wait3A_699 = tpu.memref_slice %arg12[%dma_wait3A_688] : memref<4x!tpu.dma_semaphore, #tpu.memory_space<semaphore_mem>> -> memref<1x!tpu.dma_semaphore, #tpu.memory_space<semaphore_mem>>
    %dma_wait3A_700 = tpu.memref_squeeze %dma_wait3A_699 : memref<1x!tpu.dma_semaphore, #tpu.memory_space<semaphore_mem>> -> memref<!tpu.dma_semaphore, #tpu.memory_space<semaphore_mem>>
    %dma_wait3A_701 = arith.constant 0 : i32
    %dma_wait3A_702 = tpu.memref_slice %arg8[%dma_wait3A_687, %dma_wait3A_701] : memref<4x128xi32, #tpu.memory_space<vmem>> -> memref<1x128xi32, #tpu.memory_space<vmem>>
    %dma_wait3A_703 = tpu.memref_squeeze %dma_wait3A_702 : memref<1x128xi32, #tpu.memory_space<vmem>> -> memref<128xi32, #tpu.memory_space<vmem>>
    %dma_wait3A_704 = arith.constant 0 : i32
    %dma_wait3A_705 = arith.constant 0 : i32
    %dma_wait3A_706 = tpu.memref_slice %arg4[%add3A, %dma_wait3A_704, %dma_wait3A_705] : memref<32x80x128xi32, #tpu.memory_space<hbm>> -> memref<1x80x128xi32, #tpu.memory_space<hbm>>
    %dma_wait3A_707 = tpu.memref_squeeze %dma_wait3A_706 : memref<1x80x128xi32, #tpu.memory_space<hbm>> -> memref<80x128xi32, #tpu.memory_space<hbm>>
    %dma_wait3A_708 = arith.constant 0 : i32
    %dma_wait3A_709 = tpu.memref_slice %dma_wait3A_707[%dma_wait3A_686, %dma_wait3A_708] : memref<80x128xi32, #tpu.memory_space<hbm>> -> memref<1x128xi32, #tpu.memory_space<hbm>>
    %dma_wait3A_710 = tpu.memref_squeeze %dma_wait3A_709 : memref<1x128xi32, #tpu.memory_space<hbm>> -> memref<128xi32, #tpu.memory_space<hbm>>
    tpu.wait_dma2 semaphore(%dma_wait3A_700 : memref<!tpu.dma_semaphore, #tpu.memory_space<semaphore_mem>>) src(%dma_wait3A_710 : memref<128xi32, #tpu.memory_space<hbm>>) dst(%dma_wait3A_703 : memref<128xi32, #tpu.memory_space<vmem>>)
    %dma_start3A_711 = arith.constant 0 : i32
    %dma_start3A_712 = arith.constant 0 : i32
    %dma_start3A_713 = arith.constant 0 : i32
    %dma_start3A_714 = arith.constant 0 : i32
    %dma_start3A_715 = arith.constant 0 : i32
    %dma_start3A_716 = tpu.memref_slice %arg9[%dma_start3A_712, %dma_start3A_714, %dma_start3A_715] : memref<2x128x128xf32, #tpu.memory_space<vmem>> -> memref<1x128x128xf32, #tpu.memory_space<vmem>>
    %dma_start3A_717 = tpu.memref_squeeze %dma_start3A_716 : memref<1x128x128xf32, #tpu.memory_space<vmem>> -> memref<128x128xf32, #tpu.memory_space<vmem>>
    %dma_start3A_718 = arith.constant 0 : i32
    %dma_start3A_719 = arith.constant 0 : i32
    %dma_start3A_720 = arith.constant 0 : i32
    %dma_start3A_721 = tpu.memref_slice %arg7[%add3A, %dma_start3A_718, %dma_start3A_719, %dma_start3A_720] : memref<32x80x128x128xf32, #tpu.memory_space<hbm>> -> memref<1x80x128x128xf32, #tpu.memory_space<hbm>>
    %dma_start3A_722 = tpu.memref_squeeze %dma_start3A_721 : memref<1x80x128x128xf32, #tpu.memory_space<hbm>> -> memref<80x128x128xf32, #tpu.memory_space<hbm>>
    %dma_start3A_723 = arith.constant 0 : i32
    %dma_start3A_724 = arith.constant 0 : i32
    %dma_start3A_725 = tpu.memref_slice %dma_start3A_722[%dma_start3A_711, %dma_start3A_723, %dma_start3A_724] : memref<80x128x128xf32, #tpu.memory_space<hbm>> -> memref<1x128x128xf32, #tpu.memory_space<hbm>>
    %dma_start3A_726 = tpu.memref_squeeze %dma_start3A_725 : memref<1x128x128xf32, #tpu.memory_space<hbm>> -> memref<128x128xf32, #tpu.memory_space<hbm>>
    %dma_start3A_727 = tpu.memref_slice %arg13[%dma_start3A_713] : memref<2x!tpu.dma_semaphore, #tpu.memory_space<semaphore_mem>> -> memref<1x!tpu.dma_semaphore, #tpu.memory_space<semaphore_mem>>
    %dma_start3A_728 = tpu.memref_squeeze %dma_start3A_727 : memref<1x!tpu.dma_semaphore, #tpu.memory_space<semaphore_mem>> -> memref<!tpu.dma_semaphore, #tpu.memory_space<semaphore_mem>>
    %dma_start3A_729 = arith.constant 0 : i32
    %dma_start3A_730 = arith.constant 0 : i32
    %dma_start3A_731 = tpu.memref_slice %arg9[%dma_start3A_712, %dma_start3A_729, %dma_start3A_730] : memref<2x128x128xf32, #tpu.memory_space<vmem>> -> memref<1x128x128xf32, #tpu.memory_space<vmem>>
    %dma_start3A_732 = tpu.memref_squeeze %dma_start3A_731 : memref<1x128x128xf32, #tpu.memory_space<vmem>> -> memref<128x128xf32, #tpu.memory_space<vmem>>
    %dma_start3A_733 = arith.constant 0 : i32
    %dma_start3A_734 = arith.constant 0 : i32
    %dma_start3A_735 = arith.constant 0 : i32
    %dma_start3A_736 = tpu.memref_slice %arg7[%add3A, %dma_start3A_733, %dma_start3A_734, %dma_start3A_735] : memref<32x80x128x128xf32, #tpu.memory_space<hbm>> -> memref<1x80x128x128xf32, #tpu.memory_space<hbm>>
    %dma_start3A_737 = tpu.memref_squeeze %dma_start3A_736 : memref<1x80x128x128xf32, #tpu.memory_space<hbm>> -> memref<80x128x128xf32, #tpu.memory_space<hbm>>
    %dma_start3A_738 = arith.constant 0 : i32
    %dma_start3A_739 = arith.constant 0 : i32
    %dma_start3A_740 = tpu.memref_slice %dma_start3A_737[%dma_start3A_711, %dma_start3A_738, %dma_start3A_739] : memref<80x128x128xf32, #tpu.memory_space<hbm>> -> memref<1x128x128xf32, #tpu.memory_space<hbm>>
    %dma_start3A_741 = tpu.memref_squeeze %dma_start3A_740 : memref<1x128x128xf32, #tpu.memory_space<hbm>> -> memref<128x128xf32, #tpu.memory_space<hbm>>
    tpu.enqueue_dma source(%dma_start3A_741 : memref<128x128xf32, #tpu.memory_space<hbm>>) target(%dma_start3A_732 : memref<128x128xf32, #tpu.memory_space<vmem>>) target_semaphore(%dma_start3A_728 : memref<!tpu.dma_semaphore, #tpu.memory_space<semaphore_mem>>)
    %get3A = arith.constant 0 : i32
    %get3A_742 = arith.index_cast %get3A : i32 to index
    %get3A_743 = arith.constant 0 : index
    %get3A_744 = tpu.vector_load %arg8[%get3A_742, %get3A_743] {strides = array<i32>} : memref<4x128xi32, #tpu.memory_space<vmem>>, vector<16xi32>,
    tpu.vector_store_idx %arg10[%get3A_744], %broadcast_in_dim3A_3 {add = true} : memref<10112xf32, #tpu.memory_space<vmem>>[vector<16xi32>], vector<16xf32>,
    %get3A_745 = arith.constant 0 : i32
    %get3A_746 = arith.index_cast %get3A_745 : i32 to index
    %get3A_747 = arith.constant 16 : index
    %get3A_748 = tpu.vector_load %arg8[%get3A_746, %get3A_747] {strides = array<i32>} : memref<4x128xi32, #tpu.memory_space<vmem>>, vector<16xi32>,
    tpu.vector_store_idx %arg10[%get3A_748], %broadcast_in_dim3A_3 {add = true} : memref<10112xf32, #tpu.memory_space<vmem>>[vector<16xi32>], vector<16xf32>,
    %get3A_749 = arith.constant 0 : i32
    %get3A_750 = arith.index_cast %get3A_749 : i32 to index
    %get3A_751 = arith.constant 32 : index
    %get3A_752 = tpu.vector_load %arg8[%get3A_750, %get3A_751] {strides = array<i32>} : memref<4x128xi32, #tpu.memory_space<vmem>>, vector<16xi32>,
    tpu.vector_store_idx %arg10[%get3A_752], %broadcast_in_dim3A_3 {add = true} : memref<10112xf32, #tpu.memory_space<vmem>>[vector<16xi32>], vector<16xf32>,
    %get3A_753 = arith.constant 0 : i32
    %get3A_754 = arith.index_cast %get3A_753 : i32 to index
    %get3A_755 = arith.constant 48 : index
    %get3A_756 = tpu.vector_load %arg8[%get3A_754, %get3A_755] {strides = array<i32>} : memref<4x128xi32, #tpu.memory_space<vmem>>, vector<16xi32>,
    tpu.vector_store_idx %arg10[%get3A_756], %broadcast_in_dim3A_3 {add = true} : memref<10112xf32, #tpu.memory_space<vmem>>[vector<16xi32>], vector<16xf32>,
    %get3A_757 = arith.constant 0 : i32
    %get3A_758 = arith.index_cast %get3A_757 : i32 to index
    %get3A_759 = arith.constant 64 : index
    %get3A_760 = tpu.vector_load %arg8[%get3A_758, %get3A_759] {strides = array<i32>} : memref<4x128xi32, #tpu.memory_space<vmem>>, vector<16xi32>,
    tpu.vector_store_idx %arg10[%get3A_760], %broadcast_in_dim3A_3 {add = true} : memref<10112xf32, #tpu.memory_space<vmem>>[vector<16xi32>], vector<16xf32>,
    %get3A_761 = arith.constant 0 : i32
    %get3A_762 = arith.index_cast %get3A_761 : i32 to index
    %get3A_763 = arith.constant 80 : index
    %get3A_764 = tpu.vector_load %arg8[%get3A_762, %get3A_763] {strides = array<i32>} : memref<4x128xi32, #tpu.memory_space<vmem>>, vector<16xi32>,
    tpu.vector_store_idx %arg10[%get3A_764], %broadcast_in_dim3A_3 {add = true} : memref<10112xf32, #tpu.memory_space<vmem>>[vector<16xi32>], vector<16xf32>,
    %get3A_765 = arith.constant 0 : i32
    %get3A_766 = arith.index_cast %get3A_765 : i32 to index
    %get3A_767 = arith.constant 96 : index
    %get3A_768 = tpu.vector_load %arg8[%get3A_766, %get3A_767] {strides = array<i32>} : memref<4x128xi32, #tpu.memory_space<vmem>>, vector<16xi32>,
    tpu.vector_store_idx %arg10[%get3A_768], %broadcast_in_dim3A_3 {add = true} : memref<10112xf32, #tpu.memory_space<vmem>>[vector<16xi32>], vector<16xf32>,
    %get3A_769 = arith.constant 0 : i32
    %get3A_770 = arith.index_cast %get3A_769 : i32 to index
    %get3A_771 = arith.constant 112 : index
    %get3A_772 = tpu.vector_load %arg8[%get3A_770, %get3A_771] {strides = array<i32>} : memref<4x128xi32, #tpu.memory_space<vmem>>, vector<16xi32>,
    tpu.vector_store_idx %arg10[%get3A_772], %broadcast_in_dim3A_3 {add = true} : memref<10112xf32, #tpu.memory_space<vmem>>[vector<16xi32>], vector<16xf32>,
    %dma_wait3A_773 = arith.constant 0 : i32
    %dma_wait3A_774 = arith.constant 0 : i32
    %dma_wait3A_775 = arith.constant 0 : i32
    %dma_wait3A_776 = arith.constant 0 : i32
    %dma_wait3A_777 = arith.constant 0 : i32
    %dma_wait3A_778 = tpu.memref_slice %arg9[%dma_wait3A_774, %dma_wait3A_776, %dma_wait3A_777] : memref<2x128x128xf32, #tpu.memory_space<vmem>> -> memref<1x128x128xf32, #tpu.memory_space<vmem>>
    %dma_wait3A_779 = tpu.memref_squeeze %dma_wait3A_778 : memref<1x128x128xf32, #tpu.memory_space<vmem>> -> memref<128x128xf32, #tpu.memory_space<vmem>>
    %dma_wait3A_780 = arith.constant 0 : i32
    %dma_wait3A_781 = arith.constant 0 : i32
    %dma_wait3A_782 = arith.constant 0 : i32
    %dma_wait3A_783 = tpu.memref_slice %arg7[%add3A, %dma_wait3A_780, %dma_wait3A_781, %dma_wait3A_782] : memref<32x80x128x128xf32, #tpu.memory_space<hbm>> -> memref<1x80x128x128xf32, #tpu.memory_space<hbm>>
    %dma_wait3A_784 = tpu.memref_squeeze %dma_wait3A_783 : memref<1x80x128x128xf32, #tpu.memory_space<hbm>> -> memref<80x128x128xf32, #tpu.memory_space<hbm>>
    %dma_wait3A_785 = arith.constant 0 : i32
    %dma_wait3A_786 = arith.constant 0 : i32
    %dma_wait3A_787 = tpu.memref_slice %dma_wait3A_784[%dma_wait3A_773, %dma_wait3A_785, %dma_wait3A_786] : memref<80x128x128xf32, #tpu.memory_space<hbm>> -> memref<1x128x128xf32, #tpu.memory_space<hbm>>
    %dma_wait3A_788 = tpu.memref_squeeze %dma_wait3A_787 : memref<1x128x128xf32, #tpu.memory_space<hbm>> -> memref<128x128xf32, #tpu.memory_space<hbm>>
    %dma_wait3A_789 = tpu.memref_slice %arg13[%dma_wait3A_775] : memref<2x!tpu.dma_semaphore, #tpu.memory_space<semaphore_mem>> -> memref<1x!tpu.dma_semaphore, #tpu.memory_space<semaphore_mem>>
    %dma_wait3A_790 = tpu.memref_squeeze %dma_wait3A_789 : memref<1x!tpu.dma_semaphore, #tpu.memory_space<semaphore_mem>> -> memref<!tpu.dma_semaphore, #tpu.memory_space<semaphore_mem>>
    %dma_wait3A_791 = arith.constant 0 : i32
    %dma_wait3A_792 = arith.constant 0 : i32
    %dma_wait3A_793 = tpu.memref_slice %arg9[%dma_wait3A_774, %dma_wait3A_791, %dma_wait3A_792] : memref<2x128x128xf32, #tpu.memory_space<vmem>> -> memref<1x128x128xf32, #tpu.memory_space<vmem>>
    %dma_wait3A_794 = tpu.memref_squeeze %dma_wait3A_793 : memref<1x128x128xf32, #tpu.memory_space<vmem>> -> memref<128x128xf32, #tpu.memory_space<vmem>>
    %dma_wait3A_795 = arith.constant 0 : i32
    %dma_wait3A_796 = arith.constant 0 : i32
    %dma_wait3A_797 = arith.constant 0 : i32
    %dma_wait3A_798 = tpu.memref_slice %arg7[%add3A, %dma_wait3A_795, %dma_wait3A_796, %dma_wait3A_797] : memref<32x80x128x128xf32, #tpu.memory_space<hbm>> -> memref<1x80x128x128xf32, #tpu.memory_space<hbm>>
    %dma_wait3A_799 = tpu.memref_squeeze %dma_wait3A_798 : memref<1x80x128x128xf32, #tpu.memory_space<hbm>> -> memref<80x128x128xf32, #tpu.memory_space<hbm>>
    %dma_wait3A_800 = arith.constant 0 : i32
    %dma_wait3A_801 = arith.constant 0 : i32
    %dma_wait3A_802 = tpu.memref_slice %dma_wait3A_799[%dma_wait3A_773, %dma_wait3A_800, %dma_wait3A_801] : memref<80x128x128xf32, #tpu.memory_space<hbm>> -> memref<1x128x128xf32, #tpu.memory_space<hbm>>
    %dma_wait3A_803 = tpu.memref_squeeze %dma_wait3A_802 : memref<1x128x128xf32, #tpu.memory_space<hbm>> -> memref<128x128xf32, #tpu.memory_space<hbm>>
    tpu.wait_dma2 semaphore(%dma_wait3A_790 : memref<!tpu.dma_semaphore, #tpu.memory_space<semaphore_mem>>) src(%dma_wait3A_803 : memref<128x128xf32, #tpu.memory_space<hbm>>) dst(%dma_wait3A_794 : memref<128x128xf32, #tpu.memory_space<vmem>>)
    %dma_start3A_804 = arith.constant 0 : i32
    %dma_start3A_805 = arith.constant 0 : i32
    %dma_start3A_806 = arith.constant 0 : i32
    %dma_start3A_807 = arith.constant 0 : i32
    %dma_start3A_808 = arith.constant 0 : i32
    %dma_start3A_809 = tpu.memref_slice %arg9[%dma_start3A_804, %dma_start3A_807, %dma_start3A_808] : memref<2x128x128xf32, #tpu.memory_space<vmem>> -> memref<1x128x128xf32, #tpu.memory_space<vmem>>
    %dma_start3A_810 = tpu.memref_squeeze %dma_start3A_809 : memref<1x128x128xf32, #tpu.memory_space<vmem>> -> memref<128x128xf32, #tpu.memory_space<vmem>>
    %dma_start3A_811 = arith.constant 0 : i32
    %dma_start3A_812 = tpu.memref_slice %arg8[%dma_start3A_805, %dma_start3A_811] : memref<4x128xi32, #tpu.memory_space<vmem>> -> memref<1x128xi32, #tpu.memory_space<vmem>>
    %dma_start3A_813 = tpu.memref_squeeze %dma_start3A_812 : memref<1x128xi32, #tpu.memory_space<vmem>> -> memref<128xi32, #tpu.memory_space<vmem>>
    %dma_start3A_814 = arith.constant 0 : i32
    %dma_start3A_815 = arith.constant 0 : i32
    %dma_start3A_816 = tpu.memref_slice %arg11[%dma_start3A_814, %dma_start3A_815] : memref<10112x128xf32, #tpu.memory_space<vmem_shared>> -> memref<10112x128xf32, #tpu.memory_space<vmem_shared>>
    %dma_start3A_817 = tpu.memref_slice %arg14[%dma_start3A_806] : memref<2x!tpu.dma_semaphore, #tpu.memory_space<semaphore_mem>> -> memref<1x!tpu.dma_semaphore, #tpu.memory_space<semaphore_mem>>
    %dma_start3A_818 = tpu.memref_squeeze %dma_start3A_817 : memref<1x!tpu.dma_semaphore, #tpu.memory_space<semaphore_mem>> -> memref<!tpu.dma_semaphore, #tpu.memory_space<semaphore_mem>>
    tpu.enqueue_indirect_dma source(%dma_start3A_810 : memref<128x128xf32, #tpu.memory_space<vmem>>) target(%dma_start3A_816 : memref<10112x128xf32, #tpu.memory_space<vmem_shared>>) offsets(%dma_start3A_813 : memref<128xi32, #tpu.memory_space<vmem>>) semaphore(%dma_start3A_818 : memref<!tpu.dma_semaphore, #tpu.memory_space<semaphore_mem>>) {add = true}
    %dma_wait3A_819 = arith.constant 1 : i32
    %dma_wait3A_820 = arith.constant 1 : i32
    %dma_wait3A_821 = arith.constant 1 : i32
    %dma_wait3A_822 = arith.constant 0 : i32
    %dma_wait3A_823 = tpu.memref_slice %arg8[%dma_wait3A_820, %dma_wait3A_822] : memref<4x128xi32, #tpu.memory_space<vmem>> -> memref<1x128xi32, #tpu.memory_space<vmem>>
    %dma_wait3A_824 = tpu.memref_squeeze %dma_wait3A_823 : memref<1x128xi32, #tpu.memory_space<vmem>> -> memref<128xi32, #tpu.memory_space<vmem>>
    %dma_wait3A_825 = arith.constant 0 : i32
    %dma_wait3A_826 = arith.constant 0 : i32
    %dma_wait3A_827 = tpu.memref_slice %arg4[%add3A, %dma_wait3A_825, %dma_wait3A_826] : memref<32x80x128xi32, #tpu.memory_space<hbm>> -> memref<1x80x128xi32, #tpu.memory_space<hbm>>
    %dma_wait3A_828 = tpu.memref_squeeze %dma_wait3A_827 : memref<1x80x128xi32, #tpu.memory_space<hbm>> -> memref<80x128xi32, #tpu.memory_space<hbm>>
    %dma_wait3A_829 = arith.constant 0 : i32
    %dma_wait3A_830 = tpu.memref_slice %dma_wait3A_828[%dma_wait3A_819, %dma_wait3A_829] : memref<80x128xi32, #tpu.memory_space<hbm>> -> memref<1x128xi32, #tpu.memory_space<hbm>>
    %dma_wait3A_831 = tpu.memref_squeeze %dma_wait3A_830 : memref<1x128xi32, #tpu.memory_space<hbm>> -> memref<128xi32, #tpu.memory_space<hbm>>
    %dma_wait3A_832 = tpu.memref_slice %arg12[%dma_wait3A_821] : memref<4x!tpu.dma_semaphore, #tpu.memory_space<semaphore_mem>> -> memref<1x!tpu.dma_semaphore, #tpu.memory_space<semaphore_mem>>
    %dma_wait3A_833 = tpu.memref_squeeze %dma_wait3A_832 : memref<1x!tpu.dma_semaphore, #tpu.memory_space<semaphore_mem>> -> memref<!tpu.dma_semaphore, #tpu.memory_space<semaphore_mem>>
    %dma_wait3A_834 = arith.constant 0 : i32
    %dma_wait3A_835 = tpu.memref_slice %arg8[%dma_wait3A_820, %dma_wait3A_834] : memref<4x128xi32, #tpu.memory_space<vmem>> -> memref<1x128xi32, #tpu.memory_space<vmem>>
    %dma_wait3A_836 = tpu.memref_squeeze %dma_wait3A_835 : memref<1x128xi32, #tpu.memory_space<vmem>> -> memref<128xi32, #tpu.memory_space<vmem>>
    %dma_wait3A_837 = arith.constant 0 : i32
    %dma_wait3A_838 = arith.constant 0 : i32
    %dma_wait3A_839 = tpu.memref_slice %arg4[%add3A, %dma_wait3A_837, %dma_wait3A_838] : memref<32x80x128xi32, #tpu.memory_space<hbm>> -> memref<1x80x128xi32, #tpu.memory_space<hbm>>
    %dma_wait3A_840 = tpu.memref_squeeze %dma_wait3A_839 : memref<1x80x128xi32, #tpu.memory_space<hbm>> -> memref<80x128xi32, #tpu.memory_space<hbm>>
    %dma_wait3A_841 = arith.constant 0 : i32
    %dma_wait3A_842 = tpu.memref_slice %dma_wait3A_840[%dma_wait3A_819, %dma_wait3A_841] : memref<80x128xi32, #tpu.memory_space<hbm>> -> memref<1x128xi32, #tpu.memory_space<hbm>>
    %dma_wait3A_843 = tpu.memref_squeeze %dma_wait3A_842 : memref<1x128xi32, #tpu.memory_space<hbm>> -> memref<128xi32, #tpu.memory_space<hbm>>
    tpu.wait_dma2 semaphore(%dma_wait3A_833 : memref<!tpu.dma_semaphore, #tpu.memory_space<semaphore_mem>>) src(%dma_wait3A_843 : memref<128xi32, #tpu.memory_space<hbm>>) dst(%dma_wait3A_836 : memref<128xi32, #tpu.memory_space<vmem>>)
    %dma_start3A_844 = arith.constant 1 : i32
    %dma_start3A_845 = arith.constant 1 : i32
    %dma_start3A_846 = arith.constant 1 : i32
    %dma_start3A_847 = arith.constant 0 : i32
    %dma_start3A_848 = arith.constant 0 : i32
    %dma_start3A_849 = tpu.memref_slice %arg9[%dma_start3A_845, %dma_start3A_847, %dma_start3A_848] : memref<2x128x128xf32, #tpu.memory_space<vmem>> -> memref<1x128x128xf32, #tpu.memory_space<vmem>>
    %dma_start3A_850 = tpu.memref_squeeze %dma_start3A_849 : memref<1x128x128xf32, #tpu.memory_space<vmem>> -> memref<128x128xf32, #tpu.memory_space<vmem>>
    %dma_start3A_851 = arith.constant 0 : i32
    %dma_start3A_852 = arith.constant 0 : i32
    %dma_start3A_853 = arith.constant 0 : i32
    %dma_start3A_854 = tpu.memref_slice %arg7[%add3A, %dma_start3A_851, %dma_start3A_852, %dma_start3A_853] : memref<32x80x128x128xf32, #tpu.memory_space<hbm>> -> memref<1x80x128x128xf32, #tpu.memory_space<hbm>>
    %dma_start3A_855 = tpu.memref_squeeze %dma_start3A_854 : memref<1x80x128x128xf32, #tpu.memory_space<hbm>> -> memref<80x128x128xf32, #tpu.memory_space<hbm>>
    %dma_start3A_856 = arith.constant 0 : i32
    %dma_start3A_857 = arith.constant 0 : i32
    %dma_start3A_858 = tpu.memref_slice %dma_start3A_855[%dma_start3A_844, %dma_start3A_856, %dma_start3A_857] : memref<80x128x128xf32, #tpu.memory_space<hbm>> -> memref<1x128x128xf32, #tpu.memory_space<hbm>>
    %dma_start3A_859 = tpu.memref_squeeze %dma_start3A_858 : memref<1x128x128xf32, #tpu.memory_space<hbm>> -> memref<128x128xf32, #tpu.memory_space<hbm>>
    %dma_start3A_860 = tpu.memref_slice %arg13[%dma_start3A_846] : memref<2x!tpu.dma_semaphore, #tpu.memory_space<semaphore_mem>> -> memref<1x!tpu.dma_semaphore, #tpu.memory_space<semaphore_mem>>
    %dma_start3A_861 = tpu.memref_squeeze %dma_start3A_860 : memref<1x!tpu.dma_semaphore, #tpu.memory_space<semaphore_mem>> -> memref<!tpu.dma_semaphore, #tpu.memory_space<semaphore_mem>>
    %dma_start3A_862 = arith.constant 0 : i32
    %dma_start3A_863 = arith.constant 0 : i32
    %dma_start3A_864 = tpu.memref_slice %arg9[%dma_start3A_845, %dma_start3A_862, %dma_start3A_863] : memref<2x128x128xf32, #tpu.memory_space<vmem>> -> memref<1x128x128xf32, #tpu.memory_space<vmem>>
    %dma_start3A_865 = tpu.memref_squeeze %dma_start3A_864 : memref<1x128x128xf32, #tpu.memory_space<vmem>> -> memref<128x128xf32, #tpu.memory_space<vmem>>
    %dma_start3A_866 = arith.constant 0 : i32
    %dma_start3A_867 = arith.constant 0 : i32
    %dma_start3A_868 = arith.constant 0 : i32
    %dma_start3A_869 = tpu.memref_slice %arg7[%add3A, %dma_start3A_866, %dma_start3A_867, %dma_start3A_868] : memref<32x80x128x128xf32, #tpu.memory_space<hbm>> -> memref<1x80x128x128xf32, #tpu.memory_space<hbm>>
    %dma_start3A_870 = tpu.memref_squeeze %dma_start3A_869 : memref<1x80x128x128xf32, #tpu.memory_space<hbm>> -> memref<80x128x128xf32, #tpu.memory_space<hbm>>
    %dma_start3A_871 = arith.constant 0 : i32
    %dma_start3A_872 = arith.constant 0 : i32
    %dma_start3A_873 = tpu.memref_slice %dma_start3A_870[%dma_start3A_844, %dma_start3A_871, %dma_start3A_872] : memref<80x128x128xf32, #tpu.memory_space<hbm>> -> memref<1x128x128xf32, #tpu.memory_space<hbm>>
    %dma_start3A_874 = tpu.memref_squeeze %dma_start3A_873 : memref<1x128x128xf32, #tpu.memory_space<hbm>> -> memref<128x128xf32, #tpu.memory_space<hbm>>
    tpu.enqueue_dma source(%dma_start3A_874 : memref<128x128xf32, #tpu.memory_space<hbm>>) target(%dma_start3A_865 : memref<128x128xf32, #tpu.memory_space<vmem>>) target_semaphore(%dma_start3A_861 : memref<!tpu.dma_semaphore, #tpu.memory_space<semaphore_mem>>)
    %dma_start3A_875 = arith.constant 3 : i32
    %dma_start3A_876 = arith.constant 3 : i32
    %dma_start3A_877 = arith.constant 3 : i32
    %dma_start3A_878 = arith.constant 0 : i32
    %dma_start3A_879 = tpu.memref_slice %arg8[%dma_start3A_876, %dma_start3A_878] : memref<4x128xi32, #tpu.memory_space<vmem>> -> memref<1x128xi32, #tpu.memory_space<vmem>>
    %dma_start3A_880 = tpu.memref_squeeze %dma_start3A_879 : memref<1x128xi32, #tpu.memory_space<vmem>> -> memref<128xi32, #tpu.memory_space<vmem>>
    %dma_start3A_881 = arith.constant 0 : i32
    %dma_start3A_882 = arith.constant 0 : i32
    %dma_start3A_883 = tpu.memref_slice %arg4[%add3A, %dma_start3A_881, %dma_start3A_882] : memref<32x80x128xi32, #tpu.memory_space<hbm>> -> memref<1x80x128xi32, #tpu.memory_space<hbm>>
    %dma_start3A_884 = tpu.memref_squeeze %dma_start3A_883 : memref<1x80x128xi32, #tpu.memory_space<hbm>> -> memref<80x128xi32, #tpu.memory_space<hbm>>
    %dma_start3A_885 = arith.constant 0 : i32
    %dma_start3A_886 = tpu.memref_slice %dma_start3A_884[%dma_start3A_875, %dma_start3A_885] : memref<80x128xi32, #tpu.memory_space<hbm>> -> memref<1x128xi32, #tpu.memory_space<hbm>>
    %dma_start3A_887 = tpu.memref_squeeze %dma_start3A_886 : memref<1x128xi32, #tpu.memory_space<hbm>> -> memref<128xi32, #tpu.memory_space<hbm>>
    %dma_start3A_888 = tpu.memref_slice %arg12[%dma_start3A_877] : memref<4x!tpu.dma_semaphore, #tpu.memory_space<semaphore_mem>> -> memref<1x!tpu.dma_semaphore, #tpu.memory_space<semaphore_mem>>
    %dma_start3A_889 = tpu.memref_squeeze %dma_start3A_888 : memref<1x!tpu.dma_semaphore, #tpu.memory_space<semaphore_mem>> -> memref<!tpu.dma_semaphore, #tpu.memory_space<semaphore_mem>>
    %dma_start3A_890 = arith.constant 0 : i32
    %dma_start3A_891 = tpu.memref_slice %arg8[%dma_start3A_876, %dma_start3A_890] : memref<4x128xi32, #tpu.memory_space<vmem>> -> memref<1x128xi32, #tpu.memory_space<vmem>>
    %dma_start3A_892 = tpu.memref_squeeze %dma_start3A_891 : memref<1x128xi32, #tpu.memory_space<vmem>> -> memref<128xi32, #tpu.memory_space<vmem>>
    %dma_start3A_893 = arith.constant 0 : i32
    %dma_start3A_894 = arith.constant 0 : i32
    %dma_start3A_895 = tpu.memref_slice %arg4[%add3A, %dma_start3A_893, %dma_start3A_894] : memref<32x80x128xi32, #tpu.memory_space<hbm>> -> memref<1x80x128xi32, #tpu.memory_space<hbm>>
    %dma_start3A_896 = tpu.memref_squeeze %dma_start3A_895 : memref<1x80x128xi32, #tpu.memory_space<hbm>> -> memref<80x128xi32, #tpu.memory_space<hbm>>
    %dma_start3A_897 = arith.constant 0 : i32
    %dma_start3A_898 = tpu.memref_slice %dma_start3A_896[%dma_start3A_875, %dma_start3A_897] : memref<80x128xi32, #tpu.memory_space<hbm>> -> memref<1x128xi32, #tpu.memory_space<hbm>>
    %dma_start3A_899 = tpu.memref_squeeze %dma_start3A_898 : memref<1x128xi32, #tpu.memory_space<hbm>> -> memref<128xi32, #tpu.memory_space<hbm>>
    tpu.enqueue_dma source(%dma_start3A_899 : memref<128xi32, #tpu.memory_space<hbm>>) target(%dma_start3A_892 : memref<128xi32, #tpu.memory_space<vmem>>) target_semaphore(%dma_start3A_889 : memref<!tpu.dma_semaphore, #tpu.memory_space<semaphore_mem>>)
    %scan3A_900 = arith.constant 0 : i32
    %scan3A_901 = arith.constant 0 : i32
    %scan3A_902 = arith.constant 19 : i32
    %scan3A_903 = arith.addi %scan3A_901, %scan3A_902 : i32
    %scan3A_904 = arith.constant 1 : i32
    scf.for %scan3A_1313 = %scan3A_901 to %scan3A_903 step %scan3A_904  : i32 {
      %mul3A_1314 = arith.constant 4 : i32
      %mul3A_1315 = arith.muli %scan3A_1313, %mul3A_1314 : i32
      %add3A_1316 = arith.constant 1 : i32
      %add3A_1317 = arith.addi %add3A_1316, %mul3A_1315 : i32
      %add3A_1318 = arith.constant 0 : i32
      %add3A_1319 = arith.addi %add3A_1317, %add3A_1318 : i32
      %get3A_1320 = arith.constant 1 : i32
      %get3A_1321 = arith.index_cast %get3A_1320 : i32 to index
      %get3A_1322 = arith.constant 0 : index
      %get3A_1323 = tpu.vector_load %arg8[%get3A_1321, %get3A_1322] {strides = array<i32>} : memref<4x128xi32, #tpu.memory_space<vmem>>, vector<16xi32>,
      tpu.vector_store_idx %arg10[%get3A_1323], %broadcast_in_dim3A_3 {add = true} : memref<10112xf32, #tpu.memory_space<vmem>>[vector<16xi32>], vector<16xf32>,
      %get3A_1324 = arith.constant 1 : i32
      %get3A_1325 = arith.index_cast %get3A_1324 : i32 to index
      %get3A_1326 = arith.constant 16 : index
      %get3A_1327 = tpu.vector_load %arg8[%get3A_1325, %get3A_1326] {strides = array<i32>} : memref<4x128xi32, #tpu.memory_space<vmem>>, vector<16xi32>,
      tpu.vector_store_idx %arg10[%get3A_1327], %broadcast_in_dim3A_3 {add = true} : memref<10112xf32, #tpu.memory_space<vmem>>[vector<16xi32>], vector<16xf32>,
      %get3A_1328 = arith.constant 1 : i32
      %get3A_1329 = arith.index_cast %get3A_1328 : i32 to index
      %get3A_1330 = arith.constant 32 : index
      %get3A_1331 = tpu.vector_load %arg8[%get3A_1329, %get3A_1330] {strides = array<i32>} : memref<4x128xi32, #tpu.memory_space<vmem>>, vector<16xi32>,
      tpu.vector_store_idx %arg10[%get3A_1331], %broadcast_in_dim3A_3 {add = true} : memref<10112xf32, #tpu.memory_space<vmem>>[vector<16xi32>], vector<16xf32>,
      %get3A_1332 = arith.constant 1 : i32
      %get3A_1333 = arith.index_cast %get3A_1332 : i32 to index
      %get3A_1334 = arith.constant 48 : index
      %get3A_1335 = tpu.vector_load %arg8[%get3A_1333, %get3A_1334] {strides = array<i32>} : memref<4x128xi32, #tpu.memory_space<vmem>>, vector<16xi32>,
      tpu.vector_store_idx %arg10[%get3A_1335], %broadcast_in_dim3A_3 {add = true} : memref<10112xf32, #tpu.memory_space<vmem>>[vector<16xi32>], vector<16xf32>,
      %get3A_1336 = arith.constant 1 : i32
      %get3A_1337 = arith.index_cast %get3A_1336 : i32 to index
      %get3A_1338 = arith.constant 64 : index
      %get3A_1339 = tpu.vector_load %arg8[%get3A_1337, %get3A_1338] {strides = array<i32>} : memref<4x128xi32, #tpu.memory_space<vmem>>, vector<16xi32>,
      tpu.vector_store_idx %arg10[%get3A_1339], %broadcast_in_dim3A_3 {add = true} : memref<10112xf32, #tpu.memory_space<vmem>>[vector<16xi32>], vector<16xf32>,
      %get3A_1340 = arith.constant 1 : i32
      %get3A_1341 = arith.index_cast %get3A_1340 : i32 to index
      %get3A_1342 = arith.constant 80 : index
      %get3A_1343 = tpu.vector_load %arg8[%get3A_1341, %get3A_1342] {strides = array<i32>} : memref<4x128xi32, #tpu.memory_space<vmem>>, vector<16xi32>,
      tpu.vector_store_idx %arg10[%get3A_1343], %broadcast_in_dim3A_3 {add = true} : memref<10112xf32, #tpu.memory_space<vmem>>[vector<16xi32>], vector<16xf32>,
      %get3A_1344 = arith.constant 1 : i32
      %get3A_1345 = arith.index_cast %get3A_1344 : i32 to index
      %get3A_1346 = arith.constant 96 : index
      %get3A_1347 = tpu.vector_load %arg8[%get3A_1345, %get3A_1346] {strides = array<i32>} : memref<4x128xi32, #tpu.memory_space<vmem>>, vector<16xi32>,
      tpu.vector_store_idx %arg10[%get3A_1347], %broadcast_in_dim3A_3 {add = true} : memref<10112xf32, #tpu.memory_space<vmem>>[vector<16xi32>], vector<16xf32>,
      %get3A_1348 = arith.constant 1 : i32
      %get3A_1349 = arith.index_cast %get3A_1348 : i32 to index
      %get3A_1350 = arith.constant 112 : index
      %get3A_1351 = tpu.vector_load %arg8[%get3A_1349, %get3A_1350] {strides = array<i32>} : memref<4x128xi32, #tpu.memory_space<vmem>>, vector<16xi32>,
      tpu.vector_store_idx %arg10[%get3A_1351], %broadcast_in_dim3A_3 {add = true} : memref<10112xf32, #tpu.memory_space<vmem>>[vector<16xi32>], vector<16xf32>,
      %dma_wait3A_1352 = arith.constant 1 : i32
      %dma_wait3A_1353 = arith.constant 1 : i32
      %dma_wait3A_1354 = arith.constant 0 : i32
      %dma_wait3A_1355 = arith.constant 0 : i32
      %dma_wait3A_1356 = tpu.memref_slice %arg9[%dma_wait3A_1352, %dma_wait3A_1354, %dma_wait3A_1355] : memref<2x128x128xf32, #tpu.memory_space<vmem>> -> memref<1x128x128xf32, #tpu.memory_space<vmem>>
      %dma_wait3A_1357 = tpu.memref_squeeze %dma_wait3A_1356 : memref<1x128x128xf32, #tpu.memory_space<vmem>> -> memref<128x128xf32, #tpu.memory_space<vmem>>
      %dma_wait3A_1358 = arith.constant 0 : i32
      %dma_wait3A_1359 = arith.constant 0 : i32
      %dma_wait3A_1360 = arith.constant 0 : i32
      %dma_wait3A_1361 = tpu.memref_slice %arg7[%add3A, %dma_wait3A_1358, %dma_wait3A_1359, %dma_wait3A_1360] : memref<32x80x128x128xf32, #tpu.memory_space<hbm>> -> memref<1x80x128x128xf32, #tpu.memory_space<hbm>>
      %dma_wait3A_1362 = tpu.memref_squeeze %dma_wait3A_1361 : memref<1x80x128x128xf32, #tpu.memory_space<hbm>> -> memref<80x128x128xf32, #tpu.memory_space<hbm>>
      %dma_wait3A_1363 = arith.constant 0 : i32
      %dma_wait3A_1364 = arith.constant 0 : i32
      %dma_wait3A_1365 = tpu.memref_slice %dma_wait3A_1362[%add3A_1319, %dma_wait3A_1363, %dma_wait3A_1364] : memref<80x128x128xf32, #tpu.memory_space<hbm>> -> memref<1x128x128xf32, #tpu.memory_space<hbm>>
      %dma_wait3A_1366 = tpu.memref_squeeze %dma_wait3A_1365 : memref<1x128x128xf32, #tpu.memory_space<hbm>> -> memref<128x128xf32, #tpu.memory_space<hbm>>
      %dma_wait3A_1367 = tpu.memref_slice %arg13[%dma_wait3A_1353] : memref<2x!tpu.dma_semaphore, #tpu.memory_space<semaphore_mem>> -> memref<1x!tpu.dma_semaphore, #tpu.memory_space<semaphore_mem>>
      %dma_wait3A_1368 = tpu.memref_squeeze %dma_wait3A_1367 : memref<1x!tpu.dma_semaphore, #tpu.memory_space<semaphore_mem>> -> memref<!tpu.dma_semaphore, #tpu.memory_space<semaphore_mem>>
      %dma_wait3A_1369 = arith.constant 0 : i32
      %dma_wait3A_1370 = arith.constant 0 : i32
      %dma_wait3A_1371 = tpu.memref_slice %arg9[%dma_wait3A_1352, %dma_wait3A_1369, %dma_wait3A_1370] : memref<2x128x128xf32, #tpu.memory_space<vmem>> -> memref<1x128x128xf32, #tpu.memory_space<vmem>>
      %dma_wait3A_1372 = tpu.memref_squeeze %dma_wait3A_1371 : memref<1x128x128xf32, #tpu.memory_space<vmem>> -> memref<128x128xf32, #tpu.memory_space<vmem>>
      %dma_wait3A_1373 = arith.constant 0 : i32
      %dma_wait3A_1374 = arith.constant 0 : i32
      %dma_wait3A_1375 = arith.constant 0 : i32
      %dma_wait3A_1376 = tpu.memref_slice %arg7[%add3A, %dma_wait3A_1373, %dma_wait3A_1374, %dma_wait3A_1375] : memref<32x80x128x128xf32, #tpu.memory_space<hbm>> -> memref<1x80x128x128xf32, #tpu.memory_space<hbm>>
      %dma_wait3A_1377 = tpu.memref_squeeze %dma_wait3A_1376 : memref<1x80x128x128xf32, #tpu.memory_space<hbm>> -> memref<80x128x128xf32, #tpu.memory_space<hbm>>
      %dma_wait3A_1378 = arith.constant 0 : i32
      %dma_wait3A_1379 = arith.constant 0 : i32
      %dma_wait3A_1380 = tpu.memref_slice %dma_wait3A_1377[%add3A_1319, %dma_wait3A_1378, %dma_wait3A_1379] : memref<80x128x128xf32, #tpu.memory_space<hbm>> -> memref<1x128x128xf32, #tpu.memory_space<hbm>>
      %dma_wait3A_1381 = tpu.memref_squeeze %dma_wait3A_1380 : memref<1x128x128xf32, #tpu.memory_space<hbm>> -> memref<128x128xf32, #tpu.memory_space<hbm>>
      tpu.wait_dma2 semaphore(%dma_wait3A_1368 : memref<!tpu.dma_semaphore, #tpu.memory_space<semaphore_mem>>) src(%dma_wait3A_1381 : memref<128x128xf32, #tpu.memory_space<hbm>>) dst(%dma_wait3A_1372 : memref<128x128xf32, #tpu.memory_space<vmem>>)
      %dma_start3A_1382 = arith.constant 1 : i32
      %dma_start3A_1383 = arith.constant 1 : i32
      %dma_start3A_1384 = arith.constant 1 : i32
      %dma_start3A_1385 = arith.constant 0 : i32
      %dma_start3A_1386 = arith.constant 0 : i32
      %dma_start3A_1387 = tpu.memref_slice %arg9[%dma_start3A_1382, %dma_start3A_1385, %dma_start3A_1386] : memref<2x128x128xf32, #tpu.memory_space<vmem>> -> memref<1x128x128xf32, #tpu.memory_space<vmem>>
      %dma_start3A_1388 = tpu.memref_squeeze %dma_start3A_1387 : memref<1x128x128xf32, #tpu.memory_space<vmem>> -> memref<128x128xf32, #tpu.memory_space<vmem>>
      %dma_start3A_1389 = arith.constant 0 : i32
      %dma_start3A_1390 = tpu.memref_slice %arg8[%dma_start3A_1383, %dma_start3A_1389] : memref<4x128xi32, #tpu.memory_space<vmem>> -> memref<1x128xi32, #tpu.memory_space<vmem>>
      %dma_start3A_1391 = tpu.memref_squeeze %dma_start3A_1390 : memref<1x128xi32, #tpu.memory_space<vmem>> -> memref<128xi32, #tpu.memory_space<vmem>>
      %dma_start3A_1392 = arith.constant 0 : i32
      %dma_start3A_1393 = arith.constant 0 : i32
      %dma_start3A_1394 = tpu.memref_slice %arg11[%dma_start3A_1392, %dma_start3A_1393] : memref<10112x128xf32, #tpu.memory_space<vmem_shared>> -> memref<10112x128xf32, #tpu.memory_space<vmem_shared>>
      %dma_start3A_1395 = tpu.memref_slice %arg14[%dma_start3A_1384] : memref<2x!tpu.dma_semaphore, #tpu.memory_space<semaphore_mem>> -> memref<1x!tpu.dma_semaphore, #tpu.memory_space<semaphore_mem>>
      %dma_start3A_1396 = tpu.memref_squeeze %dma_start3A_1395 : memref<1x!tpu.dma_semaphore, #tpu.memory_space<semaphore_mem>> -> memref<!tpu.dma_semaphore, #tpu.memory_space<semaphore_mem>>
      tpu.enqueue_indirect_dma source(%dma_start3A_1388 : memref<128x128xf32, #tpu.memory_space<vmem>>) target(%dma_start3A_1394 : memref<10112x128xf32, #tpu.memory_space<vmem_shared>>) offsets(%dma_start3A_1391 : memref<128xi32, #tpu.memory_space<vmem>>) semaphore(%dma_start3A_1396 : memref<!tpu.dma_semaphore, #tpu.memory_space<semaphore_mem>>) {add = true}
      %sub3A = arith.constant 1 : i32
      %sub3A_1397 = arith.subi %add3A_1319, %sub3A : i32
      %dma_wait3A_1398 = arith.constant 0 : i32
      %dma_wait3A_1399 = arith.constant 2 : i32
      %dma_wait3A_1400 = arith.constant 0 : i32
      %dma_wait3A_1401 = arith.constant 0 : i32
      %dma_wait3A_1402 = arith.constant 0 : i32
      %dma_wait3A_1403 = tpu.memref_slice %arg9[%dma_wait3A_1398, %dma_wait3A_1401, %dma_wait3A_1402] : memref<2x128x128xf32, #tpu.memory_space<vmem>> -> memref<1x128x128xf32, #tpu.memory_space<vmem>>
      %dma_wait3A_1404 = tpu.memref_squeeze %dma_wait3A_1403 : memref<1x128x128xf32, #tpu.memory_space<vmem>> -> memref<128x128xf32, #tpu.memory_space<vmem>>
      %dma_wait3A_1405 = arith.constant 0 : i32
      %dma_wait3A_1406 = tpu.memref_slice %arg8[%dma_wait3A_1399, %dma_wait3A_1405] : memref<4x128xi32, #tpu.memory_space<vmem>> -> memref<1x128xi32, #tpu.memory_space<vmem>>
      %dma_wait3A_1407 = tpu.memref_squeeze %dma_wait3A_1406 : memref<1x128xi32, #tpu.memory_space<vmem>> -> memref<128xi32, #tpu.memory_space<vmem>>
      %dma_wait3A_1408 = arith.constant 0 : i32
      %dma_wait3A_1409 = arith.constant 0 : i32
      %dma_wait3A_1410 = tpu.memref_slice %arg11[%dma_wait3A_1408, %dma_wait3A_1409] : memref<10112x128xf32, #tpu.memory_space<vmem_shared>> -> memref<10112x128xf32, #tpu.memory_space<vmem_shared>>
      %dma_wait3A_1411 = tpu.memref_slice %arg14[%dma_wait3A_1400] : memref<2x!tpu.dma_semaphore, #tpu.memory_space<semaphore_mem>> -> memref<1x!tpu.dma_semaphore, #tpu.memory_space<semaphore_mem>>
      %dma_wait3A_1412 = tpu.memref_squeeze %dma_wait3A_1411 : memref<1x!tpu.dma_semaphore, #tpu.memory_space<semaphore_mem>> -> memref<!tpu.dma_semaphore, #tpu.memory_space<semaphore_mem>>
      tpu.wait_indirect_dma semaphore(%dma_wait3A_1412 : memref<!tpu.dma_semaphore, #tpu.memory_space<semaphore_mem>>) src(%dma_wait3A_1404 : memref<128x128xf32, #tpu.memory_space<vmem>>) dst(%dma_wait3A_1410 : memref<10112x128xf32, #tpu.memory_space<vmem_shared>>)
      %add3A_1413 = arith.constant 1 : i32
      %add3A_1414 = arith.addi %add3A_1319, %add3A_1413 : i32
      %dma_wait3A_1415 = arith.constant 2 : i32
      %dma_wait3A_1416 = arith.constant 2 : i32
      %dma_wait3A_1417 = arith.constant 0 : i32
      %dma_wait3A_1418 = tpu.memref_slice %arg8[%dma_wait3A_1415, %dma_wait3A_1417] : memref<4x128xi32, #tpu.memory_space<vmem>> -> memref<1x128xi32, #tpu.memory_space<vmem>>
      %dma_wait3A_1419 = tpu.memref_squeeze %dma_wait3A_1418 : memref<1x128xi32, #tpu.memory_space<vmem>> -> memref<128xi32, #tpu.memory_space<vmem>>
      %dma_wait3A_1420 = arith.constant 0 : i32
      %dma_wait3A_1421 = arith.constant 0 : i32
      %dma_wait3A_1422 = tpu.memref_slice %arg4[%add3A, %dma_wait3A_1420, %dma_wait3A_1421] : memref<32x80x128xi32, #tpu.memory_space<hbm>> -> memref<1x80x128xi32, #tpu.memory_space<hbm>>
      %dma_wait3A_1423 = tpu.memref_squeeze %dma_wait3A_1422 : memref<1x80x128xi32, #tpu.memory_space<hbm>> -> memref<80x128xi32, #tpu.memory_space<hbm>>
      %dma_wait3A_1424 = arith.constant 0 : i32
      %dma_wait3A_1425 = tpu.memref_slice %dma_wait3A_1423[%add3A_1414, %dma_wait3A_1424] : memref<80x128xi32, #tpu.memory_space<hbm>> -> memref<1x128xi32, #tpu.memory_space<hbm>>
      %dma_wait3A_1426 = tpu.memref_squeeze %dma_wait3A_1425 : memref<1x128xi32, #tpu.memory_space<hbm>> -> memref<128xi32, #tpu.memory_space<hbm>>
      %dma_wait3A_1427 = tpu.memref_slice %arg12[%dma_wait3A_1416] : memref<4x!tpu.dma_semaphore, #tpu.memory_space<semaphore_mem>> -> memref<1x!tpu.dma_semaphore, #tpu.memory_space<semaphore_mem>>
      %dma_wait3A_1428 = tpu.memref_squeeze %dma_wait3A_1427 : memref<1x!tpu.dma_semaphore, #tpu.memory_space<semaphore_mem>> -> memref<!tpu.dma_semaphore, #tpu.memory_space<semaphore_mem>>
      %dma_wait3A_1429 = arith.constant 0 : i32
      %dma_wait3A_1430 = tpu.memref_slice %arg8[%dma_wait3A_1415, %dma_wait3A_1429] : memref<4x128xi32, #tpu.memory_space<vmem>> -> memref<1x128xi32, #tpu.memory_space<vmem>>
      %dma_wait3A_1431 = tpu.memref_squeeze %dma_wait3A_1430 : memref<1x128xi32, #tpu.memory_space<vmem>> -> memref<128xi32, #tpu.memory_space<vmem>>
      %dma_wait3A_1432 = arith.constant 0 : i32
      %dma_wait3A_1433 = arith.constant 0 : i32
      %dma_wait3A_1434 = tpu.memref_slice %arg4[%add3A, %dma_wait3A_1432, %dma_wait3A_1433] : memref<32x80x128xi32, #tpu.memory_space<hbm>> -> memref<1x80x128xi32, #tpu.memory_space<hbm>>
      %dma_wait3A_1435 = tpu.memref_squeeze %dma_wait3A_1434 : memref<1x80x128xi32, #tpu.memory_space<hbm>> -> memref<80x128xi32, #tpu.memory_space<hbm>>
      %dma_wait3A_1436 = arith.constant 0 : i32
      %dma_wait3A_1437 = tpu.memref_slice %dma_wait3A_1435[%add3A_1414, %dma_wait3A_1436] : memref<80x128xi32, #tpu.memory_space<hbm>> -> memref<1x128xi32, #tpu.memory_space<hbm>>
      %dma_wait3A_1438 = tpu.memref_squeeze %dma_wait3A_1437 : memref<1x128xi32, #tpu.memory_space<hbm>> -> memref<128xi32, #tpu.memory_space<hbm>>
      tpu.wait_dma2 semaphore(%dma_wait3A_1428 : memref<!tpu.dma_semaphore, #tpu.memory_space<semaphore_mem>>) src(%dma_wait3A_1438 : memref<128xi32, #tpu.memory_space<hbm>>) dst(%dma_wait3A_1431 : memref<128xi32, #tpu.memory_space<vmem>>)
      %add3A_1439 = arith.constant 1 : i32
      %add3A_1440 = arith.addi %add3A_1319, %add3A_1439 : i32
      %dma_start3A_1441 = arith.constant 0 : i32
      %dma_start3A_1442 = arith.constant 0 : i32
      %dma_start3A_1443 = arith.constant 0 : i32
      %dma_start3A_1444 = arith.constant 0 : i32
      %dma_start3A_1445 = tpu.memref_slice %arg9[%dma_start3A_1441, %dma_start3A_1443, %dma_start3A_1444] : memref<2x128x128xf32, #tpu.memory_space<vmem>> -> memref<1x128x128xf32, #tpu.memory_space<vmem>>
      %dma_start3A_1446 = tpu.memref_squeeze %dma_start3A_1445 : memref<1x128x128xf32, #tpu.memory_space<vmem>> -> memref<128x128xf32, #tpu.memory_space<vmem>>
      %dma_start3A_1447 = arith.constant 0 : i32
      %dma_start3A_1448 = arith.constant 0 : i32
      %dma_start3A_1449 = arith.constant 0 : i32
      %dma_start3A_1450 = tpu.memref_slice %arg7[%add3A, %dma_start3A_1447, %dma_start3A_1448, %dma_start3A_1449] : memref<32x80x128x128xf32, #tpu.memory_space<hbm>> -> memref<1x80x128x128xf32, #tpu.memory_space<hbm>>
      %dma_start3A_1451 = tpu.memref_squeeze %dma_start3A_1450 : memref<1x80x128x128xf32, #tpu.memory_space<hbm>> -> memref<80x128x128xf32, #tpu.memory_space<hbm>>
      %dma_start3A_1452 = arith.constant 0 : i32
      %dma_start3A_1453 = arith.constant 0 : i32
      %dma_start3A_1454 = tpu.memref_slice %dma_start3A_1451[%add3A_1440, %dma_start3A_1452, %dma_start3A_1453] : memref<80x128x128xf32, #tpu.memory_space<hbm>> -> memref<1x128x128xf32, #tpu.memory_space<hbm>>
      %dma_start3A_1455 = tpu.memref_squeeze %dma_start3A_1454 : memref<1x128x128xf32, #tpu.memory_space<hbm>> -> memref<128x128xf32, #tpu.memory_space<hbm>>
      %dma_start3A_1456 = tpu.memref_slice %arg13[%dma_start3A_1442] : memref<2x!tpu.dma_semaphore, #tpu.memory_space<semaphore_mem>> -> memref<1x!tpu.dma_semaphore, #tpu.memory_space<semaphore_mem>>
      %dma_start3A_1457 = tpu.memref_squeeze %dma_start3A_1456 : memref<1x!tpu.dma_semaphore, #tpu.memory_space<semaphore_mem>> -> memref<!tpu.dma_semaphore, #tpu.memory_space<semaphore_mem>>
      %dma_start3A_1458 = arith.constant 0 : i32
      %dma_start3A_1459 = arith.constant 0 : i32
      %dma_start3A_1460 = tpu.memref_slice %arg9[%dma_start3A_1441, %dma_start3A_1458, %dma_start3A_1459] : memref<2x128x128xf32, #tpu.memory_space<vmem>> -> memref<1x128x128xf32, #tpu.memory_space<vmem>>
      %dma_start3A_1461 = tpu.memref_squeeze %dma_start3A_1460 : memref<1x128x128xf32, #tpu.memory_space<vmem>> -> memref<128x128xf32, #tpu.memory_space<vmem>>
      %dma_start3A_1462 = arith.constant 0 : i32
      %dma_start3A_1463 = arith.constant 0 : i32
      %dma_start3A_1464 = arith.constant 0 : i32
      %dma_start3A_1465 = tpu.memref_slice %arg7[%add3A, %dma_start3A_1462, %dma_start3A_1463, %dma_start3A_1464] : memref<32x80x128x128xf32, #tpu.memory_space<hbm>> -> memref<1x80x128x128xf32, #tpu.memory_space<hbm>>
      %dma_start3A_1466 = tpu.memref_squeeze %dma_start3A_1465 : memref<1x80x128x128xf32, #tpu.memory_space<hbm>> -> memref<80x128x128xf32, #tpu.memory_space<hbm>>
      %dma_start3A_1467 = arith.constant 0 : i32
      %dma_start3A_1468 = arith.constant 0 : i32
      %dma_start3A_1469 = tpu.memref_slice %dma_start3A_1466[%add3A_1440, %dma_start3A_1467, %dma_start3A_1468] : memref<80x128x128xf32, #tpu.memory_space<hbm>> -> memref<1x128x128xf32, #tpu.memory_space<hbm>>
      %dma_start3A_1470 = tpu.memref_squeeze %dma_start3A_1469 : memref<1x128x128xf32, #tpu.memory_space<hbm>> -> memref<128x128xf32, #tpu.memory_space<hbm>>
      tpu.enqueue_dma source(%dma_start3A_1470 : memref<128x128xf32, #tpu.memory_space<hbm>>) target(%dma_start3A_1461 : memref<128x128xf32, #tpu.memory_space<vmem>>) target_semaphore(%dma_start3A_1457 : memref<!tpu.dma_semaphore, #tpu.memory_space<semaphore_mem>>)
      %add3A_1471 = arith.constant 3 : i32
      %add3A_1472 = arith.addi %add3A_1319, %add3A_1471 : i32
      %dma_start3A_1473 = arith.constant 0 : i32
      %dma_start3A_1474 = arith.constant 0 : i32
      %dma_start3A_1475 = arith.constant 0 : i32
      %dma_start3A_1476 = tpu.memref_slice %arg8[%dma_start3A_1473, %dma_start3A_1475] : memref<4x128xi32, #tpu.memory_space<vmem>> -> memref<1x128xi32, #tpu.memory_space<vmem>>
      %dma_start3A_1477 = tpu.memref_squeeze %dma_start3A_1476 : memref<1x128xi32, #tpu.memory_space<vmem>> -> memref<128xi32, #tpu.memory_space<vmem>>
      %dma_start3A_1478 = arith.constant 0 : i32
      %dma_start3A_1479 = arith.constant 0 : i32
      %dma_start3A_1480 = tpu.memref_slice %arg4[%add3A, %dma_start3A_1478, %dma_start3A_1479] : memref<32x80x128xi32, #tpu.memory_space<hbm>> -> memref<1x80x128xi32, #tpu.memory_space<hbm>>
      %dma_start3A_1481 = tpu.memref_squeeze %dma_start3A_1480 : memref<1x80x128xi32, #tpu.memory_space<hbm>> -> memref<80x128xi32, #tpu.memory_space<hbm>>
      %dma_start3A_1482 = arith.constant 0 : i32
      %dma_start3A_1483 = tpu.memref_slice %dma_start3A_1481[%add3A_1472, %dma_start3A_1482] : memref<80x128xi32, #tpu.memory_space<hbm>> -> memref<1x128xi32, #tpu.memory_space<hbm>>
      %dma_start3A_1484 = tpu.memref_squeeze %dma_start3A_1483 : memref<1x128xi32, #tpu.memory_space<hbm>> -> memref<128xi32, #tpu.memory_space<hbm>>
      %dma_start3A_1485 = tpu.memref_slice %arg12[%dma_start3A_1474] : memref<4x!tpu.dma_semaphore, #tpu.memory_space<semaphore_mem>> -> memref<1x!tpu.dma_semaphore, #tpu.memory_space<semaphore_mem>>
      %dma_start3A_1486 = tpu.memref_squeeze %dma_start3A_1485 : memref<1x!tpu.dma_semaphore, #tpu.memory_space<semaphore_mem>> -> memref<!tpu.dma_semaphore, #tpu.memory_space<semaphore_mem>>
      %dma_start3A_1487 = arith.constant 0 : i32
      %dma_start3A_1488 = tpu.memref_slice %arg8[%dma_start3A_1473, %dma_start3A_1487] : memref<4x128xi32, #tpu.memory_space<vmem>> -> memref<1x128xi32, #tpu.memory_space<vmem>>
      %dma_start3A_1489 = tpu.memref_squeeze %dma_start3A_1488 : memref<1x128xi32, #tpu.memory_space<vmem>> -> memref<128xi32, #tpu.memory_space<vmem>>
      %dma_start3A_1490 = arith.constant 0 : i32
      %dma_start3A_1491 = arith.constant 0 : i32
      %dma_start3A_1492 = tpu.memref_slice %arg4[%add3A, %dma_start3A_1490, %dma_start3A_1491] : memref<32x80x128xi32, #tpu.memory_space<hbm>> -> memref<1x80x128xi32, #tpu.memory_space<hbm>>
      %dma_start3A_1493 = tpu.memref_squeeze %dma_start3A_1492 : memref<1x80x128xi32, #tpu.memory_space<hbm>> -> memref<80x128xi32, #tpu.memory_space<hbm>>
      %dma_start3A_1494 = arith.constant 0 : i32
      %dma_start3A_1495 = tpu.memref_slice %dma_start3A_1493[%add3A_1472, %dma_start3A_1494] : memref<80x128xi32, #tpu.memory_space<hbm>> -> memref<1x128xi32, #tpu.memory_space<hbm>>
      %dma_start3A_1496 = tpu.memref_squeeze %dma_start3A_1495 : memref<1x128xi32, #tpu.memory_space<hbm>> -> memref<128xi32, #tpu.memory_space<hbm>>
      tpu.enqueue_dma source(%dma_start3A_1496 : memref<128xi32, #tpu.memory_space<hbm>>) target(%dma_start3A_1489 : memref<128xi32, #tpu.memory_space<vmem>>) target_semaphore(%dma_start3A_1486 : memref<!tpu.dma_semaphore, #tpu.memory_space<semaphore_mem>>)
      %add3A_1497 = arith.constant 1 : i32
      %add3A_1498 = arith.addi %add3A_1317, %add3A_1497 : i32
      %get3A_1499 = arith.constant 2 : i32
      %get3A_1500 = arith.index_cast %get3A_1499 : i32 to index
      %get3A_1501 = arith.constant 0 : index
      %get3A_1502 = tpu.vector_load %arg8[%get3A_1500, %get3A_1501] {strides = array<i32>} : memref<4x128xi32, #tpu.memory_space<vmem>>, vector<16xi32>,
      tpu.vector_store_idx %arg10[%get3A_1502], %broadcast_in_dim3A_3 {add = true} : memref<10112xf32, #tpu.memory_space<vmem>>[vector<16xi32>], vector<16xf32>,
      %get3A_1503 = arith.constant 2 : i32
      %get3A_1504 = arith.index_cast %get3A_1503 : i32 to index
      %get3A_1505 = arith.constant 16 : index
      %get3A_1506 = tpu.vector_load %arg8[%get3A_1504, %get3A_1505] {strides = array<i32>} : memref<4x128xi32, #tpu.memory_space<vmem>>, vector<16xi32>,
      tpu.vector_store_idx %arg10[%get3A_1506], %broadcast_in_dim3A_3 {add = true} : memref<10112xf32, #tpu.memory_space<vmem>>[vector<16xi32>], vector<16xf32>,
      %get3A_1507 = arith.constant 2 : i32
      %get3A_1508 = arith.index_cast %get3A_1507 : i32 to index
      %get3A_1509 = arith.constant 32 : index
      %get3A_1510 = tpu.vector_load %arg8[%get3A_1508, %get3A_1509] {strides = array<i32>} : memref<4x128xi32, #tpu.memory_space<vmem>>, vector<16xi32>,
      tpu.vector_store_idx %arg10[%get3A_1510], %broadcast_in_dim3A_3 {add = true} : memref<10112xf32, #tpu.memory_space<vmem>>[vector<16xi32>], vector<16xf32>,
      %get3A_1511 = arith.constant 2 : i32
      %get3A_1512 = arith.index_cast %get3A_1511 : i32 to index
      %get3A_1513 = arith.constant 48 : index
      %get3A_1514 = tpu.vector_load %arg8[%get3A_1512, %get3A_1513] {strides = array<i32>} : memref<4x128xi32, #tpu.memory_space<vmem>>, vector<16xi32>,
      tpu.vector_store_idx %arg10[%get3A_1514], %broadcast_in_dim3A_3 {add = true} : memref<10112xf32, #tpu.memory_space<vmem>>[vector<16xi32>], vector<16xf32>,
      %get3A_1515 = arith.constant 2 : i32
      %get3A_1516 = arith.index_cast %get3A_1515 : i32 to index
      %get3A_1517 = arith.constant 64 : index
      %get3A_1518 = tpu.vector_load %arg8[%get3A_1516, %get3A_1517] {strides = array<i32>} : memref<4x128xi32, #tpu.memory_space<vmem>>, vector<16xi32>,
      tpu.vector_store_idx %arg10[%get3A_1518], %broadcast_in_dim3A_3 {add = true} : memref<10112xf32, #tpu.memory_space<vmem>>[vector<16xi32>], vector<16xf32>,
      %get3A_1519 = arith.constant 2 : i32
      %get3A_1520 = arith.index_cast %get3A_1519 : i32 to index
      %get3A_1521 = arith.constant 80 : index
      %get3A_1522 = tpu.vector_load %arg8[%get3A_1520, %get3A_1521] {strides = array<i32>} : memref<4x128xi32, #tpu.memory_space<vmem>>, vector<16xi32>,
      tpu.vector_store_idx %arg10[%get3A_1522], %broadcast_in_dim3A_3 {add = true} : memref<10112xf32, #tpu.memory_space<vmem>>[vector<16xi32>], vector<16xf32>,
      %get3A_1523 = arith.constant 2 : i32
      %get3A_1524 = arith.index_cast %get3A_1523 : i32 to index
      %get3A_1525 = arith.constant 96 : index
      %get3A_1526 = tpu.vector_load %arg8[%get3A_1524, %get3A_1525] {strides = array<i32>} : memref<4x128xi32, #tpu.memory_space<vmem>>, vector<16xi32>,
      tpu.vector_store_idx %arg10[%get3A_1526], %broadcast_in_dim3A_3 {add = true} : memref<10112xf32, #tpu.memory_space<vmem>>[vector<16xi32>], vector<16xf32>,
      %get3A_1527 = arith.constant 2 : i32
      %get3A_1528 = arith.index_cast %get3A_1527 : i32 to index
      %get3A_1529 = arith.constant 112 : index
      %get3A_1530 = tpu.vector_load %arg8[%get3A_1528, %get3A_1529] {strides = array<i32>} : memref<4x128xi32, #tpu.memory_space<vmem>>, vector<16xi32>,
      tpu.vector_store_idx %arg10[%get3A_1530], %broadcast_in_dim3A_3 {add = true} : memref<10112xf32, #tpu.memory_space<vmem>>[vector<16xi32>], vector<16xf32>,
      %dma_wait3A_1531 = arith.constant 0 : i32
      %dma_wait3A_1532 = arith.constant 0 : i32
      %dma_wait3A_1533 = arith.constant 0 : i32
      %dma_wait3A_1534 = arith.constant 0 : i32
      %dma_wait3A_1535 = tpu.memref_slice %arg9[%dma_wait3A_1531, %dma_wait3A_1533, %dma_wait3A_1534] : memref<2x128x128xf32, #tpu.memory_space<vmem>> -> memref<1x128x128xf32, #tpu.memory_space<vmem>>
      %dma_wait3A_1536 = tpu.memref_squeeze %dma_wait3A_1535 : memref<1x128x128xf32, #tpu.memory_space<vmem>> -> memref<128x128xf32, #tpu.memory_space<vmem>>
      %dma_wait3A_1537 = arith.constant 0 : i32
      %dma_wait3A_1538 = arith.constant 0 : i32
      %dma_wait3A_1539 = arith.constant 0 : i32
      %dma_wait3A_1540 = tpu.memref_slice %arg7[%add3A, %dma_wait3A_1537, %dma_wait3A_1538, %dma_wait3A_1539] : memref<32x80x128x128xf32, #tpu.memory_space<hbm>> -> memref<1x80x128x128xf32, #tpu.memory_space<hbm>>
      %dma_wait3A_1541 = tpu.memref_squeeze %dma_wait3A_1540 : memref<1x80x128x128xf32, #tpu.memory_space<hbm>> -> memref<80x128x128xf32, #tpu.memory_space<hbm>>
      %dma_wait3A_1542 = arith.constant 0 : i32
      %dma_wait3A_1543 = arith.constant 0 : i32
      %dma_wait3A_1544 = tpu.memref_slice %dma_wait3A_1541[%add3A_1498, %dma_wait3A_1542, %dma_wait3A_1543] : memref<80x128x128xf32, #tpu.memory_space<hbm>> -> memref<1x128x128xf32, #tpu.memory_space<hbm>>
      %dma_wait3A_1545 = tpu.memref_squeeze %dma_wait3A_1544 : memref<1x128x128xf32, #tpu.memory_space<hbm>> -> memref<128x128xf32, #tpu.memory_space<hbm>>
      %dma_wait3A_1546 = tpu.memref_slice %arg13[%dma_wait3A_1532] : memref<2x!tpu.dma_semaphore, #tpu.memory_space<semaphore_mem>> -> memref<1x!tpu.dma_semaphore, #tpu.memory_space<semaphore_mem>>
      %dma_wait3A_1547 = tpu.memref_squeeze %dma_wait3A_1546 : memref<1x!tpu.dma_semaphore, #tpu.memory_space<semaphore_mem>> -> memref<!tpu.dma_semaphore, #tpu.memory_space<semaphore_mem>>
      %dma_wait3A_1548 = arith.constant 0 : i32
      %dma_wait3A_1549 = arith.constant 0 : i32
      %dma_wait3A_1550 = tpu.memref_slice %arg9[%dma_wait3A_1531, %dma_wait3A_1548, %dma_wait3A_1549] : memref<2x128x128xf32, #tpu.memory_space<vmem>> -> memref<1x128x128xf32, #tpu.memory_space<vmem>>
      %dma_wait3A_1551 = tpu.memref_squeeze %dma_wait3A_1550 : memref<1x128x128xf32, #tpu.memory_space<vmem>> -> memref<128x128xf32, #tpu.memory_space<vmem>>
      %dma_wait3A_1552 = arith.constant 0 : i32
      %dma_wait3A_1553 = arith.constant 0 : i32
      %dma_wait3A_1554 = arith.constant 0 : i32
      %dma_wait3A_1555 = tpu.memref_slice %arg7[%add3A, %dma_wait3A_1552, %dma_wait3A_1553, %dma_wait3A_1554] : memref<32x80x128x128xf32, #tpu.memory_space<hbm>> -> memref<1x80x128x128xf32, #tpu.memory_space<hbm>>
      %dma_wait3A_1556 = tpu.memref_squeeze %dma_wait3A_1555 : memref<1x80x128x128xf32, #tpu.memory_space<hbm>> -> memref<80x128x128xf32, #tpu.memory_space<hbm>>
      %dma_wait3A_1557 = arith.constant 0 : i32
      %dma_wait3A_1558 = arith.constant 0 : i32
      %dma_wait3A_1559 = tpu.memref_slice %dma_wait3A_1556[%add3A_1498, %dma_wait3A_1557, %dma_wait3A_1558] : memref<80x128x128xf32, #tpu.memory_space<hbm>> -> memref<1x128x128xf32, #tpu.memory_space<hbm>>
      %dma_wait3A_1560 = tpu.memref_squeeze %dma_wait3A_1559 : memref<1x128x128xf32, #tpu.memory_space<hbm>> -> memref<128x128xf32, #tpu.memory_space<hbm>>
      tpu.wait_dma2 semaphore(%dma_wait3A_1547 : memref<!tpu.dma_semaphore, #tpu.memory_space<semaphore_mem>>) src(%dma_wait3A_1560 : memref<128x128xf32, #tpu.memory_space<hbm>>) dst(%dma_wait3A_1551 : memref<128x128xf32, #tpu.memory_space<vmem>>)
      %dma_start3A_1561 = arith.constant 0 : i32
      %dma_start3A_1562 = arith.constant 2 : i32
      %dma_start3A_1563 = arith.constant 0 : i32
      %dma_start3A_1564 = arith.constant 0 : i32
      %dma_start3A_1565 = arith.constant 0 : i32
      %dma_start3A_1566 = tpu.memref_slice %arg9[%dma_start3A_1561, %dma_start3A_1564, %dma_start3A_1565] : memref<2x128x128xf32, #tpu.memory_space<vmem>> -> memref<1x128x128xf32, #tpu.memory_space<vmem>>
      %dma_start3A_1567 = tpu.memref_squeeze %dma_start3A_1566 : memref<1x128x128xf32, #tpu.memory_space<vmem>> -> memref<128x128xf32, #tpu.memory_space<vmem>>
      %dma_start3A_1568 = arith.constant 0 : i32
      %dma_start3A_1569 = tpu.memref_slice %arg8[%dma_start3A_1562, %dma_start3A_1568] : memref<4x128xi32, #tpu.memory_space<vmem>> -> memref<1x128xi32, #tpu.memory_space<vmem>>
      %dma_start3A_1570 = tpu.memref_squeeze %dma_start3A_1569 : memref<1x128xi32, #tpu.memory_space<vmem>> -> memref<128xi32, #tpu.memory_space<vmem>>
      %dma_start3A_1571 = arith.constant 0 : i32
      %dma_start3A_1572 = arith.constant 0 : i32
      %dma_start3A_1573 = tpu.memref_slice %arg11[%dma_start3A_1571, %dma_start3A_1572] : memref<10112x128xf32, #tpu.memory_space<vmem_shared>> -> memref<10112x128xf32, #tpu.memory_space<vmem_shared>>
      %dma_start3A_1574 = tpu.memref_slice %arg14[%dma_start3A_1563] : memref<2x!tpu.dma_semaphore, #tpu.memory_space<semaphore_mem>> -> memref<1x!tpu.dma_semaphore, #tpu.memory_space<semaphore_mem>>
      %dma_start3A_1575 = tpu.memref_squeeze %dma_start3A_1574 : memref<1x!tpu.dma_semaphore, #tpu.memory_space<semaphore_mem>> -> memref<!tpu.dma_semaphore, #tpu.memory_space<semaphore_mem>>
      tpu.enqueue_indirect_dma source(%dma_start3A_1567 : memref<128x128xf32, #tpu.memory_space<vmem>>) target(%dma_start3A_1573 : memref<10112x128xf32, #tpu.memory_space<vmem_shared>>) offsets(%dma_start3A_1570 : memref<128xi32, #tpu.memory_space<vmem>>) semaphore(%dma_start3A_1575 : memref<!tpu.dma_semaphore, #tpu.memory_space<semaphore_mem>>) {add = true}
      %sub3A_1576 = arith.constant 1 : i32
      %sub3A_1577 = arith.subi %add3A_1498, %sub3A_1576 : i32
      %dma_wait3A_1578 = arith.constant 1 : i32
      %dma_wait3A_1579 = arith.constant 3 : i32
      %dma_wait3A_1580 = arith.constant 1 : i32
      %dma_wait3A_1581 = arith.constant 0 : i32
      %dma_wait3A_1582 = arith.constant 0 : i32
      %dma_wait3A_1583 = tpu.memref_slice %arg9[%dma_wait3A_1578, %dma_wait3A_1581, %dma_wait3A_1582] : memref<2x128x128xf32, #tpu.memory_space<vmem>> -> memref<1x128x128xf32, #tpu.memory_space<vmem>>
      %dma_wait3A_1584 = tpu.memref_squeeze %dma_wait3A_1583 : memref<1x128x128xf32, #tpu.memory_space<vmem>> -> memref<128x128xf32, #tpu.memory_space<vmem>>
      %dma_wait3A_1585 = arith.constant 0 : i32
      %dma_wait3A_1586 = tpu.memref_slice %arg8[%dma_wait3A_1579, %dma_wait3A_1585] : memref<4x128xi32, #tpu.memory_space<vmem>> -> memref<1x128xi32, #tpu.memory_space<vmem>>
      %dma_wait3A_1587 = tpu.memref_squeeze %dma_wait3A_1586 : memref<1x128xi32, #tpu.memory_space<vmem>> -> memref<128xi32, #tpu.memory_space<vmem>>
      %dma_wait3A_1588 = arith.constant 0 : i32
      %dma_wait3A_1589 = arith.constant 0 : i32
      %dma_wait3A_1590 = tpu.memref_slice %arg11[%dma_wait3A_1588, %dma_wait3A_1589] : memref<10112x128xf32, #tpu.memory_space<vmem_shared>> -> memref<10112x128xf32, #tpu.memory_space<vmem_shared>>
      %dma_wait3A_1591 = tpu.memref_slice %arg14[%dma_wait3A_1580] : memref<2x!tpu.dma_semaphore, #tpu.memory_space<semaphore_mem>> -> memref<1x!tpu.dma_semaphore, #tpu.memory_space<semaphore_mem>>
      %dma_wait3A_1592 = tpu.memref_squeeze %dma_wait3A_1591 : memref<1x!tpu.dma_semaphore, #tpu.memory_space<semaphore_mem>> -> memref<!tpu.dma_semaphore, #tpu.memory_space<semaphore_mem>>
      tpu.wait_indirect_dma semaphore(%dma_wait3A_1592 : memref<!tpu.dma_semaphore, #tpu.memory_space<semaphore_mem>>) src(%dma_wait3A_1584 : memref<128x128xf32, #tpu.memory_space<vmem>>) dst(%dma_wait3A_1590 : memref<10112x128xf32, #tpu.memory_space<vmem_shared>>)
      %add3A_1593 = arith.constant 1 : i32
      %add3A_1594 = arith.addi %add3A_1498, %add3A_1593 : i32
      %dma_wait3A_1595 = arith.constant 3 : i32
      %dma_wait3A_1596 = arith.constant 3 : i32
      %dma_wait3A_1597 = arith.constant 0 : i32
      %dma_wait3A_1598 = tpu.memref_slice %arg8[%dma_wait3A_1595, %dma_wait3A_1597] : memref<4x128xi32, #tpu.memory_space<vmem>> -> memref<1x128xi32, #tpu.memory_space<vmem>>
      %dma_wait3A_1599 = tpu.memref_squeeze %dma_wait3A_1598 : memref<1x128xi32, #tpu.memory_space<vmem>> -> memref<128xi32, #tpu.memory_space<vmem>>
      %dma_wait3A_1600 = arith.constant 0 : i32
      %dma_wait3A_1601 = arith.constant 0 : i32
      %dma_wait3A_1602 = tpu.memref_slice %arg4[%add3A, %dma_wait3A_1600, %dma_wait3A_1601] : memref<32x80x128xi32, #tpu.memory_space<hbm>> -> memref<1x80x128xi32, #tpu.memory_space<hbm>>
      %dma_wait3A_1603 = tpu.memref_squeeze %dma_wait3A_1602 : memref<1x80x128xi32, #tpu.memory_space<hbm>> -> memref<80x128xi32, #tpu.memory_space<hbm>>
      %dma_wait3A_1604 = arith.constant 0 : i32
      %dma_wait3A_1605 = tpu.memref_slice %dma_wait3A_1603[%add3A_1594, %dma_wait3A_1604] : memref<80x128xi32, #tpu.memory_space<hbm>> -> memref<1x128xi32, #tpu.memory_space<hbm>>
      %dma_wait3A_1606 = tpu.memref_squeeze %dma_wait3A_1605 : memref<1x128xi32, #tpu.memory_space<hbm>> -> memref<128xi32, #tpu.memory_space<hbm>>
      %dma_wait3A_1607 = tpu.memref_slice %arg12[%dma_wait3A_1596] : memref<4x!tpu.dma_semaphore, #tpu.memory_space<semaphore_mem>> -> memref<1x!tpu.dma_semaphore, #tpu.memory_space<semaphore_mem>>
      %dma_wait3A_1608 = tpu.memref_squeeze %dma_wait3A_1607 : memref<1x!tpu.dma_semaphore, #tpu.memory_space<semaphore_mem>> -> memref<!tpu.dma_semaphore, #tpu.memory_space<semaphore_mem>>
      %dma_wait3A_1609 = arith.constant 0 : i32
      %dma_wait3A_1610 = tpu.memref_slice %arg8[%dma_wait3A_1595, %dma_wait3A_1609] : memref<4x128xi32, #tpu.memory_space<vmem>> -> memref<1x128xi32, #tpu.memory_space<vmem>>
      %dma_wait3A_1611 = tpu.memref_squeeze %dma_wait3A_1610 : memref<1x128xi32, #tpu.memory_space<vmem>> -> memref<128xi32, #tpu.memory_space<vmem>>
      %dma_wait3A_1612 = arith.constant 0 : i32
      %dma_wait3A_1613 = arith.constant 0 : i32
      %dma_wait3A_1614 = tpu.memref_slice %arg4[%add3A, %dma_wait3A_1612, %dma_wait3A_1613] : memref<32x80x128xi32, #tpu.memory_space<hbm>> -> memref<1x80x128xi32, #tpu.memory_space<hbm>>
      %dma_wait3A_1615 = tpu.memref_squeeze %dma_wait3A_1614 : memref<1x80x128xi32, #tpu.memory_space<hbm>> -> memref<80x128xi32, #tpu.memory_space<hbm>>
      %dma_wait3A_1616 = arith.constant 0 : i32
      %dma_wait3A_1617 = tpu.memref_slice %dma_wait3A_1615[%add3A_1594, %dma_wait3A_1616] : memref<80x128xi32, #tpu.memory_space<hbm>> -> memref<1x128xi32, #tpu.memory_space<hbm>>
      %dma_wait3A_1618 = tpu.memref_squeeze %dma_wait3A_1617 : memref<1x128xi32, #tpu.memory_space<hbm>> -> memref<128xi32, #tpu.memory_space<hbm>>
      tpu.wait_dma2 semaphore(%dma_wait3A_1608 : memref<!tpu.dma_semaphore, #tpu.memory_space<semaphore_mem>>) src(%dma_wait3A_1618 : memref<128xi32, #tpu.memory_space<hbm>>) dst(%dma_wait3A_1611 : memref<128xi32, #tpu.memory_space<vmem>>)
      %add3A_1619 = arith.constant 1 : i32
      %add3A_1620 = arith.addi %add3A_1498, %add3A_1619 : i32
      %dma_start3A_1621 = arith.constant 1 : i32
      %dma_start3A_1622 = arith.constant 1 : i32
      %dma_start3A_1623 = arith.constant 0 : i32
      %dma_start3A_1624 = arith.constant 0 : i32
      %dma_start3A_1625 = tpu.memref_slice %arg9[%dma_start3A_1621, %dma_start3A_1623, %dma_start3A_1624] : memref<2x128x128xf32, #tpu.memory_space<vmem>> -> memref<1x128x128xf32, #tpu.memory_space<vmem>>
      %dma_start3A_1626 = tpu.memref_squeeze %dma_start3A_1625 : memref<1x128x128xf32, #tpu.memory_space<vmem>> -> memref<128x128xf32, #tpu.memory_space<vmem>>
      %dma_start3A_1627 = arith.constant 0 : i32
      %dma_start3A_1628 = arith.constant 0 : i32
      %dma_start3A_1629 = arith.constant 0 : i32
      %dma_start3A_1630 = tpu.memref_slice %arg7[%add3A, %dma_start3A_1627, %dma_start3A_1628, %dma_start3A_1629] : memref<32x80x128x128xf32, #tpu.memory_space<hbm>> -> memref<1x80x128x128xf32, #tpu.memory_space<hbm>>
      %dma_start3A_1631 = tpu.memref_squeeze %dma_start3A_1630 : memref<1x80x128x128xf32, #tpu.memory_space<hbm>> -> memref<80x128x128xf32, #tpu.memory_space<hbm>>
      %dma_start3A_1632 = arith.constant 0 : i32
      %dma_start3A_1633 = arith.constant 0 : i32
      %dma_start3A_1634 = tpu.memref_slice %dma_start3A_1631[%add3A_1620, %dma_start3A_1632, %dma_start3A_1633] : memref<80x128x128xf32, #tpu.memory_space<hbm>> -> memref<1x128x128xf32, #tpu.memory_space<hbm>>
      %dma_start3A_1635 = tpu.memref_squeeze %dma_start3A_1634 : memref<1x128x128xf32, #tpu.memory_space<hbm>> -> memref<128x128xf32, #tpu.memory_space<hbm>>
      %dma_start3A_1636 = tpu.memref_slice %arg13[%dma_start3A_1622] : memref<2x!tpu.dma_semaphore, #tpu.memory_space<semaphore_mem>> -> memref<1x!tpu.dma_semaphore, #tpu.memory_space<semaphore_mem>>
      %dma_start3A_1637 = tpu.memref_squeeze %dma_start3A_1636 : memref<1x!tpu.dma_semaphore, #tpu.memory_space<semaphore_mem>> -> memref<!tpu.dma_semaphore, #tpu.memory_space<semaphore_mem>>
      %dma_start3A_1638 = arith.constant 0 : i32
      %dma_start3A_1639 = arith.constant 0 : i32
      %dma_start3A_1640 = tpu.memref_slice %arg9[%dma_start3A_1621, %dma_start3A_1638, %dma_start3A_1639] : memref<2x128x128xf32, #tpu.memory_space<vmem>> -> memref<1x128x128xf32, #tpu.memory_space<vmem>>
      %dma_start3A_1641 = tpu.memref_squeeze %dma_start3A_1640 : memref<1x128x128xf32, #tpu.memory_space<vmem>> -> memref<128x128xf32, #tpu.memory_space<vmem>>
      %dma_start3A_1642 = arith.constant 0 : i32
      %dma_start3A_1643 = arith.constant 0 : i32
      %dma_start3A_1644 = arith.constant 0 : i32
      %dma_start3A_1645 = tpu.memref_slice %arg7[%add3A, %dma_start3A_1642, %dma_start3A_1643, %dma_start3A_1644] : memref<32x80x128x128xf32, #tpu.memory_space<hbm>> -> memref<1x80x128x128xf32, #tpu.memory_space<hbm>>
      %dma_start3A_1646 = tpu.memref_squeeze %dma_start3A_1645 : memref<1x80x128x128xf32, #tpu.memory_space<hbm>> -> memref<80x128x128xf32, #tpu.memory_space<hbm>>
      %dma_start3A_1647 = arith.constant 0 : i32
      %dma_start3A_1648 = arith.constant 0 : i32
      %dma_start3A_1649 = tpu.memref_slice %dma_start3A_1646[%add3A_1620, %dma_start3A_1647, %dma_start3A_1648] : memref<80x128x128xf32, #tpu.memory_space<hbm>> -> memref<1x128x128xf32, #tpu.memory_space<hbm>>
      %dma_start3A_1650 = tpu.memref_squeeze %dma_start3A_1649 : memref<1x128x128xf32, #tpu.memory_space<hbm>> -> memref<128x128xf32, #tpu.memory_space<hbm>>
      tpu.enqueue_dma source(%dma_start3A_1650 : memref<128x128xf32, #tpu.memory_space<hbm>>) target(%dma_start3A_1641 : memref<128x128xf32, #tpu.memory_space<vmem>>) target_semaphore(%dma_start3A_1637 : memref<!tpu.dma_semaphore, #tpu.memory_space<semaphore_mem>>)
      %add3A_1651 = arith.constant 3 : i32
      %add3A_1652 = arith.addi %add3A_1498, %add3A_1651 : i32
      %dma_start3A_1653 = arith.constant 1 : i32
      %dma_start3A_1654 = arith.constant 1 : i32
      %dma_start3A_1655 = arith.constant 0 : i32
      %dma_start3A_1656 = tpu.memref_slice %arg8[%dma_start3A_1653, %dma_start3A_1655] : memref<4x128xi32, #tpu.memory_space<vmem>> -> memref<1x128xi32, #tpu.memory_space<vmem>>
      %dma_start3A_1657 = tpu.memref_squeeze %dma_start3A_1656 : memref<1x128xi32, #tpu.memory_space<vmem>> -> memref<128xi32, #tpu.memory_space<vmem>>
      %dma_start3A_1658 = arith.constant 0 : i32
      %dma_start3A_1659 = arith.constant 0 : i32
      %dma_start3A_1660 = tpu.memref_slice %arg4[%add3A, %dma_start3A_1658, %dma_start3A_1659] : memref<32x80x128xi32, #tpu.memory_space<hbm>> -> memref<1x80x128xi32, #tpu.memory_space<hbm>>
      %dma_start3A_1661 = tpu.memref_squeeze %dma_start3A_1660 : memref<1x80x128xi32, #tpu.memory_space<hbm>> -> memref<80x128xi32, #tpu.memory_space<hbm>>
      %dma_start3A_1662 = arith.constant 0 : i32
      %dma_start3A_1663 = tpu.memref_slice %dma_start3A_1661[%add3A_1652, %dma_start3A_1662] : memref<80x128xi32, #tpu.memory_space<hbm>> -> memref<1x128xi32, #tpu.memory_space<hbm>>
      %dma_start3A_1664 = tpu.memref_squeeze %dma_start3A_1663 : memref<1x128xi32, #tpu.memory_space<hbm>> -> memref<128xi32, #tpu.memory_space<hbm>>
      %dma_start3A_1665 = tpu.memref_slice %arg12[%dma_start3A_1654] : memref<4x!tpu.dma_semaphore, #tpu.memory_space<semaphore_mem>> -> memref<1x!tpu.dma_semaphore, #tpu.memory_space<semaphore_mem>>
      %dma_start3A_1666 = tpu.memref_squeeze %dma_start3A_1665 : memref<1x!tpu.dma_semaphore, #tpu.memory_space<semaphore_mem>> -> memref<!tpu.dma_semaphore, #tpu.memory_space<semaphore_mem>>
      %dma_start3A_1667 = arith.constant 0 : i32
      %dma_start3A_1668 = tpu.memref_slice %arg8[%dma_start3A_1653, %dma_start3A_1667] : memref<4x128xi32, #tpu.memory_space<vmem>> -> memref<1x128xi32, #tpu.memory_space<vmem>>
      %dma_start3A_1669 = tpu.memref_squeeze %dma_start3A_1668 : memref<1x128xi32, #tpu.memory_space<vmem>> -> memref<128xi32, #tpu.memory_space<vmem>>
      %dma_start3A_1670 = arith.constant 0 : i32
      %dma_start3A_1671 = arith.constant 0 : i32
      %dma_start3A_1672 = tpu.memref_slice %arg4[%add3A, %dma_start3A_1670, %dma_start3A_1671] : memref<32x80x128xi32, #tpu.memory_space<hbm>> -> memref<1x80x128xi32, #tpu.memory_space<hbm>>
      %dma_start3A_1673 = tpu.memref_squeeze %dma_start3A_1672 : memref<1x80x128xi32, #tpu.memory_space<hbm>> -> memref<80x128xi32, #tpu.memory_space<hbm>>
      %dma_start3A_1674 = arith.constant 0 : i32
      %dma_start3A_1675 = tpu.memref_slice %dma_start3A_1673[%add3A_1652, %dma_start3A_1674] : memref<80x128xi32, #tpu.memory_space<hbm>> -> memref<1x128xi32, #tpu.memory_space<hbm>>
      %dma_start3A_1676 = tpu.memref_squeeze %dma_start3A_1675 : memref<1x128xi32, #tpu.memory_space<hbm>> -> memref<128xi32, #tpu.memory_space<hbm>>
      tpu.enqueue_dma source(%dma_start3A_1676 : memref<128xi32, #tpu.memory_space<hbm>>) target(%dma_start3A_1669 : memref<128xi32, #tpu.memory_space<vmem>>) target_semaphore(%dma_start3A_1666 : memref<!tpu.dma_semaphore, #tpu.memory_space<semaphore_mem>>)
      %add3A_1677 = arith.constant 2 : i32
      %add3A_1678 = arith.addi %add3A_1317, %add3A_1677 : i32
      %get3A_1679 = arith.constant 3 : i32
      %get3A_1680 = arith.index_cast %get3A_1679 : i32 to index
      %get3A_1681 = arith.constant 0 : index
      %get3A_1682 = tpu.vector_load %arg8[%get3A_1680, %get3A_1681] {strides = array<i32>} : memref<4x128xi32, #tpu.memory_space<vmem>>, vector<16xi32>,
      tpu.vector_store_idx %arg10[%get3A_1682], %broadcast_in_dim3A_3 {add = true} : memref<10112xf32, #tpu.memory_space<vmem>>[vector<16xi32>], vector<16xf32>,
      %get3A_1683 = arith.constant 3 : i32
      %get3A_1684 = arith.index_cast %get3A_1683 : i32 to index
      %get3A_1685 = arith.constant 16 : index
      %get3A_1686 = tpu.vector_load %arg8[%get3A_1684, %get3A_1685] {strides = array<i32>} : memref<4x128xi32, #tpu.memory_space<vmem>>, vector<16xi32>,
      tpu.vector_store_idx %arg10[%get3A_1686], %broadcast_in_dim3A_3 {add = true} : memref<10112xf32, #tpu.memory_space<vmem>>[vector<16xi32>], vector<16xf32>,
      %get3A_1687 = arith.constant 3 : i32
      %get3A_1688 = arith.index_cast %get3A_1687 : i32 to index
      %get3A_1689 = arith.constant 32 : index
      %get3A_1690 = tpu.vector_load %arg8[%get3A_1688, %get3A_1689] {strides = array<i32>} : memref<4x128xi32, #tpu.memory_space<vmem>>, vector<16xi32>,
      tpu.vector_store_idx %arg10[%get3A_1690], %broadcast_in_dim3A_3 {add = true} : memref<10112xf32, #tpu.memory_space<vmem>>[vector<16xi32>], vector<16xf32>,
      %get3A_1691 = arith.constant 3 : i32
      %get3A_1692 = arith.index_cast %get3A_1691 : i32 to index
      %get3A_1693 = arith.constant 48 : index
      %get3A_1694 = tpu.vector_load %arg8[%get3A_1692, %get3A_1693] {strides = array<i32>} : memref<4x128xi32, #tpu.memory_space<vmem>>, vector<16xi32>,
      tpu.vector_store_idx %arg10[%get3A_1694], %broadcast_in_dim3A_3 {add = true} : memref<10112xf32, #tpu.memory_space<vmem>>[vector<16xi32>], vector<16xf32>,
      %get3A_1695 = arith.constant 3 : i32
      %get3A_1696 = arith.index_cast %get3A_1695 : i32 to index
      %get3A_1697 = arith.constant 64 : index
      %get3A_1698 = tpu.vector_load %arg8[%get3A_1696, %get3A_1697] {strides = array<i32>} : memref<4x128xi32, #tpu.memory_space<vmem>>, vector<16xi32>,
      tpu.vector_store_idx %arg10[%get3A_1698], %broadcast_in_dim3A_3 {add = true} : memref<10112xf32, #tpu.memory_space<vmem>>[vector<16xi32>], vector<16xf32>,
      %get3A_1699 = arith.constant 3 : i32
      %get3A_1700 = arith.index_cast %get3A_1699 : i32 to index
      %get3A_1701 = arith.constant 80 : index
      %get3A_1702 = tpu.vector_load %arg8[%get3A_1700, %get3A_1701] {strides = array<i32>} : memref<4x128xi32, #tpu.memory_space<vmem>>, vector<16xi32>,
      tpu.vector_store_idx %arg10[%get3A_1702], %broadcast_in_dim3A_3 {add = true} : memref<10112xf32, #tpu.memory_space<vmem>>[vector<16xi32>], vector<16xf32>,
      %get3A_1703 = arith.constant 3 : i32
      %get3A_1704 = arith.index_cast %get3A_1703 : i32 to index
      %get3A_1705 = arith.constant 96 : index
      %get3A_1706 = tpu.vector_load %arg8[%get3A_1704, %get3A_1705] {strides = array<i32>} : memref<4x128xi32, #tpu.memory_space<vmem>>, vector<16xi32>,
      tpu.vector_store_idx %arg10[%get3A_1706], %broadcast_in_dim3A_3 {add = true} : memref<10112xf32, #tpu.memory_space<vmem>>[vector<16xi32>], vector<16xf32>,
      %get3A_1707 = arith.constant 3 : i32
      %get3A_1708 = arith.index_cast %get3A_1707 : i32 to index
      %get3A_1709 = arith.constant 112 : index
      %get3A_1710 = tpu.vector_load %arg8[%get3A_1708, %get3A_1709] {strides = array<i32>} : memref<4x128xi32, #tpu.memory_space<vmem>>, vector<16xi32>,
      tpu.vector_store_idx %arg10[%get3A_1710], %broadcast_in_dim3A_3 {add = true} : memref<10112xf32, #tpu.memory_space<vmem>>[vector<16xi32>], vector<16xf32>,
      %dma_wait3A_1711 = arith.constant 1 : i32
      %dma_wait3A_1712 = arith.constant 1 : i32
      %dma_wait3A_1713 = arith.constant 0 : i32
      %dma_wait3A_1714 = arith.constant 0 : i32
      %dma_wait3A_1715 = tpu.memref_slice %arg9[%dma_wait3A_1711, %dma_wait3A_1713, %dma_wait3A_1714] : memref<2x128x128xf32, #tpu.memory_space<vmem>> -> memref<1x128x128xf32, #tpu.memory_space<vmem>>
      %dma_wait3A_1716 = tpu.memref_squeeze %dma_wait3A_1715 : memref<1x128x128xf32, #tpu.memory_space<vmem>> -> memref<128x128xf32, #tpu.memory_space<vmem>>
      %dma_wait3A_1717 = arith.constant 0 : i32
      %dma_wait3A_1718 = arith.constant 0 : i32
      %dma_wait3A_1719 = arith.constant 0 : i32
      %dma_wait3A_1720 = tpu.memref_slice %arg7[%add3A, %dma_wait3A_1717, %dma_wait3A_1718, %dma_wait3A_1719] : memref<32x80x128x128xf32, #tpu.memory_space<hbm>> -> memref<1x80x128x128xf32, #tpu.memory_space<hbm>>
      %dma_wait3A_1721 = tpu.memref_squeeze %dma_wait3A_1720 : memref<1x80x128x128xf32, #tpu.memory_space<hbm>> -> memref<80x128x128xf32, #tpu.memory_space<hbm>>
      %dma_wait3A_1722 = arith.constant 0 : i32
      %dma_wait3A_1723 = arith.constant 0 : i32
      %dma_wait3A_1724 = tpu.memref_slice %dma_wait3A_1721[%add3A_1678, %dma_wait3A_1722, %dma_wait3A_1723] : memref<80x128x128xf32, #tpu.memory_space<hbm>> -> memref<1x128x128xf32, #tpu.memory_space<hbm>>
      %dma_wait3A_1725 = tpu.memref_squeeze %dma_wait3A_1724 : memref<1x128x128xf32, #tpu.memory_space<hbm>> -> memref<128x128xf32, #tpu.memory_space<hbm>>
      %dma_wait3A_1726 = tpu.memref_slice %arg13[%dma_wait3A_1712] : memref<2x!tpu.dma_semaphore, #tpu.memory_space<semaphore_mem>> -> memref<1x!tpu.dma_semaphore, #tpu.memory_space<semaphore_mem>>
      %dma_wait3A_1727 = tpu.memref_squeeze %dma_wait3A_1726 : memref<1x!tpu.dma_semaphore, #tpu.memory_space<semaphore_mem>> -> memref<!tpu.dma_semaphore, #tpu.memory_space<semaphore_mem>>
      %dma_wait3A_1728 = arith.constant 0 : i32
      %dma_wait3A_1729 = arith.constant 0 : i32
      %dma_wait3A_1730 = tpu.memref_slice %arg9[%dma_wait3A_1711, %dma_wait3A_1728, %dma_wait3A_1729] : memref<2x128x128xf32, #tpu.memory_space<vmem>> -> memref<1x128x128xf32, #tpu.memory_space<vmem>>
      %dma_wait3A_1731 = tpu.memref_squeeze %dma_wait3A_1730 : memref<1x128x128xf32, #tpu.memory_space<vmem>> -> memref<128x128xf32, #tpu.memory_space<vmem>>
      %dma_wait3A_1732 = arith.constant 0 : i32
      %dma_wait3A_1733 = arith.constant 0 : i32
      %dma_wait3A_1734 = arith.constant 0 : i32
      %dma_wait3A_1735 = tpu.memref_slice %arg7[%add3A, %dma_wait3A_1732, %dma_wait3A_1733, %dma_wait3A_1734] : memref<32x80x128x128xf32, #tpu.memory_space<hbm>> -> memref<1x80x128x128xf32, #tpu.memory_space<hbm>>
      %dma_wait3A_1736 = tpu.memref_squeeze %dma_wait3A_1735 : memref<1x80x128x128xf32, #tpu.memory_space<hbm>> -> memref<80x128x128xf32, #tpu.memory_space<hbm>>
      %dma_wait3A_1737 = arith.constant 0 : i32
      %dma_wait3A_1738 = arith.constant 0 : i32
      %dma_wait3A_1739 = tpu.memref_slice %dma_wait3A_1736[%add3A_1678, %dma_wait3A_1737, %dma_wait3A_1738] : memref<80x128x128xf32, #tpu.memory_space<hbm>> -> memref<1x128x128xf32, #tpu.memory_space<hbm>>
      %dma_wait3A_1740 = tpu.memref_squeeze %dma_wait3A_1739 : memref<1x128x128xf32, #tpu.memory_space<hbm>> -> memref<128x128xf32, #tpu.memory_space<hbm>>
      tpu.wait_dma2 semaphore(%dma_wait3A_1727 : memref<!tpu.dma_semaphore, #tpu.memory_space<semaphore_mem>>) src(%dma_wait3A_1740 : memref<128x128xf32, #tpu.memory_space<hbm>>) dst(%dma_wait3A_1731 : memref<128x128xf32, #tpu.memory_space<vmem>>)
      %dma_start3A_1741 = arith.constant 1 : i32
      %dma_start3A_1742 = arith.constant 3 : i32
      %dma_start3A_1743 = arith.constant 1 : i32
      %dma_start3A_1744 = arith.constant 0 : i32
      %dma_start3A_1745 = arith.constant 0 : i32
      %dma_start3A_1746 = tpu.memref_slice %arg9[%dma_start3A_1741, %dma_start3A_1744, %dma_start3A_1745] : memref<2x128x128xf32, #tpu.memory_space<vmem>> -> memref<1x128x128xf32, #tpu.memory_space<vmem>>
      %dma_start3A_1747 = tpu.memref_squeeze %dma_start3A_1746 : memref<1x128x128xf32, #tpu.memory_space<vmem>> -> memref<128x128xf32, #tpu.memory_space<vmem>>
      %dma_start3A_1748 = arith.constant 0 : i32
      %dma_start3A_1749 = tpu.memref_slice %arg8[%dma_start3A_1742, %dma_start3A_1748] : memref<4x128xi32, #tpu.memory_space<vmem>> -> memref<1x128xi32, #tpu.memory_space<vmem>>
      %dma_start3A_1750 = tpu.memref_squeeze %dma_start3A_1749 : memref<1x128xi32, #tpu.memory_space<vmem>> -> memref<128xi32, #tpu.memory_space<vmem>>
      %dma_start3A_1751 = arith.constant 0 : i32
      %dma_start3A_1752 = arith.constant 0 : i32
      %dma_start3A_1753 = tpu.memref_slice %arg11[%dma_start3A_1751, %dma_start3A_1752] : memref<10112x128xf32, #tpu.memory_space<vmem_shared>> -> memref<10112x128xf32, #tpu.memory_space<vmem_shared>>
      %dma_start3A_1754 = tpu.memref_slice %arg14[%dma_start3A_1743] : memref<2x!tpu.dma_semaphore, #tpu.memory_space<semaphore_mem>> -> memref<1x!tpu.dma_semaphore, #tpu.memory_space<semaphore_mem>>
      %dma_start3A_1755 = tpu.memref_squeeze %dma_start3A_1754 : memref<1x!tpu.dma_semaphore, #tpu.memory_space<semaphore_mem>> -> memref<!tpu.dma_semaphore, #tpu.memory_space<semaphore_mem>>
      tpu.enqueue_indirect_dma source(%dma_start3A_1747 : memref<128x128xf32, #tpu.memory_space<vmem>>) target(%dma_start3A_1753 : memref<10112x128xf32, #tpu.memory_space<vmem_shared>>) offsets(%dma_start3A_1750 : memref<128xi32, #tpu.memory_space<vmem>>) semaphore(%dma_start3A_1755 : memref<!tpu.dma_semaphore, #tpu.memory_space<semaphore_mem>>) {add = true}
      %sub3A_1756 = arith.constant 1 : i32
      %sub3A_1757 = arith.subi %add3A_1678, %sub3A_1756 : i32
      %dma_wait3A_1758 = arith.constant 0 : i32
      %dma_wait3A_1759 = arith.constant 0 : i32
      %dma_wait3A_1760 = arith.constant 0 : i32
      %dma_wait3A_1761 = arith.constant 0 : i32
      %dma_wait3A_1762 = arith.constant 0 : i32
      %dma_wait3A_1763 = tpu.memref_slice %arg9[%dma_wait3A_1758, %dma_wait3A_1761, %dma_wait3A_1762] : memref<2x128x128xf32, #tpu.memory_space<vmem>> -> memref<1x128x128xf32, #tpu.memory_space<vmem>>
      %dma_wait3A_1764 = tpu.memref_squeeze %dma_wait3A_1763 : memref<1x128x128xf32, #tpu.memory_space<vmem>> -> memref<128x128xf32, #tpu.memory_space<vmem>>
      %dma_wait3A_1765 = arith.constant 0 : i32
      %dma_wait3A_1766 = tpu.memref_slice %arg8[%dma_wait3A_1759, %dma_wait3A_1765] : memref<4x128xi32, #tpu.memory_space<vmem>> -> memref<1x128xi32, #tpu.memory_space<vmem>>
      %dma_wait3A_1767 = tpu.memref_squeeze %dma_wait3A_1766 : memref<1x128xi32, #tpu.memory_space<vmem>> -> memref<128xi32, #tpu.memory_space<vmem>>
      %dma_wait3A_1768 = arith.constant 0 : i32
      %dma_wait3A_1769 = arith.constant 0 : i32
      %dma_wait3A_1770 = tpu.memref_slice %arg11[%dma_wait3A_1768, %dma_wait3A_1769] : memref<10112x128xf32, #tpu.memory_space<vmem_shared>> -> memref<10112x128xf32, #tpu.memory_space<vmem_shared>>
      %dma_wait3A_1771 = tpu.memref_slice %arg14[%dma_wait3A_1760] : memref<2x!tpu.dma_semaphore, #tpu.memory_space<semaphore_mem>> -> memref<1x!tpu.dma_semaphore, #tpu.memory_space<semaphore_mem>>
      %dma_wait3A_1772 = tpu.memref_squeeze %dma_wait3A_1771 : memref<1x!tpu.dma_semaphore, #tpu.memory_space<semaphore_mem>> -> memref<!tpu.dma_semaphore, #tpu.memory_space<semaphore_mem>>
      tpu.wait_indirect_dma semaphore(%dma_wait3A_1772 : memref<!tpu.dma_semaphore, #tpu.memory_space<semaphore_mem>>) src(%dma_wait3A_1764 : memref<128x128xf32, #tpu.memory_space<vmem>>) dst(%dma_wait3A_1770 : memref<10112x128xf32, #tpu.memory_space<vmem_shared>>)
      %add3A_1773 = arith.constant 1 : i32
      %add3A_1774 = arith.addi %add3A_1678, %add3A_1773 : i32
      %dma_wait3A_1775 = arith.constant 0 : i32
      %dma_wait3A_1776 = arith.constant 0 : i32
      %dma_wait3A_1777 = arith.constant 0 : i32
      %dma_wait3A_1778 = tpu.memref_slice %arg8[%dma_wait3A_1775, %dma_wait3A_1777] : memref<4x128xi32, #tpu.memory_space<vmem>> -> memref<1x128xi32, #tpu.memory_space<vmem>>
      %dma_wait3A_1779 = tpu.memref_squeeze %dma_wait3A_1778 : memref<1x128xi32, #tpu.memory_space<vmem>> -> memref<128xi32, #tpu.memory_space<vmem>>
      %dma_wait3A_1780 = arith.constant 0 : i32
      %dma_wait3A_1781 = arith.constant 0 : i32
      %dma_wait3A_1782 = tpu.memref_slice %arg4[%add3A, %dma_wait3A_1780, %dma_wait3A_1781] : memref<32x80x128xi32, #tpu.memory_space<hbm>> -> memref<1x80x128xi32, #tpu.memory_space<hbm>>
      %dma_wait3A_1783 = tpu.memref_squeeze %dma_wait3A_1782 : memref<1x80x128xi32, #tpu.memory_space<hbm>> -> memref<80x128xi32, #tpu.memory_space<hbm>>
      %dma_wait3A_1784 = arith.constant 0 : i32
      %dma_wait3A_1785 = tpu.memref_slice %dma_wait3A_1783[%add3A_1774, %dma_wait3A_1784] : memref<80x128xi32, #tpu.memory_space<hbm>> -> memref<1x128xi32, #tpu.memory_space<hbm>>
      %dma_wait3A_1786 = tpu.memref_squeeze %dma_wait3A_1785 : memref<1x128xi32, #tpu.memory_space<hbm>> -> memref<128xi32, #tpu.memory_space<hbm>>
      %dma_wait3A_1787 = tpu.memref_slice %arg12[%dma_wait3A_1776] : memref<4x!tpu.dma_semaphore, #tpu.memory_space<semaphore_mem>> -> memref<1x!tpu.dma_semaphore, #tpu.memory_space<semaphore_mem>>
      %dma_wait3A_1788 = tpu.memref_squeeze %dma_wait3A_1787 : memref<1x!tpu.dma_semaphore, #tpu.memory_space<semaphore_mem>> -> memref<!tpu.dma_semaphore, #tpu.memory_space<semaphore_mem>>
      %dma_wait3A_1789 = arith.constant 0 : i32
      %dma_wait3A_1790 = tpu.memref_slice %arg8[%dma_wait3A_1775, %dma_wait3A_1789] : memref<4x128xi32, #tpu.memory_space<vmem>> -> memref<1x128xi32, #tpu.memory_space<vmem>>
      %dma_wait3A_1791 = tpu.memref_squeeze %dma_wait3A_1790 : memref<1x128xi32, #tpu.memory_space<vmem>> -> memref<128xi32, #tpu.memory_space<vmem>>
      %dma_wait3A_1792 = arith.constant 0 : i32
      %dma_wait3A_1793 = arith.constant 0 : i32
      %dma_wait3A_1794 = tpu.memref_slice %arg4[%add3A, %dma_wait3A_1792, %dma_wait3A_1793] : memref<32x80x128xi32, #tpu.memory_space<hbm>> -> memref<1x80x128xi32, #tpu.memory_space<hbm>>
      %dma_wait3A_1795 = tpu.memref_squeeze %dma_wait3A_1794 : memref<1x80x128xi32, #tpu.memory_space<hbm>> -> memref<80x128xi32, #tpu.memory_space<hbm>>
      %dma_wait3A_1796 = arith.constant 0 : i32
      %dma_wait3A_1797 = tpu.memref_slice %dma_wait3A_1795[%add3A_1774, %dma_wait3A_1796] : memref<80x128xi32, #tpu.memory_space<hbm>> -> memref<1x128xi32, #tpu.memory_space<hbm>>
      %dma_wait3A_1798 = tpu.memref_squeeze %dma_wait3A_1797 : memref<1x128xi32, #tpu.memory_space<hbm>> -> memref<128xi32, #tpu.memory_space<hbm>>
      tpu.wait_dma2 semaphore(%dma_wait3A_1788 : memref<!tpu.dma_semaphore, #tpu.memory_space<semaphore_mem>>) src(%dma_wait3A_1798 : memref<128xi32, #tpu.memory_space<hbm>>) dst(%dma_wait3A_1791 : memref<128xi32, #tpu.memory_space<vmem>>)
      %add3A_1799 = arith.constant 1 : i32
      %add3A_1800 = arith.addi %add3A_1678, %add3A_1799 : i32
      %dma_start3A_1801 = arith.constant 0 : i32
      %dma_start3A_1802 = arith.constant 0 : i32
      %dma_start3A_1803 = arith.constant 0 : i32
      %dma_start3A_1804 = arith.constant 0 : i32
      %dma_start3A_1805 = tpu.memref_slice %arg9[%dma_start3A_1801, %dma_start3A_1803, %dma_start3A_1804] : memref<2x128x128xf32, #tpu.memory_space<vmem>> -> memref<1x128x128xf32, #tpu.memory_space<vmem>>
      %dma_start3A_1806 = tpu.memref_squeeze %dma_start3A_1805 : memref<1x128x128xf32, #tpu.memory_space<vmem>> -> memref<128x128xf32, #tpu.memory_space<vmem>>
      %dma_start3A_1807 = arith.constant 0 : i32
      %dma_start3A_1808 = arith.constant 0 : i32
      %dma_start3A_1809 = arith.constant 0 : i32
      %dma_start3A_1810 = tpu.memref_slice %arg7[%add3A, %dma_start3A_1807, %dma_start3A_1808, %dma_start3A_1809] : memref<32x80x128x128xf32, #tpu.memory_space<hbm>> -> memref<1x80x128x128xf32, #tpu.memory_space<hbm>>
      %dma_start3A_1811 = tpu.memref_squeeze %dma_start3A_1810 : memref<1x80x128x128xf32, #tpu.memory_space<hbm>> -> memref<80x128x128xf32, #tpu.memory_space<hbm>>
      %dma_start3A_1812 = arith.constant 0 : i32
      %dma_start3A_1813 = arith.constant 0 : i32
      %dma_start3A_1814 = tpu.memref_slice %dma_start3A_1811[%add3A_1800, %dma_start3A_1812, %dma_start3A_1813] : memref<80x128x128xf32, #tpu.memory_space<hbm>> -> memref<1x128x128xf32, #tpu.memory_space<hbm>>
      %dma_start3A_1815 = tpu.memref_squeeze %dma_start3A_1814 : memref<1x128x128xf32, #tpu.memory_space<hbm>> -> memref<128x128xf32, #tpu.memory_space<hbm>>
      %dma_start3A_1816 = tpu.memref_slice %arg13[%dma_start3A_1802] : memref<2x!tpu.dma_semaphore, #tpu.memory_space<semaphore_mem>> -> memref<1x!tpu.dma_semaphore, #tpu.memory_space<semaphore_mem>>
      %dma_start3A_1817 = tpu.memref_squeeze %dma_start3A_1816 : memref<1x!tpu.dma_semaphore, #tpu.memory_space<semaphore_mem>> -> memref<!tpu.dma_semaphore, #tpu.memory_space<semaphore_mem>>
      %dma_start3A_1818 = arith.constant 0 : i32
      %dma_start3A_1819 = arith.constant 0 : i32
      %dma_start3A_1820 = tpu.memref_slice %arg9[%dma_start3A_1801, %dma_start3A_1818, %dma_start3A_1819] : memref<2x128x128xf32, #tpu.memory_space<vmem>> -> memref<1x128x128xf32, #tpu.memory_space<vmem>>
      %dma_start3A_1821 = tpu.memref_squeeze %dma_start3A_1820 : memref<1x128x128xf32, #tpu.memory_space<vmem>> -> memref<128x128xf32, #tpu.memory_space<vmem>>
      %dma_start3A_1822 = arith.constant 0 : i32
      %dma_start3A_1823 = arith.constant 0 : i32
      %dma_start3A_1824 = arith.constant 0 : i32
      %dma_start3A_1825 = tpu.memref_slice %arg7[%add3A, %dma_start3A_1822, %dma_start3A_1823, %dma_start3A_1824] : memref<32x80x128x128xf32, #tpu.memory_space<hbm>> -> memref<1x80x128x128xf32, #tpu.memory_space<hbm>>
      %dma_start3A_1826 = tpu.memref_squeeze %dma_start3A_1825 : memref<1x80x128x128xf32, #tpu.memory_space<hbm>> -> memref<80x128x128xf32, #tpu.memory_space<hbm>>
      %dma_start3A_1827 = arith.constant 0 : i32
      %dma_start3A_1828 = arith.constant 0 : i32
      %dma_start3A_1829 = tpu.memref_slice %dma_start3A_1826[%add3A_1800, %dma_start3A_1827, %dma_start3A_1828] : memref<80x128x128xf32, #tpu.memory_space<hbm>> -> memref<1x128x128xf32, #tpu.memory_space<hbm>>
      %dma_start3A_1830 = tpu.memref_squeeze %dma_start3A_1829 : memref<1x128x128xf32, #tpu.memory_space<hbm>> -> memref<128x128xf32, #tpu.memory_space<hbm>>
      tpu.enqueue_dma source(%dma_start3A_1830 : memref<128x128xf32, #tpu.memory_space<hbm>>) target(%dma_start3A_1821 : memref<128x128xf32, #tpu.memory_space<vmem>>) target_semaphore(%dma_start3A_1817 : memref<!tpu.dma_semaphore, #tpu.memory_space<semaphore_mem>>)
      %add3A_1831 = arith.constant 3 : i32
      %add3A_1832 = arith.addi %add3A_1678, %add3A_1831 : i32
      %dma_start3A_1833 = arith.constant 2 : i32
      %dma_start3A_1834 = arith.constant 2 : i32
      %dma_start3A_1835 = arith.constant 0 : i32
      %dma_start3A_1836 = tpu.memref_slice %arg8[%dma_start3A_1833, %dma_start3A_1835] : memref<4x128xi32, #tpu.memory_space<vmem>> -> memref<1x128xi32, #tpu.memory_space<vmem>>
      %dma_start3A_1837 = tpu.memref_squeeze %dma_start3A_1836 : memref<1x128xi32, #tpu.memory_space<vmem>> -> memref<128xi32, #tpu.memory_space<vmem>>
      %dma_start3A_1838 = arith.constant 0 : i32
      %dma_start3A_1839 = arith.constant 0 : i32
      %dma_start3A_1840 = tpu.memref_slice %arg4[%add3A, %dma_start3A_1838, %dma_start3A_1839] : memref<32x80x128xi32, #tpu.memory_space<hbm>> -> memref<1x80x128xi32, #tpu.memory_space<hbm>>
      %dma_start3A_1841 = tpu.memref_squeeze %dma_start3A_1840 : memref<1x80x128xi32, #tpu.memory_space<hbm>> -> memref<80x128xi32, #tpu.memory_space<hbm>>
      %dma_start3A_1842 = arith.constant 0 : i32
      %dma_start3A_1843 = tpu.memref_slice %dma_start3A_1841[%add3A_1832, %dma_start3A_1842] : memref<80x128xi32, #tpu.memory_space<hbm>> -> memref<1x128xi32, #tpu.memory_space<hbm>>
      %dma_start3A_1844 = tpu.memref_squeeze %dma_start3A_1843 : memref<1x128xi32, #tpu.memory_space<hbm>> -> memref<128xi32, #tpu.memory_space<hbm>>
      %dma_start3A_1845 = tpu.memref_slice %arg12[%dma_start3A_1834] : memref<4x!tpu.dma_semaphore, #tpu.memory_space<semaphore_mem>> -> memref<1x!tpu.dma_semaphore, #tpu.memory_space<semaphore_mem>>
      %dma_start3A_1846 = tpu.memref_squeeze %dma_start3A_1845 : memref<1x!tpu.dma_semaphore, #tpu.memory_space<semaphore_mem>> -> memref<!tpu.dma_semaphore, #tpu.memory_space<semaphore_mem>>
      %dma_start3A_1847 = arith.constant 0 : i32
      %dma_start3A_1848 = tpu.memref_slice %arg8[%dma_start3A_1833, %dma_start3A_1847] : memref<4x128xi32, #tpu.memory_space<vmem>> -> memref<1x128xi32, #tpu.memory_space<vmem>>
      %dma_start3A_1849 = tpu.memref_squeeze %dma_start3A_1848 : memref<1x128xi32, #tpu.memory_space<vmem>> -> memref<128xi32, #tpu.memory_space<vmem>>
      %dma_start3A_1850 = arith.constant 0 : i32
      %dma_start3A_1851 = arith.constant 0 : i32
      %dma_start3A_1852 = tpu.memref_slice %arg4[%add3A, %dma_start3A_1850, %dma_start3A_1851] : memref<32x80x128xi32, #tpu.memory_space<hbm>> -> memref<1x80x128xi32, #tpu.memory_space<hbm>>
      %dma_start3A_1853 = tpu.memref_squeeze %dma_start3A_1852 : memref<1x80x128xi32, #tpu.memory_space<hbm>> -> memref<80x128xi32, #tpu.memory_space<hbm>>
      %dma_start3A_1854 = arith.constant 0 : i32
      %dma_start3A_1855 = tpu.memref_slice %dma_start3A_1853[%add3A_1832, %dma_start3A_1854] : memref<80x128xi32, #tpu.memory_space<hbm>> -> memref<1x128xi32, #tpu.memory_space<hbm>>
      %dma_start3A_1856 = tpu.memref_squeeze %dma_start3A_1855 : memref<1x128xi32, #tpu.memory_space<hbm>> -> memref<128xi32, #tpu.memory_space<hbm>>
      tpu.enqueue_dma source(%dma_start3A_1856 : memref<128xi32, #tpu.memory_space<hbm>>) target(%dma_start3A_1849 : memref<128xi32, #tpu.memory_space<vmem>>) target_semaphore(%dma_start3A_1846 : memref<!tpu.dma_semaphore, #tpu.memory_space<semaphore_mem>>)
      %add3A_1857 = arith.constant 3 : i32
      %add3A_1858 = arith.addi %add3A_1317, %add3A_1857 : i32
      %get3A_1859 = arith.constant 0 : i32
      %get3A_1860 = arith.index_cast %get3A_1859 : i32 to index
      %get3A_1861 = arith.constant 0 : index
      %get3A_1862 = tpu.vector_load %arg8[%get3A_1860, %get3A_1861] {strides = array<i32>} : memref<4x128xi32, #tpu.memory_space<vmem>>, vector<16xi32>,
      tpu.vector_store_idx %arg10[%get3A_1862], %broadcast_in_dim3A_3 {add = true} : memref<10112xf32, #tpu.memory_space<vmem>>[vector<16xi32>], vector<16xf32>,
      %get3A_1863 = arith.constant 0 : i32
      %get3A_1864 = arith.index_cast %get3A_1863 : i32 to index
      %get3A_1865 = arith.constant 16 : index
      %get3A_1866 = tpu.vector_load %arg8[%get3A_1864, %get3A_1865] {strides = array<i32>} : memref<4x128xi32, #tpu.memory_space<vmem>>, vector<16xi32>,
      tpu.vector_store_idx %arg10[%get3A_1866], %broadcast_in_dim3A_3 {add = true} : memref<10112xf32, #tpu.memory_space<vmem>>[vector<16xi32>], vector<16xf32>,
      %get3A_1867 = arith.constant 0 : i32
      %get3A_1868 = arith.index_cast %get3A_1867 : i32 to index
      %get3A_1869 = arith.constant 32 : index
      %get3A_1870 = tpu.vector_load %arg8[%get3A_1868, %get3A_1869] {strides = array<i32>} : memref<4x128xi32, #tpu.memory_space<vmem>>, vector<16xi32>,
      tpu.vector_store_idx %arg10[%get3A_1870], %broadcast_in_dim3A_3 {add = true} : memref<10112xf32, #tpu.memory_space<vmem>>[vector<16xi32>], vector<16xf32>,
      %get3A_1871 = arith.constant 0 : i32
      %get3A_1872 = arith.index_cast %get3A_1871 : i32 to index
      %get3A_1873 = arith.constant 48 : index
      %get3A_1874 = tpu.vector_load %arg8[%get3A_1872, %get3A_1873] {strides = array<i32>} : memref<4x128xi32, #tpu.memory_space<vmem>>, vector<16xi32>,
      tpu.vector_store_idx %arg10[%get3A_1874], %broadcast_in_dim3A_3 {add = true} : memref<10112xf32, #tpu.memory_space<vmem>>[vector<16xi32>], vector<16xf32>,
      %get3A_1875 = arith.constant 0 : i32
      %get3A_1876 = arith.index_cast %get3A_1875 : i32 to index
      %get3A_1877 = arith.constant 64 : index
      %get3A_1878 = tpu.vector_load %arg8[%get3A_1876, %get3A_1877] {strides = array<i32>} : memref<4x128xi32, #tpu.memory_space<vmem>>, vector<16xi32>,
      tpu.vector_store_idx %arg10[%get3A_1878], %broadcast_in_dim3A_3 {add = true} : memref<10112xf32, #tpu.memory_space<vmem>>[vector<16xi32>], vector<16xf32>,
      %get3A_1879 = arith.constant 0 : i32
      %get3A_1880 = arith.index_cast %get3A_1879 : i32 to index
      %get3A_1881 = arith.constant 80 : index
      %get3A_1882 = tpu.vector_load %arg8[%get3A_1880, %get3A_1881] {strides = array<i32>} : memref<4x128xi32, #tpu.memory_space<vmem>>, vector<16xi32>,
      tpu.vector_store_idx %arg10[%get3A_1882], %broadcast_in_dim3A_3 {add = true} : memref<10112xf32, #tpu.memory_space<vmem>>[vector<16xi32>], vector<16xf32>,
      %get3A_1883 = arith.constant 0 : i32
      %get3A_1884 = arith.index_cast %get3A_1883 : i32 to index
      %get3A_1885 = arith.constant 96 : index
      %get3A_1886 = tpu.vector_load %arg8[%get3A_1884, %get3A_1885] {strides = array<i32>} : memref<4x128xi32, #tpu.memory_space<vmem>>, vector<16xi32>,
      tpu.vector_store_idx %arg10[%get3A_1886], %broadcast_in_dim3A_3 {add = true} : memref<10112xf32, #tpu.memory_space<vmem>>[vector<16xi32>], vector<16xf32>,
      %get3A_1887 = arith.constant 0 : i32
      %get3A_1888 = arith.index_cast %get3A_1887 : i32 to index
      %get3A_1889 = arith.constant 112 : index
      %get3A_1890 = tpu.vector_load %arg8[%get3A_1888, %get3A_1889] {strides = array<i32>} : memref<4x128xi32, #tpu.memory_space<vmem>>, vector<16xi32>,
      tpu.vector_store_idx %arg10[%get3A_1890], %broadcast_in_dim3A_3 {add = true} : memref<10112xf32, #tpu.memory_space<vmem>>[vector<16xi32>], vector<16xf32>,
      %dma_wait3A_1891 = arith.constant 0 : i32
      %dma_wait3A_1892 = arith.constant 0 : i32
      %dma_wait3A_1893 = arith.constant 0 : i32
      %dma_wait3A_1894 = arith.constant 0 : i32
      %dma_wait3A_1895 = tpu.memref_slice %arg9[%dma_wait3A_1891, %dma_wait3A_1893, %dma_wait3A_1894] : memref<2x128x128xf32, #tpu.memory_space<vmem>> -> memref<1x128x128xf32, #tpu.memory_space<vmem>>
      %dma_wait3A_1896 = tpu.memref_squeeze %dma_wait3A_1895 : memref<1x128x128xf32, #tpu.memory_space<vmem>> -> memref<128x128xf32, #tpu.memory_space<vmem>>
      %dma_wait3A_1897 = arith.constant 0 : i32
      %dma_wait3A_1898 = arith.constant 0 : i32
      %dma_wait3A_1899 = arith.constant 0 : i32
      %dma_wait3A_1900 = tpu.memref_slice %arg7[%add3A, %dma_wait3A_1897, %dma_wait3A_1898, %dma_wait3A_1899] : memref<32x80x128x128xf32, #tpu.memory_space<hbm>> -> memref<1x80x128x128xf32, #tpu.memory_space<hbm>>
      %dma_wait3A_1901 = tpu.memref_squeeze %dma_wait3A_1900 : memref<1x80x128x128xf32, #tpu.memory_space<hbm>> -> memref<80x128x128xf32, #tpu.memory_space<hbm>>
      %dma_wait3A_1902 = arith.constant 0 : i32
      %dma_wait3A_1903 = arith.constant 0 : i32
      %dma_wait3A_1904 = tpu.memref_slice %dma_wait3A_1901[%add3A_1858, %dma_wait3A_1902, %dma_wait3A_1903] : memref<80x128x128xf32, #tpu.memory_space<hbm>> -> memref<1x128x128xf32, #tpu.memory_space<hbm>>
      %dma_wait3A_1905 = tpu.memref_squeeze %dma_wait3A_1904 : memref<1x128x128xf32, #tpu.memory_space<hbm>> -> memref<128x128xf32, #tpu.memory_space<hbm>>
      %dma_wait3A_1906 = tpu.memref_slice %arg13[%dma_wait3A_1892] : memref<2x!tpu.dma_semaphore, #tpu.memory_space<semaphore_mem>> -> memref<1x!tpu.dma_semaphore, #tpu.memory_space<semaphore_mem>>
      %dma_wait3A_1907 = tpu.memref_squeeze %dma_wait3A_1906 : memref<1x!tpu.dma_semaphore, #tpu.memory_space<semaphore_mem>> -> memref<!tpu.dma_semaphore, #tpu.memory_space<semaphore_mem>>
      %dma_wait3A_1908 = arith.constant 0 : i32
      %dma_wait3A_1909 = arith.constant 0 : i32
      %dma_wait3A_1910 = tpu.memref_slice %arg9[%dma_wait3A_1891, %dma_wait3A_1908, %dma_wait3A_1909] : memref<2x128x128xf32, #tpu.memory_space<vmem>> -> memref<1x128x128xf32, #tpu.memory_space<vmem>>
      %dma_wait3A_1911 = tpu.memref_squeeze %dma_wait3A_1910 : memref<1x128x128xf32, #tpu.memory_space<vmem>> -> memref<128x128xf32, #tpu.memory_space<vmem>>
      %dma_wait3A_1912 = arith.constant 0 : i32
      %dma_wait3A_1913 = arith.constant 0 : i32
      %dma_wait3A_1914 = arith.constant 0 : i32
      %dma_wait3A_1915 = tpu.memref_slice %arg7[%add3A, %dma_wait3A_1912, %dma_wait3A_1913, %dma_wait3A_1914] : memref<32x80x128x128xf32, #tpu.memory_space<hbm>> -> memref<1x80x128x128xf32, #tpu.memory_space<hbm>>
      %dma_wait3A_1916 = tpu.memref_squeeze %dma_wait3A_1915 : memref<1x80x128x128xf32, #tpu.memory_space<hbm>> -> memref<80x128x128xf32, #tpu.memory_space<hbm>>
      %dma_wait3A_1917 = arith.constant 0 : i32
      %dma_wait3A_1918 = arith.constant 0 : i32
      %dma_wait3A_1919 = tpu.memref_slice %dma_wait3A_1916[%add3A_1858, %dma_wait3A_1917, %dma_wait3A_1918] : memref<80x128x128xf32, #tpu.memory_space<hbm>> -> memref<1x128x128xf32, #tpu.memory_space<hbm>>
      %dma_wait3A_1920 = tpu.memref_squeeze %dma_wait3A_1919 : memref<1x128x128xf32, #tpu.memory_space<hbm>> -> memref<128x128xf32, #tpu.memory_space<hbm>>
      tpu.wait_dma2 semaphore(%dma_wait3A_1907 : memref<!tpu.dma_semaphore, #tpu.memory_space<semaphore_mem>>) src(%dma_wait3A_1920 : memref<128x128xf32, #tpu.memory_space<hbm>>) dst(%dma_wait3A_1911 : memref<128x128xf32, #tpu.memory_space<vmem>>)
      %dma_start3A_1921 = arith.constant 0 : i32
      %dma_start3A_1922 = arith.constant 0 : i32
      %dma_start3A_1923 = arith.constant 0 : i32
      %dma_start3A_1924 = arith.constant 0 : i32
      %dma_start3A_1925 = arith.constant 0 : i32
      %dma_start3A_1926 = tpu.memref_slice %arg9[%dma_start3A_1921, %dma_start3A_1924, %dma_start3A_1925] : memref<2x128x128xf32, #tpu.memory_space<vmem>> -> memref<1x128x128xf32, #tpu.memory_space<vmem>>
      %dma_start3A_1927 = tpu.memref_squeeze %dma_start3A_1926 : memref<1x128x128xf32, #tpu.memory_space<vmem>> -> memref<128x128xf32, #tpu.memory_space<vmem>>
      %dma_start3A_1928 = arith.constant 0 : i32
      %dma_start3A_1929 = tpu.memref_slice %arg8[%dma_start3A_1922, %dma_start3A_1928] : memref<4x128xi32, #tpu.memory_space<vmem>> -> memref<1x128xi32, #tpu.memory_space<vmem>>
      %dma_start3A_1930 = tpu.memref_squeeze %dma_start3A_1929 : memref<1x128xi32, #tpu.memory_space<vmem>> -> memref<128xi32, #tpu.memory_space<vmem>>
      %dma_start3A_1931 = arith.constant 0 : i32
      %dma_start3A_1932 = arith.constant 0 : i32
      %dma_start3A_1933 = tpu.memref_slice %arg11[%dma_start3A_1931, %dma_start3A_1932] : memref<10112x128xf32, #tpu.memory_space<vmem_shared>> -> memref<10112x128xf32, #tpu.memory_space<vmem_shared>>
      %dma_start3A_1934 = tpu.memref_slice %arg14[%dma_start3A_1923] : memref<2x!tpu.dma_semaphore, #tpu.memory_space<semaphore_mem>> -> memref<1x!tpu.dma_semaphore, #tpu.memory_space<semaphore_mem>>
      %dma_start3A_1935 = tpu.memref_squeeze %dma_start3A_1934 : memref<1x!tpu.dma_semaphore, #tpu.memory_space<semaphore_mem>> -> memref<!tpu.dma_semaphore, #tpu.memory_space<semaphore_mem>>
      tpu.enqueue_indirect_dma source(%dma_start3A_1927 : memref<128x128xf32, #tpu.memory_space<vmem>>) target(%dma_start3A_1933 : memref<10112x128xf32, #tpu.memory_space<vmem_shared>>) offsets(%dma_start3A_1930 : memref<128xi32, #tpu.memory_space<vmem>>) semaphore(%dma_start3A_1935 : memref<!tpu.dma_semaphore, #tpu.memory_space<semaphore_mem>>) {add = true}
      %sub3A_1936 = arith.constant 1 : i32
      %sub3A_1937 = arith.subi %add3A_1858, %sub3A_1936 : i32
      %dma_wait3A_1938 = arith.constant 1 : i32
      %dma_wait3A_1939 = arith.constant 1 : i32
      %dma_wait3A_1940 = arith.constant 1 : i32
      %dma_wait3A_1941 = arith.constant 0 : i32
      %dma_wait3A_1942 = arith.constant 0 : i32
      %dma_wait3A_1943 = tpu.memref_slice %arg9[%dma_wait3A_1938, %dma_wait3A_1941, %dma_wait3A_1942] : memref<2x128x128xf32, #tpu.memory_space<vmem>> -> memref<1x128x128xf32, #tpu.memory_space<vmem>>
      %dma_wait3A_1944 = tpu.memref_squeeze %dma_wait3A_1943 : memref<1x128x128xf32, #tpu.memory_space<vmem>> -> memref<128x128xf32, #tpu.memory_space<vmem>>
      %dma_wait3A_1945 = arith.constant 0 : i32
      %dma_wait3A_1946 = tpu.memref_slice %arg8[%dma_wait3A_1939, %dma_wait3A_1945] : memref<4x128xi32, #tpu.memory_space<vmem>> -> memref<1x128xi32, #tpu.memory_space<vmem>>
      %dma_wait3A_1947 = tpu.memref_squeeze %dma_wait3A_1946 : memref<1x128xi32, #tpu.memory_space<vmem>> -> memref<128xi32, #tpu.memory_space<vmem>>
      %dma_wait3A_1948 = arith.constant 0 : i32
      %dma_wait3A_1949 = arith.constant 0 : i32
      %dma_wait3A_1950 = tpu.memref_slice %arg11[%dma_wait3A_1948, %dma_wait3A_1949] : memref<10112x128xf32, #tpu.memory_space<vmem_shared>> -> memref<10112x128xf32, #tpu.memory_space<vmem_shared>>
      %dma_wait3A_1951 = tpu.memref_slice %arg14[%dma_wait3A_1940] : memref<2x!tpu.dma_semaphore, #tpu.memory_space<semaphore_mem>> -> memref<1x!tpu.dma_semaphore, #tpu.memory_space<semaphore_mem>>
      %dma_wait3A_1952 = tpu.memref_squeeze %dma_wait3A_1951 : memref<1x!tpu.dma_semaphore, #tpu.memory_space<semaphore_mem>> -> memref<!tpu.dma_semaphore, #tpu.memory_space<semaphore_mem>>
      tpu.wait_indirect_dma semaphore(%dma_wait3A_1952 : memref<!tpu.dma_semaphore, #tpu.memory_space<semaphore_mem>>) src(%dma_wait3A_1944 : memref<128x128xf32, #tpu.memory_space<vmem>>) dst(%dma_wait3A_1950 : memref<10112x128xf32, #tpu.memory_space<vmem_shared>>)
      %add3A_1953 = arith.constant 1 : i32
      %add3A_1954 = arith.addi %add3A_1858, %add3A_1953 : i32
      %dma_wait3A_1955 = arith.constant 1 : i32
      %dma_wait3A_1956 = arith.constant 1 : i32
      %dma_wait3A_1957 = arith.constant 0 : i32
      %dma_wait3A_1958 = tpu.memref_slice %arg8[%dma_wait3A_1955, %dma_wait3A_1957] : memref<4x128xi32, #tpu.memory_space<vmem>> -> memref<1x128xi32, #tpu.memory_space<vmem>>
      %dma_wait3A_1959 = tpu.memref_squeeze %dma_wait3A_1958 : memref<1x128xi32, #tpu.memory_space<vmem>> -> memref<128xi32, #tpu.memory_space<vmem>>
      %dma_wait3A_1960 = arith.constant 0 : i32
      %dma_wait3A_1961 = arith.constant 0 : i32
      %dma_wait3A_1962 = tpu.memref_slice %arg4[%add3A, %dma_wait3A_1960, %dma_wait3A_1961] : memref<32x80x128xi32, #tpu.memory_space<hbm>> -> memref<1x80x128xi32, #tpu.memory_space<hbm>>
      %dma_wait3A_1963 = tpu.memref_squeeze %dma_wait3A_1962 : memref<1x80x128xi32, #tpu.memory_space<hbm>> -> memref<80x128xi32, #tpu.memory_space<hbm>>
      %dma_wait3A_1964 = arith.constant 0 : i32
      %dma_wait3A_1965 = tpu.memref_slice %dma_wait3A_1963[%add3A_1954, %dma_wait3A_1964] : memref<80x128xi32, #tpu.memory_space<hbm>> -> memref<1x128xi32, #tpu.memory_space<hbm>>
      %dma_wait3A_1966 = tpu.memref_squeeze %dma_wait3A_1965 : memref<1x128xi32, #tpu.memory_space<hbm>> -> memref<128xi32, #tpu.memory_space<hbm>>
      %dma_wait3A_1967 = tpu.memref_slice %arg12[%dma_wait3A_1956] : memref<4x!tpu.dma_semaphore, #tpu.memory_space<semaphore_mem>> -> memref<1x!tpu.dma_semaphore, #tpu.memory_space<semaphore_mem>>
      %dma_wait3A_1968 = tpu.memref_squeeze %dma_wait3A_1967 : memref<1x!tpu.dma_semaphore, #tpu.memory_space<semaphore_mem>> -> memref<!tpu.dma_semaphore, #tpu.memory_space<semaphore_mem>>
      %dma_wait3A_1969 = arith.constant 0 : i32
      %dma_wait3A_1970 = tpu.memref_slice %arg8[%dma_wait3A_1955, %dma_wait3A_1969] : memref<4x128xi32, #tpu.memory_space<vmem>> -> memref<1x128xi32, #tpu.memory_space<vmem>>
      %dma_wait3A_1971 = tpu.memref_squeeze %dma_wait3A_1970 : memref<1x128xi32, #tpu.memory_space<vmem>> -> memref<128xi32, #tpu.memory_space<vmem>>
      %dma_wait3A_1972 = arith.constant 0 : i32
      %dma_wait3A_1973 = arith.constant 0 : i32
      %dma_wait3A_1974 = tpu.memref_slice %arg4[%add3A, %dma_wait3A_1972, %dma_wait3A_1973] : memref<32x80x128xi32, #tpu.memory_space<hbm>> -> memref<1x80x128xi32, #tpu.memory_space<hbm>>
      %dma_wait3A_1975 = tpu.memref_squeeze %dma_wait3A_1974 : memref<1x80x128xi32, #tpu.memory_space<hbm>> -> memref<80x128xi32, #tpu.memory_space<hbm>>
      %dma_wait3A_1976 = arith.constant 0 : i32
      %dma_wait3A_1977 = tpu.memref_slice %dma_wait3A_1975[%add3A_1954, %dma_wait3A_1976] : memref<80x128xi32, #tpu.memory_space<hbm>> -> memref<1x128xi32, #tpu.memory_space<hbm>>
      %dma_wait3A_1978 = tpu.memref_squeeze %dma_wait3A_1977 : memref<1x128xi32, #tpu.memory_space<hbm>> -> memref<128xi32, #tpu.memory_space<hbm>>
      tpu.wait_dma2 semaphore(%dma_wait3A_1968 : memref<!tpu.dma_semaphore, #tpu.memory_space<semaphore_mem>>) src(%dma_wait3A_1978 : memref<128xi32, #tpu.memory_space<hbm>>) dst(%dma_wait3A_1971 : memref<128xi32, #tpu.memory_space<vmem>>)
      %add3A_1979 = arith.constant 1 : i32
      %add3A_1980 = arith.addi %add3A_1858, %add3A_1979 : i32
      %dma_start3A_1981 = arith.constant 1 : i32
      %dma_start3A_1982 = arith.constant 1 : i32
      %dma_start3A_1983 = arith.constant 0 : i32
      %dma_start3A_1984 = arith.constant 0 : i32
      %dma_start3A_1985 = tpu.memref_slice %arg9[%dma_start3A_1981, %dma_start3A_1983, %dma_start3A_1984] : memref<2x128x128xf32, #tpu.memory_space<vmem>> -> memref<1x128x128xf32, #tpu.memory_space<vmem>>
      %dma_start3A_1986 = tpu.memref_squeeze %dma_start3A_1985 : memref<1x128x128xf32, #tpu.memory_space<vmem>> -> memref<128x128xf32, #tpu.memory_space<vmem>>
      %dma_start3A_1987 = arith.constant 0 : i32
      %dma_start3A_1988 = arith.constant 0 : i32
      %dma_start3A_1989 = arith.constant 0 : i32
      %dma_start3A_1990 = tpu.memref_slice %arg7[%add3A, %dma_start3A_1987, %dma_start3A_1988, %dma_start3A_1989] : memref<32x80x128x128xf32, #tpu.memory_space<hbm>> -> memref<1x80x128x128xf32, #tpu.memory_space<hbm>>
      %dma_start3A_1991 = tpu.memref_squeeze %dma_start3A_1990 : memref<1x80x128x128xf32, #tpu.memory_space<hbm>> -> memref<80x128x128xf32, #tpu.memory_space<hbm>>
      %dma_start3A_1992 = arith.constant 0 : i32
      %dma_start3A_1993 = arith.constant 0 : i32
      %dma_start3A_1994 = tpu.memref_slice %dma_start3A_1991[%add3A_1980, %dma_start3A_1992, %dma_start3A_1993] : memref<80x128x128xf32, #tpu.memory_space<hbm>> -> memref<1x128x128xf32, #tpu.memory_space<hbm>>
      %dma_start3A_1995 = tpu.memref_squeeze %dma_start3A_1994 : memref<1x128x128xf32, #tpu.memory_space<hbm>> -> memref<128x128xf32, #tpu.memory_space<hbm>>
      %dma_start3A_1996 = tpu.memref_slice %arg13[%dma_start3A_1982] : memref<2x!tpu.dma_semaphore, #tpu.memory_space<semaphore_mem>> -> memref<1x!tpu.dma_semaphore, #tpu.memory_space<semaphore_mem>>
      %dma_start3A_1997 = tpu.memref_squeeze %dma_start3A_1996 : memref<1x!tpu.dma_semaphore, #tpu.memory_space<semaphore_mem>> -> memref<!tpu.dma_semaphore, #tpu.memory_space<semaphore_mem>>
      %dma_start3A_1998 = arith.constant 0 : i32
      %dma_start3A_1999 = arith.constant 0 : i32
      %dma_start3A_2000 = tpu.memref_slice %arg9[%dma_start3A_1981, %dma_start3A_1998, %dma_start3A_1999] : memref<2x128x128xf32, #tpu.memory_space<vmem>> -> memref<1x128x128xf32, #tpu.memory_space<vmem>>
      %dma_start3A_2001 = tpu.memref_squeeze %dma_start3A_2000 : memref<1x128x128xf32, #tpu.memory_space<vmem>> -> memref<128x128xf32, #tpu.memory_space<vmem>>
      %dma_start3A_2002 = arith.constant 0 : i32
      %dma_start3A_2003 = arith.constant 0 : i32
      %dma_start3A_2004 = arith.constant 0 : i32
      %dma_start3A_2005 = tpu.memref_slice %arg7[%add3A, %dma_start3A_2002, %dma_start3A_2003, %dma_start3A_2004] : memref<32x80x128x128xf32, #tpu.memory_space<hbm>> -> memref<1x80x128x128xf32, #tpu.memory_space<hbm>>
      %dma_start3A_2006 = tpu.memref_squeeze %dma_start3A_2005 : memref<1x80x128x128xf32, #tpu.memory_space<hbm>> -> memref<80x128x128xf32, #tpu.memory_space<hbm>>
      %dma_start3A_2007 = arith.constant 0 : i32
      %dma_start3A_2008 = arith.constant 0 : i32
      %dma_start3A_2009 = tpu.memref_slice %dma_start3A_2006[%add3A_1980, %dma_start3A_2007, %dma_start3A_2008] : memref<80x128x128xf32, #tpu.memory_space<hbm>> -> memref<1x128x128xf32, #tpu.memory_space<hbm>>
      %dma_start3A_2010 = tpu.memref_squeeze %dma_start3A_2009 : memref<1x128x128xf32, #tpu.memory_space<hbm>> -> memref<128x128xf32, #tpu.memory_space<hbm>>
      tpu.enqueue_dma source(%dma_start3A_2010 : memref<128x128xf32, #tpu.memory_space<hbm>>) target(%dma_start3A_2001 : memref<128x128xf32, #tpu.memory_space<vmem>>) target_semaphore(%dma_start3A_1997 : memref<!tpu.dma_semaphore, #tpu.memory_space<semaphore_mem>>)
      %add3A_2011 = arith.constant 3 : i32
      %add3A_2012 = arith.addi %add3A_1858, %add3A_2011 : i32
      %dma_start3A_2013 = arith.constant 3 : i32
      %dma_start3A_2014 = arith.constant 3 : i32
      %dma_start3A_2015 = arith.constant 0 : i32
      %dma_start3A_2016 = tpu.memref_slice %arg8[%dma_start3A_2013, %dma_start3A_2015] : memref<4x128xi32, #tpu.memory_space<vmem>> -> memref<1x128xi32, #tpu.memory_space<vmem>>
      %dma_start3A_2017 = tpu.memref_squeeze %dma_start3A_2016 : memref<1x128xi32, #tpu.memory_space<vmem>> -> memref<128xi32, #tpu.memory_space<vmem>>
      %dma_start3A_2018 = arith.constant 0 : i32
      %dma_start3A_2019 = arith.constant 0 : i32
      %dma_start3A_2020 = tpu.memref_slice %arg4[%add3A, %dma_start3A_2018, %dma_start3A_2019] : memref<32x80x128xi32, #tpu.memory_space<hbm>> -> memref<1x80x128xi32, #tpu.memory_space<hbm>>
      %dma_start3A_2021 = tpu.memref_squeeze %dma_start3A_2020 : memref<1x80x128xi32, #tpu.memory_space<hbm>> -> memref<80x128xi32, #tpu.memory_space<hbm>>
      %dma_start3A_2022 = arith.constant 0 : i32
      %dma_start3A_2023 = tpu.memref_slice %dma_start3A_2021[%add3A_2012, %dma_start3A_2022] : memref<80x128xi32, #tpu.memory_space<hbm>> -> memref<1x128xi32, #tpu.memory_space<hbm>>
      %dma_start3A_2024 = tpu.memref_squeeze %dma_start3A_2023 : memref<1x128xi32, #tpu.memory_space<hbm>> -> memref<128xi32, #tpu.memory_space<hbm>>
      %dma_start3A_2025 = tpu.memref_slice %arg12[%dma_start3A_2014] : memref<4x!tpu.dma_semaphore, #tpu.memory_space<semaphore_mem>> -> memref<1x!tpu.dma_semaphore, #tpu.memory_space<semaphore_mem>>
      %dma_start3A_2026 = tpu.memref_squeeze %dma_start3A_2025 : memref<1x!tpu.dma_semaphore, #tpu.memory_space<semaphore_mem>> -> memref<!tpu.dma_semaphore, #tpu.memory_space<semaphore_mem>>
      %dma_start3A_2027 = arith.constant 0 : i32
      %dma_start3A_2028 = tpu.memref_slice %arg8[%dma_start3A_2013, %dma_start3A_2027] : memref<4x128xi32, #tpu.memory_space<vmem>> -> memref<1x128xi32, #tpu.memory_space<vmem>>
      %dma_start3A_2029 = tpu.memref_squeeze %dma_start3A_2028 : memref<1x128xi32, #tpu.memory_space<vmem>> -> memref<128xi32, #tpu.memory_space<vmem>>
      %dma_start3A_2030 = arith.constant 0 : i32
      %dma_start3A_2031 = arith.constant 0 : i32
      %dma_start3A_2032 = tpu.memref_slice %arg4[%add3A, %dma_start3A_2030, %dma_start3A_2031] : memref<32x80x128xi32, #tpu.memory_space<hbm>> -> memref<1x80x128xi32, #tpu.memory_space<hbm>>
      %dma_start3A_2033 = tpu.memref_squeeze %dma_start3A_2032 : memref<1x80x128xi32, #tpu.memory_space<hbm>> -> memref<80x128xi32, #tpu.memory_space<hbm>>
      %dma_start3A_2034 = arith.constant 0 : i32
      %dma_start3A_2035 = tpu.memref_slice %dma_start3A_2033[%add3A_2012, %dma_start3A_2034] : memref<80x128xi32, #tpu.memory_space<hbm>> -> memref<1x128xi32, #tpu.memory_space<hbm>>
      %dma_start3A_2036 = tpu.memref_squeeze %dma_start3A_2035 : memref<1x128xi32, #tpu.memory_space<hbm>> -> memref<128xi32, #tpu.memory_space<hbm>>
      tpu.enqueue_dma source(%dma_start3A_2036 : memref<128xi32, #tpu.memory_space<hbm>>) target(%dma_start3A_2029 : memref<128xi32, #tpu.memory_space<vmem>>) target_semaphore(%dma_start3A_2026 : memref<!tpu.dma_semaphore, #tpu.memory_space<semaphore_mem>>)
    }
    %scan3A_905 = arith.constant 19 : i32
    %get3A_906 = arith.constant 1 : i32
    %get3A_907 = arith.index_cast %get3A_906 : i32 to index
    %get3A_908 = arith.constant 0 : index
    %get3A_909 = tpu.vector_load %arg8[%get3A_907, %get3A_908] {strides = array<i32>} : memref<4x128xi32, #tpu.memory_space<vmem>>, vector<16xi32>,
    tpu.vector_store_idx %arg10[%get3A_909], %broadcast_in_dim3A_3 {add = true} : memref<10112xf32, #tpu.memory_space<vmem>>[vector<16xi32>], vector<16xf32>,
    %get3A_910 = arith.constant 1 : i32
    %get3A_911 = arith.index_cast %get3A_910 : i32 to index
    %get3A_912 = arith.constant 16 : index
    %get3A_913 = tpu.vector_load %arg8[%get3A_911, %get3A_912] {strides = array<i32>} : memref<4x128xi32, #tpu.memory_space<vmem>>, vector<16xi32>,
    tpu.vector_store_idx %arg10[%get3A_913], %broadcast_in_dim3A_3 {add = true} : memref<10112xf32, #tpu.memory_space<vmem>>[vector<16xi32>], vector<16xf32>,
    %get3A_914 = arith.constant 1 : i32
    %get3A_915 = arith.index_cast %get3A_914 : i32 to index
    %get3A_916 = arith.constant 32 : index
    %get3A_917 = tpu.vector_load %arg8[%get3A_915, %get3A_916] {strides = array<i32>} : memref<4x128xi32, #tpu.memory_space<vmem>>, vector<16xi32>,
    tpu.vector_store_idx %arg10[%get3A_917], %broadcast_in_dim3A_3 {add = true} : memref<10112xf32, #tpu.memory_space<vmem>>[vector<16xi32>], vector<16xf32>,
    %get3A_918 = arith.constant 1 : i32
    %get3A_919 = arith.index_cast %get3A_918 : i32 to index
    %get3A_920 = arith.constant 48 : index
    %get3A_921 = tpu.vector_load %arg8[%get3A_919, %get3A_920] {strides = array<i32>} : memref<4x128xi32, #tpu.memory_space<vmem>>, vector<16xi32>,
    tpu.vector_store_idx %arg10[%get3A_921], %broadcast_in_dim3A_3 {add = true} : memref<10112xf32, #tpu.memory_space<vmem>>[vector<16xi32>], vector<16xf32>,
    %get3A_922 = arith.constant 1 : i32
    %get3A_923 = arith.index_cast %get3A_922 : i32 to index
    %get3A_924 = arith.constant 64 : index
    %get3A_925 = tpu.vector_load %arg8[%get3A_923, %get3A_924] {strides = array<i32>} : memref<4x128xi32, #tpu.memory_space<vmem>>, vector<16xi32>,
    tpu.vector_store_idx %arg10[%get3A_925], %broadcast_in_dim3A_3 {add = true} : memref<10112xf32, #tpu.memory_space<vmem>>[vector<16xi32>], vector<16xf32>,
    %get3A_926 = arith.constant 1 : i32
    %get3A_927 = arith.index_cast %get3A_926 : i32 to index
    %get3A_928 = arith.constant 80 : index
    %get3A_929 = tpu.vector_load %arg8[%get3A_927, %get3A_928] {strides = array<i32>} : memref<4x128xi32, #tpu.memory_space<vmem>>, vector<16xi32>,
    tpu.vector_store_idx %arg10[%get3A_929], %broadcast_in_dim3A_3 {add = true} : memref<10112xf32, #tpu.memory_space<vmem>>[vector<16xi32>], vector<16xf32>,
    %get3A_930 = arith.constant 1 : i32
    %get3A_931 = arith.index_cast %get3A_930 : i32 to index
    %get3A_932 = arith.constant 96 : index
    %get3A_933 = tpu.vector_load %arg8[%get3A_931, %get3A_932] {strides = array<i32>} : memref<4x128xi32, #tpu.memory_space<vmem>>, vector<16xi32>,
    tpu.vector_store_idx %arg10[%get3A_933], %broadcast_in_dim3A_3 {add = true} : memref<10112xf32, #tpu.memory_space<vmem>>[vector<16xi32>], vector<16xf32>,
    %get3A_934 = arith.constant 1 : i32
    %get3A_935 = arith.index_cast %get3A_934 : i32 to index
    %get3A_936 = arith.constant 112 : index
    %get3A_937 = tpu.vector_load %arg8[%get3A_935, %get3A_936] {strides = array<i32>} : memref<4x128xi32, #tpu.memory_space<vmem>>, vector<16xi32>,
    tpu.vector_store_idx %arg10[%get3A_937], %broadcast_in_dim3A_3 {add = true} : memref<10112xf32, #tpu.memory_space<vmem>>[vector<16xi32>], vector<16xf32>,
    %dma_wait3A_938 = arith.constant 77 : i32
    %dma_wait3A_939 = arith.constant 1 : i32
    %dma_wait3A_940 = arith.constant 1 : i32
    %dma_wait3A_941 = arith.constant 0 : i32
    %dma_wait3A_942 = arith.constant 0 : i32
    %dma_wait3A_943 = tpu.memref_slice %arg9[%dma_wait3A_939, %dma_wait3A_941, %dma_wait3A_942] : memref<2x128x128xf32, #tpu.memory_space<vmem>> -> memref<1x128x128xf32, #tpu.memory_space<vmem>>
    %dma_wait3A_944 = tpu.memref_squeeze %dma_wait3A_943 : memref<1x128x128xf32, #tpu.memory_space<vmem>> -> memref<128x128xf32, #tpu.memory_space<vmem>>
    %dma_wait3A_945 = arith.constant 0 : i32
    %dma_wait3A_946 = arith.constant 0 : i32
    %dma_wait3A_947 = arith.constant 0 : i32
    %dma_wait3A_948 = tpu.memref_slice %arg7[%add3A, %dma_wait3A_945, %dma_wait3A_946, %dma_wait3A_947] : memref<32x80x128x128xf32, #tpu.memory_space<hbm>> -> memref<1x80x128x128xf32, #tpu.memory_space<hbm>>
    %dma_wait3A_949 = tpu.memref_squeeze %dma_wait3A_948 : memref<1x80x128x128xf32, #tpu.memory_space<hbm>> -> memref<80x128x128xf32, #tpu.memory_space<hbm>>
    %dma_wait3A_950 = arith.constant 0 : i32
    %dma_wait3A_951 = arith.constant 0 : i32
    %dma_wait3A_952 = tpu.memref_slice %dma_wait3A_949[%dma_wait3A_938, %dma_wait3A_950, %dma_wait3A_951] : memref<80x128x128xf32, #tpu.memory_space<hbm>> -> memref<1x128x128xf32, #tpu.memory_space<hbm>>
    %dma_wait3A_953 = tpu.memref_squeeze %dma_wait3A_952 : memref<1x128x128xf32, #tpu.memory_space<hbm>> -> memref<128x128xf32, #tpu.memory_space<hbm>>
    %dma_wait3A_954 = tpu.memref_slice %arg13[%dma_wait3A_940] : memref<2x!tpu.dma_semaphore, #tpu.memory_space<semaphore_mem>> -> memref<1x!tpu.dma_semaphore, #tpu.memory_space<semaphore_mem>>
    %dma_wait3A_955 = tpu.memref_squeeze %dma_wait3A_954 : memref<1x!tpu.dma_semaphore, #tpu.memory_space<semaphore_mem>> -> memref<!tpu.dma_semaphore, #tpu.memory_space<semaphore_mem>>
    %dma_wait3A_956 = arith.constant 0 : i32
    %dma_wait3A_957 = arith.constant 0 : i32
    %dma_wait3A_958 = tpu.memref_slice %arg9[%dma_wait3A_939, %dma_wait3A_956, %dma_wait3A_957] : memref<2x128x128xf32, #tpu.memory_space<vmem>> -> memref<1x128x128xf32, #tpu.memory_space<vmem>>
    %dma_wait3A_959 = tpu.memref_squeeze %dma_wait3A_958 : memref<1x128x128xf32, #tpu.memory_space<vmem>> -> memref<128x128xf32, #tpu.memory_space<vmem>>
    %dma_wait3A_960 = arith.constant 0 : i32
    %dma_wait3A_961 = arith.constant 0 : i32
    %dma_wait3A_962 = arith.constant 0 : i32
    %dma_wait3A_963 = tpu.memref_slice %arg7[%add3A, %dma_wait3A_960, %dma_wait3A_961, %dma_wait3A_962] : memref<32x80x128x128xf32, #tpu.memory_space<hbm>> -> memref<1x80x128x128xf32, #tpu.memory_space<hbm>>
    %dma_wait3A_964 = tpu.memref_squeeze %dma_wait3A_963 : memref<1x80x128x128xf32, #tpu.memory_space<hbm>> -> memref<80x128x128xf32, #tpu.memory_space<hbm>>
    %dma_wait3A_965 = arith.constant 0 : i32
    %dma_wait3A_966 = arith.constant 0 : i32
    %dma_wait3A_967 = tpu.memref_slice %dma_wait3A_964[%dma_wait3A_938, %dma_wait3A_965, %dma_wait3A_966] : memref<80x128x128xf32, #tpu.memory_space<hbm>> -> memref<1x128x128xf32, #tpu.memory_space<hbm>>
    %dma_wait3A_968 = tpu.memref_squeeze %dma_wait3A_967 : memref<1x128x128xf32, #tpu.memory_space<hbm>> -> memref<128x128xf32, #tpu.memory_space<hbm>>
    tpu.wait_dma2 semaphore(%dma_wait3A_955 : memref<!tpu.dma_semaphore, #tpu.memory_space<semaphore_mem>>) src(%dma_wait3A_968 : memref<128x128xf32, #tpu.memory_space<hbm>>) dst(%dma_wait3A_959 : memref<128x128xf32, #tpu.memory_space<vmem>>)
    %dma_start3A_969 = arith.constant 1 : i32
    %dma_start3A_970 = arith.constant 1 : i32
    %dma_start3A_971 = arith.constant 1 : i32
    %dma_start3A_972 = arith.constant 0 : i32
    %dma_start3A_973 = arith.constant 0 : i32
    %dma_start3A_974 = tpu.memref_slice %arg9[%dma_start3A_969, %dma_start3A_972, %dma_start3A_973] : memref<2x128x128xf32, #tpu.memory_space<vmem>> -> memref<1x128x128xf32, #tpu.memory_space<vmem>>
    %dma_start3A_975 = tpu.memref_squeeze %dma_start3A_974 : memref<1x128x128xf32, #tpu.memory_space<vmem>> -> memref<128x128xf32, #tpu.memory_space<vmem>>
    %dma_start3A_976 = arith.constant 0 : i32
    %dma_start3A_977 = tpu.memref_slice %arg8[%dma_start3A_970, %dma_start3A_976] : memref<4x128xi32, #tpu.memory_space<vmem>> -> memref<1x128xi32, #tpu.memory_space<vmem>>
    %dma_start3A_978 = tpu.memref_squeeze %dma_start3A_977 : memref<1x128xi32, #tpu.memory_space<vmem>> -> memref<128xi32, #tpu.memory_space<vmem>>
    %dma_start3A_979 = arith.constant 0 : i32
    %dma_start3A_980 = arith.constant 0 : i32
    %dma_start3A_981 = tpu.memref_slice %arg11[%dma_start3A_979, %dma_start3A_980] : memref<10112x128xf32, #tpu.memory_space<vmem_shared>> -> memref<10112x128xf32, #tpu.memory_space<vmem_shared>>
    %dma_start3A_982 = tpu.memref_slice %arg14[%dma_start3A_971] : memref<2x!tpu.dma_semaphore, #tpu.memory_space<semaphore_mem>> -> memref<1x!tpu.dma_semaphore, #tpu.memory_space<semaphore_mem>>
    %dma_start3A_983 = tpu.memref_squeeze %dma_start3A_982 : memref<1x!tpu.dma_semaphore, #tpu.memory_space<semaphore_mem>> -> memref<!tpu.dma_semaphore, #tpu.memory_space<semaphore_mem>>
    tpu.enqueue_indirect_dma source(%dma_start3A_975 : memref<128x128xf32, #tpu.memory_space<vmem>>) target(%dma_start3A_981 : memref<10112x128xf32, #tpu.memory_space<vmem_shared>>) offsets(%dma_start3A_978 : memref<128xi32, #tpu.memory_space<vmem>>) semaphore(%dma_start3A_983 : memref<!tpu.dma_semaphore, #tpu.memory_space<semaphore_mem>>) {add = true}
    %dma_wait3A_984 = arith.constant 0 : i32
    %dma_wait3A_985 = arith.constant 0 : i32
    %dma_wait3A_986 = arith.constant 0 : i32
    %dma_wait3A_987 = arith.constant 0 : i32
    %dma_wait3A_988 = arith.constant 0 : i32
    %dma_wait3A_989 = tpu.memref_slice %arg9[%dma_wait3A_984, %dma_wait3A_987, %dma_wait3A_988] : memref<2x128x128xf32, #tpu.memory_space<vmem>> -> memref<1x128x128xf32, #tpu.memory_space<vmem>>
    %dma_wait3A_990 = tpu.memref_squeeze %dma_wait3A_989 : memref<1x128x128xf32, #tpu.memory_space<vmem>> -> memref<128x128xf32, #tpu.memory_space<vmem>>
    %dma_wait3A_991 = arith.constant 0 : i32
    %dma_wait3A_992 = tpu.memref_slice %arg8[%dma_wait3A_985, %dma_wait3A_991] : memref<4x128xi32, #tpu.memory_space<vmem>> -> memref<1x128xi32, #tpu.memory_space<vmem>>
    %dma_wait3A_993 = tpu.memref_squeeze %dma_wait3A_992 : memref<1x128xi32, #tpu.memory_space<vmem>> -> memref<128xi32, #tpu.memory_space<vmem>>
    %dma_wait3A_994 = arith.constant 0 : i32
    %dma_wait3A_995 = arith.constant 0 : i32
    %dma_wait3A_996 = tpu.memref_slice %arg11[%dma_wait3A_994, %dma_wait3A_995] : memref<10112x128xf32, #tpu.memory_space<vmem_shared>> -> memref<10112x128xf32, #tpu.memory_space<vmem_shared>>
    %dma_wait3A_997 = tpu.memref_slice %arg14[%dma_wait3A_986] : memref<2x!tpu.dma_semaphore, #tpu.memory_space<semaphore_mem>> -> memref<1x!tpu.dma_semaphore, #tpu.memory_space<semaphore_mem>>
    %dma_wait3A_998 = tpu.memref_squeeze %dma_wait3A_997 : memref<1x!tpu.dma_semaphore, #tpu.memory_space<semaphore_mem>> -> memref<!tpu.dma_semaphore, #tpu.memory_space<semaphore_mem>>
    tpu.wait_indirect_dma semaphore(%dma_wait3A_998 : memref<!tpu.dma_semaphore, #tpu.memory_space<semaphore_mem>>) src(%dma_wait3A_990 : memref<128x128xf32, #tpu.memory_space<vmem>>) dst(%dma_wait3A_996 : memref<10112x128xf32, #tpu.memory_space<vmem_shared>>)
    %dma_wait3A_999 = arith.constant 78 : i32
    %dma_wait3A_1000 = arith.constant 2 : i32
    %dma_wait3A_1001 = arith.constant 2 : i32
    %dma_wait3A_1002 = arith.constant 0 : i32
    %dma_wait3A_1003 = tpu.memref_slice %arg8[%dma_wait3A_1000, %dma_wait3A_1002] : memref<4x128xi32, #tpu.memory_space<vmem>> -> memref<1x128xi32, #tpu.memory_space<vmem>>
    %dma_wait3A_1004 = tpu.memref_squeeze %dma_wait3A_1003 : memref<1x128xi32, #tpu.memory_space<vmem>> -> memref<128xi32, #tpu.memory_space<vmem>>
    %dma_wait3A_1005 = arith.constant 0 : i32
    %dma_wait3A_1006 = arith.constant 0 : i32
    %dma_wait3A_1007 = tpu.memref_slice %arg4[%add3A, %dma_wait3A_1005, %dma_wait3A_1006] : memref<32x80x128xi32, #tpu.memory_space<hbm>> -> memref<1x80x128xi32, #tpu.memory_space<hbm>>
    %dma_wait3A_1008 = tpu.memref_squeeze %dma_wait3A_1007 : memref<1x80x128xi32, #tpu.memory_space<hbm>> -> memref<80x128xi32, #tpu.memory_space<hbm>>
    %dma_wait3A_1009 = arith.constant 0 : i32
    %dma_wait3A_1010 = tpu.memref_slice %dma_wait3A_1008[%dma_wait3A_999, %dma_wait3A_1009] : memref<80x128xi32, #tpu.memory_space<hbm>> -> memref<1x128xi32, #tpu.memory_space<hbm>>
    %dma_wait3A_1011 = tpu.memref_squeeze %dma_wait3A_1010 : memref<1x128xi32, #tpu.memory_space<hbm>> -> memref<128xi32, #tpu.memory_space<hbm>>
    %dma_wait3A_1012 = tpu.memref_slice %arg12[%dma_wait3A_1001] : memref<4x!tpu.dma_semaphore, #tpu.memory_space<semaphore_mem>> -> memref<1x!tpu.dma_semaphore, #tpu.memory_space<semaphore_mem>>
    %dma_wait3A_1013 = tpu.memref_squeeze %dma_wait3A_1012 : memref<1x!tpu.dma_semaphore, #tpu.memory_space<semaphore_mem>> -> memref<!tpu.dma_semaphore, #tpu.memory_space<semaphore_mem>>
    %dma_wait3A_1014 = arith.constant 0 : i32
    %dma_wait3A_1015 = tpu.memref_slice %arg8[%dma_wait3A_1000, %dma_wait3A_1014] : memref<4x128xi32, #tpu.memory_space<vmem>> -> memref<1x128xi32, #tpu.memory_space<vmem>>
    %dma_wait3A_1016 = tpu.memref_squeeze %dma_wait3A_1015 : memref<1x128xi32, #tpu.memory_space<vmem>> -> memref<128xi32, #tpu.memory_space<vmem>>
    %dma_wait3A_1017 = arith.constant 0 : i32
    %dma_wait3A_1018 = arith.constant 0 : i32
    %dma_wait3A_1019 = tpu.memref_slice %arg4[%add3A, %dma_wait3A_1017, %dma_wait3A_1018] : memref<32x80x128xi32, #tpu.memory_space<hbm>> -> memref<1x80x128xi32, #tpu.memory_space<hbm>>
    %dma_wait3A_1020 = tpu.memref_squeeze %dma_wait3A_1019 : memref<1x80x128xi32, #tpu.memory_space<hbm>> -> memref<80x128xi32, #tpu.memory_space<hbm>>
    %dma_wait3A_1021 = arith.constant 0 : i32
    %dma_wait3A_1022 = tpu.memref_slice %dma_wait3A_1020[%dma_wait3A_999, %dma_wait3A_1021] : memref<80x128xi32, #tpu.memory_space<hbm>> -> memref<1x128xi32, #tpu.memory_space<hbm>>
    %dma_wait3A_1023 = tpu.memref_squeeze %dma_wait3A_1022 : memref<1x128xi32, #tpu.memory_space<hbm>> -> memref<128xi32, #tpu.memory_space<hbm>>
    tpu.wait_dma2 semaphore(%dma_wait3A_1013 : memref<!tpu.dma_semaphore, #tpu.memory_space<semaphore_mem>>) src(%dma_wait3A_1023 : memref<128xi32, #tpu.memory_space<hbm>>) dst(%dma_wait3A_1016 : memref<128xi32, #tpu.memory_space<vmem>>)
    %dma_start3A_1024 = arith.constant 78 : i32
    %dma_start3A_1025 = arith.constant 0 : i32
    %dma_start3A_1026 = arith.constant 0 : i32
    %dma_start3A_1027 = arith.constant 0 : i32
    %dma_start3A_1028 = arith.constant 0 : i32
    %dma_start3A_1029 = tpu.memref_slice %arg9[%dma_start3A_1025, %dma_start3A_1027, %dma_start3A_1028] : memref<2x128x128xf32, #tpu.memory_space<vmem>> -> memref<1x128x128xf32, #tpu.memory_space<vmem>>
    %dma_start3A_1030 = tpu.memref_squeeze %dma_start3A_1029 : memref<1x128x128xf32, #tpu.memory_space<vmem>> -> memref<128x128xf32, #tpu.memory_space<vmem>>
    %dma_start3A_1031 = arith.constant 0 : i32
    %dma_start3A_1032 = arith.constant 0 : i32
    %dma_start3A_1033 = arith.constant 0 : i32
    %dma_start3A_1034 = tpu.memref_slice %arg7[%add3A, %dma_start3A_1031, %dma_start3A_1032, %dma_start3A_1033] : memref<32x80x128x128xf32, #tpu.memory_space<hbm>> -> memref<1x80x128x128xf32, #tpu.memory_space<hbm>>
    %dma_start3A_1035 = tpu.memref_squeeze %dma_start3A_1034 : memref<1x80x128x128xf32, #tpu.memory_space<hbm>> -> memref<80x128x128xf32, #tpu.memory_space<hbm>>
    %dma_start3A_1036 = arith.constant 0 : i32
    %dma_start3A_1037 = arith.constant 0 : i32
    %dma_start3A_1038 = tpu.memref_slice %dma_start3A_1035[%dma_start3A_1024, %dma_start3A_1036, %dma_start3A_1037] : memref<80x128x128xf32, #tpu.memory_space<hbm>> -> memref<1x128x128xf32, #tpu.memory_space<hbm>>
    %dma_start3A_1039 = tpu.memref_squeeze %dma_start3A_1038 : memref<1x128x128xf32, #tpu.memory_space<hbm>> -> memref<128x128xf32, #tpu.memory_space<hbm>>
    %dma_start3A_1040 = tpu.memref_slice %arg13[%dma_start3A_1026] : memref<2x!tpu.dma_semaphore, #tpu.memory_space<semaphore_mem>> -> memref<1x!tpu.dma_semaphore, #tpu.memory_space<semaphore_mem>>
    %dma_start3A_1041 = tpu.memref_squeeze %dma_start3A_1040 : memref<1x!tpu.dma_semaphore, #tpu.memory_space<semaphore_mem>> -> memref<!tpu.dma_semaphore, #tpu.memory_space<semaphore_mem>>
    %dma_start3A_1042 = arith.constant 0 : i32
    %dma_start3A_1043 = arith.constant 0 : i32
    %dma_start3A_1044 = tpu.memref_slice %arg9[%dma_start3A_1025, %dma_start3A_1042, %dma_start3A_1043] : memref<2x128x128xf32, #tpu.memory_space<vmem>> -> memref<1x128x128xf32, #tpu.memory_space<vmem>>
    %dma_start3A_1045 = tpu.memref_squeeze %dma_start3A_1044 : memref<1x128x128xf32, #tpu.memory_space<vmem>> -> memref<128x128xf32, #tpu.memory_space<vmem>>
    %dma_start3A_1046 = arith.constant 0 : i32
    %dma_start3A_1047 = arith.constant 0 : i32
    %dma_start3A_1048 = arith.constant 0 : i32
    %dma_start3A_1049 = tpu.memref_slice %arg7[%add3A, %dma_start3A_1046, %dma_start3A_1047, %dma_start3A_1048] : memref<32x80x128x128xf32, #tpu.memory_space<hbm>> -> memref<1x80x128x128xf32, #tpu.memory_space<hbm>>
    %dma_start3A_1050 = tpu.memref_squeeze %dma_start3A_1049 : memref<1x80x128x128xf32, #tpu.memory_space<hbm>> -> memref<80x128x128xf32, #tpu.memory_space<hbm>>
    %dma_start3A_1051 = arith.constant 0 : i32
    %dma_start3A_1052 = arith.constant 0 : i32
    %dma_start3A_1053 = tpu.memref_slice %dma_start3A_1050[%dma_start3A_1024, %dma_start3A_1051, %dma_start3A_1052] : memref<80x128x128xf32, #tpu.memory_space<hbm>> -> memref<1x128x128xf32, #tpu.memory_space<hbm>>
    %dma_start3A_1054 = tpu.memref_squeeze %dma_start3A_1053 : memref<1x128x128xf32, #tpu.memory_space<hbm>> -> memref<128x128xf32, #tpu.memory_space<hbm>>
    tpu.enqueue_dma source(%dma_start3A_1054 : memref<128x128xf32, #tpu.memory_space<hbm>>) target(%dma_start3A_1045 : memref<128x128xf32, #tpu.memory_space<vmem>>) target_semaphore(%dma_start3A_1041 : memref<!tpu.dma_semaphore, #tpu.memory_space<semaphore_mem>>)
    %get3A_1055 = arith.constant 2 : i32
    %get3A_1056 = arith.index_cast %get3A_1055 : i32 to index
    %get3A_1057 = arith.constant 0 : index
    %get3A_1058 = tpu.vector_load %arg8[%get3A_1056, %get3A_1057] {strides = array<i32>} : memref<4x128xi32, #tpu.memory_space<vmem>>, vector<16xi32>,
    tpu.vector_store_idx %arg10[%get3A_1058], %broadcast_in_dim3A_3 {add = true} : memref<10112xf32, #tpu.memory_space<vmem>>[vector<16xi32>], vector<16xf32>,
    %get3A_1059 = arith.constant 2 : i32
    %get3A_1060 = arith.index_cast %get3A_1059 : i32 to index
    %get3A_1061 = arith.constant 16 : index
    %get3A_1062 = tpu.vector_load %arg8[%get3A_1060, %get3A_1061] {strides = array<i32>} : memref<4x128xi32, #tpu.memory_space<vmem>>, vector<16xi32>,
    tpu.vector_store_idx %arg10[%get3A_1062], %broadcast_in_dim3A_3 {add = true} : memref<10112xf32, #tpu.memory_space<vmem>>[vector<16xi32>], vector<16xf32>,
    %get3A_1063 = arith.constant 2 : i32
    %get3A_1064 = arith.index_cast %get3A_1063 : i32 to index
    %get3A_1065 = arith.constant 32 : index
    %get3A_1066 = tpu.vector_load %arg8[%get3A_1064, %get3A_1065] {strides = array<i32>} : memref<4x128xi32, #tpu.memory_space<vmem>>, vector<16xi32>,
    tpu.vector_store_idx %arg10[%get3A_1066], %broadcast_in_dim3A_3 {add = true} : memref<10112xf32, #tpu.memory_space<vmem>>[vector<16xi32>], vector<16xf32>,
    %get3A_1067 = arith.constant 2 : i32
    %get3A_1068 = arith.index_cast %get3A_1067 : i32 to index
    %get3A_1069 = arith.constant 48 : index
    %get3A_1070 = tpu.vector_load %arg8[%get3A_1068, %get3A_1069] {strides = array<i32>} : memref<4x128xi32, #tpu.memory_space<vmem>>, vector<16xi32>,
    tpu.vector_store_idx %arg10[%get3A_1070], %broadcast_in_dim3A_3 {add = true} : memref<10112xf32, #tpu.memory_space<vmem>>[vector<16xi32>], vector<16xf32>,
    %get3A_1071 = arith.constant 2 : i32
    %get3A_1072 = arith.index_cast %get3A_1071 : i32 to index
    %get3A_1073 = arith.constant 64 : index
    %get3A_1074 = tpu.vector_load %arg8[%get3A_1072, %get3A_1073] {strides = array<i32>} : memref<4x128xi32, #tpu.memory_space<vmem>>, vector<16xi32>,
    tpu.vector_store_idx %arg10[%get3A_1074], %broadcast_in_dim3A_3 {add = true} : memref<10112xf32, #tpu.memory_space<vmem>>[vector<16xi32>], vector<16xf32>,
    %get3A_1075 = arith.constant 2 : i32
    %get3A_1076 = arith.index_cast %get3A_1075 : i32 to index
    %get3A_1077 = arith.constant 80 : index
    %get3A_1078 = tpu.vector_load %arg8[%get3A_1076, %get3A_1077] {strides = array<i32>} : memref<4x128xi32, #tpu.memory_space<vmem>>, vector<16xi32>,
    tpu.vector_store_idx %arg10[%get3A_1078], %broadcast_in_dim3A_3 {add = true} : memref<10112xf32, #tpu.memory_space<vmem>>[vector<16xi32>], vector<16xf32>,
    %get3A_1079 = arith.constant 2 : i32
    %get3A_1080 = arith.index_cast %get3A_1079 : i32 to index
    %get3A_1081 = arith.constant 96 : index
    %get3A_1082 = tpu.vector_load %arg8[%get3A_1080, %get3A_1081] {strides = array<i32>} : memref<4x128xi32, #tpu.memory_space<vmem>>, vector<16xi32>,
    tpu.vector_store_idx %arg10[%get3A_1082], %broadcast_in_dim3A_3 {add = true} : memref<10112xf32, #tpu.memory_space<vmem>>[vector<16xi32>], vector<16xf32>,
    %get3A_1083 = arith.constant 2 : i32
    %get3A_1084 = arith.index_cast %get3A_1083 : i32 to index
    %get3A_1085 = arith.constant 112 : index
    %get3A_1086 = tpu.vector_load %arg8[%get3A_1084, %get3A_1085] {strides = array<i32>} : memref<4x128xi32, #tpu.memory_space<vmem>>, vector<16xi32>,
    tpu.vector_store_idx %arg10[%get3A_1086], %broadcast_in_dim3A_3 {add = true} : memref<10112xf32, #tpu.memory_space<vmem>>[vector<16xi32>], vector<16xf32>,
    %dma_wait3A_1087 = arith.constant 78 : i32
    %dma_wait3A_1088 = arith.constant 0 : i32
    %dma_wait3A_1089 = arith.constant 0 : i32
    %dma_wait3A_1090 = arith.constant 0 : i32
    %dma_wait3A_1091 = arith.constant 0 : i32
    %dma_wait3A_1092 = tpu.memref_slice %arg9[%dma_wait3A_1088, %dma_wait3A_1090, %dma_wait3A_1091] : memref<2x128x128xf32, #tpu.memory_space<vmem>> -> memref<1x128x128xf32, #tpu.memory_space<vmem>>
    %dma_wait3A_1093 = tpu.memref_squeeze %dma_wait3A_1092 : memref<1x128x128xf32, #tpu.memory_space<vmem>> -> memref<128x128xf32, #tpu.memory_space<vmem>>
    %dma_wait3A_1094 = arith.constant 0 : i32
    %dma_wait3A_1095 = arith.constant 0 : i32
    %dma_wait3A_1096 = arith.constant 0 : i32
    %dma_wait3A_1097 = tpu.memref_slice %arg7[%add3A, %dma_wait3A_1094, %dma_wait3A_1095, %dma_wait3A_1096] : memref<32x80x128x128xf32, #tpu.memory_space<hbm>> -> memref<1x80x128x128xf32, #tpu.memory_space<hbm>>
    %dma_wait3A_1098 = tpu.memref_squeeze %dma_wait3A_1097 : memref<1x80x128x128xf32, #tpu.memory_space<hbm>> -> memref<80x128x128xf32, #tpu.memory_space<hbm>>
    %dma_wait3A_1099 = arith.constant 0 : i32
    %dma_wait3A_1100 = arith.constant 0 : i32
    %dma_wait3A_1101 = tpu.memref_slice %dma_wait3A_1098[%dma_wait3A_1087, %dma_wait3A_1099, %dma_wait3A_1100] : memref<80x128x128xf32, #tpu.memory_space<hbm>> -> memref<1x128x128xf32, #tpu.memory_space<hbm>>
    %dma_wait3A_1102 = tpu.memref_squeeze %dma_wait3A_1101 : memref<1x128x128xf32, #tpu.memory_space<hbm>> -> memref<128x128xf32, #tpu.memory_space<hbm>>
    %dma_wait3A_1103 = tpu.memref_slice %arg13[%dma_wait3A_1089] : memref<2x!tpu.dma_semaphore, #tpu.memory_space<semaphore_mem>> -> memref<1x!tpu.dma_semaphore, #tpu.memory_space<semaphore_mem>>
    %dma_wait3A_1104 = tpu.memref_squeeze %dma_wait3A_1103 : memref<1x!tpu.dma_semaphore, #tpu.memory_space<semaphore_mem>> -> memref<!tpu.dma_semaphore, #tpu.memory_space<semaphore_mem>>
    %dma_wait3A_1105 = arith.constant 0 : i32
    %dma_wait3A_1106 = arith.constant 0 : i32
    %dma_wait3A_1107 = tpu.memref_slice %arg9[%dma_wait3A_1088, %dma_wait3A_1105, %dma_wait3A_1106] : memref<2x128x128xf32, #tpu.memory_space<vmem>> -> memref<1x128x128xf32, #tpu.memory_space<vmem>>
    %dma_wait3A_1108 = tpu.memref_squeeze %dma_wait3A_1107 : memref<1x128x128xf32, #tpu.memory_space<vmem>> -> memref<128x128xf32, #tpu.memory_space<vmem>>
    %dma_wait3A_1109 = arith.constant 0 : i32
    %dma_wait3A_1110 = arith.constant 0 : i32
    %dma_wait3A_1111 = arith.constant 0 : i32
    %dma_wait3A_1112 = tpu.memref_slice %arg7[%add3A, %dma_wait3A_1109, %dma_wait3A_1110, %dma_wait3A_1111] : memref<32x80x128x128xf32, #tpu.memory_space<hbm>> -> memref<1x80x128x128xf32, #tpu.memory_space<hbm>>
    %dma_wait3A_1113 = tpu.memref_squeeze %dma_wait3A_1112 : memref<1x80x128x128xf32, #tpu.memory_space<hbm>> -> memref<80x128x128xf32, #tpu.memory_space<hbm>>
    %dma_wait3A_1114 = arith.constant 0 : i32
    %dma_wait3A_1115 = arith.constant 0 : i32
    %dma_wait3A_1116 = tpu.memref_slice %dma_wait3A_1113[%dma_wait3A_1087, %dma_wait3A_1114, %dma_wait3A_1115] : memref<80x128x128xf32, #tpu.memory_space<hbm>> -> memref<1x128x128xf32, #tpu.memory_space<hbm>>
    %dma_wait3A_1117 = tpu.memref_squeeze %dma_wait3A_1116 : memref<1x128x128xf32, #tpu.memory_space<hbm>> -> memref<128x128xf32, #tpu.memory_space<hbm>>
    tpu.wait_dma2 semaphore(%dma_wait3A_1104 : memref<!tpu.dma_semaphore, #tpu.memory_space<semaphore_mem>>) src(%dma_wait3A_1117 : memref<128x128xf32, #tpu.memory_space<hbm>>) dst(%dma_wait3A_1108 : memref<128x128xf32, #tpu.memory_space<vmem>>)
    %dma_start3A_1118 = arith.constant 0 : i32
    %dma_start3A_1119 = arith.constant 2 : i32
    %dma_start3A_1120 = arith.constant 0 : i32
    %dma_start3A_1121 = arith.constant 0 : i32
    %dma_start3A_1122 = arith.constant 0 : i32
    %dma_start3A_1123 = tpu.memref_slice %arg9[%dma_start3A_1118, %dma_start3A_1121, %dma_start3A_1122] : memref<2x128x128xf32, #tpu.memory_space<vmem>> -> memref<1x128x128xf32, #tpu.memory_space<vmem>>
    %dma_start3A_1124 = tpu.memref_squeeze %dma_start3A_1123 : memref<1x128x128xf32, #tpu.memory_space<vmem>> -> memref<128x128xf32, #tpu.memory_space<vmem>>
    %dma_start3A_1125 = arith.constant 0 : i32
    %dma_start3A_1126 = tpu.memref_slice %arg8[%dma_start3A_1119, %dma_start3A_1125] : memref<4x128xi32, #tpu.memory_space<vmem>> -> memref<1x128xi32, #tpu.memory_space<vmem>>
    %dma_start3A_1127 = tpu.memref_squeeze %dma_start3A_1126 : memref<1x128xi32, #tpu.memory_space<vmem>> -> memref<128xi32, #tpu.memory_space<vmem>>
    %dma_start3A_1128 = arith.constant 0 : i32
    %dma_start3A_1129 = arith.constant 0 : i32
    %dma_start3A_1130 = tpu.memref_slice %arg11[%dma_start3A_1128, %dma_start3A_1129] : memref<10112x128xf32, #tpu.memory_space<vmem_shared>> -> memref<10112x128xf32, #tpu.memory_space<vmem_shared>>
    %dma_start3A_1131 = tpu.memref_slice %arg14[%dma_start3A_1120] : memref<2x!tpu.dma_semaphore, #tpu.memory_space<semaphore_mem>> -> memref<1x!tpu.dma_semaphore, #tpu.memory_space<semaphore_mem>>
    %dma_start3A_1132 = tpu.memref_squeeze %dma_start3A_1131 : memref<1x!tpu.dma_semaphore, #tpu.memory_space<semaphore_mem>> -> memref<!tpu.dma_semaphore, #tpu.memory_space<semaphore_mem>>
    tpu.enqueue_indirect_dma source(%dma_start3A_1124 : memref<128x128xf32, #tpu.memory_space<vmem>>) target(%dma_start3A_1130 : memref<10112x128xf32, #tpu.memory_space<vmem_shared>>) offsets(%dma_start3A_1127 : memref<128xi32, #tpu.memory_space<vmem>>) semaphore(%dma_start3A_1132 : memref<!tpu.dma_semaphore, #tpu.memory_space<semaphore_mem>>) {add = true}
    %dma_wait3A_1133 = arith.constant 1 : i32
    %dma_wait3A_1134 = arith.constant 1 : i32
    %dma_wait3A_1135 = arith.constant 1 : i32
    %dma_wait3A_1136 = arith.constant 0 : i32
    %dma_wait3A_1137 = arith.constant 0 : i32
    %dma_wait3A_1138 = tpu.memref_slice %arg9[%dma_wait3A_1133, %dma_wait3A_1136, %dma_wait3A_1137] : memref<2x128x128xf32, #tpu.memory_space<vmem>> -> memref<1x128x128xf32, #tpu.memory_space<vmem>>
    %dma_wait3A_1139 = tpu.memref_squeeze %dma_wait3A_1138 : memref<1x128x128xf32, #tpu.memory_space<vmem>> -> memref<128x128xf32, #tpu.memory_space<vmem>>
    %dma_wait3A_1140 = arith.constant 0 : i32
    %dma_wait3A_1141 = tpu.memref_slice %arg8[%dma_wait3A_1134, %dma_wait3A_1140] : memref<4x128xi32, #tpu.memory_space<vmem>> -> memref<1x128xi32, #tpu.memory_space<vmem>>
    %dma_wait3A_1142 = tpu.memref_squeeze %dma_wait3A_1141 : memref<1x128xi32, #tpu.memory_space<vmem>> -> memref<128xi32, #tpu.memory_space<vmem>>
    %dma_wait3A_1143 = arith.constant 0 : i32
    %dma_wait3A_1144 = arith.constant 0 : i32
    %dma_wait3A_1145 = tpu.memref_slice %arg11[%dma_wait3A_1143, %dma_wait3A_1144] : memref<10112x128xf32, #tpu.memory_space<vmem_shared>> -> memref<10112x128xf32, #tpu.memory_space<vmem_shared>>
    %dma_wait3A_1146 = tpu.memref_slice %arg14[%dma_wait3A_1135] : memref<2x!tpu.dma_semaphore, #tpu.memory_space<semaphore_mem>> -> memref<1x!tpu.dma_semaphore, #tpu.memory_space<semaphore_mem>>
    %dma_wait3A_1147 = tpu.memref_squeeze %dma_wait3A_1146 : memref<1x!tpu.dma_semaphore, #tpu.memory_space<semaphore_mem>> -> memref<!tpu.dma_semaphore, #tpu.memory_space<semaphore_mem>>
    tpu.wait_indirect_dma semaphore(%dma_wait3A_1147 : memref<!tpu.dma_semaphore, #tpu.memory_space<semaphore_mem>>) src(%dma_wait3A_1139 : memref<128x128xf32, #tpu.memory_space<vmem>>) dst(%dma_wait3A_1145 : memref<10112x128xf32, #tpu.memory_space<vmem_shared>>)
    %dma_wait3A_1148 = arith.constant 79 : i32
    %dma_wait3A_1149 = arith.constant 3 : i32
    %dma_wait3A_1150 = arith.constant 3 : i32
    %dma_wait3A_1151 = arith.constant 0 : i32
    %dma_wait3A_1152 = tpu.memref_slice %arg8[%dma_wait3A_1149, %dma_wait3A_1151] : memref<4x128xi32, #tpu.memory_space<vmem>> -> memref<1x128xi32, #tpu.memory_space<vmem>>
    %dma_wait3A_1153 = tpu.memref_squeeze %dma_wait3A_1152 : memref<1x128xi32, #tpu.memory_space<vmem>> -> memref<128xi32, #tpu.memory_space<vmem>>
    %dma_wait3A_1154 = arith.constant 0 : i32
    %dma_wait3A_1155 = arith.constant 0 : i32
    %dma_wait3A_1156 = tpu.memref_slice %arg4[%add3A, %dma_wait3A_1154, %dma_wait3A_1155] : memref<32x80x128xi32, #tpu.memory_space<hbm>> -> memref<1x80x128xi32, #tpu.memory_space<hbm>>
    %dma_wait3A_1157 = tpu.memref_squeeze %dma_wait3A_1156 : memref<1x80x128xi32, #tpu.memory_space<hbm>> -> memref<80x128xi32, #tpu.memory_space<hbm>>
    %dma_wait3A_1158 = arith.constant 0 : i32
    %dma_wait3A_1159 = tpu.memref_slice %dma_wait3A_1157[%dma_wait3A_1148, %dma_wait3A_1158] : memref<80x128xi32, #tpu.memory_space<hbm>> -> memref<1x128xi32, #tpu.memory_space<hbm>>
    %dma_wait3A_1160 = tpu.memref_squeeze %dma_wait3A_1159 : memref<1x128xi32, #tpu.memory_space<hbm>> -> memref<128xi32, #tpu.memory_space<hbm>>
    %dma_wait3A_1161 = tpu.memref_slice %arg12[%dma_wait3A_1150] : memref<4x!tpu.dma_semaphore, #tpu.memory_space<semaphore_mem>> -> memref<1x!tpu.dma_semaphore, #tpu.memory_space<semaphore_mem>>
    %dma_wait3A_1162 = tpu.memref_squeeze %dma_wait3A_1161 : memref<1x!tpu.dma_semaphore, #tpu.memory_space<semaphore_mem>> -> memref<!tpu.dma_semaphore, #tpu.memory_space<semaphore_mem>>
    %dma_wait3A_1163 = arith.constant 0 : i32
    %dma_wait3A_1164 = tpu.memref_slice %arg8[%dma_wait3A_1149, %dma_wait3A_1163] : memref<4x128xi32, #tpu.memory_space<vmem>> -> memref<1x128xi32, #tpu.memory_space<vmem>>
    %dma_wait3A_1165 = tpu.memref_squeeze %dma_wait3A_1164 : memref<1x128xi32, #tpu.memory_space<vmem>> -> memref<128xi32, #tpu.memory_space<vmem>>
    %dma_wait3A_1166 = arith.constant 0 : i32
    %dma_wait3A_1167 = arith.constant 0 : i32
    %dma_wait3A_1168 = tpu.memref_slice %arg4[%add3A, %dma_wait3A_1166, %dma_wait3A_1167] : memref<32x80x128xi32, #tpu.memory_space<hbm>> -> memref<1x80x128xi32, #tpu.memory_space<hbm>>
    %dma_wait3A_1169 = tpu.memref_squeeze %dma_wait3A_1168 : memref<1x80x128xi32, #tpu.memory_space<hbm>> -> memref<80x128xi32, #tpu.memory_space<hbm>>
    %dma_wait3A_1170 = arith.constant 0 : i32
    %dma_wait3A_1171 = tpu.memref_slice %dma_wait3A_1169[%dma_wait3A_1148, %dma_wait3A_1170] : memref<80x128xi32, #tpu.memory_space<hbm>> -> memref<1x128xi32, #tpu.memory_space<hbm>>
    %dma_wait3A_1172 = tpu.memref_squeeze %dma_wait3A_1171 : memref<1x128xi32, #tpu.memory_space<hbm>> -> memref<128xi32, #tpu.memory_space<hbm>>
    tpu.wait_dma2 semaphore(%dma_wait3A_1162 : memref<!tpu.dma_semaphore, #tpu.memory_space<semaphore_mem>>) src(%dma_wait3A_1172 : memref<128xi32, #tpu.memory_space<hbm>>) dst(%dma_wait3A_1165 : memref<128xi32, #tpu.memory_space<vmem>>)
    %dma_start3A_1173 = arith.constant 79 : i32
    %dma_start3A_1174 = arith.constant 1 : i32
    %dma_start3A_1175 = arith.constant 1 : i32
    %dma_start3A_1176 = arith.constant 0 : i32
    %dma_start3A_1177 = arith.constant 0 : i32
    %dma_start3A_1178 = tpu.memref_slice %arg9[%dma_start3A_1174, %dma_start3A_1176, %dma_start3A_1177] : memref<2x128x128xf32, #tpu.memory_space<vmem>> -> memref<1x128x128xf32, #tpu.memory_space<vmem>>
    %dma_start3A_1179 = tpu.memref_squeeze %dma_start3A_1178 : memref<1x128x128xf32, #tpu.memory_space<vmem>> -> memref<128x128xf32, #tpu.memory_space<vmem>>
    %dma_start3A_1180 = arith.constant 0 : i32
    %dma_start3A_1181 = arith.constant 0 : i32
    %dma_start3A_1182 = arith.constant 0 : i32
    %dma_start3A_1183 = tpu.memref_slice %arg7[%add3A, %dma_start3A_1180, %dma_start3A_1181, %dma_start3A_1182] : memref<32x80x128x128xf32, #tpu.memory_space<hbm>> -> memref<1x80x128x128xf32, #tpu.memory_space<hbm>>
    %dma_start3A_1184 = tpu.memref_squeeze %dma_start3A_1183 : memref<1x80x128x128xf32, #tpu.memory_space<hbm>> -> memref<80x128x128xf32, #tpu.memory_space<hbm>>
    %dma_start3A_1185 = arith.constant 0 : i32
    %dma_start3A_1186 = arith.constant 0 : i32
    %dma_start3A_1187 = tpu.memref_slice %dma_start3A_1184[%dma_start3A_1173, %dma_start3A_1185, %dma_start3A_1186] : memref<80x128x128xf32, #tpu.memory_space<hbm>> -> memref<1x128x128xf32, #tpu.memory_space<hbm>>
    %dma_start3A_1188 = tpu.memref_squeeze %dma_start3A_1187 : memref<1x128x128xf32, #tpu.memory_space<hbm>> -> memref<128x128xf32, #tpu.memory_space<hbm>>
    %dma_start3A_1189 = tpu.memref_slice %arg13[%dma_start3A_1175] : memref<2x!tpu.dma_semaphore, #tpu.memory_space<semaphore_mem>> -> memref<1x!tpu.dma_semaphore, #tpu.memory_space<semaphore_mem>>
    %dma_start3A_1190 = tpu.memref_squeeze %dma_start3A_1189 : memref<1x!tpu.dma_semaphore, #tpu.memory_space<semaphore_mem>> -> memref<!tpu.dma_semaphore, #tpu.memory_space<semaphore_mem>>
    %dma_start3A_1191 = arith.constant 0 : i32
    %dma_start3A_1192 = arith.constant 0 : i32
    %dma_start3A_1193 = tpu.memref_slice %arg9[%dma_start3A_1174, %dma_start3A_1191, %dma_start3A_1192] : memref<2x128x128xf32, #tpu.memory_space<vmem>> -> memref<1x128x128xf32, #tpu.memory_space<vmem>>
    %dma_start3A_1194 = tpu.memref_squeeze %dma_start3A_1193 : memref<1x128x128xf32, #tpu.memory_space<vmem>> -> memref<128x128xf32, #tpu.memory_space<vmem>>
    %dma_start3A_1195 = arith.constant 0 : i32
    %dma_start3A_1196 = arith.constant 0 : i32
    %dma_start3A_1197 = arith.constant 0 : i32
    %dma_start3A_1198 = tpu.memref_slice %arg7[%add3A, %dma_start3A_1195, %dma_start3A_1196, %dma_start3A_1197] : memref<32x80x128x128xf32, #tpu.memory_space<hbm>> -> memref<1x80x128x128xf32, #tpu.memory_space<hbm>>
    %dma_start3A_1199 = tpu.memref_squeeze %dma_start3A_1198 : memref<1x80x128x128xf32, #tpu.memory_space<hbm>> -> memref<80x128x128xf32, #tpu.memory_space<hbm>>
    %dma_start3A_1200 = arith.constant 0 : i32
    %dma_start3A_1201 = arith.constant 0 : i32
    %dma_start3A_1202 = tpu.memref_slice %dma_start3A_1199[%dma_start3A_1173, %dma_start3A_1200, %dma_start3A_1201] : memref<80x128x128xf32, #tpu.memory_space<hbm>> -> memref<1x128x128xf32, #tpu.memory_space<hbm>>
    %dma_start3A_1203 = tpu.memref_squeeze %dma_start3A_1202 : memref<1x128x128xf32, #tpu.memory_space<hbm>> -> memref<128x128xf32, #tpu.memory_space<hbm>>
    tpu.enqueue_dma source(%dma_start3A_1203 : memref<128x128xf32, #tpu.memory_space<hbm>>) target(%dma_start3A_1194 : memref<128x128xf32, #tpu.memory_space<vmem>>) target_semaphore(%dma_start3A_1190 : memref<!tpu.dma_semaphore, #tpu.memory_space<semaphore_mem>>)
    %get3A_1204 = arith.constant 3 : i32
    %get3A_1205 = arith.index_cast %get3A_1204 : i32 to index
    %get3A_1206 = arith.constant 0 : index
    %get3A_1207 = tpu.vector_load %arg8[%get3A_1205, %get3A_1206] {strides = array<i32>} : memref<4x128xi32, #tpu.memory_space<vmem>>, vector<16xi32>,
    tpu.vector_store_idx %arg10[%get3A_1207], %broadcast_in_dim3A_3 {add = true} : memref<10112xf32, #tpu.memory_space<vmem>>[vector<16xi32>], vector<16xf32>,
    %get3A_1208 = arith.constant 3 : i32
    %get3A_1209 = arith.index_cast %get3A_1208 : i32 to index
    %get3A_1210 = arith.constant 16 : index
    %get3A_1211 = tpu.vector_load %arg8[%get3A_1209, %get3A_1210] {strides = array<i32>} : memref<4x128xi32, #tpu.memory_space<vmem>>, vector<16xi32>,
    tpu.vector_store_idx %arg10[%get3A_1211], %broadcast_in_dim3A_3 {add = true} : memref<10112xf32, #tpu.memory_space<vmem>>[vector<16xi32>], vector<16xf32>,
    %get3A_1212 = arith.constant 3 : i32
    %get3A_1213 = arith.index_cast %get3A_1212 : i32 to index
    %get3A_1214 = arith.constant 32 : index
    %get3A_1215 = tpu.vector_load %arg8[%get3A_1213, %get3A_1214] {strides = array<i32>} : memref<4x128xi32, #tpu.memory_space<vmem>>, vector<16xi32>,
    tpu.vector_store_idx %arg10[%get3A_1215], %broadcast_in_dim3A_3 {add = true} : memref<10112xf32, #tpu.memory_space<vmem>>[vector<16xi32>], vector<16xf32>,
    %get3A_1216 = arith.constant 3 : i32
    %get3A_1217 = arith.index_cast %get3A_1216 : i32 to index
    %get3A_1218 = arith.constant 48 : index
    %get3A_1219 = tpu.vector_load %arg8[%get3A_1217, %get3A_1218] {strides = array<i32>} : memref<4x128xi32, #tpu.memory_space<vmem>>, vector<16xi32>,
    tpu.vector_store_idx %arg10[%get3A_1219], %broadcast_in_dim3A_3 {add = true} : memref<10112xf32, #tpu.memory_space<vmem>>[vector<16xi32>], vector<16xf32>,
    %get3A_1220 = arith.constant 3 : i32
    %get3A_1221 = arith.index_cast %get3A_1220 : i32 to index
    %get3A_1222 = arith.constant 64 : index
    %get3A_1223 = tpu.vector_load %arg8[%get3A_1221, %get3A_1222] {strides = array<i32>} : memref<4x128xi32, #tpu.memory_space<vmem>>, vector<16xi32>,
    tpu.vector_store_idx %arg10[%get3A_1223], %broadcast_in_dim3A_3 {add = true} : memref<10112xf32, #tpu.memory_space<vmem>>[vector<16xi32>], vector<16xf32>,
    %get3A_1224 = arith.constant 3 : i32
    %get3A_1225 = arith.index_cast %get3A_1224 : i32 to index
    %get3A_1226 = arith.constant 80 : index
    %get3A_1227 = tpu.vector_load %arg8[%get3A_1225, %get3A_1226] {strides = array<i32>} : memref<4x128xi32, #tpu.memory_space<vmem>>, vector<16xi32>,
    tpu.vector_store_idx %arg10[%get3A_1227], %broadcast_in_dim3A_3 {add = true} : memref<10112xf32, #tpu.memory_space<vmem>>[vector<16xi32>], vector<16xf32>,
    %get3A_1228 = arith.constant 3 : i32
    %get3A_1229 = arith.index_cast %get3A_1228 : i32 to index
    %get3A_1230 = arith.constant 96 : index
    %get3A_1231 = tpu.vector_load %arg8[%get3A_1229, %get3A_1230] {strides = array<i32>} : memref<4x128xi32, #tpu.memory_space<vmem>>, vector<16xi32>,
    tpu.vector_store_idx %arg10[%get3A_1231], %broadcast_in_dim3A_3 {add = true} : memref<10112xf32, #tpu.memory_space<vmem>>[vector<16xi32>], vector<16xf32>,
    %get3A_1232 = arith.constant 3 : i32
    %get3A_1233 = arith.index_cast %get3A_1232 : i32 to index
    %get3A_1234 = arith.constant 112 : index
    %get3A_1235 = tpu.vector_load %arg8[%get3A_1233, %get3A_1234] {strides = array<i32>} : memref<4x128xi32, #tpu.memory_space<vmem>>, vector<16xi32>,
    tpu.vector_store_idx %arg10[%get3A_1235], %broadcast_in_dim3A_3 {add = true} : memref<10112xf32, #tpu.memory_space<vmem>>[vector<16xi32>], vector<16xf32>,
    %dma_wait3A_1236 = arith.constant 79 : i32
    %dma_wait3A_1237 = arith.constant 1 : i32
    %dma_wait3A_1238 = arith.constant 1 : i32
    %dma_wait3A_1239 = arith.constant 0 : i32
    %dma_wait3A_1240 = arith.constant 0 : i32
    %dma_wait3A_1241 = tpu.memref_slice %arg9[%dma_wait3A_1237, %dma_wait3A_1239, %dma_wait3A_1240] : memref<2x128x128xf32, #tpu.memory_space<vmem>> -> memref<1x128x128xf32, #tpu.memory_space<vmem>>
    %dma_wait3A_1242 = tpu.memref_squeeze %dma_wait3A_1241 : memref<1x128x128xf32, #tpu.memory_space<vmem>> -> memref<128x128xf32, #tpu.memory_space<vmem>>
    %dma_wait3A_1243 = arith.constant 0 : i32
    %dma_wait3A_1244 = arith.constant 0 : i32
    %dma_wait3A_1245 = arith.constant 0 : i32
    %dma_wait3A_1246 = tpu.memref_slice %arg7[%add3A, %dma_wait3A_1243, %dma_wait3A_1244, %dma_wait3A_1245] : memref<32x80x128x128xf32, #tpu.memory_space<hbm>> -> memref<1x80x128x128xf32, #tpu.memory_space<hbm>>
    %dma_wait3A_1247 = tpu.memref_squeeze %dma_wait3A_1246 : memref<1x80x128x128xf32, #tpu.memory_space<hbm>> -> memref<80x128x128xf32, #tpu.memory_space<hbm>>
    %dma_wait3A_1248 = arith.constant 0 : i32
    %dma_wait3A_1249 = arith.constant 0 : i32
    %dma_wait3A_1250 = tpu.memref_slice %dma_wait3A_1247[%dma_wait3A_1236, %dma_wait3A_1248, %dma_wait3A_1249] : memref<80x128x128xf32, #tpu.memory_space<hbm>> -> memref<1x128x128xf32, #tpu.memory_space<hbm>>
    %dma_wait3A_1251 = tpu.memref_squeeze %dma_wait3A_1250 : memref<1x128x128xf32, #tpu.memory_space<hbm>> -> memref<128x128xf32, #tpu.memory_space<hbm>>
    %dma_wait3A_1252 = tpu.memref_slice %arg13[%dma_wait3A_1238] : memref<2x!tpu.dma_semaphore, #tpu.memory_space<semaphore_mem>> -> memref<1x!tpu.dma_semaphore, #tpu.memory_space<semaphore_mem>>
    %dma_wait3A_1253 = tpu.memref_squeeze %dma_wait3A_1252 : memref<1x!tpu.dma_semaphore, #tpu.memory_space<semaphore_mem>> -> memref<!tpu.dma_semaphore, #tpu.memory_space<semaphore_mem>>
    %dma_wait3A_1254 = arith.constant 0 : i32
    %dma_wait3A_1255 = arith.constant 0 : i32
    %dma_wait3A_1256 = tpu.memref_slice %arg9[%dma_wait3A_1237, %dma_wait3A_1254, %dma_wait3A_1255] : memref<2x128x128xf32, #tpu.memory_space<vmem>> -> memref<1x128x128xf32, #tpu.memory_space<vmem>>
    %dma_wait3A_1257 = tpu.memref_squeeze %dma_wait3A_1256 : memref<1x128x128xf32, #tpu.memory_space<vmem>> -> memref<128x128xf32, #tpu.memory_space<vmem>>
    %dma_wait3A_1258 = arith.constant 0 : i32
    %dma_wait3A_1259 = arith.constant 0 : i32
    %dma_wait3A_1260 = arith.constant 0 : i32
    %dma_wait3A_1261 = tpu.memref_slice %arg7[%add3A, %dma_wait3A_1258, %dma_wait3A_1259, %dma_wait3A_1260] : memref<32x80x128x128xf32, #tpu.memory_space<hbm>> -> memref<1x80x128x128xf32, #tpu.memory_space<hbm>>
    %dma_wait3A_1262 = tpu.memref_squeeze %dma_wait3A_1261 : memref<1x80x128x128xf32, #tpu.memory_space<hbm>> -> memref<80x128x128xf32, #tpu.memory_space<hbm>>
    %dma_wait3A_1263 = arith.constant 0 : i32
    %dma_wait3A_1264 = arith.constant 0 : i32
    %dma_wait3A_1265 = tpu.memref_slice %dma_wait3A_1262[%dma_wait3A_1236, %dma_wait3A_1263, %dma_wait3A_1264] : memref<80x128x128xf32, #tpu.memory_space<hbm>> -> memref<1x128x128xf32, #tpu.memory_space<hbm>>
    %dma_wait3A_1266 = tpu.memref_squeeze %dma_wait3A_1265 : memref<1x128x128xf32, #tpu.memory_space<hbm>> -> memref<128x128xf32, #tpu.memory_space<hbm>>
    tpu.wait_dma2 semaphore(%dma_wait3A_1253 : memref<!tpu.dma_semaphore, #tpu.memory_space<semaphore_mem>>) src(%dma_wait3A_1266 : memref<128x128xf32, #tpu.memory_space<hbm>>) dst(%dma_wait3A_1257 : memref<128x128xf32, #tpu.memory_space<vmem>>)
    %dma_start3A_1267 = arith.constant 1 : i32
    %dma_start3A_1268 = arith.constant 3 : i32
    %dma_start3A_1269 = arith.constant 1 : i32
    %dma_start3A_1270 = arith.constant 0 : i32
    %dma_start3A_1271 = arith.constant 0 : i32
    %dma_start3A_1272 = tpu.memref_slice %arg9[%dma_start3A_1267, %dma_start3A_1270, %dma_start3A_1271] : memref<2x128x128xf32, #tpu.memory_space<vmem>> -> memref<1x128x128xf32, #tpu.memory_space<vmem>>
    %dma_start3A_1273 = tpu.memref_squeeze %dma_start3A_1272 : memref<1x128x128xf32, #tpu.memory_space<vmem>> -> memref<128x128xf32, #tpu.memory_space<vmem>>
    %dma_start3A_1274 = arith.constant 0 : i32
    %dma_start3A_1275 = tpu.memref_slice %arg8[%dma_start3A_1268, %dma_start3A_1274] : memref<4x128xi32, #tpu.memory_space<vmem>> -> memref<1x128xi32, #tpu.memory_space<vmem>>
    %dma_start3A_1276 = tpu.memref_squeeze %dma_start3A_1275 : memref<1x128xi32, #tpu.memory_space<vmem>> -> memref<128xi32, #tpu.memory_space<vmem>>
    %dma_start3A_1277 = arith.constant 0 : i32
    %dma_start3A_1278 = arith.constant 0 : i32
    %dma_start3A_1279 = tpu.memref_slice %arg11[%dma_start3A_1277, %dma_start3A_1278] : memref<10112x128xf32, #tpu.memory_space<vmem_shared>> -> memref<10112x128xf32, #tpu.memory_space<vmem_shared>>
    %dma_start3A_1280 = tpu.memref_slice %arg14[%dma_start3A_1269] : memref<2x!tpu.dma_semaphore, #tpu.memory_space<semaphore_mem>> -> memref<1x!tpu.dma_semaphore, #tpu.memory_space<semaphore_mem>>
    %dma_start3A_1281 = tpu.memref_squeeze %dma_start3A_1280 : memref<1x!tpu.dma_semaphore, #tpu.memory_space<semaphore_mem>> -> memref<!tpu.dma_semaphore, #tpu.memory_space<semaphore_mem>>
    tpu.enqueue_indirect_dma source(%dma_start3A_1273 : memref<128x128xf32, #tpu.memory_space<vmem>>) target(%dma_start3A_1279 : memref<10112x128xf32, #tpu.memory_space<vmem_shared>>) offsets(%dma_start3A_1276 : memref<128xi32, #tpu.memory_space<vmem>>) semaphore(%dma_start3A_1281 : memref<!tpu.dma_semaphore, #tpu.memory_space<semaphore_mem>>) {add = true}
    %dma_wait3A_1282 = arith.constant 0 : i32
    %dma_wait3A_1283 = arith.constant 2 : i32
    %dma_wait3A_1284 = arith.constant 0 : i32
    %dma_wait3A_1285 = arith.constant 0 : i32
    %dma_wait3A_1286 = arith.constant 0 : i32
    %dma_wait3A_1287 = tpu.memref_slice %arg9[%dma_wait3A_1282, %dma_wait3A_1285, %dma_wait3A_1286] : memref<2x128x128xf32, #tpu.memory_space<vmem>> -> memref<1x128x128xf32, #tpu.memory_space<vmem>>
    %dma_wait3A_1288 = tpu.memref_squeeze %dma_wait3A_1287 : memref<1x128x128xf32, #tpu.memory_space<vmem>> -> memref<128x128xf32, #tpu.memory_space<vmem>>
    %dma_wait3A_1289 = arith.constant 0 : i32
    %dma_wait3A_1290 = tpu.memref_slice %arg8[%dma_wait3A_1283, %dma_wait3A_1289] : memref<4x128xi32, #tpu.memory_space<vmem>> -> memref<1x128xi32, #tpu.memory_space<vmem>>
    %dma_wait3A_1291 = tpu.memref_squeeze %dma_wait3A_1290 : memref<1x128xi32, #tpu.memory_space<vmem>> -> memref<128xi32, #tpu.memory_space<vmem>>
    %dma_wait3A_1292 = arith.constant 0 : i32
    %dma_wait3A_1293 = arith.constant 0 : i32
    %dma_wait3A_1294 = tpu.memref_slice %arg11[%dma_wait3A_1292, %dma_wait3A_1293] : memref<10112x128xf32, #tpu.memory_space<vmem_shared>> -> memref<10112x128xf32, #tpu.memory_space<vmem_shared>>
    %dma_wait3A_1295 = tpu.memref_slice %arg14[%dma_wait3A_1284] : memref<2x!tpu.dma_semaphore, #tpu.memory_space<semaphore_mem>> -> memref<1x!tpu.dma_semaphore, #tpu.memory_space<semaphore_mem>>
    %dma_wait3A_1296 = tpu.memref_squeeze %dma_wait3A_1295 : memref<1x!tpu.dma_semaphore, #tpu.memory_space<semaphore_mem>> -> memref<!tpu.dma_semaphore, #tpu.memory_space<semaphore_mem>>
    tpu.wait_indirect_dma semaphore(%dma_wait3A_1296 : memref<!tpu.dma_semaphore, #tpu.memory_space<semaphore_mem>>) src(%dma_wait3A_1288 : memref<128x128xf32, #tpu.memory_space<vmem>>) dst(%dma_wait3A_1294 : memref<10112x128xf32, #tpu.memory_space<vmem_shared>>)
    %dma_wait3A_1297 = arith.constant 1 : i32
    %dma_wait3A_1298 = arith.constant 3 : i32
    %dma_wait3A_1299 = arith.constant 1 : i32
    %dma_wait3A_1300 = arith.constant 0 : i32
    %dma_wait3A_1301 = arith.constant 0 : i32
    %dma_wait3A_1302 = tpu.memref_slice %arg9[%dma_wait3A_1297, %dma_wait3A_1300, %dma_wait3A_1301] : memref<2x128x128xf32, #tpu.memory_space<vmem>> -> memref<1x128x128xf32, #tpu.memory_space<vmem>>
    %dma_wait3A_1303 = tpu.memref_squeeze %dma_wait3A_1302 : memref<1x128x128xf32, #tpu.memory_space<vmem>> -> memref<128x128xf32, #tpu.memory_space<vmem>>
    %dma_wait3A_1304 = arith.constant 0 : i32
    %dma_wait3A_1305 = tpu.memref_slice %arg8[%dma_wait3A_1298, %dma_wait3A_1304] : memref<4x128xi32, #tpu.memory_space<vmem>> -> memref<1x128xi32, #tpu.memory_space<vmem>>
    %dma_wait3A_1306 = tpu.memref_squeeze %dma_wait3A_1305 : memref<1x128xi32, #tpu.memory_space<vmem>> -> memref<128xi32, #tpu.memory_space<vmem>>
    %dma_wait3A_1307 = arith.constant 0 : i32
    %dma_wait3A_1308 = arith.constant 0 : i32
    %dma_wait3A_1309 = tpu.memref_slice %arg11[%dma_wait3A_1307, %dma_wait3A_1308] : memref<10112x128xf32, #tpu.memory_space<vmem_shared>> -> memref<10112x128xf32, #tpu.memory_space<vmem_shared>>
    %dma_wait3A_1310 = tpu.memref_slice %arg14[%dma_wait3A_1299] : memref<2x!tpu.dma_semaphore, #tpu.memory_space<semaphore_mem>> -> memref<1x!tpu.dma_semaphore, #tpu.memory_space<semaphore_mem>>
    %dma_wait3A_1311 = tpu.memref_squeeze %dma_wait3A_1310 : memref<1x!tpu.dma_semaphore, #tpu.memory_space<semaphore_mem>> -> memref<!tpu.dma_semaphore, #tpu.memory_space<semaphore_mem>>
    tpu.wait_indirect_dma semaphore(%dma_wait3A_1311 : memref<!tpu.dma_semaphore, #tpu.memory_space<semaphore_mem>>) src(%dma_wait3A_1303 : memref<128x128xf32, #tpu.memory_space<vmem>>) dst(%dma_wait3A_1309 : memref<10112x128xf32, #tpu.memory_space<vmem_shared>>)
    %barrier3A_1312 = arith.constant 0 : index
    tpu.barrier barrier_id(%barrier3A_1312)
    "tpu.region"() ({
      %run_scoped3A_1313 = tpu.sem_alloc : memref<!tpu.dma_semaphore, #tpu.memory_space<semaphore_mem>>
      %dma_start3A_1314 = arith.constant 0 : i32
      %dma_start3A_1315 = arith.constant 0 : i32
      %dma_start3A_1316 = tpu.memref_slice %arg5[%arg0, %dma_start3A_1314, %dma_start3A_1315] : memref<2x10112x128xf32, #tpu.memory_space<hbm>> -> memref<1x10112x128xf32, #tpu.memory_space<hbm>>
      %dma_start3A_1317 = tpu.memref_squeeze %dma_start3A_1316 : memref<1x10112x128xf32, #tpu.memory_space<hbm>> -> memref<10112x128xf32, #tpu.memory_space<hbm>>
      %dma_start3A_1318 = arith.constant 0 : i32
      %dma_start3A_1319 = tpu.memref_slice %dma_start3A_1317[%mul3A_595, %dma_start3A_1318] : memref<10112x128xf32, #tpu.memory_space<hbm>> -> memref<632x128xf32, #tpu.memory_space<hbm>>
      %dma_start3A_1320 = arith.constant 0 : i32
      %dma_start3A_1321 = tpu.memref_slice %arg11[%mul3A_595, %dma_start3A_1320] : memref<10112x128xf32, #tpu.memory_space<vmem_shared>> -> memref<632x128xf32, #tpu.memory_space<vmem_shared>>
      tpu.enqueue_dma source(%dma_start3A_1321 : memref<632x128xf32, #tpu.memory_space<vmem_shared>>) target(%dma_start3A_1319 : memref<632x128xf32, #tpu.memory_space<hbm>>) target_semaphore(%run_scoped3A_1313 : memref<!tpu.dma_semaphore, #tpu.memory_space<semaphore_mem>>)
      %dma_wait3A_1322 = arith.constant 0 : i32
      %dma_wait3A_1323 = arith.constant 0 : i32
      %dma_wait3A_1324 = tpu.memref_slice %arg5[%arg0, %dma_wait3A_1322, %dma_wait3A_1323] : memref<2x10112x128xf32, #tpu.memory_space<hbm>> -> memref<1x10112x128xf32, #tpu.memory_space<hbm>>
      %dma_wait3A_1325 = tpu.memref_squeeze %dma_wait3A_1324 : memref<1x10112x128xf32, #tpu.memory_space<hbm>> -> memref<10112x128xf32, #tpu.memory_space<hbm>>
      %dma_wait3A_1326 = arith.constant 0 : i32
      %dma_wait3A_1327 = tpu.memref_slice %dma_wait3A_1325[%mul3A_595, %dma_wait3A_1326] : memref<10112x128xf32, #tpu.memory_space<hbm>> -> memref<632x128xf32, #tpu.memory_space<hbm>>
      %dma_wait3A_1328 = arith.constant 0 : i32
      %dma_wait3A_1329 = tpu.memref_slice %arg11[%mul3A_595, %dma_wait3A_1328] : memref<10112x128xf32, #tpu.memory_space<vmem_shared>> -> memref<632x128xf32, #tpu.memory_space<vmem_shared>>
      tpu.wait_dma2 semaphore(%run_scoped3A_1313 : memref<!tpu.dma_semaphore, #tpu.memory_space<semaphore_mem>>) src(%dma_wait3A_1329 : memref<632x128xf32, #tpu.memory_space<vmem_shared>>) dst(%dma_wait3A_1327 : memref<632x128xf32, #tpu.memory_space<hbm>>)
      tpu.yield
    }) : () -> ()
    "tpu.region"() ({
      %run_scoped3A_1313 = tpu.sem_alloc : memref<!tpu.dma_semaphore, #tpu.memory_space<semaphore_mem>>
      %dma_start3A_1314 = arith.constant 0 : i32
      %dma_start3A_1315 = tpu.memref_slice %arg6[%add3A, %dma_start3A_1314] : memref<32x10112xf32, #tpu.memory_space<hbm>> -> memref<1x10112xf32, #tpu.memory_space<hbm>>
      %dma_start3A_1316 = tpu.memref_squeeze %dma_start3A_1315 : memref<1x10112xf32, #tpu.memory_space<hbm>> -> memref<10112xf32, #tpu.memory_space<hbm>>
      %dma_start3A_1317 = arith.constant 0 : i32
      %dma_start3A_1318 = tpu.memref_slice %arg6[%add3A, %dma_start3A_1317] : memref<32x10112xf32, #tpu.memory_space<hbm>> -> memref<1x10112xf32, #tpu.memory_space<hbm>>
      %dma_start3A_1319 = tpu.memref_squeeze %dma_start3A_1318 : memref<1x10112xf32, #tpu.memory_space<hbm>> -> memref<10112xf32, #tpu.memory_space<hbm>>
      tpu.enqueue_dma source(%arg10 : memref<10112xf32, #tpu.memory_space<vmem>>) target(%dma_start3A_1319 : memref<10112xf32, #tpu.memory_space<hbm>>) target_semaphore(%run_scoped3A_1313 : memref<!tpu.dma_semaphore, #tpu.memory_space<semaphore_mem>>)
      %dma_wait3A_1320 = arith.constant 0 : i32
      %dma_wait3A_1321 = tpu.memref_slice %arg6[%add3A, %dma_wait3A_1320] : memref<32x10112xf32, #tpu.memory_space<hbm>> -> memref<1x10112xf32, #tpu.memory_space<hbm>>
      %dma_wait3A_1322 = tpu.memref_squeeze %dma_wait3A_1321 : memref<1x10112xf32, #tpu.memory_space<hbm>> -> memref<10112xf32, #tpu.memory_space<hbm>>
      %dma_wait3A_1323 = arith.constant 0 : i32
      %dma_wait3A_1324 = tpu.memref_slice %arg6[%add3A, %dma_wait3A_1323] : memref<32x10112xf32, #tpu.memory_space<hbm>> -> memref<1x10112xf32, #tpu.memory_space<hbm>>
      %dma_wait3A_1325 = tpu.memref_squeeze %dma_wait3A_1324 : memref<1x10112xf32, #tpu.memory_space<hbm>> -> memref<10112xf32, #tpu.memory_space<hbm>>
      tpu.wait_dma2 semaphore(%run_scoped3A_1313 : memref<!tpu.dma_semaphore, #tpu.memory_space<semaphore_mem>>) src(%arg10 : memref<10112xf32, #tpu.memory_space<vmem>>) dst(%dma_wait3A_1325 : memref<10112xf32, #tpu.memory_space<hbm>>)
      tpu.yield
    }) : () -> ()
    return
  }
}

module attributes {stable_mosaic.version = 14 : i64} {
  func.func @_tc_update(%arg0: memref<10000x128xf32, #tpu.memory_space<vmem>>, %arg1: memref<2x10112x128xf32, #tpu.memory_space<vmem>>, %arg2: memref<32x10112xf32, #tpu.memory_space<vmem>>, %arg3: memref<256x128xf32, #tpu.memory_space<vmem>>, %arg4: memref<1x128xf32, #tpu.memory_space<vmem>>, %arg5: memref<1x128xf32, #tpu.memory_space<vmem>>, %arg6: memref<1x128xf32, #tpu.memory_space<vmem>>, %arg7: memref<10000x128xf32, #tpu.memory_space<vmem>>) attributes {dimension_semantics = [], scalar_prefetch = 0 : i64, scratch_operands = 0 : i64, tpu.core_type = #tpu.core_type<tc>} {
    %get3A = arith.constant 0 : index
    %get3A_0 = arith.constant 0 : index
    %get3A_1 = vector.load %arg0[%get3A, %get3A_0] : memref<10000x128xf32, #tpu.memory_space<vmem>>, vector<10000x128xf32>
    %get3A_2 = arith.constant 0 : index
    %get3A_3 = arith.constant 0 : index
    %get3A_4 = arith.constant 0 : index
    %get3A_5 = vector.load %arg1[%get3A_2, %get3A_3, %get3A_4] : memref<2x10112x128xf32, #tpu.memory_space<vmem>>, vector<1x10000x128xf32>
    %get3A_6 = vector.shape_cast %get3A_5 : vector<1x10000x128xf32> to vector<10000x128xf32>
    %get3A_7 = arith.constant 1 : index
    %get3A_8 = arith.constant 0 : index
    %get3A_9 = arith.constant 0 : index
    %get3A_10 = vector.load %arg1[%get3A_7, %get3A_8, %get3A_9] : memref<2x10112x128xf32, #tpu.memory_space<vmem>>, vector<1x10000x128xf32>
    %get3A_11 = vector.shape_cast %get3A_10 : vector<1x10000x128xf32> to vector<10000x128xf32>
    %add3A = arith.addf %get3A_6, %get3A_11 : vector<10000x128xf32>
    %get3A_12 = arith.constant 0 : index
    %get3A_13 = arith.constant 0 : index
    %get3A_14 = vector.load %arg2[%get3A_12, %get3A_13] : memref<32x10112xf32, #tpu.memory_space<vmem>>, vector<32x10112xf32>
    %reduce_sum3A = arith.constant dense<0.000000e+00> : vector<10112xf32>
    %reduce_sum3A_15 = vector.multi_reduction <add>, %get3A_14, %reduce_sum3A [0] : vector<32x10112xf32> to vector<10112xf32>
    %reshape3A = vector.shape_cast %reduce_sum3A_15 : vector<10112xf32> to vector<10112x1xf32>
    %slice3A = vector.extract_strided_slice %reshape3A {offsets = [0, 0], sizes = [10000, 1], strides = [1, 1]} : vector<10112x1xf32> to vector<10000x1xf32>
    %max3A = arith.constant 1.000000e+00 : f32
    %max3A_16 = vector.broadcast %max3A : f32 to vector<10000x1xf32>
    %max3A_17 = arith.maximumf %slice3A, %max3A_16 : vector<10000x1xf32>
    %div3A = vector.broadcast %max3A_17 : vector<10000x1xf32> to vector<10000x128xf32>
    %div3A_18 = arith.divf %add3A, %div3A : vector<10000x128xf32>
    %get3A_19 = arith.constant 0 : index
    %get3A_20 = arith.constant 0 : index
    %get3A_21 = vector.load %arg3[%get3A_19, %get3A_20] : memref<256x128xf32, #tpu.memory_space<vmem>>, vector<128x128xf32>
    %dot_general3A = arith.constant dense<0.000000e+00> : vector<10000x128xf32>
    %dot_general3A_22 = tpu.matmul %get3A_1, %get3A_21, %dot_general3A {dimension_numbers = #tpu.dot_dimension_numbers<[1], [0], [0], [1], [0, 0, 1, 1], [], []>, transpose_lhs_hint = false} : vector<10000x128xf32>, vector<128x128xf32>, vector<10000x128xf32> -> vector<10000x128xf32>
    %get3A_23 = arith.constant 128 : index
    %get3A_24 = arith.constant 0 : index
    %get3A_25 = vector.load %arg3[%get3A_23, %get3A_24] : memref<256x128xf32, #tpu.memory_space<vmem>>, vector<128x128xf32>
    %dot_general3A_26 = arith.constant dense<0.000000e+00> : vector<10000x128xf32>
    %dot_general3A_27 = tpu.matmul %div3A_18, %get3A_25, %dot_general3A_26 {dimension_numbers = #tpu.dot_dimension_numbers<[1], [0], [0], [1], [0, 0, 1, 1], [], []>, transpose_lhs_hint = false} : vector<10000x128xf32>, vector<128x128xf32>, vector<10000x128xf32> -> vector<10000x128xf32>
    %add3A_28 = arith.addf %dot_general3A_22, %dot_general3A_27 : vector<10000x128xf32>
    %get3A_29 = arith.constant 0 : index
    %get3A_30 = arith.constant 0 : index
    %get3A_31 = vector.load %arg4[%get3A_29, %get3A_30] : memref<1x128xf32, #tpu.memory_space<vmem>>, vector<1x128xf32>
    %add3A_32 = vector.broadcast %get3A_31 : vector<1x128xf32> to vector<10000x128xf32>
    %add3A_33 = arith.addf %add3A_28, %add3A_32 : vector<10000x128xf32>
    %mul3A = arith.mulf %add3A_33, %add3A_33 : vector<10000x128xf32>
    %reduce_sum3A_34 = arith.constant dense<0.000000e+00> : vector<10000xf32>
    %reduce_sum3A_35 = vector.multi_reduction <add>, %mul3A, %reduce_sum3A_34 [1] : vector<10000x128xf32> to vector<10000xf32>
    %broadcast_in_dim3A = vector.shape_cast %reduce_sum3A_35 : vector<10000xf32> to vector<10000x1xf32>
    %sqrt3A = math.sqrt %broadcast_in_dim3A : vector<10000x1xf32>
    %max3A_36 = arith.constant 9.99999996E-13 : f32
    %max3A_37 = vector.broadcast %max3A_36 : f32 to vector<10000x1xf32>
    %max3A_38 = arith.maximumf %sqrt3A, %max3A_37 : vector<10000x1xf32>
    %div3A_39 = vector.broadcast %max3A_38 : vector<10000x1xf32> to vector<10000x128xf32>
    %div3A_40 = arith.divf %add3A_33, %div3A_39 : vector<10000x128xf32>
    %max3A_41 = arith.constant 0.000000e+00 : f32
    %max3A_42 = vector.broadcast %max3A_41 : f32 to vector<10000x128xf32>
    %max3A_43 = arith.maximumf %div3A_40, %max3A_42 : vector<10000x128xf32>
    %reduce_sum3A_44 = arith.constant dense<0.000000e+00> : vector<128xf32>
    %reduce_sum3A_45 = vector.multi_reduction <add>, %max3A_43, %reduce_sum3A_44 [0] : vector<10000x128xf32> to vector<128xf32>
    %broadcast_in_dim3A_46 = vector.shape_cast %reduce_sum3A_45 : vector<128xf32> to vector<1x128xf32>
    %div3A_47 = arith.constant 1.000000e+04 : f32
    %div3A_48 = vector.broadcast %div3A_47 : f32 to vector<1x128xf32>
    %div3A_49 = arith.divf %broadcast_in_dim3A_46, %div3A_48 : vector<1x128xf32>
    %sub3A = vector.broadcast %div3A_49 : vector<1x128xf32> to vector<10000x128xf32>
    %sub3A_50 = arith.subf %max3A_43, %sub3A : vector<10000x128xf32>
    %square3A = arith.mulf %sub3A_50, %sub3A_50 : vector<10000x128xf32>
    %reduce_sum3A_51 = arith.constant dense<0.000000e+00> : vector<128xf32>
    %reduce_sum3A_52 = vector.multi_reduction <add>, %square3A, %reduce_sum3A_51 [0] : vector<10000x128xf32> to vector<128xf32>
    %broadcast_in_dim3A_53 = vector.shape_cast %reduce_sum3A_52 : vector<128xf32> to vector<1x128xf32>
    %div3A_54 = arith.constant 1.000000e+04 : f32
    %div3A_55 = vector.broadcast %div3A_54 : f32 to vector<1x128xf32>
    %div3A_56 = arith.divf %broadcast_in_dim3A_53, %div3A_55 : vector<1x128xf32>
    %sub3A_57 = vector.broadcast %div3A_49 : vector<1x128xf32> to vector<10000x128xf32>
    %sub3A_58 = arith.subf %max3A_43, %sub3A_57 : vector<10000x128xf32>
    %add3A_59 = arith.constant 9.99999974E-6 : f32
    %add3A_60 = vector.broadcast %add3A_59 : f32 to vector<1x128xf32>
    %add3A_61 = arith.addf %div3A_56, %add3A_60 : vector<1x128xf32>
    %rsqrt3A = math.rsqrt %add3A_61 : vector<1x128xf32>
    %mul3A_62 = vector.broadcast %rsqrt3A : vector<1x128xf32> to vector<10000x128xf32>
    %mul3A_63 = arith.mulf %sub3A_58, %mul3A_62 : vector<10000x128xf32>
    %get3A_64 = arith.constant 0 : index
    %get3A_65 = arith.constant 0 : index
    %get3A_66 = vector.load %arg5[%get3A_64, %get3A_65] : memref<1x128xf32, #tpu.memory_space<vmem>>, vector<1x128xf32>
    %mul3A_67 = vector.broadcast %get3A_66 : vector<1x128xf32> to vector<10000x128xf32>
    %mul3A_68 = arith.mulf %mul3A_63, %mul3A_67 : vector<10000x128xf32>
    %add3A_69 = arith.addf %get3A_1, %mul3A_68 : vector<10000x128xf32>
    %get3A_70 = arith.constant 0 : index
    %get3A_71 = arith.constant 0 : index
    %get3A_72 = vector.load %arg6[%get3A_70, %get3A_71] : memref<1x128xf32, #tpu.memory_space<vmem>>, vector<1x128xf32>
    %add3A_73 = vector.broadcast %get3A_72 : vector<1x128xf32> to vector<10000x128xf32>
    %add3A_74 = arith.addf %add3A_69, %add3A_73 : vector<10000x128xf32>
    %swap3A = arith.constant 0 : index
    %swap3A_75 = arith.constant 0 : index
    %swap3A_76 = vector.load %arg7[%swap3A, %swap3A_75] : memref<10000x128xf32, #tpu.memory_space<vmem>>, vector<10000x128xf32>
    tpu.vector_store %arg7[%swap3A, %swap3A_75], %add3A_74 {strides = array<i32>} : memref<10000x128xf32, #tpu.memory_space<vmem>>, vector<10000x128xf32>,
    return
  }
}

</mosaic_0001>

<sc_bundles>
// kernel: kernel.4.cloned.1.call-start
scs
__scs_entry_jumppad:
0x0: {  	(pc) =	sbr.rel $0x88, $3  }
0x1: {  	(tag) =	ssettag $0x0;
	lr =	simm.s32 $0x1  }
0x2: {  	[smem:$0x3F9B] =	sst lr;
	_ =	strace $0xD0000000  }
0x3: {  	_ = 	snop  }
0x4: {  	_ = 	snop  }
0x5: {  	_ = 	snop  }
0x6: {  	_ = 	snop  }
0x7: {  	_ = 	snop  }
__scs_overlays_trampoline_lowered:
0x8: {  	[smem:$0x3FAA] =	sst s0  }
0x9: {  	[smem:$0x3FAB] =	sst s1  }
0xa: {  	[smem:$0x3FAC] =	sst s2  }
0xb: {  	[smem:$0x3FAD] =	sst s3  }
0xc: {  	[smem:$0x3FAE] =	sst s4  }
0xd: {  	[smem:$0x3FAF] =	sst s5  }
0xe: {  	[smem:$0x3FB0] =	sst s6  }
0xf: {  	[smem:$0x3FB1] =	sst s7  }
0x10: {  	[smem:$0x3FB2] =	sst s8  }
0x11: {  	[smem:$0x3FB3] =	sst s9;
	s0 =	simm.s32 @!p0 $0x0  }
0x12: {  	s1 =	sld [smem:$0x3F99];
	s0 =	simm.s32 @p0 $0x1  }
0x13: {  	[smem:$0x3FB4] =	sst s0;
	s0 =	simm.s32 @!p1 $0x0  }
0x14: {  	s2 =	sld [smem:$0x3F98];
	s0 =	simm.s32 @p1 $0x1  }
0x15: {  	[smem:$0x3FB5] =	sst s0;
	s0 =	simm.s32 @!p2 $0x0  }
0x16: {  	s3 =	sld [smem:$0x3FDB];
	s0 =	simm.s32 @p2 $0x1  }
0x17: {  	s4 =	simm.s32 $0x1BF5;
	[smem:$0x3FB7] =	sst s0  }
0x18: {  	s0 =	sld [smem:$0x3F9A];
	_ =	swait.ge [sflag:s4], $0x0  }
0x19: {  	s7 =	sld [smem:$0x3F9B]  }
0x1a: {  	s8 =	sadd.s32 $0xFFFFE003, lr  }
0x1b: {  	s9 =	sadd.s32 $0xFFFFFEF7, lr;
	s5 =	simm.s32 $0xFFFFFFFF;
	p2 =	slt.u32 s8, $0xFFFFF086  }
0x1c: {  	p1 =	slt.u32 s9, $0xF7A;
	s5 =	simm.s32 @!p2 $0x0  }
0x1d: {  	s5 =	simm.s32 @p1 $0x1;
	p0 =	seq.s32 s7, s2  }
0x1e: {  	s7 =	smul.u32 @!p0 $0xF7A, s2;
	p2 =	seq.s32 @!p0 s5, $0x0  }
0x1f: {  	s9 =	smul.u32 $0xF7A, s1;
	s8 =	simm.s32 @!p0 $0x1BF5;
	p2 =	por !p2, p0  }
0x20: {  	[sflag:s8] =	ssyncset.s32 @!p0 $0xFFFFF086;
	s6 =	sadd.s32 @!p0 s3, s7;
	s7 =	simm.s32 @!p0 $0x108  }
0x21: {  	s3 =	sadd.s32 s3, s9;
	s6 =	sadd.s32 @!p0 $0x88, s6;
	s7 =	simm.s32 @p2 $0x1082  }
0x22: {  	[simem:s7], [sflag:s8] =	dma.local @!p0 [hbm:s6], $0xF7A  }
0x23: {  	s9 =	sor.u32 $0xD0000000, s2;
	s6 =	simm.s32 $0x108;
	_ =	swait.ge @!p0 [sflag:s8], $0x0  }
0x24: {  	s3 =	sadd.s32 $0x88, s3;
	s6 =	simm.s32 @!p1 $0x1082;
	[sflag:s4] =	ssyncset.s32 $0xFFFFF086  }
0x25: {  	[simem:s6], [sflag:s4] =	dma.local [hbm:s3], $0xF7A  }
0x26: {  	[smem:$0x3F9B] =	sst s1;
	(tag) =	ssettag s2;
	_ =	strace s9  }
0x27: {  	s1 =	sld [smem:$0x3FAB]  }
0x28: {  	s2 =	sld [smem:$0x3FAC]  }
0x29: {  	s4 =	sld [smem:$0x3FAE]  }
0x2a: {  	p0 =	seq.s32 s5, $0x0;
	s5 =	sld [smem:$0x3FAF]  }
0x2b: {  	s6 =	sld [smem:$0x3FB0]  }
0x2c: {  	s7 =	sld [smem:$0x3FB1]  }
0x2d: {  	s3 =	simm.s32 $0x108;
	s8 =	sld [smem:$0x3FB2]  }
0x2e: {  	s3 =	simm.s32 @!p0 $0x1082;
	s9 =	sld [smem:$0x3FB3]  }
0x2f: {  	lr =	sadd.s32 s0, s3;
	s0 =	sld [smem:$0x3FAA]  }
0x30: {  	s3 =	sld [smem:$0x3FAD]  }
0x31: {  	[smem:$0x3FB6] =	sst s10  }
0x32: {  	s10 =	sld [smem:$0x3FB4];
	_ =	sdelay $0x3  }
0x33: {  	p0 =	seq.s32 s10, $0x1;
	s10 =	sld [smem:$0x3FB6];
	_ =	sdelay $0x3  }
0x34: {  	[smem:$0x3FB6] =	sst s10  }
0x35: {  	s10 =	sld [smem:$0x3FB5];
	_ =	sdelay $0x3  }
0x36: {  	p1 =	seq.s32 s10, $0x1;
	s10 =	sld [smem:$0x3FB6];
	_ =	sdelay $0x3  }
0x37: {  	[smem:$0x3FB6] =	sst s10  }
0x38: {  	s10 =	sld [smem:$0x3FB7]  }
0x39: {  	_ = 	snop;
	(pc) =	sbr.ind lr, $3  }
0x3a: {  	_ = 	snop  }
0x3b: {  	_ = 	snop  }
0x3c: {  	p2 =	seq.s32 s10, $0x1;
	s10 =	sld [smem:$0x3FB6]  }
0x3d: {  	_ =	shalt  }
0x3e: {  	_ =	shalt  }
0x3f: {  	_ =	shalt  }
0x40: {  	_ =	shalt  }
0x41: {  	_ =	shalt  }
0x42: {  	_ =	shalt  }
0x43: {  	_ =	shalt  }
0x44: {  	_ =	shalt  }
0x45: {  	_ =	shalt  }
0x46: {  	_ =	shalt  }
0x47: {  	_ =	shalt  }
0x48: {  	_ =	shalt  }
0x49: {  	_ =	shalt  }
0x4a: {  	_ =	shalt  }
0x4b: {  	_ =	shalt  }
0x4c: {  	_ =	shalt  }
0x4d: {  	_ =	shalt  }
0x4e: {  	_ =	shalt  }
0x4f: {  	_ =	shalt  }
0x50: {  	_ =	shalt  }
0x51: {  	_ =	shalt  }
0x52: {  	_ =	shalt  }
0x53: {  	_ =	shalt  }
0x54: {  	_ =	shalt  }
0x55: {  	_ =	shalt  }
0x56: {  	_ =	shalt  }
0x57: {  	_ =	shalt  }
0x58: {  	_ =	shalt  }
0x59: {  	_ =	shalt  }
0x5a: {  	_ =	shalt  }
0x5b: {  	_ =	shalt  }
0x5c: {  	_ =	shalt  }
0x5d: {  	_ =	shalt  }
0x5e: {  	_ =	shalt  }
0x5f: {  	_ =	shalt  }
0x60: {  	_ =	shalt  }
0x61: {  	_ =	shalt  }
0x62: {  	_ =	shalt  }
0x63: {  	_ =	shalt  }
0x64: {  	_ =	shalt  }
0x65: {  	_ =	shalt  }
0x66: {  	_ =	shalt  }
0x67: {  	_ =	shalt  }
0x68: {  	_ =	shalt  }
0x69: {  	_ =	shalt  }
0x6a: {  	_ =	shalt  }
0x6b: {  	_ =	shalt  }
0x6c: {  	_ =	shalt  }
0x6d: {  	_ =	shalt  }
0x6e: {  	_ =	shalt  }
0x6f: {  	_ =	shalt  }
0x70: {  	_ =	shalt  }
0x71: {  	_ =	shalt  }
0x72: {  	_ =	shalt  }
0x73: {  	_ =	shalt  }
0x74: {  	_ =	shalt  }
0x75: {  	_ =	shalt  }
0x76: {  	_ =	shalt  }
0x77: {  	_ =	shalt  }
0x78: {  	_ =	shalt  }
0x79: {  	_ =	shalt  }
0x7a: {  	_ =	shalt  }
0x7b: {  	_ =	shalt  }
0x7c: {  	_ =	shalt  }
0x7d: {  	_ =	shalt  }
0x7e: {  	_ =	shalt  }
0x7f: {  	_ =	shalt  }
0x80: {  	_ =	shalt  }
0x81: {  	_ =	shalt  }
0x82: {  	_ =	shalt  }
0x83: {  	_ =	shalt  }
0x84: {  	_ =	shalt  }
0x85: {  	_ =	shalt  }
0x86: {  	_ =	shalt  }
0x87: {  	_ =	shalt  }
.Lfunc_end0:
.L_simem_size_0:
called_computation_lowered:
.L_overlay_start_0:
0x88: {  	s2 =	sld [smem:$0x3FD9]  }
0x89: {  	s3 =	sld [smem:$0x3FFE];
	_ =	sdelay $0x1  }
0x8a: {  	s1 =	srdreg.scid  }
0x8b: {  	s0 =	sand.u32 $0x1, s1  }
0x8c: {  	s17 =	sshll.u32 s0, $0xA;
	s2 =	sadd.s32 s3, s2  }
0x8d: {  	s2 =	sadd.s32 s2, s17  }
0x8e: {  	[smem:$0x3FC2] =	sst s2  }
0x8f: {  	_ = 	snop  }
0x90: {  	s2 =	sld [smem:$0x3FC9]  }
0x91: {  	s18 =	sld [smem:$0x3FD0];
	(tm) =	ssettm $0x1  }
0x92: {  	s4 =	sld [smem:$0x3FFB];
	_ =	sdelay $0x3  }
0x93: {  	_ =	strace s4  }
0x94: {  	s4 =	sld [smem:$0x3FFC];
	_ =	sdelay $0x3  }
0x95: {  	_ =	strace s4  }
0x96: {  	s4 =	sld [smem:$0x3FFD];
	_ =	sdelay $0x3  }
0x97: {  	_ =	strace s4  }
0x98: {  	_ =	strace $0x8FFFFFFF  }
0x99: {  	s19 =	sld [smem:$0x3FDB];
	_ =	sdelay $0x1  }
0x9a: {  	s5 =	simm.s32 $_scs_section_size  }
0x9b: {  	s6 =	simm.s32 $_size__tile_overlayer_lowered;
	s7 =	simm.s32 $_tile_overlayer_lowered  }
0x9c: {  	s22 =	simm.s32 $0x1BFF;
	s21 =	sshll.u32 s7, $0x1;
	s4 =	sadd.s32 s5, s19  }
0x9d: {  	s8 =	simm.s32 $0x0;
	s20 =	sshll.u32 s6, $0x1;
	s6 =	sadd.s32 s21, s4  }
0x9e: {  	[timem:s8], [sflag:s22] =	dma.local [hbm:s6], s20  }
0x9f: {  	_ =	swait.ge [sflag:s22], s20  }
0xa0: {  	s5 =	ssub.s32 $0x0, s20;
	[sflag:s22] =	ssyncset.done $0x0  }
0xa1: {  	[sflag:s22] =	ssyncadd.s32 s5;
	_ =	sdelay $0x1  }
0xa2: {  	s23 =	simm.s32 $0x1B8B  }
0xa3: {  	_ =	swait.ge [sflag:s23], $0x1  }
0xa4: {  	[sflag:s23] =	ssyncset.done $0x0  }
0xa5: {  	s25 =	simm.s32 $0x1B8E;
	s24 =	sld [smem:$0x3FFE];
	[sflag:s23] =	ssyncadd.s32 $0xFFFFFFFF  }
0xa6: {  	s26 =	simm.s32 $execute0_lowered;
	[smem:$0x3FD2] =	sst s25  }
0xa7: {  	s6 =	sshll.u32 s26, $0x1;
	_ =	strace $0x80000046;
	[dreg:$0x1] =	wrdreg $0xFFFFFFFF  }
0xa8: {  	s28 =	simm.s32 $_size_execute0_lowered;
	s4 =	sadd.s32 s4, s6;
	[dreg:$0x0] =	wrdreg $0x0  }
0xa9: {  	s6 =	sshll.u32 s28, $0x1;
	[dreg:$0x2] =	wrdreg s4  }
0xaa: {  	[dreg:$0x3] =	wrdreg s6  }
0xab: {  	[dreg:$0x4] =	wrdreg $0xC0  }
0xac: {  	_ =	task [dreg:s8], $0x5FFFF  }
0xad: {  	[dreg:$0x1] =	wrdreg $0xFFFFFFFF  }
0xae: {  	[dreg:$0x0] =	wrdreg $0x60  }
0xaf: {  	[dreg:$0x2] =	wrdreg s2  }
0xb0: {  	[dreg:$0x3] =	wrdreg s18  }
0xb1: {  	[dreg:$0x4] =	wrdreg s24  }
0xb2: {  	[dreg:$0x5] =	wrdreg $0xA9800  }
0xb3: {  	[dreg:$0x6] =	wrdreg $0x9  }
0xb4: {  	_ =	task.clear_ibuf [dreg:s8], $0x7FFFF;
	_ =	strace $0x90000046  }
0xb5: {  	s29 =	simm.s32 $0x9;
	_ =	strace $0x80000048  }
0xb6: {  	_ =	swait.ge [sflag:s29], $0x1  }
0xb7: {  	[sflag:s29] =	ssyncadd.s32 $0xFFFFFFFF  }
0xb8: {  	_ =	strace $0x90000048  }
0xb9: {  	_ =	sfence  }
0xba: {  	s30 =	sld [smem:$0x0];
	_ =	sdelay $0x2  }
0xbb: {  	s31 =	sshll.u32 s1, $0xD;
	s1 =	sshrl.u32 s1, $0x2  }
0xbc: {  	s3 =	sand.u32 $0x4000, s31;
	s1 =	sadd.s32 s1, s30  }
0xbd: {  	s0 =	sor.u32 s3, s0;
	s1 =	sshll.u32 s1, $0x11  }
0xbe: {  	s0 =	sor.u32 s1, s0  }
0xbf: {  	s0 =	sadd.s32 $0x8F2B, s0  }
0xc0: {  	[sflag:s0] =	ssyncadd.remote.s32 $0x1  }
0xc1: {  	_ =	sfence.sel $0xFFFF  }
0xc2: {  	[dreg:$0x0] =	wrdreg $0xFFFFFFFF;
	(pc) =	sbr.abs _section_cstart, $3  }
0xc3: {  	[dreg:$0x1] =	wrdreg $0xFFFFFFFF  }
0xc4: {  	_ =	task.clear_ibuf [dreg:s8], $0x2FFFF;
	_ =	strace $0x9FFFFFFF  }
0xc5: {  	(tm) =	ssettm $0x7FFFFFFF  }
tec
execute0_lowered:
.L_overlay_start_1:
0x0: {  	(tag) =	ssettag $0x1  }
0x1: {  	s0 =	rddreg [dreg:$0x0]  }
0x2: {  	s5 =	rddreg [dreg:$0x1]  }
0x3: {  	s1 =	srdreg.scid;
	s4 =	rddreg [dreg:$0x2]  }
0x4: {  	s15 =	stileid.u32;
	s2 =	rddreg [dreg:$0x3];
	s28 =	simm.s32 $0x180  }
0x5: {  	s29 =	simm.s32 $0x6;
	s30 =	simm.s32 $0x7;
	s31 =	simm.s32 $0x3  }
0x6: {  	s1 =	sand.u32 $0x1, s1;
	s9 =	sshll.u32 s15, $0x7;
	s18 =	smul.u32 $0x4F000, s15  }
0x7: {  	s14 =	smul.u32 $0x2780, s15;
	p0 =	seq.s32 s15, $0xF;
	s3 =	sshll.u32 s1, $0x4  }
0x8: {  	s10 =	smul.u32 $0x27800, s1;
	s9 =	sand.u32 $0x380, s9;
	s1 =	ssub.s32 $0x2, s1  }
0x9: {  	s6 =	sor.u32 s15, s3;
	s3 =	simm.s32 $0x0;
	s19 =	sshrl.u32 s1, $0x1  }
0xa: {  	s20 =	sadd.s32 s0, s14;
	s0 =	sadd.s32 $0x25080, s0;
	s7 =	smul.u32 $0x500, s6  }
0xb: {  	s8 =	sshrl.u32 s6, $0x3;
	[smem:$0x7FF] =	sst s3;
	s17 =	sadd.s32 s10, s4  }
0xc: {  	s6 =	smul.u32 $0x28000, s6;
	s10 =	sshrl.u32 s18, $0x2;
	s1 =	ssub.s32 s1, s19  }
0xd: {  	s19 =	simm.s32 $0x80;
	_ =	strace $0x80000047;
	[dreg:$0x5] =	wrdreg s20  }
0xe: {  	s8 =	smul.u32 $0x13C00, s8;
	[dreg:$0x6] =	wrdreg s0;
	s25 =	sadd.s32 $0x50B400, s17  }
0xf: {  	s1 =	smax.u32 s1, $0x1;
	s20 =	simm.s32 $0x100;
	s0 =	simm.s32 $0x4  }
0x10: {  	s11 =	sadd.s32 s7, s4;
	s6 =	sadd.s32 s6, s4;
	s8 =	sor.u32 s9, s8  }
0x11: {  	s7 =	sadd.s32 s5, s7;
	[dreg:$0xc] =	wrdreg s1;
	s8 =	sshrl.u32 s8, $0x3  }
0x12: {  	s1 =	sshll.u32 @!p0 s15, $0x6;
	s12 =	sadd.s32 s8, s4;
	s4 =	sadd.s32 s10, s2  }
0x13: {  	s13 =	sadd.s32 $0x1400, s11;
	s17 =	sor.u32 @!p0 $0x1C09, s1;
	s21 =	sadd.s32 $0x4000, s4  }
0x14: {  	s1 =	simm.s32 $0x8;
	s22 =	sadd.s32 $0x8000, s4;
	[dreg:$0x7] =	wrdreg s21  }
0x15: {  	s9 =	simm.s32 $0x0;
	s23 =	sadd.s32 $0xC000, s4;
	[dreg:$0x8] =	wrdreg s22  }
0x16: {  	s10 =	sadd.s32 $0x128400, s2;
	s24 =	sadd.s32 $0x10000, s4;
	[dreg:$0x9] =	wrdreg s23  }
0x17: {  	s8 =	sadd.s32 $0xB400, s6;
	s26 =	sadd.s32 $0x55A400, s12;
	[dreg:$0xa] =	wrdreg s24  }
0x18: {  	s6 =	simm.s32 $0x8200;
	s5 =	sshrl.u32 @p0 s10, $0x3;
	[dreg:$0xb] =	wrdreg s26  }
0x19: {  	s18 =	sshrl.u32 @!p0 s4, $0x3;
	[dreg:$0xd] =	wrdreg s5;
	s21 =	simm.s32 $0x1  }
0x1a: {  	s22 =	simm.s32 $0x200;
	s23 =	simm.s32 $0x5;
	s24 =	sadd.s32 s14, s25  }
0x1b: {  	v0 =	vimm.f32 $0.0e+00;
	v1 =	vimm.f32 $1.000000000e+00;
	s25 =	simm.s32 $0x2;
	s26 =	simm.s32 $0x4200;
	s5 =	simm.s32 $0x9  }
.LBB2_1:
0x1c: {  	s10 =	simm.s32 $0x40;
	s11 =	simm.s32 $0x0  }
.LBB2_2:
0x1d: {  	p1 =	sne.s32 s10, $0x9DC0;
	[tilespmem:s11+$0x8200] =	vst v0;
	s11 =	smov.u32 s10;
	s10 =	sadd.s32 $0x40, s10  }
.Ltmp0:
0x1e: {  	(pc) =	sbr.rel @p1 .LBB2_2-.Ltmp0, $2  }
0x1f: {  	_ =	sdelay $0x2  }
0x20: {  	s11 =	sshra.s32 s11, $0x2  }
0x21: {  	[tilespmem:s11+$0x8200] =	vst v0;
	s11 =	rddreg [dreg:$0x6]  }
0x22: {  	s10 =	simm.s32 @p0 $0x1FC9;
	s12 =	rddreg [dreg:$0xd]  }
0x23: {  	[spmem:s12], [sflag:s10] =	dma.local @p0 [hbm:s11], $0x2080  }
0x24: {  	s10 =	simm.s32 @p0 $0x9  }
0x25: {  	_ =	swait.ge @p0 [sflag:s10], $0x2080  }
0x26: {  	[sflag:s10] =	ssyncset.done @p0 $0x0  }
0x27: {  	[sflag:s10] =	ssyncadd.s32 @p0 $0xFFFFDF80;
	s10 =	rddreg [dreg:$0x5]  }
0x28: {  	[spmem:s18], [sflag:s17] =	dma.local @!p0 [hbm:s10], $0x2780  }
0x29: {  	s10 =	simm.s32 @!p0 $0x9  }
0x2a: {  	_ =	swait.ge @!p0 [sflag:s10], $0x2780  }
0x2b: {  	[sflag:s10] =	ssyncset.done @!p0 $0x0  }
0x2c: {  	[sflag:s10] =	ssyncadd.s32 @!p0 $0xFFFFD880  }
0x2d: {  	s14 =	simm.s32 $0x0;
	[bflag:$0x0] =	sbarrier.arrive $0xFFFF  }
0x2e: {  	[tilespmem:s14], [sflag:$0x1] =	stream.linear.gather [hbm4b:s7+s14], $0x80, $0x38;
	[tilespmem:$0x1E580] =	vst v63  }
0x2f: {  	s15 =	sadd.s32 $0x10, s7  }
0x30: {  	[tilespmem:s19], [sflag:$0x2] =	stream.linear.gather [hbm4b:s15+s14], $0x80, $0x38;
	[tilespmem:$0x1E580] =	vst v63  }
0x31: {  	s16 =	sadd.s32 $0x20, s7  }
0x32: {  	[tilespmem:s20], [sflag:$0x3] =	stream.linear.gather [hbm4b:s16+s14], $0x80, $0x38;
	[tilespmem:$0x1E580] =	vst v63  }
0x33: {  	_ =	swait.ge [sflag:s21], $0x80  }
0x34: {  	[sflag:s21] =	ssyncset.done $0x0  }
0x35: {  	[sflag:s21] =	ssyncadd.s32 $0xFFFFFF80  }
0x36: {  	[tilespmem:s22], [sflag:$0x5] =	stream.indirect.gather [spmem:s2], $0x80, s14, s19, $0xb8;
	[tilespmem:$0x1E580] =	vst v63  }
0x37: {  	_ =	swait.ge [sflag:s23], $0x4000  }
0x38: {  	[sflag:s23] =	ssyncset.done $0x0  }
0x39: {  	[sflag:s23] =	ssyncadd.s32 $0xFFFFC000  }
0x3a: {  	[hbm4b:s8+s14] =	stream.linear.scatter [tilespmem:s22], [sflag:$0x7], $0x4000, $0x38;
	[tilespmem:$0x1E580] =	vst v63  }
0x3b: {  	_ =	swait.ge [sflag:s25], $0x80  }
0x3c: {  	[sflag:s25] =	ssyncset.done $0x0  }
0x3d: {  	[sflag:s25] =	ssyncadd.s32 $0xFFFFFF80  }
0x3e: {  	[tilespmem:s26], [sflag:$0x6] =	stream.indirect.gather [spmem:s2], $0x80, s19, s19, $0xb8;
	[tilespmem:$0x1E580] =	vst v63  }
0x3f: {  	s12 =	sadd.s32 $0x30, s7  }
0x40: {  	[tilespmem:s28], [sflag:$0x4] =	stream.linear.gather [hbm4b:s12+s14], $0x80, $0x38;
	[tilespmem:$0x1E580] =	vst v63  }
0x41: {  	_ =	swait.ge [sflag:s29], $0x4000  }
0x42: {  	s11 =	sadd.s32 $0x2000, s8;
	[sflag:s29] =	ssyncset.done $0x0  }
0x43: {  	s14 =	sadd.s32 $0xFFFFE800, s11;
	[sflag:s29] =	ssyncadd.s32 $0xFFFFC000  }
0x44: {  	[hbm4b:s14+s3] =	stream.linear.scatter [tilespmem:s26], [sflag:$0x8], $0x4000, $0x38;
	[tilespmem:$0x1E580] =	vst v63  }
0x45: {  	_ =	swait.ge [sflag:s30], $0x4000  }
0x46: {  	[sflag:s30] =	ssyncset.done $0x0  }
0x47: {  	[sflag:s30] =	ssyncadd.s32 $0xFFFFC000  }
0x48: {  	_ =	swait.ge [sflag:s31], $0x80  }
0x49: {  	[sflag:s31] =	ssyncset.done $0x0  }
0x4a: {  	s14 =	sadd.s32 $0x0, s7;
	[sflag:s31] =	ssyncadd.s32 $0xFFFFFF80  }
0x4b: {  	[tilespmem:s22], [sflag:$0x5] =	stream.indirect.gather [spmem:s2], $0x80, s20, s19, $0xb8;
	[tilespmem:$0x1E580] =	vst v63  }
0x4c: {  	s15 =	sadd.s32 $0x40, s14  }
0x4d: {  	[tilespmem:s3], [sflag:$0x1] =	stream.linear.gather [hbm4b:s15+s3], $0x80, $0x38;
	[tilespmem:$0x1E580] =	vst v63  }
0x4e: {  	_ =	swait.ge [sflag:s23], $0x4000  }
0x4f: {  	[sflag:s23] =	ssyncset.done $0x0  }
0x50: {  	s16 =	sadd.s32 $0xFFFFF000, s11;
	[sflag:s23] =	ssyncadd.s32 $0xFFFFC000  }
0x51: {  	[hbm4b:s16+s3] =	stream.linear.scatter [tilespmem:s22], [sflag:$0x7], $0x4000, $0x38;
	[tilespmem:$0x1E580] =	vst v63  }
0x52: {  	_ =	swait.ge [sflag:s1], $0x4000  }
0x53: {  	[sflag:s1] =	ssyncset.done $0x0  }
0x54: {  	[sflag:s1] =	ssyncadd.s32 $0xFFFFC000  }
0x55: {  	_ =	swait.ge [sflag:s0], $0x80  }
0x56: {  	[sflag:s0] =	ssyncset.done $0x0  }
0x57: {  	[sflag:s0] =	ssyncadd.s32 $0xFFFFFF80  }
0x58: {  	[tilespmem:s26], [sflag:$0x6] =	stream.indirect.gather [spmem:s2], $0x80, s28, s19, $0xb8;
	[tilespmem:$0x1E580] =	vst v63  }
0x59: {  	s12 =	sadd.s32 $0x50, s14  }
0x5a: {  	[tilespmem:s19], [sflag:$0x2] =	stream.linear.gather [hbm4b:s12+s3], $0x80, $0x38;
	[tilespmem:$0x1E580] =	vst v63  }
0x5b: {  	_ =	swait.ge [sflag:s29], $0x4000  }
0x5c: {  	[sflag:s29] =	ssyncset.done $0x0  }
0x5d: {  	s15 =	sadd.s32 $0xFFFFF800, s11;
	[sflag:s29] =	ssyncadd.s32 $0xFFFFC000  }
0x5e: {  	[hbm4b:s15+s3] =	stream.linear.scatter [tilespmem:s26], [sflag:$0x8], $0x4000, $0x38;
	[tilespmem:$0x1E580] =	vst v63  }
0x5f: {  	_ =	swait.ge [sflag:s30], $0x4000  }
0x60: {  	[sflag:s30] =	ssyncset.done $0x0  }
0x61: {  	[sflag:s30] =	ssyncadd.s32 $0xFFFFC000  }
0x62: {  	_ =	swait.ge [sflag:s21], $0x80  }
0x63: {  	[sflag:s21] =	ssyncset.done $0x0  }
0x64: {  	[sflag:s21] =	ssyncadd.s32 $0xFFFFFF80  }
0x65: {  	[tilespmem:s22], [sflag:$0x5] =	stream.indirect.gather [spmem:s2], $0x80, s3, s19, $0xb8;
	[tilespmem:$0x1E580] =	vst v63  }
0x66: {  	s16 =	sadd.s32 $0x60, s14  }
0x67: {  	[tilespmem:s20], [sflag:$0x3] =	stream.linear.gather [hbm4b:s16+s3], $0x80, $0x38;
	[tilespmem:$0x1E580] =	vst v63  }
0x68: {  	_ =	swait.ge [sflag:s23], $0x4000  }
0x69: {  	[sflag:s23] =	ssyncset.done $0x0  }
0x6a: {  	[sflag:s23] =	ssyncadd.s32 $0xFFFFC000  }
0x6b: {  	[hbm4b:s11+s3] =	stream.linear.scatter [tilespmem:s22], [sflag:$0x7], $0x4000, $0x38;
	[tilespmem:$0x1E580] =	vst v63  }
0x6c: {  	_ =	swait.ge [sflag:s1], $0x4000  }
0x6d: {  	[sflag:s1] =	ssyncset.done $0x0  }
0x6e: {  	[sflag:s1] =	ssyncadd.s32 $0xFFFFC000  }
0x6f: {  	_ =	swait.ge [sflag:s25], $0x80  }
0x70: {  	s10 =	simm.s32 $0x40;
	s14 =	sadd.s32 $0x70, s14;
	[sflag:s25] =	ssyncset.done $0x0  }
0x71: {  	s12 =	sadd.s32 $0x800, s8;
	s11 =	sadd.s32 $0x2000, s11;
	[sflag:s25] =	ssyncadd.s32 $0xFFFFFF80  }
0x72: {  	[tilespmem:s26], [sflag:$0x6] =	stream.indirect.gather [spmem:s2], $0x80, s19, s19, $0xb8;
	[tilespmem:$0x1E580] =	vst v63  }
.LBB2_4:
0x73: {  	[tilespmem:s28], [sflag:$0x4] =	stream.linear.gather [hbm4b:s14+s3], $0x80, $0x38;
	[tilespmem:$0x1E580] =	vst v63  }
0x74: {  	s14 =	smov.u32 s10  }
0x75: {  	p1 =	sne.s32 s10, $0x480;
	s10 =	sadd.s32 $0x40, s10;
	_ =	swait.ge [sflag:s29], $0x4000  }
0x76: {  	[sflag:s29] =	ssyncset.done $0x0  }
0x77: {  	s15 =	sadd.s32 $0xFFFFE800, s11;
	[sflag:s29] =	ssyncadd.s32 $0xFFFFC000  }
0x78: {  	[hbm4b:s15+s3] =	stream.linear.scatter [tilespmem:s26], [sflag:$0x8], $0x4000, $0x38;
	[tilespmem:$0x1E580] =	vst v63  }
0x79: {  	_ =	swait.ge [sflag:s30], $0x4000  }
0x7a: {  	[sflag:s30] =	ssyncset.done $0x0  }
0x7b: {  	[sflag:s30] =	ssyncadd.s32 $0xFFFFC000  }
0x7c: {  	_ =	swait.ge [sflag:s31], $0x80  }
0x7d: {  	[sflag:s31] =	ssyncset.done $0x0  }
0x7e: {  	s14 =	sadd.s32 s14, s7;
	[sflag:s31] =	ssyncadd.s32 $0xFFFFFF80  }
0x7f: {  	[tilespmem:s22], [sflag:$0x5] =	stream.indirect.gather [spmem:s2], $0x80, s20, s19, $0xb8;
	[tilespmem:$0x1E580] =	vst v63  }
0x80: {  	s15 =	sadd.s32 $0x40, s14  }
0x81: {  	[tilespmem:s3], [sflag:$0x1] =	stream.linear.gather [hbm4b:s15+s3], $0x80, $0x38;
	[tilespmem:$0x1E580] =	vst v63  }
0x82: {  	_ =	swait.ge [sflag:s23], $0x4000  }
0x83: {  	[sflag:s23] =	ssyncset.done $0x0  }
0x84: {  	s15 =	sadd.s32 $0xFFFFF000, s11;
	[sflag:s23] =	ssyncadd.s32 $0xFFFFC000  }
0x85: {  	[hbm4b:s15+s3] =	stream.linear.scatter [tilespmem:s22], [sflag:$0x7], $0x4000, $0x38;
	[tilespmem:$0x1E580] =	vst v63  }
0x86: {  	_ =	swait.ge [sflag:s1], $0x4000  }
0x87: {  	[sflag:s1] =	ssyncset.done $0x0  }
0x88: {  	[sflag:s1] =	ssyncadd.s32 $0xFFFFC000  }
0x89: {  	_ =	swait.ge [sflag:s0], $0x80  }
0x8a: {  	[sflag:s0] =	ssyncset.done $0x0  }
0x8b: {  	[sflag:s0] =	ssyncadd.s32 $0xFFFFFF80  }
0x8c: {  	[tilespmem:s26], [sflag:$0x6] =	stream.indirect.gather [spmem:s2], $0x80, s28, s19, $0xb8;
	[tilespmem:$0x1E580] =	vst v63  }
0x8d: {  	s15 =	sadd.s32 $0x50, s14  }
0x8e: {  	[tilespmem:s19], [sflag:$0x2] =	stream.linear.gather [hbm4b:s15+s3], $0x80, $0x38;
	[tilespmem:$0x1E580] =	vst v63  }
0x8f: {  	_ =	swait.ge [sflag:s29], $0x4000  }
0x90: {  	[sflag:s29] =	ssyncset.done $0x0  }
0x91: {  	s15 =	sadd.s32 $0xFFFFF800, s11;
	[sflag:s29] =	ssyncadd.s32 $0xFFFFC000  }
0x92: {  	[hbm4b:s15+s3] =	stream.linear.scatter [tilespmem:s26], [sflag:$0x8], $0x4000, $0x38;
	[tilespmem:$0x1E580] =	vst v63  }
0x93: {  	_ =	swait.ge [sflag:s30], $0x4000  }
0x94: {  	[sflag:s30] =	ssyncset.done $0x0  }
0x95: {  	[sflag:s30] =	ssyncadd.s32 $0xFFFFC000  }
0x96: {  	_ =	swait.ge [sflag:s21], $0x80  }
0x97: {  	[sflag:s21] =	ssyncset.done $0x0  }
0x98: {  	[sflag:s21] =	ssyncadd.s32 $0xFFFFFF80  }
0x99: {  	[tilespmem:s22], [sflag:$0x5] =	stream.indirect.gather [spmem:s2], $0x80, s3, s19, $0xb8;
	[tilespmem:$0x1E580] =	vst v63  }
0x9a: {  	s15 =	sadd.s32 $0x60, s14  }
0x9b: {  	[tilespmem:s20], [sflag:$0x3] =	stream.linear.gather [hbm4b:s15+s3], $0x80, $0x38;
	[tilespmem:$0x1E580] =	vst v63  }
0x9c: {  	_ =	swait.ge [sflag:s23], $0x4000  }
0x9d: {  	[sflag:s23] =	ssyncset.done $0x0  }
0x9e: {  	[sflag:s23] =	ssyncadd.s32 $0xFFFFC000  }
0x9f: {  	[hbm4b:s11+s3] =	stream.linear.scatter [tilespmem:s22], [sflag:$0x7], $0x4000, $0x38;
	[tilespmem:$0x1E580] =	vst v63  }
0xa0: {  	_ =	swait.ge [sflag:s1], $0x4000  }
0xa1: {  	[sflag:s1] =	ssyncset.done $0x0  }
0xa2: {  	[sflag:s1] =	ssyncadd.s32 $0xFFFFC000  }
.Ltmp1:
0xa3: {  	_ =	swait.ge [sflag:s25], $0x80;
	(pc) =	sbr.rel @p1 .LBB2_4-.Ltmp1, $4  }
0xa4: {  	[sflag:s25] =	ssyncset.done $0x0  }
0xa5: {  	[sflag:s25] =	ssyncadd.s32 $0xFFFFFF80  }
0xa6: {  	[tilespmem:s26], [sflag:$0x6] =	stream.indirect.gather [spmem:s2], $0x80, s19, s19, $0xb8;
	[tilespmem:$0x1E580] =	vst v63  }
0xa7: {  	s14 =	sadd.s32 $0x70, s14;
	s11 =	sadd.s32 $0x2000, s11  }
0xa8: {  	[tilespmem:s28], [sflag:$0x4] =	stream.linear.gather [hbm4b:s14+s3], $0x80, $0x38;
	[tilespmem:$0x1E580] =	vst v63  }
0xa9: {  	_ =	swait.ge [sflag:s29], $0x4000  }
0xaa: {  	[sflag:s29] =	ssyncset.done $0x0  }
0xab: {  	s10 =	sadd.s32 $0x26800, s8;
	s16 =	simm.s32 $0x0;
	[sflag:s29] =	ssyncadd.s32 $0xFFFFC000  }
0xac: {  	[hbm4b:s10+s16] =	stream.linear.scatter [tilespmem:s26], [sflag:$0x8], $0x4000, $0x38;
	[tilespmem:$0x1E580] =	vst v63  }
0xad: {  	_ =	swait.ge [sflag:s30], $0x4000  }
0xae: {  	[sflag:s30] =	ssyncset.done $0x0  }
0xaf: {  	[sflag:s30] =	ssyncadd.s32 $0xFFFFC000  }
0xb0: {  	_ =	swait.ge [sflag:s31], $0x80  }
0xb1: {  	[sflag:s31] =	ssyncset.done $0x0  }
0xb2: {  	[sflag:s31] =	ssyncadd.s32 $0xFFFFFF80  }
0xb3: {  	[tilespmem:s22], [sflag:$0x5] =	stream.indirect.gather [spmem:s2], $0x80, s20, s19, $0xb8;
	[tilespmem:$0x1E580] =	vst v63  }
0xb4: {  	_ =	swait.ge [sflag:s23], $0x4000  }
0xb5: {  	[sflag:s23] =	ssyncset.done $0x0  }
0xb6: {  	s11 =	sadd.s32 $0x27000, s8;
	[sflag:s23] =	ssyncadd.s32 $0xFFFFC000  }
0xb7: {  	[hbm4b:s11+s16] =	stream.linear.scatter [tilespmem:s22], [sflag:$0x7], $0x4000, $0x38;
	[tilespmem:$0x1E580] =	vst v63  }
0xb8: {  	_ =	swait.ge [sflag:s1], $0x4000  }
0xb9: {  	[sflag:s1] =	ssyncset.done $0x0  }
0xba: {  	[sflag:s1] =	ssyncadd.s32 $0xFFFFC000  }
0xbb: {  	_ =	swait.ge [sflag:s0], $0x80  }
0xbc: {  	[sflag:s0] =	ssyncset.done $0x0  }
0xbd: {  	[sflag:s0] =	ssyncadd.s32 $0xFFFFFF80  }
0xbe: {  	[tilespmem:s26], [sflag:$0x6] =	stream.indirect.gather [spmem:s2], $0x80, s28, s19, $0xb8;
	[tilespmem:$0x1E580] =	vst v63  }
0xbf: {  	_ =	swait.ge [sflag:s29], $0x4000  }
0xc0: {  	[sflag:s29] =	ssyncset.done $0x0  }
0xc1: {  	s10 =	sadd.s32 $0x27800, s8;
	[sflag:s29] =	ssyncadd.s32 $0xFFFFC000  }
0xc2: {  	[hbm4b:s10+s16] =	stream.linear.scatter [tilespmem:s26], [sflag:$0x8], $0x4000, $0x38;
	[tilespmem:$0x1E580] =	vst v63  }
0xc3: {  	_ =	swait.ge [sflag:s30], $0x4000  }
0xc4: {  	[sflag:s30] =	ssyncset.done $0x0  }
0xc5: {  	[sflag:s30] =	ssyncadd.s32 $0xFFFFC000  }
0xc6: {  	_ =	swait.ge [sflag:s1], $0x4000  }
0xc7: {  	[sflag:s1] =	ssyncset.done $0x0  }
0xc8: {  	[sflag:s1] =	ssyncadd.s32 $0xFFFFC000  }
0xc9: {  	s14 =	simm.s32 $0x0;
	s15 =	simm.s32 $0x200;
	[bflag:$0x0] =	sbarrier.arrive $0xFFFF  }
.LBB2_6:
0xca: {  	p1 =	sne.s32 s15, $0xFE00;
	[tilespmem:s14+$0x270] =	vst v0  }
0xcb: {  	[tilespmem:s14+$0x200] =	vst v0  }
0xcc: {  	[tilespmem:s14+$0x210] =	vst v0  }
.Ltmp2:
0xcd: {  	[tilespmem:s14+$0x220] =	vst v0;
	(pc) =	sbr.rel @p1 .LBB2_6-.Ltmp2, $4  }
0xce: {  	[tilespmem:s14+$0x230] =	vst v0  }
0xcf: {  	[tilespmem:s14+$0x240] =	vst v0  }
0xd0: {  	[tilespmem:s14+$0x250] =	vst v0  }
0xd1: {  	[tilespmem:s14+$0x260] =	vst v0;
	s14 =	sshra.s32 s15, $0x2;
	s15 =	sadd.s32 $0x200, s15  }
0xd2: {  	[tilespmem:s14+$0x270] =	vst v0  }
0xd3: {  	[tilespmem:s14+$0x200] =	vst v0  }
0xd4: {  	[tilespmem:s14+$0x210] =	vst v0  }
0xd5: {  	[tilespmem:s14+$0x220] =	vst v0  }
0xd6: {  	[tilespmem:s14+$0x230] =	vst v0  }
0xd7: {  	[tilespmem:s14+$0x240] =	vst v0  }
0xd8: {  	[tilespmem:s14+$0x250] =	vst v0  }
0xd9: {  	[tilespmem:s14+$0x260] =	vst v0  }
0xda: {  	[spmem:s4] =	stream.linear.scatter [tilespmem:s22], [sflag:$0x9], $0x4000, $0x38;
	[tilespmem:$0x1E580] =	vst v63  }
0xdb: {  	_ =	swait.ge [sflag:s5], $0x4000  }
0xdc: {  	[sflag:s5] =	ssyncset.done $0x0  }
0xdd: {  	s16 =	rddreg [dreg:$0x7];
	[sflag:s5] =	ssyncadd.s32 $0xFFFFC000  }
0xde: {  	[spmem:s16] =	stream.linear.scatter [tilespmem:s22], [sflag:$0x9], $0x4000, $0x38;
	[tilespmem:$0x1E580] =	vst v63  }
0xdf: {  	_ =	swait.ge [sflag:s5], $0x4000  }
0xe0: {  	[sflag:s5] =	ssyncset.done $0x0  }
0xe1: {  	s15 =	rddreg [dreg:$0x8];
	[sflag:s5] =	ssyncadd.s32 $0xFFFFC000  }
0xe2: {  	[spmem:s15] =	stream.linear.scatter [tilespmem:s22], [sflag:$0x9], $0x4000, $0x38;
	[tilespmem:$0x1E580] =	vst v63  }
0xe3: {  	_ =	swait.ge [sflag:s5], $0x4000  }
0xe4: {  	[sflag:s5] =	ssyncset.done $0x0  }
0xe5: {  	s16 =	rddreg [dreg:$0x9];
	[sflag:s5] =	ssyncadd.s32 $0xFFFFC000  }
0xe6: {  	[spmem:s16] =	stream.linear.scatter [tilespmem:s22], [sflag:$0x9], $0x4000, $0x38;
	[tilespmem:$0x1E580] =	vst v63  }
0xe7: {  	_ =	swait.ge [sflag:s5], $0x4000  }
0xe8: {  	[sflag:s5] =	ssyncset.done $0x0  }
0xe9: {  	s15 =	rddreg [dreg:$0xa];
	[sflag:s5] =	ssyncadd.s32 $0xFFFFC000  }
0xea: {  	[spmem:s15] =	stream.linear.scatter [tilespmem:s22], [sflag:$0x9], $0x3C00, $0x38;
	[tilespmem:$0x1E580] =	vst v63  }
0xeb: {  	_ =	swait.ge [sflag:s5], $0x3C00  }
0xec: {  	[sflag:s5] =	ssyncset.done $0x0  }
0xed: {  	[sflag:s5] =	ssyncadd.s32 $0xFFFFC400  }
0xee: {  	s14 =	simm.s32 $0x0;
	[bflag:$0x0] =	sbarrier.arrive $0xFFFF  }
0xef: {  	[tilespmem:s14], [sflag:$0x1] =	stream.linear.gather [hbm4b:s13+s14], $0x80, $0x38;
	[tilespmem:$0x1E580] =	vst v63  }
0xf0: {  	s15 =	sadd.s32 $0x10, s13  }
0xf1: {  	[tilespmem:s19], [sflag:$0x2] =	stream.linear.gather [hbm4b:s15+s14], $0x80, $0x38;
	[tilespmem:$0x1E580] =	vst v63  }
0xf2: {  	s16 =	sadd.s32 $0x20, s13  }
0xf3: {  	[tilespmem:s20], [sflag:$0x3] =	stream.linear.gather [hbm4b:s16+s14], $0x80, $0x38;
	[tilespmem:$0x1E580] =	vst v63  }
0xf4: {  	_ =	swait.ge [sflag:s21], $0x80  }
0xf5: {  	[sflag:s21] =	ssyncset.done $0x0  }
0xf6: {  	[sflag:s21] =	ssyncadd.s32 $0xFFFFFF80  }
0xf7: {  	[tilespmem:s22], [sflag:$0x5] =	stream.linear.gather [hbm4b:s8+s14], $0x4000, $0x38;
	[tilespmem:$0x1E580] =	vst v63  }
0xf8: {  	v2 =	vld [tilespmem:$0x0];
	_ =	sdelay $0x7  }
0xf9: {  	[tilespmem:v2+s6+$0x0] =	vst.idx.add.f32.msk $0xffff, v1  }
0xfa: {  	v2 =	vld [tilespmem:$0x10];
	_ =	sdelay $0x7  }
0xfb: {  	[tilespmem:v2+s6+$0x0] =	vst.idx.add.f32.msk $0xffff, v1  }
0xfc: {  	v2 =	vld [tilespmem:$0x20];
	_ =	sdelay $0x7  }
0xfd: {  	[tilespmem:v2+s6+$0x0] =	vst.idx.add.f32.msk $0xffff, v1  }
0xfe: {  	v2 =	vld [tilespmem:$0x30];
	_ =	sdelay $0x7  }
0xff: {  	[tilespmem:v2+s6+$0x0] =	vst.idx.add.f32.msk $0xffff, v1  }
0x100: {  	v2 =	vld [tilespmem:$0x40];
	_ =	sdelay $0x7  }
0x101: {  	[tilespmem:v2+s6+$0x0] =	vst.idx.add.f32.msk $0xffff, v1  }
0x102: {  	v2 =	vld [tilespmem:$0x50];
	_ =	sdelay $0x7  }
0x103: {  	[tilespmem:v2+s6+$0x0] =	vst.idx.add.f32.msk $0xffff, v1  }
0x104: {  	v2 =	vld [tilespmem:$0x60];
	_ =	sdelay $0x7  }
0x105: {  	[tilespmem:v2+s6+$0x0] =	vst.idx.add.f32.msk $0xffff, v1  }
0x106: {  	v2 =	vld [tilespmem:$0x70];
	_ =	sdelay $0x7  }
0x107: {  	[tilespmem:v2+s6+$0x0] =	vst.idx.add.f32.msk $0xffff, v1  }
0x108: {  	_ =	swait.ge [sflag:s23], $0x4000  }
0x109: {  	[sflag:s23] =	ssyncset.done $0x0  }
0x10a: {  	[sflag:s23] =	ssyncadd.s32 $0xFFFFC000  }
0x10b: {  	[spmem:s2] =	stream.indirect.scatter.add.f32 [tilespmem:s22], [sflag:$0x7], $0x80, s14, s19, $0xb8;
	[tilespmem:$0x1E580] =	vst v63  }
0x10c: {  	_ =	swait.ge [sflag:s25], $0x80  }
0x10d: {  	[sflag:s25] =	ssyncset.done $0x0  }
0x10e: {  	[sflag:s25] =	ssyncadd.s32 $0xFFFFFF80  }
0x10f: {  	[tilespmem:s26], [sflag:$0x6] =	stream.linear.gather [hbm4b:s12+s14], $0x4000, $0x38;
	[tilespmem:$0x1E580] =	vst v63  }
0x110: {  	s16 =	sadd.s32 $0x30, s13;
	s12 =	sadd.s32 $0x1800, s8  }
0x111: {  	[tilespmem:s28], [sflag:$0x4] =	stream.linear.gather [hbm4b:s16+s14], $0x80, $0x38;
	[tilespmem:$0x1E580] =	vst v63  }
.LBB2_8:
0x112: {  	v2 =	vld [tilespmem:$0x80];
	_ =	sdelay $0x7  }
0x113: {  	[tilespmem:v2+s6+$0x0] =	vst.idx.add.f32.msk $0xffff, v1  }
0x114: {  	v2 =	vld [tilespmem:$0x90];
	_ =	sdelay $0x7  }
0x115: {  	[tilespmem:v2+s6+$0x0] =	vst.idx.add.f32.msk $0xffff, v1  }
0x116: {  	v2 =	vld [tilespmem:$0xA0];
	_ =	sdelay $0x7  }
0x117: {  	[tilespmem:v2+s6+$0x0] =	vst.idx.add.f32.msk $0xffff, v1  }
0x118: {  	v2 =	vld [tilespmem:$0xB0];
	_ =	sdelay $0x7  }
0x119: {  	[tilespmem:v2+s6+$0x0] =	vst.idx.add.f32.msk $0xffff, v1  }
0x11a: {  	v2 =	vld [tilespmem:$0xC0];
	_ =	sdelay $0x7  }
0x11b: {  	[tilespmem:v2+s6+$0x0] =	vst.idx.add.f32.msk $0xffff, v1  }
0x11c: {  	v2 =	vld [tilespmem:$0xD0];
	_ =	sdelay $0x7  }
0x11d: {  	[tilespmem:v2+s6+$0x0] =	vst.idx.add.f32.msk $0xffff, v1  }
0x11e: {  	v2 =	vld [tilespmem:$0xE0];
	_ =	sdelay $0x7  }
0x11f: {  	[tilespmem:v2+s6+$0x0] =	vst.idx.add.f32.msk $0xffff, v1  }
0x120: {  	v2 =	vld [tilespmem:$0xF0];
	_ =	sdelay $0x7  }
0x121: {  	[tilespmem:v2+s6+$0x0] =	vst.idx.add.f32.msk $0xffff, v1  }
0x122: {  	_ =	swait.ge [sflag:s29], $0x4000  }
0x123: {  	[sflag:s29] =	ssyncset.done $0x0  }
0x124: {  	[sflag:s29] =	ssyncadd.s32 $0xFFFFC000  }
0x125: {  	[spmem:s2] =	stream.indirect.scatter.add.f32 [tilespmem:s26], [sflag:$0x8], $0x80, s19, s19, $0xb8;
	[tilespmem:$0x1E580] =	vst v63  }
0x126: {  	_ =	swait.ge [sflag:s30], $0x4000  }
0x127: {  	[sflag:s30] =	ssyncset.done $0x0  }
0x128: {  	[sflag:s30] =	ssyncadd.s32 $0xFFFFC000  }
0x129: {  	_ =	swait.ge [sflag:s31], $0x80  }
0x12a: {  	[sflag:s31] =	ssyncset.done $0x0  }
0x12b: {  	s15 =	sadd.s32 $0xFFFFF800, s12;
	[sflag:s31] =	ssyncadd.s32 $0xFFFFFF80  }
0x12c: {  	[tilespmem:s22], [sflag:$0x5] =	stream.linear.gather [hbm4b:s15+s3], $0x4000, $0x38;
	[tilespmem:$0x1E580] =	vst v63  }
0x12d: {  	s15 =	sadd.s32 s14, s13  }
0x12e: {  	s16 =	sadd.s32 $0x40, s15  }
0x12f: {  	[tilespmem:s3], [sflag:$0x1] =	stream.linear.gather [hbm4b:s16+s3], $0x80, $0x38;
	[tilespmem:$0x1E580] =	vst v63  }
0x130: {  	v2 =	vld [tilespmem:$0x100];
	_ =	sdelay $0x7  }
0x131: {  	[tilespmem:v2+s6+$0x0] =	vst.idx.add.f32.msk $0xffff, v1  }
0x132: {  	v2 =	vld [tilespmem:$0x110];
	_ =	sdelay $0x7  }
0x133: {  	[tilespmem:v2+s6+$0x0] =	vst.idx.add.f32.msk $0xffff, v1  }
0x134: {  	v2 =	vld [tilespmem:$0x120];
	_ =	sdelay $0x7  }
0x135: {  	[tilespmem:v2+s6+$0x0] =	vst.idx.add.f32.msk $0xffff, v1  }
0x136: {  	v2 =	vld [tilespmem:$0x130];
	_ =	sdelay $0x7  }
0x137: {  	[tilespmem:v2+s6+$0x0] =	vst.idx.add.f32.msk $0xffff, v1  }
0x138: {  	v2 =	vld [tilespmem:$0x140];
	_ =	sdelay $0x7  }
0x139: {  	[tilespmem:v2+s6+$0x0] =	vst.idx.add.f32.msk $0xffff, v1  }
0x13a: {  	v2 =	vld [tilespmem:$0x150];
	_ =	sdelay $0x7  }
0x13b: {  	[tilespmem:v2+s6+$0x0] =	vst.idx.add.f32.msk $0xffff, v1  }
0x13c: {  	v2 =	vld [tilespmem:$0x160];
	_ =	sdelay $0x7  }
0x13d: {  	[tilespmem:v2+s6+$0x0] =	vst.idx.add.f32.msk $0xffff, v1  }
0x13e: {  	v2 =	vld [tilespmem:$0x170];
	_ =	sdelay $0x7  }
0x13f: {  	[tilespmem:v2+s6+$0x0] =	vst.idx.add.f32.msk $0xffff, v1  }
0x140: {  	_ =	swait.ge [sflag:s23], $0x4000  }
0x141: {  	[sflag:s23] =	ssyncset.done $0x0  }
0x142: {  	[sflag:s23] =	ssyncadd.s32 $0xFFFFC000  }
0x143: {  	[spmem:s2] =	stream.indirect.scatter.add.f32 [tilespmem:s22], [sflag:$0x7], $0x80, s20, s19, $0xb8;
	[tilespmem:$0x1E580] =	vst v63  }
0x144: {  	_ =	swait.ge [sflag:s1], $0x4000  }
0x145: {  	[sflag:s1] =	ssyncset.done $0x0  }
0x146: {  	[sflag:s1] =	ssyncadd.s32 $0xFFFFC000  }
0x147: {  	_ =	swait.ge [sflag:s0], $0x80  }
0x148: {  	[sflag:s0] =	ssyncset.done $0x0  }
0x149: {  	[sflag:s0] =	ssyncadd.s32 $0xFFFFFF80  }
0x14a: {  	[tilespmem:s26], [sflag:$0x6] =	stream.linear.gather [hbm4b:s12+s3], $0x4000, $0x38;
	[tilespmem:$0x1E580] =	vst v63  }
0x14b: {  	s16 =	sadd.s32 $0x50, s15  }
0x14c: {  	[tilespmem:s19], [sflag:$0x2] =	stream.linear.gather [hbm4b:s16+s3], $0x80, $0x38;
	[tilespmem:$0x1E580] =	vst v63  }
0x14d: {  	v2 =	vld [tilespmem:$0x180];
	_ =	sdelay $0x7  }
0x14e: {  	[tilespmem:v2+s6+$0x0] =	vst.idx.add.f32.msk $0xffff, v1  }
0x14f: {  	v2 =	vld [tilespmem:$0x190];
	_ =	sdelay $0x7  }
0x150: {  	[tilespmem:v2+s6+$0x0] =	vst.idx.add.f32.msk $0xffff, v1  }
0x151: {  	v2 =	vld [tilespmem:$0x1A0];
	_ =	sdelay $0x7  }
0x152: {  	[tilespmem:v2+s6+$0x0] =	vst.idx.add.f32.msk $0xffff, v1  }
0x153: {  	v2 =	vld [tilespmem:$0x1B0];
	_ =	sdelay $0x7  }
0x154: {  	[tilespmem:v2+s6+$0x0] =	vst.idx.add.f32.msk $0xffff, v1  }
0x155: {  	v2 =	vld [tilespmem:$0x1C0];
	_ =	sdelay $0x7  }
0x156: {  	[tilespmem:v2+s6+$0x0] =	vst.idx.add.f32.msk $0xffff, v1  }
0x157: {  	v2 =	vld [tilespmem:$0x1D0];
	_ =	sdelay $0x7  }
0x158: {  	[tilespmem:v2+s6+$0x0] =	vst.idx.add.f32.msk $0xffff, v1  }
0x159: {  	v2 =	vld [tilespmem:$0x1E0];
	_ =	sdelay $0x7  }
0x15a: {  	[tilespmem:v2+s6+$0x0] =	vst.idx.add.f32.msk $0xffff, v1  }
0x15b: {  	v2 =	vld [tilespmem:$0x1F0];
	_ =	sdelay $0x7  }
0x15c: {  	[tilespmem:v2+s6+$0x0] =	vst.idx.add.f32.msk $0xffff, v1  }
0x15d: {  	_ =	swait.ge [sflag:s29], $0x4000  }
0x15e: {  	[sflag:s29] =	ssyncset.done $0x0  }
0x15f: {  	[sflag:s29] =	ssyncadd.s32 $0xFFFFC000  }
0x160: {  	[spmem:s2] =	stream.indirect.scatter.add.f32 [tilespmem:s26], [sflag:$0x8], $0x80, s28, s19, $0xb8;
	[tilespmem:$0x1E580] =	vst v63  }
0x161: {  	_ =	swait.ge [sflag:s30], $0x4000  }
0x162: {  	[sflag:s30] =	ssyncset.done $0x0  }
0x163: {  	[sflag:s30] =	ssyncadd.s32 $0xFFFFC000  }
0x164: {  	_ =	swait.ge [sflag:s21], $0x80  }
0x165: {  	[sflag:s21] =	ssyncset.done $0x0  }
0x166: {  	s16 =	sadd.s32 $0x800, s12;
	[sflag:s21] =	ssyncadd.s32 $0xFFFFFF80  }
0x167: {  	[tilespmem:s22], [sflag:$0x5] =	stream.linear.gather [hbm4b:s16+s3], $0x4000, $0x38;
	[tilespmem:$0x1E580] =	vst v63  }
0x168: {  	s16 =	sadd.s32 $0x60, s15  }
0x169: {  	[tilespmem:s20], [sflag:$0x3] =	stream.linear.gather [hbm4b:s16+s3], $0x80, $0x38;
	[tilespmem:$0x1E580] =	vst v63  }
0x16a: {  	v2 =	vld [tilespmem:$0x0];
	_ =	sdelay $0x7  }
0x16b: {  	[tilespmem:v2+s6+$0x0] =	vst.idx.add.f32.msk $0xffff, v1  }
0x16c: {  	v2 =	vld [tilespmem:$0x10];
	_ =	sdelay $0x7  }
0x16d: {  	[tilespmem:v2+s6+$0x0] =	vst.idx.add.f32.msk $0xffff, v1  }
0x16e: {  	v2 =	vld [tilespmem:$0x20];
	_ =	sdelay $0x7  }
0x16f: {  	[tilespmem:v2+s6+$0x0] =	vst.idx.add.f32.msk $0xffff, v1  }
0x170: {  	v2 =	vld [tilespmem:$0x30];
	_ =	sdelay $0x7  }
0x171: {  	[tilespmem:v2+s6+$0x0] =	vst.idx.add.f32.msk $0xffff, v1  }
0x172: {  	v2 =	vld [tilespmem:$0x40];
	_ =	sdelay $0x7  }
0x173: {  	[tilespmem:v2+s6+$0x0] =	vst.idx.add.f32.msk $0xffff, v1  }
0x174: {  	v2 =	vld [tilespmem:$0x50];
	_ =	sdelay $0x7  }
0x175: {  	[tilespmem:v2+s6+$0x0] =	vst.idx.add.f32.msk $0xffff, v1  }
0x176: {  	v2 =	vld [tilespmem:$0x60];
	_ =	sdelay $0x7  }
0x177: {  	[tilespmem:v2+s6+$0x0] =	vst.idx.add.f32.msk $0xffff, v1  }
0x178: {  	v2 =	vld [tilespmem:$0x70];
	_ =	sdelay $0x7  }
0x179: {  	[tilespmem:v2+s6+$0x0] =	vst.idx.add.f32.msk $0xffff, v1  }
0x17a: {  	_ =	swait.ge [sflag:s23], $0x4000  }
0x17b: {  	[sflag:s23] =	ssyncset.done $0x0  }
0x17c: {  	[sflag:s23] =	ssyncadd.s32 $0xFFFFC000  }
0x17d: {  	[spmem:s2] =	stream.indirect.scatter.add.f32 [tilespmem:s22], [sflag:$0x7], $0x80, s3, s19, $0xb8;
	[tilespmem:$0x1E580] =	vst v63  }
0x17e: {  	_ =	swait.ge [sflag:s1], $0x4000  }
0x17f: {  	[sflag:s1] =	ssyncset.done $0x0  }
0x180: {  	[sflag:s1] =	ssyncadd.s32 $0xFFFFC000  }
0x181: {  	p1 =	sne.s32 s14, $0x480;
	_ =	swait.ge [sflag:s25], $0x80  }
.Ltmp3:
0x182: {  	[sflag:s25] =	ssyncset.done $0x0;
	(pc) =	sbr.rel @p1 .LBB2_8-.Ltmp3, $4  }
0x183: {  	s16 =	sadd.s32 $0x1000, s12;
	[sflag:s25] =	ssyncadd.s32 $0xFFFFFF80  }
0x184: {  	[tilespmem:s26], [sflag:$0x6] =	stream.linear.gather [hbm4b:s16+s3], $0x4000, $0x38;
	[tilespmem:$0x1E580] =	vst v63  }
0x185: {  	s14 =	sadd.s32 $0x40, s14;
	s15 =	sadd.s32 $0x70, s15;
	s12 =	sadd.s32 $0x2000, s12  }
0x186: {  	[tilespmem:s28], [sflag:$0x4] =	stream.linear.gather [hbm4b:s15+s3], $0x80, $0x38;
	[tilespmem:$0x1E580] =	vst v63  }
0x187: {  	v2 =	vld [tilespmem:$0x80];
	_ =	sdelay $0x7  }
0x188: {  	[tilespmem:v2+s6+$0x0] =	vst.idx.add.f32.msk $0xffff, v1  }
0x189: {  	v2 =	vld [tilespmem:$0x90];
	_ =	sdelay $0x7  }
0x18a: {  	[tilespmem:v2+s6+$0x0] =	vst.idx.add.f32.msk $0xffff, v1  }
0x18b: {  	v2 =	vld [tilespmem:$0xA0];
	_ =	sdelay $0x7  }
0x18c: {  	[tilespmem:v2+s6+$0x0] =	vst.idx.add.f32.msk $0xffff, v1  }
0x18d: {  	v2 =	vld [tilespmem:$0xB0];
	_ =	sdelay $0x7  }
0x18e: {  	[tilespmem:v2+s6+$0x0] =	vst.idx.add.f32.msk $0xffff, v1  }
0x18f: {  	v2 =	vld [tilespmem:$0xC0];
	_ =	sdelay $0x7  }
0x190: {  	[tilespmem:v2+s6+$0x0] =	vst.idx.add.f32.msk $0xffff, v1  }
0x191: {  	v2 =	vld [tilespmem:$0xD0];
	_ =	sdelay $0x7  }
0x192: {  	[tilespmem:v2+s6+$0x0] =	vst.idx.add.f32.msk $0xffff, v1  }
0x193: {  	v2 =	vld [tilespmem:$0xE0];
	_ =	sdelay $0x7  }
0x194: {  	[tilespmem:v2+s6+$0x0] =	vst.idx.add.f32.msk $0xffff, v1  }
0x195: {  	v2 =	vld [tilespmem:$0xF0];
	_ =	sdelay $0x7  }
0x196: {  	[tilespmem:v2+s6+$0x0] =	vst.idx.add.f32.msk $0xffff, v1  }
0x197: {  	_ =	swait.ge [sflag:s29], $0x4000  }
0x198: {  	[sflag:s29] =	ssyncset.done $0x0  }
0x199: {  	[sflag:s29] =	ssyncadd.s32 $0xFFFFC000  }
0x19a: {  	[spmem:s2] =	stream.indirect.scatter.add.f32 [tilespmem:s26], [sflag:$0x8], $0x80, s19, s19, $0xb8;
	[tilespmem:$0x1E580] =	vst v63  }
0x19b: {  	_ =	swait.ge [sflag:s30], $0x4000  }
0x19c: {  	[sflag:s30] =	ssyncset.done $0x0  }
0x19d: {  	[sflag:s30] =	ssyncadd.s32 $0xFFFFC000  }
0x19e: {  	_ =	swait.ge [sflag:s31], $0x80  }
0x19f: {  	[sflag:s31] =	ssyncset.done $0x0  }
0x1a0: {  	[sflag:s31] =	ssyncadd.s32 $0xFFFFFF80  }
0x1a1: {  	[tilespmem:s22], [sflag:$0x5] =	stream.linear.gather [hbm4b:s11+s3], $0x4000, $0x38;
	[tilespmem:$0x1E580] =	vst v63  }
0x1a2: {  	v2 =	vld [tilespmem:$0x100];
	_ =	sdelay $0x7  }
0x1a3: {  	[tilespmem:v2+s6+$0x0] =	vst.idx.add.f32.msk $0xffff, v1  }
0x1a4: {  	v2 =	vld [tilespmem:$0x110];
	_ =	sdelay $0x7  }
0x1a5: {  	[tilespmem:v2+s6+$0x0] =	vst.idx.add.f32.msk $0xffff, v1  }
0x1a6: {  	v2 =	vld [tilespmem:$0x120];
	_ =	sdelay $0x7  }
0x1a7: {  	[tilespmem:v2+s6+$0x0] =	vst.idx.add.f32.msk $0xffff, v1  }
0x1a8: {  	v2 =	vld [tilespmem:$0x130];
	_ =	sdelay $0x7  }
0x1a9: {  	[tilespmem:v2+s6+$0x0] =	vst.idx.add.f32.msk $0xffff, v1  }
0x1aa: {  	v2 =	vld [tilespmem:$0x140];
	_ =	sdelay $0x7  }
0x1ab: {  	[tilespmem:v2+s6+$0x0] =	vst.idx.add.f32.msk $0xffff, v1  }
0x1ac: {  	v2 =	vld [tilespmem:$0x150];
	_ =	sdelay $0x7  }
0x1ad: {  	[tilespmem:v2+s6+$0x0] =	vst.idx.add.f32.msk $0xffff, v1  }
0x1ae: {  	v2 =	vld [tilespmem:$0x160];
	_ =	sdelay $0x7  }
0x1af: {  	[tilespmem:v2+s6+$0x0] =	vst.idx.add.f32.msk $0xffff, v1  }
0x1b0: {  	v2 =	vld [tilespmem:$0x170];
	_ =	sdelay $0x7  }
0x1b1: {  	[tilespmem:v2+s6+$0x0] =	vst.idx.add.f32.msk $0xffff, v1  }
0x1b2: {  	_ =	swait.ge [sflag:s23], $0x4000  }
0x1b3: {  	[sflag:s23] =	ssyncset.done $0x0  }
0x1b4: {  	[sflag:s23] =	ssyncadd.s32 $0xFFFFC000  }
0x1b5: {  	[spmem:s2] =	stream.indirect.scatter.add.f32 [tilespmem:s22], [sflag:$0x7], $0x80, s20, s19, $0xb8;
	[tilespmem:$0x1E580] =	vst v63  }
0x1b6: {  	_ =	swait.ge [sflag:s1], $0x4000  }
0x1b7: {  	[sflag:s1] =	ssyncset.done $0x0  }
0x1b8: {  	[sflag:s1] =	ssyncadd.s32 $0xFFFFC000  }
0x1b9: {  	_ =	swait.ge [sflag:s0], $0x80  }
0x1ba: {  	[sflag:s0] =	ssyncset.done $0x0  }
0x1bb: {  	[sflag:s0] =	ssyncadd.s32 $0xFFFFFF80  }
0x1bc: {  	[tilespmem:s26], [sflag:$0x6] =	stream.linear.gather [hbm4b:s10+s3], $0x4000, $0x38;
	[tilespmem:$0x1E580] =	vst v63  }
0x1bd: {  	v2 =	vld [tilespmem:$0x180];
	_ =	sdelay $0x7  }
0x1be: {  	[tilespmem:v2+s6+$0x0] =	vst.idx.add.f32.msk $0xffff, v1  }
0x1bf: {  	v2 =	vld [tilespmem:$0x190];
	_ =	sdelay $0x7  }
0x1c0: {  	[tilespmem:v2+s6+$0x0] =	vst.idx.add.f32.msk $0xffff, v1  }
0x1c1: {  	v2 =	vld [tilespmem:$0x1A0];
	_ =	sdelay $0x7  }
0x1c2: {  	[tilespmem:v2+s6+$0x0] =	vst.idx.add.f32.msk $0xffff, v1  }
0x1c3: {  	v2 =	vld [tilespmem:$0x1B0];
	_ =	sdelay $0x7  }
0x1c4: {  	[tilespmem:v2+s6+$0x0] =	vst.idx.add.f32.msk $0xffff, v1  }
0x1c5: {  	v2 =	vld [tilespmem:$0x1C0];
	_ =	sdelay $0x7  }
0x1c6: {  	[tilespmem:v2+s6+$0x0] =	vst.idx.add.f32.msk $0xffff, v1  }
0x1c7: {  	v2 =	vld [tilespmem:$0x1D0];
	_ =	sdelay $0x7  }
0x1c8: {  	[tilespmem:v2+s6+$0x0] =	vst.idx.add.f32.msk $0xffff, v1  }
0x1c9: {  	v2 =	vld [tilespmem:$0x1E0];
	_ =	sdelay $0x7  }
0x1ca: {  	[tilespmem:v2+s6+$0x0] =	vst.idx.add.f32.msk $0xffff, v1  }
0x1cb: {  	v2 =	vld [tilespmem:$0x1F0];
	_ =	sdelay $0x7  }
0x1cc: {  	[tilespmem:v2+s6+$0x0] =	vst.idx.add.f32.msk $0xffff, v1  }
0x1cd: {  	_ =	swait.ge [sflag:s29], $0x4000  }
0x1ce: {  	[sflag:s29] =	ssyncset.done $0x0  }
0x1cf: {  	[sflag:s29] =	ssyncadd.s32 $0xFFFFC000  }
0x1d0: {  	[spmem:s2] =	stream.indirect.scatter.add.f32 [tilespmem:s26], [sflag:$0x8], $0x80, s28, s19, $0xb8;
	[tilespmem:$0x1E580] =	vst v63  }
0x1d1: {  	_ =	swait.ge [sflag:s30], $0x4000  }
0x1d2: {  	[sflag:s30] =	ssyncset.done $0x0  }
0x1d3: {  	[sflag:s30] =	ssyncadd.s32 $0xFFFFC000  }
0x1d4: {  	_ =	swait.ge [sflag:s1], $0x4000  }
0x1d5: {  	s11 =	stileid.u32;
	[sflag:s1] =	ssyncset.done $0x0  }
0x1d6: {  	s10 =	sshll.u32 s11, $0x6;
	[sflag:s1] =	ssyncadd.s32 $0xFFFFC000  }
0x1d7: {  	s12 =	sshrl.u32 s4, $0x3;
	s10 =	sor.u32 $0x1C09, s10;
	[bflag:$0x0] =	sbarrier.arrive $0xFFFF  }
0x1d8: {  	[hbm:s24], [sflag:s10] =	dma.local [spmem:s12], $0x2780  }
0x1d9: {  	_ =	swait.ge [sflag:s5], $0x2780  }
0x1da: {  	[sflag:s5] =	ssyncset.done $0x0  }
0x1db: {  	s15 =	simm.s32 $0x400;
	s14 =	rddreg [dreg:$0xb];
	[sflag:s5] =	ssyncadd.s32 $0xFFFFD880  }
0x1dc: {  	[hbm4b:s14+s19] =	stream.strided.scatter [tilespmem:s6], [sflag:$0x9], $0x2780, s15, s19, $0x38;
	[tilespmem:$0x1E580] =	vst v63  }
0x1dd: {  	_ =	swait.ge [sflag:s5], $0x2780  }
0x1de: {  	s9 =	sadd.s32 $0x1, s9;
	s16 =	rddreg [dreg:$0xc]  }
0x1df: {  	p1 =	sne.s32 s9, s16  }
.Ltmp4:
0x1e0: {  	_ = 	snop;
	(pc) =	sbr.rel @p1 .LBB2_1-.Ltmp4, $3  }
0x1e1: {  	_ =	sdelay $0x1  }
0x1e2: {  	[sflag:s5] =	ssyncset.done $0x0  }
0x1e3: {  	[sflag:s5] =	ssyncadd.s32 $0xFFFFD880  }
0x1e4: {  	_ =	sfence.sel $0x180000  }
0x1e5: {  	[bflag:$0x0] =	sbarrier.arrive $0xFFFF  }
0x1e6: {  	_ =	strace $0x90000047  }
0x1e7: {  	s0 =	stileid.u32;
	[bflag:$0x2] =	sbarrier.arrive $0xFFFF  }
0x1e8: {  	p0 =	sne.s32 s0, $0x0;
	s0 =	rddreg [dreg:$0x4]  }
0x1e9: {  	s0 =	sadd.s32 @!p0 $0x100000, s0  }
0x1ea: {  	[sflag:s0] =	ssyncadd.tile.s32 @!p0 $0x1;
	_ =	shalt  }
.Lfunc_end2:
_tile_overlayer_lowered:
.L_overlay_start_2:
0x1eb: {  	(tag) =	ssettag $0x2  }
0x1ec: {  	s0 =	rddreg [dreg:$0x0];
	s2 =	stileid.u32  }
0x1ed: {  	s1 =	rddreg [dreg:$0x1];
	p0 =	sne.s32 s2, $0x0  }
0x1ee: {  	s3 =	rddreg [dreg:$0x2];
	[bflag:$0x3] =	sbarrier.arrive $0xFFFF;
	s2 =	simm.s32 @!p0 $0x1C09  }
0x1ef: {  	[timem:s3], [sflag:s2] =	dma.local @!p0 [hbm:s0], s1  }
0x1f0: {  	s0 =	simm.s32 @!p0 $0x9  }
0x1f1: {  	_ =	swait.ge @!p0 [sflag:s0], s1  }
0x1f2: {  	s1 =	ssub.s32 @!p0 $0x0, s1;
	[sflag:s0] =	ssyncset.done @!p0 $0x0  }
0x1f3: {  	[sflag:s0] =	ssyncadd.s32 @!p0 s1  }
0x1f4: {  	[bflag:$0x3] =	sbarrier.arrive $0xFFFF  }
0x1f5: {  	_ =	shalt  }

</sc_bundles>
